<compile_context>
chip_gen: v7x
topology: tpu7x:2x2x1
jax: 0.10.2.dev20260603
libtpu: 0.0.44.dev20260713+nightly
codegen_flags: <defaults>
</compile_context>

<pallas_src>
import functools

import jax
import jax.numpy as jnp
from jax import lax
from jax.experimental import pallas as pl
from jax.experimental.pallas import tpu as pltpu
from jax.experimental.pallas import tpu_sc as plsc

_H = 4
_C = 32
_HID = 128
_NA = 100000
_NC = 50000
_E = 600000
_B = 2048

_NSC = 2
_NSUB = 16
_K = 8448
_NCHUNK = 6
_CPS = 3
_DUMP = _K
_ACCROWS = _K + 16
_EBATCH = 96
_EB2 = 128
_EPAD = 602112
_NBATCH = _EPAD // (_NSUB * _EBATCH)
_STRIPE = _K // _NSUB

_R = 512
_NCPAD = 50688
_G = _NCPAD // _R


def _s1_body(x_hbm, row_hbm, col_hbm, sums_hbm, acc,
             colbuf0, gidx0, sidx0, rowbuf0, colbuf1, gidx1, sidx1, rowbuf1,
             colbuf2, gidx2, sidx2, rowbuf2, colbuf3, gidx3, sidx3, rowbuf3,
             sem0, sem1, sem2, sem3):
    c = lax.axis_index("c")
    s = lax.axis_index("s")
    zv = jnp.zeros((16,), jnp.float32)
    r0 = s * _STRIPE
    ngrp = _HID // 16
    colbufs = [colbuf0, colbuf1, colbuf2, colbuf3]
    gidxs = [gidx0, gidx1, gidx2, gidx3]
    sidxs = [sidx0, sidx1, sidx2, sidx3]
    rowbufs = [rowbuf0, rowbuf1, rowbuf2, rowbuf3]
    sems = [sem0, sem1, sem2, sem3]
    rowbuf = rowbuf0

    for k in range(_CPS):
        chunk = _CPS * c + k
        base = chunk * _K

        def _zb(i, _):
            for j in range(ngrp):
                rowbuf[i, pl.ds(16 * j, 16)] = zv
            return 0

        lax.fori_loop(0, _EBATCH, _zb, 0)

        def _z(i, _):
            pltpu.sync_copy(rowbuf, acc.at[pl.ds(r0 + i * 96, 96)])
            return 0

        lax.fori_loop(0, 5, _z, 0)
        pltpu.sync_copy(rowbuf.at[pl.ds(0, 48)], acc.at[pl.ds(r0 + 480, 48)])

        @pl.when(s == _NSUB - 1)
        def _zero_dump():
            pltpu.sync_copy(rowbuf.at[pl.ds(0, 16)], acc.at[pl.ds(_K, 16)])

        plsc.subcore_barrier()

        ebase = s * (_NBATCH * _EBATCH)

        def _sidx_of(cb, si):
            for j in range(_EBATCH // 16):
                v = cb[pl.ds(16 * j, 16)]
                l = v - base
                ok = (l >= 0) & (l < _K)
                si[pl.ds(16 * j, 16)] = jnp.where(ok, l, _DUMP)

        def _quad(i, _):
            descs = []
            for q in range(4):
                off = ebase + (4 * i + q) * _EBATCH
                pltpu.sync_copy(row_hbm.at[pl.ds(off, _EBATCH)], gidxs[q])
                pltpu.sync_copy(col_hbm.at[pl.ds(off, _EBATCH)], colbufs[q])
                descs.append(
                    pltpu.async_copy(x_hbm.at[gidxs[q]], rowbufs[q], sems[q]))
            for q in range(4):
                _sidx_of(colbufs[q], sidxs[q])
            for q in range(4):
                descs[q].wait()
                pltpu.sync_copy(rowbufs[q], acc.at[sidxs[q]], add=True)
            return 0

        lax.fori_loop(0, _NBATCH // 4, _quad, 0)
        plsc.subcore_barrier()

        def _eblk(i, _):
            pltpu.sync_copy(acc.at[pl.ds(r0 + i * 128, 128)],
                            sums_hbm.at[pl.ds(base + r0 + i * 128, 128)])
            return 0

        lax.fori_loop(0, 4, _eblk, 0)
        pltpu.sync_copy(acc.at[pl.ds(r0 + 512, 16)],
                        sums_hbm.at[pl.ds(base + r0 + 512, 16)])
        plsc.subcore_barrier()


@jax.jit
def _sc_sums(x, rowp, colp):
    mesh = plsc.VectorSubcoreMesh(core_axis_name="c", subcore_axis_name="s")
    f = pl.kernel(
        _s1_body,
        out_type=jax.ShapeDtypeStruct((_NCHUNK * _K, _HID), jnp.float32),
        mesh=mesh,
        scratch_types=(
            [pltpu.VMEM_SHARED((_ACCROWS, _HID), jnp.float32)] +
            [t for _q in range(4) for t in
             (pltpu.VMEM((_EBATCH,), jnp.int32),
              pltpu.VMEM((_EBATCH,), jnp.int32),
              pltpu.VMEM((_EBATCH,), jnp.int32),
              pltpu.VMEM((_EBATCH, _HID), jnp.float32))] +
            [pltpu.SemaphoreType.DMA] * 4
        ),
    )
    return f(x, rowp, colp)


_CROWS = 512
_NB2 = _EPAD // (_NSC * _NSUB * _EB2)


def _s2_body(col_hbm, cnt_hbm, acc2, colbuf, sidx, onebuf):
    c = lax.axis_index("c")
    s = lax.axis_index("s")
    w = c * _NSUB + s
    zv = jnp.zeros((16,), jnp.float32)
    ngrp = _HID // 16

    def _zb(i, _):
        for j in range(ngrp):
            onebuf[i, pl.ds(16 * j, 16)] = zv
        return 0

    lax.fori_loop(0, _EB2, _zb, 0)
    pltpu.sync_copy(onebuf.at[pl.ds(0, 32)], acc2.at[pl.ds(s * 32, 32)])
    plsc.subcore_barrier()

    lane = lax.iota(jnp.int32, 16)
    ebase = w * (_NB2 * _EB2)

    def _batch(b, _):
        off = ebase + b * _EB2
        pltpu.sync_copy(col_hbm.at[pl.ds(off, _EB2)], colbuf)
        for j in range(_EB2 // 16):
            v = colbuf[pl.ds(16 * j, 16)]
            sidx[pl.ds(16 * j, 16)] = jnp.minimum(
                lax.shift_right_logical(v, 7), _CROWS - 1)
            low = v & 127
            for r in range(16):
                lr = jnp.broadcast_to(low[r], (16,))
                for g in range(ngrp):
                    onebuf[16 * j + r, pl.ds(16 * g, 16)] = jnp.where(
                        lane + 16 * g == lr, 1.0, 0.0)
        pltpu.sync_copy(onebuf, acc2.at[sidx], add=True)
        return 0

    lax.fori_loop(0, _NB2, _batch, 0)
    plsc.subcore_barrier()

    pltpu.sync_copy(acc2.at[pl.ds(s * 32, 32)],
                    cnt_hbm.at[pl.ds(c * _CROWS + s * 32, 32)])


@jax.jit
def _sc_counts(colp):
    mesh = plsc.VectorSubcoreMesh(core_axis_name="c", subcore_axis_name="s")
    f = pl.kernel(
        _s2_body,
        out_type=jax.ShapeDtypeStruct((_NSC * _CROWS, _HID), jnp.float32),
        mesh=mesh,
        scratch_types=[
            pltpu.VMEM_SHARED((_CROWS, _HID), jnp.float32),
            pltpu.VMEM((_EB2,), jnp.int32),
            pltpu.VMEM((_EB2,), jnp.int32),
            pltpu.VMEM((_EB2, _HID), jnp.float32),
        ],
    )
    return f(colp)


def _ka_body(sums_ref, cnt_ref, xcl_ref, wp_ref, bp_ref, w1_ref, b1_ref,
             w2_ref, b2_ref, xc_ref, sc_ref):
    pid = pl.program_id(0)
    hx = sums_ref[...] / jnp.maximum(cnt_ref[...], 1.0)
    p = jnp.dot(hx, wp_ref[...], preferred_element_type=jnp.float32)
    p = p + bp_ref[0:1, :]
    xc = xcl_ref[...] + jnp.maximum(p, 0.0)
    xc_ref[...] = xc
    hm = jnp.dot(xc, w1_ref[...], preferred_element_type=jnp.float32)
    hm = jnp.maximum(hm + b1_ref[0:1, :], 0.0)
    sc = jnp.dot(hm, w2_ref[...], preferred_element_type=jnp.float32)
    sc = sc[:, 0:_H] + b2_ref[0:1, 0:_H]
    rows = pid * _R + lax.broadcasted_iota(jnp.int32, (_R, 1), 0)
    sc_ref[...] = jnp.where(rows < _NC, sc, -1e30)


def _kb1_body(sc_ref, ids_ref, out_ref):
    @pl.when(pl.program_id(0) == 0)
    def _():
        out_ref[...] = jnp.full((8, _B), -1e30, jnp.float32)

    ids = ids_ref[0, 0, :]
    mask = ids[:, None] == lax.broadcasted_iota(jnp.int32, (_R, _B), 1)
    ms = []
    for h in range(_H):
        col = jnp.where(mask, sc_ref[:, h][:, None], -1e30)
        ms.append(jnp.max(col, axis=0)[None, :])
    m4 = jnp.concatenate(ms, axis=0)
    out_ref[0:_H, :] = jnp.maximum(out_ref[0:_H, :], m4)


def _kb2_body(sc_ref, ids_ref, smax_ref, ex_ref, ssum_ref):
    @pl.when(pl.program_id(0) == 0)
    def _():
        ssum_ref[...] = jnp.zeros((8, _B), jnp.float32)

    ids = ids_ref[0, 0, :]
    onehot = (ids[:, None] ==
              lax.broadcasted_iota(jnp.int32, (_R, _B), 1)).astype(jnp.float32)
    rowmax = lax.dot_general(onehot, smax_ref[0:_H, :],
                             (((1,), (1,)), ((), ())),
                             preferred_element_type=jnp.float32)
    ex = jnp.exp(sc_ref[...] - rowmax)
    ex_ref[...] = ex
    contrib = lax.dot_general(ex, onehot, (((0,), (0,)), ((), ())),
                              preferred_element_type=jnp.float32)
    ssum_ref[0:_H, :] += contrib


def _kc_body(ex_ref, ids_ref, ssum_ref, xc_ref, rep_ref, al_ref, df_ref):
    pid = pl.program_id(0)

    @pl.when(pid == 0)
    def _():
        df_ref[...] = jnp.zeros((_B, _HID), jnp.float32)

    ids = ids_ref[0, 0, :]
    onehot = (ids[:, None] ==
              lax.broadcasted_iota(jnp.int32, (_R, _B), 1)).astype(jnp.float32)
    rowsum = lax.dot_general(onehot, ssum_ref[0:_H, :],
                             (((1,), (1,)), ((), ())),
                             preferred_element_type=jnp.float32)
    alpha = ex_ref[...] / (rowsum + 1e-16)
    al_ref[...] = alpha
    aexp = jnp.dot(alpha, rep_ref[...], preferred_element_type=jnp.float32)
    drug = xc_ref[...] * aexp
    rows = pid * _R + lax.broadcasted_iota(jnp.int32, (_R, 1), 0)
    drug = jnp.where(rows < _NC, drug, 0.0)
    df_ref[...] += lax.dot_general(onehot, drug, (((0,), (0,)), ((), ())),
                                   preferred_element_type=jnp.float32)


def _row_spec(w):
    return pl.BlockSpec((_R, w), lambda i: (i, 0))


def _full_spec(a, b):
    return pl.BlockSpec((a, b), lambda i: (0, 0))


_IDS_SPEC = pl.BlockSpec((1, 1, _R), lambda i: (i, 0, 0))


@jax.jit
def _tc_pipeline(sums, cnt128, xcl, ids_r, Wp, bp8, W1bd, b1f, W2bd, b2f,
                 rep):
    xc, score = pl.pallas_call(
        _ka_body,
        grid=(_G,),
        in_specs=[_row_spec(_HID), _row_spec(_HID), _row_spec(_HID),
                  _full_spec(_HID, _HID),
                  _full_spec(8, _HID), _full_spec(_HID, 2 * _C * _H),
                  _full_spec(8, 2 * _C * _H), _full_spec(2 * _C * _H, _HID),
                  _full_spec(8, _HID)],
        out_specs=[_row_spec(_HID), _row_spec(_H)],
        out_shape=[jax.ShapeDtypeStruct((_NCPAD, _HID), jnp.float32),
                   jax.ShapeDtypeStruct((_NCPAD, _H), jnp.float32)],
    )(sums, cnt128, xcl, Wp, bp8, W1bd, b1f, W2bd, b2f)

    smax = pl.pallas_call(
        _kb1_body,
        grid=(_G,),
        in_specs=[_row_spec(_H), _IDS_SPEC],
        out_specs=_full_spec(8, _B),
        out_shape=jax.ShapeDtypeStruct((8, _B), jnp.float32),
    )(score, ids_r)

    ex, ssum = pl.pallas_call(
        _kb2_body,
        grid=(_G,),
        in_specs=[_row_spec(_H), _IDS_SPEC, _full_spec(8, _B)],
        out_specs=[_row_spec(_H), _full_spec(8, _B)],
        out_shape=[jax.ShapeDtypeStruct((_NCPAD, _H), jnp.float32),
                   jax.ShapeDtypeStruct((8, _B), jnp.float32)],
    )(score, ids_r, smax)

    alpha, drug_feat = pl.pallas_call(
        _kc_body,
        grid=(_G,),
        in_specs=[_row_spec(_H), _IDS_SPEC, _full_spec(8, _B),
                  _row_spec(_HID), _full_spec(_H, _HID)],
        out_specs=[_row_spec(_H), _full_spec(_B, _HID)],
        out_shape=[jax.ShapeDtypeStruct((_NCPAD, _H), jnp.float32),
                   jax.ShapeDtypeStruct((_B, _HID), jnp.float32)],
    )(ex, ids_r, ssum, xc, rep)

    return xc, alpha, drug_feat


def kernel(x, x_clique, atom2clique_index, clique_batch, clique_edge_index,
           Wp, bp, W1, b1, W2, b2):
    del clique_edge_index
    idx = atom2clique_index.astype(jnp.int32)
    rowp = jnp.concatenate(
        [idx[0], jnp.zeros((_EPAD - _E,), jnp.int32)])
    colp = jnp.concatenate(
        [idx[1], jnp.full((_EPAD - _E,), 1 << 20, jnp.int32)])

    sums = _sc_sums(x, rowp, colp)
    cpart = _sc_counts(colp)
    cnt = (cpart[:_CROWS] + cpart[_CROWS:]).reshape(-1)[:_NCPAD]
    cnt128 = jnp.broadcast_to(cnt[:, None], (_NCPAD, _HID))

    xcl = jnp.concatenate(
        [x_clique, jnp.zeros((_NCPAD - _NC, _HID), jnp.float32)])
    ids = jnp.concatenate(
        [clique_batch.astype(jnp.int32),
         jnp.full((_NCPAD - _NC,), _B, jnp.int32)])
    ids_r = ids.reshape(_G, 1, _R)

    W1bd = jnp.zeros((_HID, 2 * _C * _H), jnp.float32)
    W2bd = jnp.zeros((2 * _C * _H, _HID), jnp.float32)
    for h in range(_H):
        W1bd = W1bd.at[h * _C:(h + 1) * _C,
                       h * 2 * _C:(h + 1) * 2 * _C].set(W1[h])
        W2bd = W2bd.at[h * 2 * _C:(h + 1) * 2 * _C, h].set(W2[h, :, 0])
    b1f = jnp.zeros((8, 2 * _C * _H), jnp.float32).at[0].set(b1.reshape(-1))
    bp8 = jnp.zeros((8, _HID), jnp.float32).at[0].set(bp)
    b2f = jnp.zeros((8, _HID), jnp.float32).at[0, 0:_H].set(b2[:, 0])
    rep = (jnp.arange(_H)[:, None] == (jnp.arange(_HID) // _C)[None, :]
           ).astype(jnp.float32)

    xc, alpha, drug_feat = _tc_pipeline(
        sums, cnt128, xcl, ids_r, Wp, bp8, W1bd, b1f, W2bd, b2f, rep)

    return drug_feat, xc[:_NC], alpha[:_NC]

# --- scband reference (transcript-rebuilt; emitter-appended) ---
"""Pipeline reference for scband-motif-pool-65859028517215 (READ-ONLY COPY).

The authoritative reference and input builder live on the scoring server;
editing this copy changes nothing except your own understanding.
"""

import jax, jax.numpy as jnp
import numpy as np

H = 4
C = 32
HID = 128
NA = 100000
NC = 50000
E = 600000
EC = 200000
B = 2048


def setup_inputs(seed: int = 0) -> dict:
    key = jax.random.key(seed)
    ks = jax.random.split(key, 10)
    x = jax.random.normal(ks[0], (NA, HID), dtype=jnp.float32)
    x_clique = jax.random.normal(ks[1], (NC, HID), dtype=jnp.float32)
    atom2clique_index = jax.random.randint(ks[2], (2, E), 0, NC, dtype=jnp.int64) if jax.config.read('jax_enable_x64') else jax.random.randint(ks[2], (2, E), 0, NC, dtype=jnp.int32)
    clique_batch = jnp.sort(jax.random.randint(ks[3], (NC,), 0, B, dtype=jnp.int32))
    clique_edge_index = jax.random.randint(ks[4], (2, EC), 0, NC, dtype=jnp.int32)
    Wp = jax.random.normal(ks[5], (HID, HID), dtype=jnp.float32) * (1.0 / np.sqrt(HID))
    bp = jnp.zeros((HID,), dtype=jnp.float32)
    W1 = jax.random.normal(ks[6], (H, C, 2 * C), dtype=jnp.float32) * (1.0 / np.sqrt(C))
    b1 = jnp.zeros((H, 2 * C), dtype=jnp.float32)
    W2 = jax.random.normal(ks[7], (H, 2 * C, 1), dtype=jnp.float32) * (1.0 / np.sqrt(2 * C))
    b2 = jnp.zeros((H, 1), dtype=jnp.float32)
    return {"x": x, "x_clique": x_clique, "atom2clique_index": atom2clique_index,
            "clique_batch": clique_batch, "clique_edge_index": clique_edge_index,
            "Wp": Wp, "bp": bp, "W1": W1, "b1": b1, "W2": W2, "b2": b2}


def reference(x, x_clique, atom2clique_index, clique_batch, clique_edge_index,
              Wp, bp, W1, b1, W2, b2):
    row = atom2clique_index[0]
    col = atom2clique_index[1]
    # scatter-mean of atom features into cliques
    sums = jax.ops.segment_sum(x[row], col, num_segments=NC)
    counts = jax.ops.segment_sum(jnp.ones((E,), dtype=x.dtype), col, num_segments=NC)
    hx_clique = sums / jnp.clip(counts, 1.0, None)[:, None]
    # residual + projection
    xc = x_clique + jax.nn.relu(hx_clique @ Wp + bp)
    # per-head MLP scoring: C -> 2C (relu) -> 1
    sc = xc.reshape(-1, H, C)
    hmid = jax.nn.relu(jnp.einsum('nhc,hcd->nhd', sc, W1) + b1[None, :, :])
    score = (jnp.einsum('nhd,hdo->nho', hmid, W2) + b2[None, :, :])[:, :, 0]  # [NC, H]
    # segment softmax over clique_batch (per-graph)
    seg_max = jax.ops.segment_max(score, clique_batch, num_segments=B)
    seg_max = jnp.where(jnp.isfinite(seg_max), seg_max, 0.0)
    ex = jnp.exp(score - seg_max[clique_batch])
    seg_sum = jax.ops.segment_sum(ex, clique_batch, num_segments=B)
    alpha = ex / (seg_sum[clique_batch] + 1e-16)
    # dropout_node with p=0 / eval mode -> mask of ones, scaling_factor = 1.0
    clique_drop_mask = jnp.ones((NC,), dtype=x.dtype)
    scaling_factor = 1.0
    drug = xc.reshape(-1, H, C) * alpha[:, :, None]
    drug = drug.reshape(-1, H * C) * clique_drop_mask[:, None]
    drug_feat = jax.ops.segment_sum(drug, clique_batch, num_segments=B) * scaling_factor
    return drug_feat, xc, alpha

if __name__ == "__main__":
    import jax
    _d = setup_inputs()
    print(jax.jit(kernel)(*tuple(_d.values())))

</pallas_src>

<mosaic_0001>
#map = affine_map<(d0, d1) -> (0, 0)>
#map1 = affine_map<(d0, d1) -> (0)>
module attributes {stable_mosaic.version = 14 : i64} {
  func.func @_s1_body(%arg0: i32, %arg1: i32, %arg2: memref<100000x128xf32, #tpu.memory_space<hbm>>, %arg3: memref<602112xi32, #tpu.memory_space<hbm>>, %arg4: memref<602112xi32, #tpu.memory_space<hbm>>, %arg5: memref<50688x128xf32, #tpu.memory_space<hbm>>, %arg6: memref<8464x128xf32, #tpu.memory_space<vmem_shared>>, %arg7: memref<96xi32, #tpu.memory_space<vmem>>, %arg8: memref<96xi32, #tpu.memory_space<vmem>>, %arg9: memref<96xi32, #tpu.memory_space<vmem>>, %arg10: memref<96x128xf32, #tpu.memory_space<vmem>>, %arg11: memref<96xi32, #tpu.memory_space<vmem>>, %arg12: memref<96xi32, #tpu.memory_space<vmem>>, %arg13: memref<96xi32, #tpu.memory_space<vmem>>, %arg14: memref<96x128xf32, #tpu.memory_space<vmem>>, %arg15: memref<96xi32, #tpu.memory_space<vmem>>, %arg16: memref<96xi32, #tpu.memory_space<vmem>>, %arg17: memref<96xi32, #tpu.memory_space<vmem>>, %arg18: memref<96x128xf32, #tpu.memory_space<vmem>>, %arg19: memref<96xi32, #tpu.memory_space<vmem>>, %arg20: memref<96xi32, #tpu.memory_space<vmem>>, %arg21: memref<96xi32, #tpu.memory_space<vmem>>, %arg22: memref<96x128xf32, #tpu.memory_space<vmem>>, %arg23: memref<!tpu.dma_semaphore, #tpu.memory_space<semaphore_mem>>, %arg24: memref<!tpu.dma_semaphore, #tpu.memory_space<semaphore_mem>>, %arg25: memref<!tpu.dma_semaphore, #tpu.memory_space<semaphore_mem>>, %arg26: memref<!tpu.dma_semaphore, #tpu.memory_space<semaphore_mem>>) attributes {dimension_semantics = [#tpu.dimension_semantics<core_parallel>, #tpu.dimension_semantics<subcore_parallel>], iteration_bounds = array<i64: 2, 16>, scalar_prefetch = 0 : i64, scratch_operands = 21 : i64, tpu.core_type = #tpu.core_type<sc_vector_subcore>, window_params = [{transform_indices = #map}, {transform_indices = #map1}, {transform_indices = #map1}, {transform_indices = #map}]} {
    %broadcast_in_dim3A = arith.constant 0.000000e+00 : f32
    %broadcast_in_dim3A_0 = vector.broadcast %broadcast_in_dim3A : f32 to vector<16xf32>
    %mul3A = arith.constant 528 : i32
    %mul3A_1 = arith.muli %arg1, %mul3A : i32
    %mul3A_2 = arith.constant 3 : i32
    %mul3A_3 = arith.muli %mul3A_2, %arg0 : i32
    %add3A = arith.constant 0 : i32
    %add3A_4 = arith.addi %mul3A_3, %add3A : i32
    %mul3A_5 = arith.constant 8448 : i32
    %mul3A_6 = arith.muli %add3A_4, %mul3A_5 : i32
    %scan3A = arith.constant 0 : i32
    %scan3A_7 = arith.constant 0 : i32
    %scan3A_8 = arith.constant 96 : i32
    %scan3A_9 = arith.addi %scan3A_7, %scan3A_8 : i32
    %scan3A_10 = arith.constant 1 : i32
    %scan3A_11 = scf.for %scan3A_149 = %scan3A_7 to %scan3A_9 step %scan3A_10 iter_args(%scan3A_150 = %scan3A) -> (i32)  : i32 {
      %swap3A = arith.index_cast %scan3A_149 : i32 to index
      %swap3A_151 = arith.constant 0 : index
      %swap3A_152 = tpu.vector_load %arg10[%swap3A, %swap3A_151] {strides = array<i32>} : memref<96x128xf32, #tpu.memory_space<vmem>>, vector<1x16xf32>,
      %swap3A_153 = vector.shape_cast %swap3A_152 : vector<1x16xf32> to vector<16xf32>
      %swap3A_154 = vector.shape_cast %broadcast_in_dim3A_0 : vector<16xf32> to vector<1x16xf32>
      tpu.vector_store %arg10[%swap3A, %swap3A_151], %swap3A_154 {strides = array<i32>} : memref<96x128xf32, #tpu.memory_space<vmem>>, vector<1x16xf32>,
      %swap3A_155 = arith.index_cast %scan3A_149 : i32 to index
      %swap3A_156 = arith.constant 16 : index
      %swap3A_157 = tpu.vector_load %arg10[%swap3A_155, %swap3A_156] {strides = array<i32>} : memref<96x128xf32, #tpu.memory_space<vmem>>, vector<1x16xf32>,
      %swap3A_158 = vector.shape_cast %swap3A_157 : vector<1x16xf32> to vector<16xf32>
      %swap3A_159 = vector.shape_cast %broadcast_in_dim3A_0 : vector<16xf32> to vector<1x16xf32>
      tpu.vector_store %arg10[%swap3A_155, %swap3A_156], %swap3A_159 {strides = array<i32>} : memref<96x128xf32, #tpu.memory_space<vmem>>, vector<1x16xf32>,
      %swap3A_160 = arith.index_cast %scan3A_149 : i32 to index
      %swap3A_161 = arith.constant 32 : index
      %swap3A_162 = tpu.vector_load %arg10[%swap3A_160, %swap3A_161] {strides = array<i32>} : memref<96x128xf32, #tpu.memory_space<vmem>>, vector<1x16xf32>,
      %swap3A_163 = vector.shape_cast %swap3A_162 : vector<1x16xf32> to vector<16xf32>
      %swap3A_164 = vector.shape_cast %broadcast_in_dim3A_0 : vector<16xf32> to vector<1x16xf32>
      tpu.vector_store %arg10[%swap3A_160, %swap3A_161], %swap3A_164 {strides = array<i32>} : memref<96x128xf32, #tpu.memory_space<vmem>>, vector<1x16xf32>,
      %swap3A_165 = arith.index_cast %scan3A_149 : i32 to index
      %swap3A_166 = arith.constant 48 : index
      %swap3A_167 = tpu.vector_load %arg10[%swap3A_165, %swap3A_166] {strides = array<i32>} : memref<96x128xf32, #tpu.memory_space<vmem>>, vector<1x16xf32>,
      %swap3A_168 = vector.shape_cast %swap3A_167 : vector<1x16xf32> to vector<16xf32>
      %swap3A_169 = vector.shape_cast %broadcast_in_dim3A_0 : vector<16xf32> to vector<1x16xf32>
      tpu.vector_store %arg10[%swap3A_165, %swap3A_166], %swap3A_169 {strides = array<i32>} : memref<96x128xf32, #tpu.memory_space<vmem>>, vector<1x16xf32>,
      %swap3A_170 = arith.index_cast %scan3A_149 : i32 to index
      %swap3A_171 = arith.constant 64 : index
      %swap3A_172 = tpu.vector_load %arg10[%swap3A_170, %swap3A_171] {strides = array<i32>} : memref<96x128xf32, #tpu.memory_space<vmem>>, vector<1x16xf32>,
      %swap3A_173 = vector.shape_cast %swap3A_172 : vector<1x16xf32> to vector<16xf32>
      %swap3A_174 = vector.shape_cast %broadcast_in_dim3A_0 : vector<16xf32> to vector<1x16xf32>
      tpu.vector_store %arg10[%swap3A_170, %swap3A_171], %swap3A_174 {strides = array<i32>} : memref<96x128xf32, #tpu.memory_space<vmem>>, vector<1x16xf32>,
      %swap3A_175 = arith.index_cast %scan3A_149 : i32 to index
      %swap3A_176 = arith.constant 80 : index
      %swap3A_177 = tpu.vector_load %arg10[%swap3A_175, %swap3A_176] {strides = array<i32>} : memref<96x128xf32, #tpu.memory_space<vmem>>, vector<1x16xf32>,
      %swap3A_178 = vector.shape_cast %swap3A_177 : vector<1x16xf32> to vector<16xf32>
      %swap3A_179 = vector.shape_cast %broadcast_in_dim3A_0 : vector<16xf32> to vector<1x16xf32>
      tpu.vector_store %arg10[%swap3A_175, %swap3A_176], %swap3A_179 {strides = array<i32>} : memref<96x128xf32, #tpu.memory_space<vmem>>, vector<1x16xf32>,
      %swap3A_180 = arith.index_cast %scan3A_149 : i32 to index
      %swap3A_181 = arith.constant 96 : index
      %swap3A_182 = tpu.vector_load %arg10[%swap3A_180, %swap3A_181] {strides = array<i32>} : memref<96x128xf32, #tpu.memory_space<vmem>>, vector<1x16xf32>,
      %swap3A_183 = vector.shape_cast %swap3A_182 : vector<1x16xf32> to vector<16xf32>
      %swap3A_184 = vector.shape_cast %broadcast_in_dim3A_0 : vector<16xf32> to vector<1x16xf32>
      tpu.vector_store %arg10[%swap3A_180, %swap3A_181], %swap3A_184 {strides = array<i32>} : memref<96x128xf32, #tpu.memory_space<vmem>>, vector<1x16xf32>,
      %swap3A_185 = arith.index_cast %scan3A_149 : i32 to index
      %swap3A_186 = arith.constant 112 : index
      %swap3A_187 = tpu.vector_load %arg10[%swap3A_185, %swap3A_186] {strides = array<i32>} : memref<96x128xf32, #tpu.memory_space<vmem>>, vector<1x16xf32>,
      %swap3A_188 = vector.shape_cast %swap3A_187 : vector<1x16xf32> to vector<16xf32>
      %swap3A_189 = vector.shape_cast %broadcast_in_dim3A_0 : vector<16xf32> to vector<1x16xf32>
      tpu.vector_store %arg10[%swap3A_185, %swap3A_186], %swap3A_189 {strides = array<i32>} : memref<96x128xf32, #tpu.memory_space<vmem>>, vector<1x16xf32>,
      %scan3A_190 = arith.constant 0 : i32
      scf.yield %scan3A_190 : i32
    }
    %scan3A_12 = arith.constant 96 : i32
    %scan3A_13 = arith.constant 0 : i32
    %scan3A_14 = arith.constant 0 : i32
    %scan3A_15 = arith.constant 5 : i32
    %scan3A_16 = arith.addi %scan3A_14, %scan3A_15 : i32
    %scan3A_17 = arith.constant 1 : i32
    %scan3A_18 = scf.for %scan3A_149 = %scan3A_14 to %scan3A_16 step %scan3A_17 iter_args(%scan3A_150 = %scan3A_13) -> (i32)  : i32 {
      %mul3A_151 = arith.constant 96 : i32
      %mul3A_152 = arith.muli %scan3A_149, %mul3A_151 : i32
      %add3A_153 = arith.addi %mul3A_1, %mul3A_152 : i32
      "tpu.region"() ({
        %run_scoped3A = tpu.sem_alloc : memref<!tpu.dma_semaphore, #tpu.memory_space<semaphore_mem>>
        %dma_start3A = arith.constant 0 : i32
        %dma_start3A_155 = tpu.memref_slice %arg6[%add3A_153, %dma_start3A] : memref<8464x128xf32, #tpu.memory_space<vmem_shared>> -> memref<96x128xf32, #tpu.memory_space<vmem_shared>>
        %dma_start3A_156 = arith.constant 0 : i32
        %dma_start3A_157 = tpu.memref_slice %arg6[%add3A_153, %dma_start3A_156] : memref<8464x128xf32, #tpu.memory_space<vmem_shared>> -> memref<96x128xf32, #tpu.memory_space<vmem_shared>>
        tpu.enqueue_dma source(%arg10 : memref<96x128xf32, #tpu.memory_space<vmem>>) target(%dma_start3A_157 : memref<96x128xf32, #tpu.memory_space<vmem_shared>>) target_semaphore(%run_scoped3A : memref<!tpu.dma_semaphore, #tpu.memory_space<semaphore_mem>>)
        %dma_wait3A = arith.constant 0 : i32
        %dma_wait3A_158 = tpu.memref_slice %arg6[%add3A_153, %dma_wait3A] : memref<8464x128xf32, #tpu.memory_space<vmem_shared>> -> memref<96x128xf32, #tpu.memory_space<vmem_shared>>
        %dma_wait3A_159 = arith.constant 0 : i32
        %dma_wait3A_160 = tpu.memref_slice %arg6[%add3A_153, %dma_wait3A_159] : memref<8464x128xf32, #tpu.memory_space<vmem_shared>> -> memref<96x128xf32, #tpu.memory_space<vmem_shared>>
        tpu.wait_dma2 semaphore(%run_scoped3A : memref<!tpu.dma_semaphore, #tpu.memory_space<semaphore_mem>>) src(%arg10 : memref<96x128xf32, #tpu.memory_space<vmem>>) dst(%dma_wait3A_160 : memref<96x128xf32, #tpu.memory_space<vmem_shared>>)
        tpu.yield
      }) : () -> ()
      %scan3A_154 = arith.constant 0 : i32
      scf.yield %scan3A_154 : i32
    }
    %scan3A_19 = arith.constant 5 : i32
    %add3A_20 = arith.constant 480 : i32
    %add3A_21 = arith.addi %mul3A_1, %add3A_20 : i32
    "tpu.region"() ({
      %run_scoped3A = tpu.sem_alloc : memref<!tpu.dma_semaphore, #tpu.memory_space<semaphore_mem>>
      %dma_start3A = arith.constant 0 : i32
      %dma_start3A_149 = arith.constant 0 : i32
      %dma_start3A_150 = tpu.memref_slice %arg10[%dma_start3A, %dma_start3A_149] : memref<96x128xf32, #tpu.memory_space<vmem>> -> memref<48x128xf32, #tpu.memory_space<vmem>>
      %dma_start3A_151 = arith.constant 0 : i32
      %dma_start3A_152 = tpu.memref_slice %arg6[%add3A_21, %dma_start3A_151] : memref<8464x128xf32, #tpu.memory_space<vmem_shared>> -> memref<48x128xf32, #tpu.memory_space<vmem_shared>>
      %dma_start3A_153 = arith.constant 0 : i32
      %dma_start3A_154 = tpu.memref_slice %arg6[%add3A_21, %dma_start3A_153] : memref<8464x128xf32, #tpu.memory_space<vmem_shared>> -> memref<48x128xf32, #tpu.memory_space<vmem_shared>>
      %dma_start3A_155 = arith.constant 0 : i32
      %dma_start3A_156 = arith.constant 0 : i32
      %dma_start3A_157 = tpu.memref_slice %arg10[%dma_start3A_155, %dma_start3A_156] : memref<96x128xf32, #tpu.memory_space<vmem>> -> memref<48x128xf32, #tpu.memory_space<vmem>>
      tpu.enqueue_dma source(%dma_start3A_157 : memref<48x128xf32, #tpu.memory_space<vmem>>) target(%dma_start3A_154 : memref<48x128xf32, #tpu.memory_space<vmem_shared>>) target_semaphore(%run_scoped3A : memref<!tpu.dma_semaphore, #tpu.memory_space<semaphore_mem>>)
      %dma_wait3A = arith.constant 0 : i32
      %dma_wait3A_158 = arith.constant 0 : i32
      %dma_wait3A_159 = tpu.memref_slice %arg10[%dma_wait3A, %dma_wait3A_158] : memref<96x128xf32, #tpu.memory_space<vmem>> -> memref<48x128xf32, #tpu.memory_space<vmem>>
      %dma_wait3A_160 = arith.constant 0 : i32
      %dma_wait3A_161 = tpu.memref_slice %arg6[%add3A_21, %dma_wait3A_160] : memref<8464x128xf32, #tpu.memory_space<vmem_shared>> -> memref<48x128xf32, #tpu.memory_space<vmem_shared>>
      %dma_wait3A_162 = arith.constant 0 : i32
      %dma_wait3A_163 = tpu.memref_slice %arg6[%add3A_21, %dma_wait3A_162] : memref<8464x128xf32, #tpu.memory_space<vmem_shared>> -> memref<48x128xf32, #tpu.memory_space<vmem_shared>>
      %dma_wait3A_164 = arith.constant 0 : i32
      %dma_wait3A_165 = arith.constant 0 : i32
      %dma_wait3A_166 = tpu.memref_slice %arg10[%dma_wait3A_164, %dma_wait3A_165] : memref<96x128xf32, #tpu.memory_space<vmem>> -> memref<48x128xf32, #tpu.memory_space<vmem>>
      tpu.wait_dma2 semaphore(%run_scoped3A : memref<!tpu.dma_semaphore, #tpu.memory_space<semaphore_mem>>) src(%dma_wait3A_166 : memref<48x128xf32, #tpu.memory_space<vmem>>) dst(%dma_wait3A_163 : memref<48x128xf32, #tpu.memory_space<vmem_shared>>)
      tpu.yield
    }) : () -> ()
    %eq3A = arith.constant 15 : i32
    %eq3A_22 = arith.cmpi eq, %arg1, %eq3A : i32
    %convert_element_type3A = arith.extui %eq3A_22 : i1 to i32
    %cond3A = arith.constant 0 : i32
    %cond3A_23 = arith.cmpi ne, %convert_element_type3A, %cond3A : i32
    scf.if %cond3A_23 {
      "tpu.region"() ({
        %run_scoped3A = tpu.sem_alloc : memref<!tpu.dma_semaphore, #tpu.memory_space<semaphore_mem>>
        %dma_start3A = arith.constant 0 : i32
        %dma_start3A_149 = arith.constant 0 : i32
        %dma_start3A_150 = tpu.memref_slice %arg10[%dma_start3A, %dma_start3A_149] : memref<96x128xf32, #tpu.memory_space<vmem>> -> memref<16x128xf32, #tpu.memory_space<vmem>>
        %dma_start3A_151 = arith.constant 8448 : i32
        %dma_start3A_152 = arith.constant 0 : i32
        %dma_start3A_153 = tpu.memref_slice %arg6[%dma_start3A_151, %dma_start3A_152] : memref<8464x128xf32, #tpu.memory_space<vmem_shared>> -> memref<16x128xf32, #tpu.memory_space<vmem_shared>>
        %dma_start3A_154 = arith.constant 8448 : i32
        %dma_start3A_155 = arith.constant 0 : i32
        %dma_start3A_156 = tpu.memref_slice %arg6[%dma_start3A_154, %dma_start3A_155] : memref<8464x128xf32, #tpu.memory_space<vmem_shared>> -> memref<16x128xf32, #tpu.memory_space<vmem_shared>>
        %dma_start3A_157 = arith.constant 0 : i32
        %dma_start3A_158 = arith.constant 0 : i32
        %dma_start3A_159 = tpu.memref_slice %arg10[%dma_start3A_157, %dma_start3A_158] : memref<96x128xf32, #tpu.memory_space<vmem>> -> memref<16x128xf32, #tpu.memory_space<vmem>>
        tpu.enqueue_dma source(%dma_start3A_159 : memref<16x128xf32, #tpu.memory_space<vmem>>) target(%dma_start3A_156 : memref<16x128xf32, #tpu.memory_space<vmem_shared>>) target_semaphore(%run_scoped3A : memref<!tpu.dma_semaphore, #tpu.memory_space<semaphore_mem>>)
        %dma_wait3A = arith.constant 0 : i32
        %dma_wait3A_160 = arith.constant 0 : i32
        %dma_wait3A_161 = tpu.memref_slice %arg10[%dma_wait3A, %dma_wait3A_160] : memref<96x128xf32, #tpu.memory_space<vmem>> -> memref<16x128xf32, #tpu.memory_space<vmem>>
        %dma_wait3A_162 = arith.constant 8448 : i32
        %dma_wait3A_163 = arith.constant 0 : i32
        %dma_wait3A_164 = tpu.memref_slice %arg6[%dma_wait3A_162, %dma_wait3A_163] : memref<8464x128xf32, #tpu.memory_space<vmem_shared>> -> memref<16x128xf32, #tpu.memory_space<vmem_shared>>
        %dma_wait3A_165 = arith.constant 8448 : i32
        %dma_wait3A_166 = arith.constant 0 : i32
        %dma_wait3A_167 = tpu.memref_slice %arg6[%dma_wait3A_165, %dma_wait3A_166] : memref<8464x128xf32, #tpu.memory_space<vmem_shared>> -> memref<16x128xf32, #tpu.memory_space<vmem_shared>>
        %dma_wait3A_168 = arith.constant 0 : i32
        %dma_wait3A_169 = arith.constant 0 : i32
        %dma_wait3A_170 = tpu.memref_slice %arg10[%dma_wait3A_168, %dma_wait3A_169] : memref<96x128xf32, #tpu.memory_space<vmem>> -> memref<16x128xf32, #tpu.memory_space<vmem>>
        tpu.wait_dma2 semaphore(%run_scoped3A : memref<!tpu.dma_semaphore, #tpu.memory_space<semaphore_mem>>) src(%dma_wait3A_170 : memref<16x128xf32, #tpu.memory_space<vmem>>) dst(%dma_wait3A_167 : memref<16x128xf32, #tpu.memory_space<vmem_shared>>)
        tpu.yield
      }) : () -> ()
    } else {
    }
    %barrier3A = arith.constant 0 : index
    tpu.barrier barrier_id(%barrier3A)
    %mul3A_24 = arith.constant 37632 : i32
    %mul3A_25 = arith.muli %arg1, %mul3A_24 : i32
    %scan3A_26 = arith.constant 0 : i32
    %scan3A_27 = arith.constant 0 : i32
    %scan3A_28 = arith.constant 98 : i32
    %scan3A_29 = arith.addi %scan3A_27, %scan3A_28 : i32
    %scan3A_30 = arith.constant 1 : i32
    %scan3A_31 = scf.for %scan3A_149 = %scan3A_27 to %scan3A_29 step %scan3A_30 iter_args(%scan3A_150 = %scan3A_26) -> (i32)  : i32 {
      %mul3A_151 = arith.constant 4 : i32
      %mul3A_152 = arith.muli %mul3A_151, %scan3A_149 : i32
      %add3A_153 = arith.constant 0 : i32
      %add3A_154 = arith.addi %mul3A_152, %add3A_153 : i32
      %mul3A_155 = arith.constant 96 : i32
      %mul3A_156 = arith.muli %add3A_154, %mul3A_155 : i32
      %add3A_157 = arith.addi %mul3A_25, %mul3A_156 : i32
      "tpu.region"() ({
        %run_scoped3A = tpu.sem_alloc : memref<!tpu.dma_semaphore, #tpu.memory_space<semaphore_mem>>
        %dma_start3A_650 = tpu.memref_slice %arg3[%add3A_157] : memref<602112xi32, #tpu.memory_space<hbm>> -> memref<96xi32, #tpu.memory_space<hbm>>
        %dma_start3A_651 = tpu.memref_slice %arg3[%add3A_157] : memref<602112xi32, #tpu.memory_space<hbm>> -> memref<96xi32, #tpu.memory_space<hbm>>
        tpu.enqueue_dma source(%dma_start3A_651 : memref<96xi32, #tpu.memory_space<hbm>>) target(%arg8 : memref<96xi32, #tpu.memory_space<vmem>>) target_semaphore(%run_scoped3A : memref<!tpu.dma_semaphore, #tpu.memory_space<semaphore_mem>>)
        %dma_wait3A_652 = tpu.memref_slice %arg3[%add3A_157] : memref<602112xi32, #tpu.memory_space<hbm>> -> memref<96xi32, #tpu.memory_space<hbm>>
        %dma_wait3A_653 = tpu.memref_slice %arg3[%add3A_157] : memref<602112xi32, #tpu.memory_space<hbm>> -> memref<96xi32, #tpu.memory_space<hbm>>
        tpu.wait_dma2 semaphore(%run_scoped3A : memref<!tpu.dma_semaphore, #tpu.memory_space<semaphore_mem>>) src(%dma_wait3A_653 : memref<96xi32, #tpu.memory_space<hbm>>) dst(%arg8 : memref<96xi32, #tpu.memory_space<vmem>>)
        tpu.yield
      }) : () -> ()
      "tpu.region"() ({
        %run_scoped3A = tpu.sem_alloc : memref<!tpu.dma_semaphore, #tpu.memory_space<semaphore_mem>>
        %dma_start3A_650 = tpu.memref_slice %arg4[%add3A_157] : memref<602112xi32, #tpu.memory_space<hbm>> -> memref<96xi32, #tpu.memory_space<hbm>>
        %dma_start3A_651 = tpu.memref_slice %arg4[%add3A_157] : memref<602112xi32, #tpu.memory_space<hbm>> -> memref<96xi32, #tpu.memory_space<hbm>>
        tpu.enqueue_dma source(%dma_start3A_651 : memref<96xi32, #tpu.memory_space<hbm>>) target(%arg7 : memref<96xi32, #tpu.memory_space<vmem>>) target_semaphore(%run_scoped3A : memref<!tpu.dma_semaphore, #tpu.memory_space<semaphore_mem>>)
        %dma_wait3A_652 = tpu.memref_slice %arg4[%add3A_157] : memref<602112xi32, #tpu.memory_space<hbm>> -> memref<96xi32, #tpu.memory_space<hbm>>
        %dma_wait3A_653 = tpu.memref_slice %arg4[%add3A_157] : memref<602112xi32, #tpu.memory_space<hbm>> -> memref<96xi32, #tpu.memory_space<hbm>>
        tpu.wait_dma2 semaphore(%run_scoped3A : memref<!tpu.dma_semaphore, #tpu.memory_space<semaphore_mem>>) src(%dma_wait3A_653 : memref<96xi32, #tpu.memory_space<hbm>>) dst(%arg7 : memref<96xi32, #tpu.memory_space<vmem>>)
        tpu.yield
      }) : () -> ()
      %dma_start3A = arith.constant 0 : i32
      %dma_start3A_158 = arith.constant 0 : i32
      %dma_start3A_159 = tpu.memref_slice %arg2[%dma_start3A, %dma_start3A_158] : memref<100000x128xf32, #tpu.memory_space<hbm>> -> memref<100000x128xf32, #tpu.memory_space<hbm>>
      tpu.enqueue_indirect_dma source(%dma_start3A_159 : memref<100000x128xf32, #tpu.memory_space<hbm>>) target(%arg10 : memref<96x128xf32, #tpu.memory_space<vmem>>) offsets(%arg8 : memref<96xi32, #tpu.memory_space<vmem>>) semaphore(%arg23 : memref<!tpu.dma_semaphore, #tpu.memory_space<semaphore_mem>>)
      %mul3A_160 = arith.constant 4 : i32
      %mul3A_161 = arith.muli %mul3A_160, %scan3A_149 : i32
      %add3A_162 = arith.constant 1 : i32
      %add3A_163 = arith.addi %mul3A_161, %add3A_162 : i32
      %mul3A_164 = arith.constant 96 : i32
      %mul3A_165 = arith.muli %add3A_163, %mul3A_164 : i32
      %add3A_166 = arith.addi %mul3A_25, %mul3A_165 : i32
      "tpu.region"() ({
        %run_scoped3A = tpu.sem_alloc : memref<!tpu.dma_semaphore, #tpu.memory_space<semaphore_mem>>
        %dma_start3A_650 = tpu.memref_slice %arg3[%add3A_166] : memref<602112xi32, #tpu.memory_space<hbm>> -> memref<96xi32, #tpu.memory_space<hbm>>
        %dma_start3A_651 = tpu.memref_slice %arg3[%add3A_166] : memref<602112xi32, #tpu.memory_space<hbm>> -> memref<96xi32, #tpu.memory_space<hbm>>
        tpu.enqueue_dma source(%dma_start3A_651 : memref<96xi32, #tpu.memory_space<hbm>>) target(%arg12 : memref<96xi32, #tpu.memory_space<vmem>>) target_semaphore(%run_scoped3A : memref<!tpu.dma_semaphore, #tpu.memory_space<semaphore_mem>>)
        %dma_wait3A_652 = tpu.memref_slice %arg3[%add3A_166] : memref<602112xi32, #tpu.memory_space<hbm>> -> memref<96xi32, #tpu.memory_space<hbm>>
        %dma_wait3A_653 = tpu.memref_slice %arg3[%add3A_166] : memref<602112xi32, #tpu.memory_space<hbm>> -> memref<96xi32, #tpu.memory_space<hbm>>
        tpu.wait_dma2 semaphore(%run_scoped3A : memref<!tpu.dma_semaphore, #tpu.memory_space<semaphore_mem>>) src(%dma_wait3A_653 : memref<96xi32, #tpu.memory_space<hbm>>) dst(%arg12 : memref<96xi32, #tpu.memory_space<vmem>>)
        tpu.yield
      }) : () -> ()
      "tpu.region"() ({
        %run_scoped3A = tpu.sem_alloc : memref<!tpu.dma_semaphore, #tpu.memory_space<semaphore_mem>>
        %dma_start3A_650 = tpu.memref_slice %arg4[%add3A_166] : memref<602112xi32, #tpu.memory_space<hbm>> -> memref<96xi32, #tpu.memory_space<hbm>>
        %dma_start3A_651 = tpu.memref_slice %arg4[%add3A_166] : memref<602112xi32, #tpu.memory_space<hbm>> -> memref<96xi32, #tpu.memory_space<hbm>>
        tpu.enqueue_dma source(%dma_start3A_651 : memref<96xi32, #tpu.memory_space<hbm>>) target(%arg11 : memref<96xi32, #tpu.memory_space<vmem>>) target_semaphore(%run_scoped3A : memref<!tpu.dma_semaphore, #tpu.memory_space<semaphore_mem>>)
        %dma_wait3A_652 = tpu.memref_slice %arg4[%add3A_166] : memref<602112xi32, #tpu.memory_space<hbm>> -> memref<96xi32, #tpu.memory_space<hbm>>
        %dma_wait3A_653 = tpu.memref_slice %arg4[%add3A_166] : memref<602112xi32, #tpu.memory_space<hbm>> -> memref<96xi32, #tpu.memory_space<hbm>>
        tpu.wait_dma2 semaphore(%run_scoped3A : memref<!tpu.dma_semaphore, #tpu.memory_space<semaphore_mem>>) src(%dma_wait3A_653 : memref<96xi32, #tpu.memory_space<hbm>>) dst(%arg11 : memref<96xi32, #tpu.memory_space<vmem>>)
        tpu.yield
      }) : () -> ()
      %dma_start3A_167 = arith.constant 0 : i32
      %dma_start3A_168 = arith.constant 0 : i32
      %dma_start3A_169 = tpu.memref_slice %arg2[%dma_start3A_167, %dma_start3A_168] : memref<100000x128xf32, #tpu.memory_space<hbm>> -> memref<100000x128xf32, #tpu.memory_space<hbm>>
      tpu.enqueue_indirect_dma source(%dma_start3A_169 : memref<100000x128xf32, #tpu.memory_space<hbm>>) target(%arg14 : memref<96x128xf32, #tpu.memory_space<vmem>>) offsets(%arg12 : memref<96xi32, #tpu.memory_space<vmem>>) semaphore(%arg24 : memref<!tpu.dma_semaphore, #tpu.memory_space<semaphore_mem>>)
      %mul3A_170 = arith.constant 4 : i32
      %mul3A_171 = arith.muli %mul3A_170, %scan3A_149 : i32
      %add3A_172 = arith.constant 2 : i32
      %add3A_173 = arith.addi %mul3A_171, %add3A_172 : i32
      %mul3A_174 = arith.constant 96 : i32
      %mul3A_175 = arith.muli %add3A_173, %mul3A_174 : i32
      %add3A_176 = arith.addi %mul3A_25, %mul3A_175 : i32
      "tpu.region"() ({
        %run_scoped3A = tpu.sem_alloc : memref<!tpu.dma_semaphore, #tpu.memory_space<semaphore_mem>>
        %dma_start3A_650 = tpu.memref_slice %arg3[%add3A_176] : memref<602112xi32, #tpu.memory_space<hbm>> -> memref<96xi32, #tpu.memory_space<hbm>>
        %dma_start3A_651 = tpu.memref_slice %arg3[%add3A_176] : memref<602112xi32, #tpu.memory_space<hbm>> -> memref<96xi32, #tpu.memory_space<hbm>>
        tpu.enqueue_dma source(%dma_start3A_651 : memref<96xi32, #tpu.memory_space<hbm>>) target(%arg16 : memref<96xi32, #tpu.memory_space<vmem>>) target_semaphore(%run_scoped3A : memref<!tpu.dma_semaphore, #tpu.memory_space<semaphore_mem>>)
        %dma_wait3A_652 = tpu.memref_slice %arg3[%add3A_176] : memref<602112xi32, #tpu.memory_space<hbm>> -> memref<96xi32, #tpu.memory_space<hbm>>
        %dma_wait3A_653 = tpu.memref_slice %arg3[%add3A_176] : memref<602112xi32, #tpu.memory_space<hbm>> -> memref<96xi32, #tpu.memory_space<hbm>>
        tpu.wait_dma2 semaphore(%run_scoped3A : memref<!tpu.dma_semaphore, #tpu.memory_space<semaphore_mem>>) src(%dma_wait3A_653 : memref<96xi32, #tpu.memory_space<hbm>>) dst(%arg16 : memref<96xi32, #tpu.memory_space<vmem>>)
        tpu.yield
      }) : () -> ()
      "tpu.region"() ({
        %run_scoped3A = tpu.sem_alloc : memref<!tpu.dma_semaphore, #tpu.memory_space<semaphore_mem>>
        %dma_start3A_650 = tpu.memref_slice %arg4[%add3A_176] : memref<602112xi32, #tpu.memory_space<hbm>> -> memref<96xi32, #tpu.memory_space<hbm>>
        %dma_start3A_651 = tpu.memref_slice %arg4[%add3A_176] : memref<602112xi32, #tpu.memory_space<hbm>> -> memref<96xi32, #tpu.memory_space<hbm>>
        tpu.enqueue_dma source(%dma_start3A_651 : memref<96xi32, #tpu.memory_space<hbm>>) target(%arg15 : memref<96xi32, #tpu.memory_space<vmem>>) target_semaphore(%run_scoped3A : memref<!tpu.dma_semaphore, #tpu.memory_space<semaphore_mem>>)
        %dma_wait3A_652 = tpu.memref_slice %arg4[%add3A_176] : memref<602112xi32, #tpu.memory_space<hbm>> -> memref<96xi32, #tpu.memory_space<hbm>>
        %dma_wait3A_653 = tpu.memref_slice %arg4[%add3A_176] : memref<602112xi32, #tpu.memory_space<hbm>> -> memref<96xi32, #tpu.memory_space<hbm>>
        tpu.wait_dma2 semaphore(%run_scoped3A : memref<!tpu.dma_semaphore, #tpu.memory_space<semaphore_mem>>) src(%dma_wait3A_653 : memref<96xi32, #tpu.memory_space<hbm>>) dst(%arg15 : memref<96xi32, #tpu.memory_space<vmem>>)
        tpu.yield
      }) : () -> ()
      %dma_start3A_177 = arith.constant 0 : i32
      %dma_start3A_178 = arith.constant 0 : i32
      %dma_start3A_179 = tpu.memref_slice %arg2[%dma_start3A_177, %dma_start3A_178] : memref<100000x128xf32, #tpu.memory_space<hbm>> -> memref<100000x128xf32, #tpu.memory_space<hbm>>
      tpu.enqueue_indirect_dma source(%dma_start3A_179 : memref<100000x128xf32, #tpu.memory_space<hbm>>) target(%arg18 : memref<96x128xf32, #tpu.memory_space<vmem>>) offsets(%arg16 : memref<96xi32, #tpu.memory_space<vmem>>) semaphore(%arg25 : memref<!tpu.dma_semaphore, #tpu.memory_space<semaphore_mem>>)
      %mul3A_180 = arith.constant 4 : i32
      %mul3A_181 = arith.muli %mul3A_180, %scan3A_149 : i32
      %add3A_182 = arith.constant 3 : i32
      %add3A_183 = arith.addi %mul3A_181, %add3A_182 : i32
      %mul3A_184 = arith.constant 96 : i32
      %mul3A_185 = arith.muli %add3A_183, %mul3A_184 : i32
      %add3A_186 = arith.addi %mul3A_25, %mul3A_185 : i32
      "tpu.region"() ({
        %run_scoped3A = tpu.sem_alloc : memref<!tpu.dma_semaphore, #tpu.memory_space<semaphore_mem>>
        %dma_start3A_650 = tpu.memref_slice %arg3[%add3A_186] : memref<602112xi32, #tpu.memory_space<hbm>> -> memref<96xi32, #tpu.memory_space<hbm>>
        %dma_start3A_651 = tpu.memref_slice %arg3[%add3A_186] : memref<602112xi32, #tpu.memory_space<hbm>> -> memref<96xi32, #tpu.memory_space<hbm>>
        tpu.enqueue_dma source(%dma_start3A_651 : memref<96xi32, #tpu.memory_space<hbm>>) target(%arg20 : memref<96xi32, #tpu.memory_space<vmem>>) target_semaphore(%run_scoped3A : memref<!tpu.dma_semaphore, #tpu.memory_space<semaphore_mem>>)
        %dma_wait3A_652 = tpu.memref_slice %arg3[%add3A_186] : memref<602112xi32, #tpu.memory_space<hbm>> -> memref<96xi32, #tpu.memory_space<hbm>>
        %dma_wait3A_653 = tpu.memref_slice %arg3[%add3A_186] : memref<602112xi32, #tpu.memory_space<hbm>> -> memref<96xi32, #tpu.memory_space<hbm>>
        tpu.wait_dma2 semaphore(%run_scoped3A : memref<!tpu.dma_semaphore, #tpu.memory_space<semaphore_mem>>) src(%dma_wait3A_653 : memref<96xi32, #tpu.memory_space<hbm>>) dst(%arg20 : memref<96xi32, #tpu.memory_space<vmem>>)
        tpu.yield
      }) : () -> ()
      "tpu.region"() ({
        %run_scoped3A = tpu.sem_alloc : memref<!tpu.dma_semaphore, #tpu.memory_space<semaphore_mem>>
        %dma_start3A_650 = tpu.memref_slice %arg4[%add3A_186] : memref<602112xi32, #tpu.memory_space<hbm>> -> memref<96xi32, #tpu.memory_space<hbm>>
        %dma_start3A_651 = tpu.memref_slice %arg4[%add3A_186] : memref<602112xi32, #tpu.memory_space<hbm>> -> memref<96xi32, #tpu.memory_space<hbm>>
        tpu.enqueue_dma source(%dma_start3A_651 : memref<96xi32, #tpu.memory_space<hbm>>) target(%arg19 : memref<96xi32, #tpu.memory_space<vmem>>) target_semaphore(%run_scoped3A : memref<!tpu.dma_semaphore, #tpu.memory_space<semaphore_mem>>)
        %dma_wait3A_652 = tpu.memref_slice %arg4[%add3A_186] : memref<602112xi32, #tpu.memory_space<hbm>> -> memref<96xi32, #tpu.memory_space<hbm>>
        %dma_wait3A_653 = tpu.memref_slice %arg4[%add3A_186] : memref<602112xi32, #tpu.memory_space<hbm>> -> memref<96xi32, #tpu.memory_space<hbm>>
        tpu.wait_dma2 semaphore(%run_scoped3A : memref<!tpu.dma_semaphore, #tpu.memory_space<semaphore_mem>>) src(%dma_wait3A_653 : memref<96xi32, #tpu.memory_space<hbm>>) dst(%arg19 : memref<96xi32, #tpu.memory_space<vmem>>)
        tpu.yield
      }) : () -> ()
      %dma_start3A_187 = arith.constant 0 : i32
      %dma_start3A_188 = arith.constant 0 : i32
      %dma_start3A_189 = tpu.memref_slice %arg2[%dma_start3A_187, %dma_start3A_188] : memref<100000x128xf32, #tpu.memory_space<hbm>> -> memref<100000x128xf32, #tpu.memory_space<hbm>>
      tpu.enqueue_indirect_dma source(%dma_start3A_189 : memref<100000x128xf32, #tpu.memory_space<hbm>>) target(%arg22 : memref<96x128xf32, #tpu.memory_space<vmem>>) offsets(%arg20 : memref<96xi32, #tpu.memory_space<vmem>>) semaphore(%arg26 : memref<!tpu.dma_semaphore, #tpu.memory_space<semaphore_mem>>)
      %get3A = arith.constant 0 : index
      %get3A_190 = tpu.vector_load %arg7[%get3A] {strides = array<i32>} : memref<96xi32, #tpu.memory_space<vmem>>, vector<16xi32>,
      %get3A_191 = vector.shape_cast %get3A_190 : vector<16xi32> to vector<16xi32>
      %sub3A = vector.broadcast %mul3A_6 : i32 to vector<16xi32>
      %sub3A_192 = arith.subi %get3A_191, %sub3A : vector<16xi32>
      %ge3A = arith.constant 0 : i32
      %ge3A_193 = vector.broadcast %ge3A : i32 to vector<16xi32>
      %ge3A_194 = arith.cmpi sge, %sub3A_192, %ge3A_193 : vector<16xi32>
      %lt3A = arith.constant 8448 : i32
      %lt3A_195 = vector.broadcast %lt3A : i32 to vector<16xi32>
      %lt3A_196 = arith.cmpi slt, %sub3A_192, %lt3A_195 : vector<16xi32>
      %and3A = arith.andi %ge3A_194, %lt3A_196 : vector<16xi1>
      %jit3A = arith.constant 8448 : i32
      %broadcast_in_dim3A_197 = vector.broadcast %jit3A : i32 to vector<16xi32>
      %select_n3A = arith.select %and3A, %sub3A_192, %broadcast_in_dim3A_197 : vector<16xi1>, vector<16xi32>
      %swap3A = arith.constant 0 : index
      %swap3A_198 = tpu.vector_load %arg9[%swap3A] {strides = array<i32>} : memref<96xi32, #tpu.memory_space<vmem>>, vector<16xi32>,
      %swap3A_199 = vector.shape_cast %swap3A_198 : vector<16xi32> to vector<16xi32>
      %swap3A_200 = vector.shape_cast %select_n3A : vector<16xi32> to vector<16xi32>
      tpu.vector_store %arg9[%swap3A], %swap3A_200 {strides = array<i32>} : memref<96xi32, #tpu.memory_space<vmem>>, vector<16xi32>,
      %get3A_201 = arith.constant 16 : index
      %get3A_202 = tpu.vector_load %arg7[%get3A_201] {strides = array<i32>} : memref<96xi32, #tpu.memory_space<vmem>>, vector<16xi32>,
      %get3A_203 = vector.shape_cast %get3A_202 : vector<16xi32> to vector<16xi32>
      %sub3A_204 = vector.broadcast %mul3A_6 : i32 to vector<16xi32>
      %sub3A_205 = arith.subi %get3A_203, %sub3A_204 : vector<16xi32>
      %ge3A_206 = arith.constant 0 : i32
      %ge3A_207 = vector.broadcast %ge3A_206 : i32 to vector<16xi32>
      %ge3A_208 = arith.cmpi sge, %sub3A_205, %ge3A_207 : vector<16xi32>
      %lt3A_209 = arith.constant 8448 : i32
      %lt3A_210 = vector.broadcast %lt3A_209 : i32 to vector<16xi32>
      %lt3A_211 = arith.cmpi slt, %sub3A_205, %lt3A_210 : vector<16xi32>
      %and3A_212 = arith.andi %ge3A_208, %lt3A_211 : vector<16xi1>
      %jit3A_213 = arith.constant 8448 : i32
      %broadcast_in_dim3A_214 = vector.broadcast %jit3A_213 : i32 to vector<16xi32>
      %select_n3A_215 = arith.select %and3A_212, %sub3A_205, %broadcast_in_dim3A_214 : vector<16xi1>, vector<16xi32>
      %swap3A_216 = arith.constant 16 : index
      %swap3A_217 = tpu.vector_load %arg9[%swap3A_216] {strides = array<i32>} : memref<96xi32, #tpu.memory_space<vmem>>, vector<16xi32>,
      %swap3A_218 = vector.shape_cast %swap3A_217 : vector<16xi32> to vector<16xi32>
      %swap3A_219 = vector.shape_cast %select_n3A_215 : vector<16xi32> to vector<16xi32>
      tpu.vector_store %arg9[%swap3A_216], %swap3A_219 {strides = array<i32>} : memref<96xi32, #tpu.memory_space<vmem>>, vector<16xi32>,
      %get3A_220 = arith.constant 32 : index
      %get3A_221 = tpu.vector_load %arg7[%get3A_220] {strides = array<i32>} : memref<96xi32, #tpu.memory_space<vmem>>, vector<16xi32>,
      %get3A_222 = vector.shape_cast %get3A_221 : vector<16xi32> to vector<16xi32>
      %sub3A_223 = vector.broadcast %mul3A_6 : i32 to vector<16xi32>
      %sub3A_224 = arith.subi %get3A_222, %sub3A_223 : vector<16xi32>
      %ge3A_225 = arith.constant 0 : i32
      %ge3A_226 = vector.broadcast %ge3A_225 : i32 to vector<16xi32>
      %ge3A_227 = arith.cmpi sge, %sub3A_224, %ge3A_226 : vector<16xi32>
      %lt3A_228 = arith.constant 8448 : i32
      %lt3A_229 = vector.broadcast %lt3A_228 : i32 to vector<16xi32>
      %lt3A_230 = arith.cmpi slt, %sub3A_224, %lt3A_229 : vector<16xi32>
      %and3A_231 = arith.andi %ge3A_227, %lt3A_230 : vector<16xi1>
      %jit3A_232 = arith.constant 8448 : i32
      %broadcast_in_dim3A_233 = vector.broadcast %jit3A_232 : i32 to vector<16xi32>
      %select_n3A_234 = arith.select %and3A_231, %sub3A_224, %broadcast_in_dim3A_233 : vector<16xi1>, vector<16xi32>
      %swap3A_235 = arith.constant 32 : index
      %swap3A_236 = tpu.vector_load %arg9[%swap3A_235] {strides = array<i32>} : memref<96xi32, #tpu.memory_space<vmem>>, vector<16xi32>,
      %swap3A_237 = vector.shape_cast %swap3A_236 : vector<16xi32> to vector<16xi32>
      %swap3A_238 = vector.shape_cast %select_n3A_234 : vector<16xi32> to vector<16xi32>
      tpu.vector_store %arg9[%swap3A_235], %swap3A_238 {strides = array<i32>} : memref<96xi32, #tpu.memory_space<vmem>>, vector<16xi32>,
      %get3A_239 = arith.constant 48 : index
      %get3A_240 = tpu.vector_load %arg7[%get3A_239] {strides = array<i32>} : memref<96xi32, #tpu.memory_space<vmem>>, vector<16xi32>,
      %get3A_241 = vector.shape_cast %get3A_240 : vector<16xi32> to vector<16xi32>
      %sub3A_242 = vector.broadcast %mul3A_6 : i32 to vector<16xi32>
      %sub3A_243 = arith.subi %get3A_241, %sub3A_242 : vector<16xi32>
      %ge3A_244 = arith.constant 0 : i32
      %ge3A_245 = vector.broadcast %ge3A_244 : i32 to vector<16xi32>
      %ge3A_246 = arith.cmpi sge, %sub3A_243, %ge3A_245 : vector<16xi32>
      %lt3A_247 = arith.constant 8448 : i32
      %lt3A_248 = vector.broadcast %lt3A_247 : i32 to vector<16xi32>
      %lt3A_249 = arith.cmpi slt, %sub3A_243, %lt3A_248 : vector<16xi32>
      %and3A_250 = arith.andi %ge3A_246, %lt3A_249 : vector<16xi1>
      %jit3A_251 = arith.constant 8448 : i32
      %broadcast_in_dim3A_252 = vector.broadcast %jit3A_251 : i32 to vector<16xi32>
      %select_n3A_253 = arith.select %and3A_250, %sub3A_243, %broadcast_in_dim3A_252 : vector<16xi1>, vector<16xi32>
      %swap3A_254 = arith.constant 48 : index
      %swap3A_255 = tpu.vector_load %arg9[%swap3A_254] {strides = array<i32>} : memref<96xi32, #tpu.memory_space<vmem>>, vector<16xi32>,
      %swap3A_256 = vector.shape_cast %swap3A_255 : vector<16xi32> to vector<16xi32>
      %swap3A_257 = vector.shape_cast %select_n3A_253 : vector<16xi32> to vector<16xi32>
      tpu.vector_store %arg9[%swap3A_254], %swap3A_257 {strides = array<i32>} : memref<96xi32, #tpu.memory_space<vmem>>, vector<16xi32>,
      %get3A_258 = arith.constant 64 : index
      %get3A_259 = tpu.vector_load %arg7[%get3A_258] {strides = array<i32>} : memref<96xi32, #tpu.memory_space<vmem>>, vector<16xi32>,
      %get3A_260 = vector.shape_cast %get3A_259 : vector<16xi32> to vector<16xi32>
      %sub3A_261 = vector.broadcast %mul3A_6 : i32 to vector<16xi32>
      %sub3A_262 = arith.subi %get3A_260, %sub3A_261 : vector<16xi32>
      %ge3A_263 = arith.constant 0 : i32
      %ge3A_264 = vector.broadcast %ge3A_263 : i32 to vector<16xi32>
      %ge3A_265 = arith.cmpi sge, %sub3A_262, %ge3A_264 : vector<16xi32>
      %lt3A_266 = arith.constant 8448 : i32
      %lt3A_267 = vector.broadcast %lt3A_266 : i32 to vector<16xi32>
      %lt3A_268 = arith.cmpi slt, %sub3A_262, %lt3A_267 : vector<16xi32>
      %and3A_269 = arith.andi %ge3A_265, %lt3A_268 : vector<16xi1>
      %jit3A_270 = arith.constant 8448 : i32
      %broadcast_in_dim3A_271 = vector.broadcast %jit3A_270 : i32 to vector<16xi32>
      %select_n3A_272 = arith.select %and3A_269, %sub3A_262, %broadcast_in_dim3A_271 : vector<16xi1>, vector<16xi32>
      %swap3A_273 = arith.constant 64 : index
      %swap3A_274 = tpu.vector_load %arg9[%swap3A_273] {strides = array<i32>} : memref<96xi32, #tpu.memory_space<vmem>>, vector<16xi32>,
      %swap3A_275 = vector.shape_cast %swap3A_274 : vector<16xi32> to vector<16xi32>
      %swap3A_276 = vector.shape_cast %select_n3A_272 : vector<16xi32> to vector<16xi32>
      tpu.vector_store %arg9[%swap3A_273], %swap3A_276 {strides = array<i32>} : memref<96xi32, #tpu.memory_space<vmem>>, vector<16xi32>,
      %get3A_277 = arith.constant 80 : index
      %get3A_278 = tpu.vector_load %arg7[%get3A_277] {strides = array<i32>} : memref<96xi32, #tpu.memory_space<vmem>>, vector<16xi32>,
      %get3A_279 = vector.shape_cast %get3A_278 : vector<16xi32> to vector<16xi32>
      %sub3A_280 = vector.broadcast %mul3A_6 : i32 to vector<16xi32>
      %sub3A_281 = arith.subi %get3A_279, %sub3A_280 : vector<16xi32>
      %ge3A_282 = arith.constant 0 : i32
      %ge3A_283 = vector.broadcast %ge3A_282 : i32 to vector<16xi32>
      %ge3A_284 = arith.cmpi sge, %sub3A_281, %ge3A_283 : vector<16xi32>
      %lt3A_285 = arith.constant 8448 : i32
      %lt3A_286 = vector.broadcast %lt3A_285 : i32 to vector<16xi32>
      %lt3A_287 = arith.cmpi slt, %sub3A_281, %lt3A_286 : vector<16xi32>
      %and3A_288 = arith.andi %ge3A_284, %lt3A_287 : vector<16xi1>
      %jit3A_289 = arith.constant 8448 : i32
      %broadcast_in_dim3A_290 = vector.broadcast %jit3A_289 : i32 to vector<16xi32>
      %select_n3A_291 = arith.select %and3A_288, %sub3A_281, %broadcast_in_dim3A_290 : vector<16xi1>, vector<16xi32>
      %swap3A_292 = arith.constant 80 : index
      %swap3A_293 = tpu.vector_load %arg9[%swap3A_292] {strides = array<i32>} : memref<96xi32, #tpu.memory_space<vmem>>, vector<16xi32>,
      %swap3A_294 = vector.shape_cast %swap3A_293 : vector<16xi32> to vector<16xi32>
      %swap3A_295 = vector.shape_cast %select_n3A_291 : vector<16xi32> to vector<16xi32>
      tpu.vector_store %arg9[%swap3A_292], %swap3A_295 {strides = array<i32>} : memref<96xi32, #tpu.memory_space<vmem>>, vector<16xi32>,
      %get3A_296 = arith.constant 0 : index
      %get3A_297 = tpu.vector_load %arg11[%get3A_296] {strides = array<i32>} : memref<96xi32, #tpu.memory_space<vmem>>, vector<16xi32>,
      %get3A_298 = vector.shape_cast %get3A_297 : vector<16xi32> to vector<16xi32>
      %sub3A_299 = vector.broadcast %mul3A_6 : i32 to vector<16xi32>
      %sub3A_300 = arith.subi %get3A_298, %sub3A_299 : vector<16xi32>
      %ge3A_301 = arith.constant 0 : i32
      %ge3A_302 = vector.broadcast %ge3A_301 : i32 to vector<16xi32>
      %ge3A_303 = arith.cmpi sge, %sub3A_300, %ge3A_302 : vector<16xi32>
      %lt3A_304 = arith.constant 8448 : i32
      %lt3A_305 = vector.broadcast %lt3A_304 : i32 to vector<16xi32>
      %lt3A_306 = arith.cmpi slt, %sub3A_300, %lt3A_305 : vector<16xi32>
      %and3A_307 = arith.andi %ge3A_303, %lt3A_306 : vector<16xi1>
      %jit3A_308 = arith.constant 8448 : i32
      %broadcast_in_dim3A_309 = vector.broadcast %jit3A_308 : i32 to vector<16xi32>
      %select_n3A_310 = arith.select %and3A_307, %sub3A_300, %broadcast_in_dim3A_309 : vector<16xi1>, vector<16xi32>
      %swap3A_311 = arith.constant 0 : index
      %swap3A_312 = tpu.vector_load %arg13[%swap3A_311] {strides = array<i32>} : memref<96xi32, #tpu.memory_space<vmem>>, vector<16xi32>,
      %swap3A_313 = vector.shape_cast %swap3A_312 : vector<16xi32> to vector<16xi32>
      %swap3A_314 = vector.shape_cast %select_n3A_310 : vector<16xi32> to vector<16xi32>
      tpu.vector_store %arg13[%swap3A_311], %swap3A_314 {strides = array<i32>} : memref<96xi32, #tpu.memory_space<vmem>>, vector<16xi32>,
      %get3A_315 = arith.constant 16 : index
      %get3A_316 = tpu.vector_load %arg11[%get3A_315] {strides = array<i32>} : memref<96xi32, #tpu.memory_space<vmem>>, vector<16xi32>,
      %get3A_317 = vector.shape_cast %get3A_316 : vector<16xi32> to vector<16xi32>
      %sub3A_318 = vector.broadcast %mul3A_6 : i32 to vector<16xi32>
      %sub3A_319 = arith.subi %get3A_317, %sub3A_318 : vector<16xi32>
      %ge3A_320 = arith.constant 0 : i32
      %ge3A_321 = vector.broadcast %ge3A_320 : i32 to vector<16xi32>
      %ge3A_322 = arith.cmpi sge, %sub3A_319, %ge3A_321 : vector<16xi32>
      %lt3A_323 = arith.constant 8448 : i32
      %lt3A_324 = vector.broadcast %lt3A_323 : i32 to vector<16xi32>
      %lt3A_325 = arith.cmpi slt, %sub3A_319, %lt3A_324 : vector<16xi32>
      %and3A_326 = arith.andi %ge3A_322, %lt3A_325 : vector<16xi1>
      %jit3A_327 = arith.constant 8448 : i32
      %broadcast_in_dim3A_328 = vector.broadcast %jit3A_327 : i32 to vector<16xi32>
      %select_n3A_329 = arith.select %and3A_326, %sub3A_319, %broadcast_in_dim3A_328 : vector<16xi1>, vector<16xi32>
      %swap3A_330 = arith.constant 16 : index
      %swap3A_331 = tpu.vector_load %arg13[%swap3A_330] {strides = array<i32>} : memref<96xi32, #tpu.memory_space<vmem>>, vector<16xi32>,
      %swap3A_332 = vector.shape_cast %swap3A_331 : vector<16xi32> to vector<16xi32>
      %swap3A_333 = vector.shape_cast %select_n3A_329 : vector<16xi32> to vector<16xi32>
      tpu.vector_store %arg13[%swap3A_330], %swap3A_333 {strides = array<i32>} : memref<96xi32, #tpu.memory_space<vmem>>, vector<16xi32>,
      %get3A_334 = arith.constant 32 : index
      %get3A_335 = tpu.vector_load %arg11[%get3A_334] {strides = array<i32>} : memref<96xi32, #tpu.memory_space<vmem>>, vector<16xi32>,
      %get3A_336 = vector.shape_cast %get3A_335 : vector<16xi32> to vector<16xi32>
      %sub3A_337 = vector.broadcast %mul3A_6 : i32 to vector<16xi32>
      %sub3A_338 = arith.subi %get3A_336, %sub3A_337 : vector<16xi32>
      %ge3A_339 = arith.constant 0 : i32
      %ge3A_340 = vector.broadcast %ge3A_339 : i32 to vector<16xi32>
      %ge3A_341 = arith.cmpi sge, %sub3A_338, %ge3A_340 : vector<16xi32>
      %lt3A_342 = arith.constant 8448 : i32
      %lt3A_343 = vector.broadcast %lt3A_342 : i32 to vector<16xi32>
      %lt3A_344 = arith.cmpi slt, %sub3A_338, %lt3A_343 : vector<16xi32>
      %and3A_345 = arith.andi %ge3A_341, %lt3A_344 : vector<16xi1>
      %jit3A_346 = arith.constant 8448 : i32
      %broadcast_in_dim3A_347 = vector.broadcast %jit3A_346 : i32 to vector<16xi32>
      %select_n3A_348 = arith.select %and3A_345, %sub3A_338, %broadcast_in_dim3A_347 : vector<16xi1>, vector<16xi32>
      %swap3A_349 = arith.constant 32 : index
      %swap3A_350 = tpu.vector_load %arg13[%swap3A_349] {strides = array<i32>} : memref<96xi32, #tpu.memory_space<vmem>>, vector<16xi32>,
      %swap3A_351 = vector.shape_cast %swap3A_350 : vector<16xi32> to vector<16xi32>
      %swap3A_352 = vector.shape_cast %select_n3A_348 : vector<16xi32> to vector<16xi32>
      tpu.vector_store %arg13[%swap3A_349], %swap3A_352 {strides = array<i32>} : memref<96xi32, #tpu.memory_space<vmem>>, vector<16xi32>,
      %get3A_353 = arith.constant 48 : index
      %get3A_354 = tpu.vector_load %arg11[%get3A_353] {strides = array<i32>} : memref<96xi32, #tpu.memory_space<vmem>>, vector<16xi32>,
      %get3A_355 = vector.shape_cast %get3A_354 : vector<16xi32> to vector<16xi32>
      %sub3A_356 = vector.broadcast %mul3A_6 : i32 to vector<16xi32>
      %sub3A_357 = arith.subi %get3A_355, %sub3A_356 : vector<16xi32>
      %ge3A_358 = arith.constant 0 : i32
      %ge3A_359 = vector.broadcast %ge3A_358 : i32 to vector<16xi32>
      %ge3A_360 = arith.cmpi sge, %sub3A_357, %ge3A_359 : vector<16xi32>
      %lt3A_361 = arith.constant 8448 : i32
      %lt3A_362 = vector.broadcast %lt3A_361 : i32 to vector<16xi32>
      %lt3A_363 = arith.cmpi slt, %sub3A_357, %lt3A_362 : vector<16xi32>
      %and3A_364 = arith.andi %ge3A_360, %lt3A_363 : vector<16xi1>
      %jit3A_365 = arith.constant 8448 : i32
      %broadcast_in_dim3A_366 = vector.broadcast %jit3A_365 : i32 to vector<16xi32>
      %select_n3A_367 = arith.select %and3A_364, %sub3A_357, %broadcast_in_dim3A_366 : vector<16xi1>, vector<16xi32>
      %swap3A_368 = arith.constant 48 : index
      %swap3A_369 = tpu.vector_load %arg13[%swap3A_368] {strides = array<i32>} : memref<96xi32, #tpu.memory_space<vmem>>, vector<16xi32>,
      %swap3A_370 = vector.shape_cast %swap3A_369 : vector<16xi32> to vector<16xi32>
      %swap3A_371 = vector.shape_cast %select_n3A_367 : vector<16xi32> to vector<16xi32>
      tpu.vector_store %arg13[%swap3A_368], %swap3A_371 {strides = array<i32>} : memref<96xi32, #tpu.memory_space<vmem>>, vector<16xi32>,
      %get3A_372 = arith.constant 64 : index
      %get3A_373 = tpu.vector_load %arg11[%get3A_372] {strides = array<i32>} : memref<96xi32, #tpu.memory_space<vmem>>, vector<16xi32>,
      %get3A_374 = vector.shape_cast %get3A_373 : vector<16xi32> to vector<16xi32>
      %sub3A_375 = vector.broadcast %mul3A_6 : i32 to vector<16xi32>
      %sub3A_376 = arith.subi %get3A_374, %sub3A_375 : vector<16xi32>
      %ge3A_377 = arith.constant 0 : i32
      %ge3A_378 = vector.broadcast %ge3A_377 : i32 to vector<16xi32>
      %ge3A_379 = arith.cmpi sge, %sub3A_376, %ge3A_378 : vector<16xi32>
      %lt3A_380 = arith.constant 8448 : i32
      %lt3A_381 = vector.broadcast %lt3A_380 : i32 to vector<16xi32>
      %lt3A_382 = arith.cmpi slt, %sub3A_376, %lt3A_381 : vector<16xi32>
      %and3A_383 = arith.andi %ge3A_379, %lt3A_382 : vector<16xi1>
      %jit3A_384 = arith.constant 8448 : i32
      %broadcast_in_dim3A_385 = vector.broadcast %jit3A_384 : i32 to vector<16xi32>
      %select_n3A_386 = arith.select %and3A_383, %sub3A_376, %broadcast_in_dim3A_385 : vector<16xi1>, vector<16xi32>
      %swap3A_387 = arith.constant 64 : index
      %swap3A_388 = tpu.vector_load %arg13[%swap3A_387] {strides = array<i32>} : memref<96xi32, #tpu.memory_space<vmem>>, vector<16xi32>,
      %swap3A_389 = vector.shape_cast %swap3A_388 : vector<16xi32> to vector<16xi32>
      %swap3A_390 = vector.shape_cast %select_n3A_386 : vector<16xi32> to vector<16xi32>
      tpu.vector_store %arg13[%swap3A_387], %swap3A_390 {strides = array<i32>} : memref<96xi32, #tpu.memory_space<vmem>>, vector<16xi32>,
      %get3A_391 = arith.constant 80 : index
      %get3A_392 = tpu.vector_load %arg11[%get3A_391] {strides = array<i32>} : memref<96xi32, #tpu.memory_space<vmem>>, vector<16xi32>,
      %get3A_393 = vector.shape_cast %get3A_392 : vector<16xi32> to vector<16xi32>
      %sub3A_394 = vector.broadcast %mul3A_6 : i32 to vector<16xi32>
      %sub3A_395 = arith.subi %get3A_393, %sub3A_394 : vector<16xi32>
      %ge3A_396 = arith.constant 0 : i32
      %ge3A_397 = vector.broadcast %ge3A_396 : i32 to vector<16xi32>
      %ge3A_398 = arith.cmpi sge, %sub3A_395, %ge3A_397 : vector<16xi32>
      %lt3A_399 = arith.constant 8448 : i32
      %lt3A_400 = vector.broadcast %lt3A_399 : i32 to vector<16xi32>
      %lt3A_401 = arith.cmpi slt, %sub3A_395, %lt3A_400 : vector<16xi32>
      %and3A_402 = arith.andi %ge3A_398, %lt3A_401 : vector<16xi1>
      %jit3A_403 = arith.constant 8448 : i32
      %broadcast_in_dim3A_404 = vector.broadcast %jit3A_403 : i32 to vector<16xi32>
      %select_n3A_405 = arith.select %and3A_402, %sub3A_395, %broadcast_in_dim3A_404 : vector<16xi1>, vector<16xi32>
      %swap3A_406 = arith.constant 80 : index
      %swap3A_407 = tpu.vector_load %arg13[%swap3A_406] {strides = array<i32>} : memref<96xi32, #tpu.memory_space<vmem>>, vector<16xi32>,
      %swap3A_408 = vector.shape_cast %swap3A_407 : vector<16xi32> to vector<16xi32>
      %swap3A_409 = vector.shape_cast %select_n3A_405 : vector<16xi32> to vector<16xi32>
      tpu.vector_store %arg13[%swap3A_406], %swap3A_409 {strides = array<i32>} : memref<96xi32, #tpu.memory_space<vmem>>, vector<16xi32>,
      %get3A_410 = arith.constant 0 : index
      %get3A_411 = tpu.vector_load %arg15[%get3A_410] {strides = array<i32>} : memref<96xi32, #tpu.memory_space<vmem>>, vector<16xi32>,
      %get3A_412 = vector.shape_cast %get3A_411 : vector<16xi32> to vector<16xi32>
      %sub3A_413 = vector.broadcast %mul3A_6 : i32 to vector<16xi32>
      %sub3A_414 = arith.subi %get3A_412, %sub3A_413 : vector<16xi32>
      %ge3A_415 = arith.constant 0 : i32
      %ge3A_416 = vector.broadcast %ge3A_415 : i32 to vector<16xi32>
      %ge3A_417 = arith.cmpi sge, %sub3A_414, %ge3A_416 : vector<16xi32>
      %lt3A_418 = arith.constant 8448 : i32
      %lt3A_419 = vector.broadcast %lt3A_418 : i32 to vector<16xi32>
      %lt3A_420 = arith.cmpi slt, %sub3A_414, %lt3A_419 : vector<16xi32>
      %and3A_421 = arith.andi %ge3A_417, %lt3A_420 : vector<16xi1>
      %jit3A_422 = arith.constant 8448 : i32
      %broadcast_in_dim3A_423 = vector.broadcast %jit3A_422 : i32 to vector<16xi32>
      %select_n3A_424 = arith.select %and3A_421, %sub3A_414, %broadcast_in_dim3A_423 : vector<16xi1>, vector<16xi32>
      %swap3A_425 = arith.constant 0 : index
      %swap3A_426 = tpu.vector_load %arg17[%swap3A_425] {strides = array<i32>} : memref<96xi32, #tpu.memory_space<vmem>>, vector<16xi32>,
      %swap3A_427 = vector.shape_cast %swap3A_426 : vector<16xi32> to vector<16xi32>
      %swap3A_428 = vector.shape_cast %select_n3A_424 : vector<16xi32> to vector<16xi32>
      tpu.vector_store %arg17[%swap3A_425], %swap3A_428 {strides = array<i32>} : memref<96xi32, #tpu.memory_space<vmem>>, vector<16xi32>,
      %get3A_429 = arith.constant 16 : index
      %get3A_430 = tpu.vector_load %arg15[%get3A_429] {strides = array<i32>} : memref<96xi32, #tpu.memory_space<vmem>>, vector<16xi32>,
      %get3A_431 = vector.shape_cast %get3A_430 : vector<16xi32> to vector<16xi32>
      %sub3A_432 = vector.broadcast %mul3A_6 : i32 to vector<16xi32>
      %sub3A_433 = arith.subi %get3A_431, %sub3A_432 : vector<16xi32>
      %ge3A_434 = arith.constant 0 : i32
      %ge3A_435 = vector.broadcast %ge3A_434 : i32 to vector<16xi32>
      %ge3A_436 = arith.cmpi sge, %sub3A_433, %ge3A_435 : vector<16xi32>
      %lt3A_437 = arith.constant 8448 : i32
      %lt3A_438 = vector.broadcast %lt3A_437 : i32 to vector<16xi32>
      %lt3A_439 = arith.cmpi slt, %sub3A_433, %lt3A_438 : vector<16xi32>
      %and3A_440 = arith.andi %ge3A_436, %lt3A_439 : vector<16xi1>
      %jit3A_441 = arith.constant 8448 : i32
      %broadcast_in_dim3A_442 = vector.broadcast %jit3A_441 : i32 to vector<16xi32>
      %select_n3A_443 = arith.select %and3A_440, %sub3A_433, %broadcast_in_dim3A_442 : vector<16xi1>, vector<16xi32>
      %swap3A_444 = arith.constant 16 : index
      %swap3A_445 = tpu.vector_load %arg17[%swap3A_444] {strides = array<i32>} : memref<96xi32, #tpu.memory_space<vmem>>, vector<16xi32>,
      %swap3A_446 = vector.shape_cast %swap3A_445 : vector<16xi32> to vector<16xi32>
      %swap3A_447 = vector.shape_cast %select_n3A_443 : vector<16xi32> to vector<16xi32>
      tpu.vector_store %arg17[%swap3A_444], %swap3A_447 {strides = array<i32>} : memref<96xi32, #tpu.memory_space<vmem>>, vector<16xi32>,
      %get3A_448 = arith.constant 32 : index
      %get3A_449 = tpu.vector_load %arg15[%get3A_448] {strides = array<i32>} : memref<96xi32, #tpu.memory_space<vmem>>, vector<16xi32>,
      %get3A_450 = vector.shape_cast %get3A_449 : vector<16xi32> to vector<16xi32>
      %sub3A_451 = vector.broadcast %mul3A_6 : i32 to vector<16xi32>
      %sub3A_452 = arith.subi %get3A_450, %sub3A_451 : vector<16xi32>
      %ge3A_453 = arith.constant 0 : i32
      %ge3A_454 = vector.broadcast %ge3A_453 : i32 to vector<16xi32>
      %ge3A_455 = arith.cmpi sge, %sub3A_452, %ge3A_454 : vector<16xi32>
      %lt3A_456 = arith.constant 8448 : i32
      %lt3A_457 = vector.broadcast %lt3A_456 : i32 to vector<16xi32>
      %lt3A_458 = arith.cmpi slt, %sub3A_452, %lt3A_457 : vector<16xi32>
      %and3A_459 = arith.andi %ge3A_455, %lt3A_458 : vector<16xi1>
      %jit3A_460 = arith.constant 8448 : i32
      %broadcast_in_dim3A_461 = vector.broadcast %jit3A_460 : i32 to vector<16xi32>
      %select_n3A_462 = arith.select %and3A_459, %sub3A_452, %broadcast_in_dim3A_461 : vector<16xi1>, vector<16xi32>
      %swap3A_463 = arith.constant 32 : index
      %swap3A_464 = tpu.vector_load %arg17[%swap3A_463] {strides = array<i32>} : memref<96xi32, #tpu.memory_space<vmem>>, vector<16xi32>,
      %swap3A_465 = vector.shape_cast %swap3A_464 : vector<16xi32> to vector<16xi32>
      %swap3A_466 = vector.shape_cast %select_n3A_462 : vector<16xi32> to vector<16xi32>
      tpu.vector_store %arg17[%swap3A_463], %swap3A_466 {strides = array<i32>} : memref<96xi32, #tpu.memory_space<vmem>>, vector<16xi32>,
      %get3A_467 = arith.constant 48 : index
      %get3A_468 = tpu.vector_load %arg15[%get3A_467] {strides = array<i32>} : memref<96xi32, #tpu.memory_space<vmem>>, vector<16xi32>,
      %get3A_469 = vector.shape_cast %get3A_468 : vector<16xi32> to vector<16xi32>
      %sub3A_470 = vector.broadcast %mul3A_6 : i32 to vector<16xi32>
      %sub3A_471 = arith.subi %get3A_469, %sub3A_470 : vector<16xi32>
      %ge3A_472 = arith.constant 0 : i32
      %ge3A_473 = vector.broadcast %ge3A_472 : i32 to vector<16xi32>
      %ge3A_474 = arith.cmpi sge, %sub3A_471, %ge3A_473 : vector<16xi32>
      %lt3A_475 = arith.constant 8448 : i32
      %lt3A_476 = vector.broadcast %lt3A_475 : i32 to vector<16xi32>
      %lt3A_477 = arith.cmpi slt, %sub3A_471, %lt3A_476 : vector<16xi32>
      %and3A_478 = arith.andi %ge3A_474, %lt3A_477 : vector<16xi1>
      %jit3A_479 = arith.constant 8448 : i32
      %broadcast_in_dim3A_480 = vector.broadcast %jit3A_479 : i32 to vector<16xi32>
      %select_n3A_481 = arith.select %and3A_478, %sub3A_471, %broadcast_in_dim3A_480 : vector<16xi1>, vector<16xi32>
      %swap3A_482 = arith.constant 48 : index
      %swap3A_483 = tpu.vector_load %arg17[%swap3A_482] {strides = array<i32>} : memref<96xi32, #tpu.memory_space<vmem>>, vector<16xi32>,
      %swap3A_484 = vector.shape_cast %swap3A_483 : vector<16xi32> to vector<16xi32>
      %swap3A_485 = vector.shape_cast %select_n3A_481 : vector<16xi32> to vector<16xi32>
      tpu.vector_store %arg17[%swap3A_482], %swap3A_485 {strides = array<i32>} : memref<96xi32, #tpu.memory_space<vmem>>, vector<16xi32>,
      %get3A_486 = arith.constant 64 : index
      %get3A_487 = tpu.vector_load %arg15[%get3A_486] {strides = array<i32>} : memref<96xi32, #tpu.memory_space<vmem>>, vector<16xi32>,
      %get3A_488 = vector.shape_cast %get3A_487 : vector<16xi32> to vector<16xi32>
      %sub3A_489 = vector.broadcast %mul3A_6 : i32 to vector<16xi32>
      %sub3A_490 = arith.subi %get3A_488, %sub3A_489 : vector<16xi32>
      %ge3A_491 = arith.constant 0 : i32
      %ge3A_492 = vector.broadcast %ge3A_491 : i32 to vector<16xi32>
      %ge3A_493 = arith.cmpi sge, %sub3A_490, %ge3A_492 : vector<16xi32>
      %lt3A_494 = arith.constant 8448 : i32
      %lt3A_495 = vector.broadcast %lt3A_494 : i32 to vector<16xi32>
      %lt3A_496 = arith.cmpi slt, %sub3A_490, %lt3A_495 : vector<16xi32>
      %and3A_497 = arith.andi %ge3A_493, %lt3A_496 : vector<16xi1>
      %jit3A_498 = arith.constant 8448 : i32
      %broadcast_in_dim3A_499 = vector.broadcast %jit3A_498 : i32 to vector<16xi32>
      %select_n3A_500 = arith.select %and3A_497, %sub3A_490, %broadcast_in_dim3A_499 : vector<16xi1>, vector<16xi32>
      %swap3A_501 = arith.constant 64 : index
      %swap3A_502 = tpu.vector_load %arg17[%swap3A_501] {strides = array<i32>} : memref<96xi32, #tpu.memory_space<vmem>>, vector<16xi32>,
      %swap3A_503 = vector.shape_cast %swap3A_502 : vector<16xi32> to vector<16xi32>
      %swap3A_504 = vector.shape_cast %select_n3A_500 : vector<16xi32> to vector<16xi32>
      tpu.vector_store %arg17[%swap3A_501], %swap3A_504 {strides = array<i32>} : memref<96xi32, #tpu.memory_space<vmem>>, vector<16xi32>,
      %get3A_505 = arith.constant 80 : index
      %get3A_506 = tpu.vector_load %arg15[%get3A_505] {strides = array<i32>} : memref<96xi32, #tpu.memory_space<vmem>>, vector<16xi32>,
      %get3A_507 = vector.shape_cast %get3A_506 : vector<16xi32> to vector<16xi32>
      %sub3A_508 = vector.broadcast %mul3A_6 : i32 to vector<16xi32>
      %sub3A_509 = arith.subi %get3A_507, %sub3A_508 : vector<16xi32>
      %ge3A_510 = arith.constant 0 : i32
      %ge3A_511 = vector.broadcast %ge3A_510 : i32 to vector<16xi32>
      %ge3A_512 = arith.cmpi sge, %sub3A_509, %ge3A_511 : vector<16xi32>
      %lt3A_513 = arith.constant 8448 : i32
      %lt3A_514 = vector.broadcast %lt3A_513 : i32 to vector<16xi32>
      %lt3A_515 = arith.cmpi slt, %sub3A_509, %lt3A_514 : vector<16xi32>
      %and3A_516 = arith.andi %ge3A_512, %lt3A_515 : vector<16xi1>
      %jit3A_517 = arith.constant 8448 : i32
      %broadcast_in_dim3A_518 = vector.broadcast %jit3A_517 : i32 to vector<16xi32>
      %select_n3A_519 = arith.select %and3A_516, %sub3A_509, %broadcast_in_dim3A_518 : vector<16xi1>, vector<16xi32>
      %swap3A_520 = arith.constant 80 : index
      %swap3A_521 = tpu.vector_load %arg17[%swap3A_520] {strides = array<i32>} : memref<96xi32, #tpu.memory_space<vmem>>, vector<16xi32>,
      %swap3A_522 = vector.shape_cast %swap3A_521 : vector<16xi32> to vector<16xi32>
      %swap3A_523 = vector.shape_cast %select_n3A_519 : vector<16xi32> to vector<16xi32>
      tpu.vector_store %arg17[%swap3A_520], %swap3A_523 {strides = array<i32>} : memref<96xi32, #tpu.memory_space<vmem>>, vector<16xi32>,
      %get3A_524 = arith.constant 0 : index
      %get3A_525 = tpu.vector_load %arg19[%get3A_524] {strides = array<i32>} : memref<96xi32, #tpu.memory_space<vmem>>, vector<16xi32>,
      %get3A_526 = vector.shape_cast %get3A_525 : vector<16xi32> to vector<16xi32>
      %sub3A_527 = vector.broadcast %mul3A_6 : i32 to vector<16xi32>
      %sub3A_528 = arith.subi %get3A_526, %sub3A_527 : vector<16xi32>
      %ge3A_529 = arith.constant 0 : i32
      %ge3A_530 = vector.broadcast %ge3A_529 : i32 to vector<16xi32>
      %ge3A_531 = arith.cmpi sge, %sub3A_528, %ge3A_530 : vector<16xi32>
      %lt3A_532 = arith.constant 8448 : i32
      %lt3A_533 = vector.broadcast %lt3A_532 : i32 to vector<16xi32>
      %lt3A_534 = arith.cmpi slt, %sub3A_528, %lt3A_533 : vector<16xi32>
      %and3A_535 = arith.andi %ge3A_531, %lt3A_534 : vector<16xi1>
      %jit3A_536 = arith.constant 8448 : i32
      %broadcast_in_dim3A_537 = vector.broadcast %jit3A_536 : i32 to vector<16xi32>
      %select_n3A_538 = arith.select %and3A_535, %sub3A_528, %broadcast_in_dim3A_537 : vector<16xi1>, vector<16xi32>
      %swap3A_539 = arith.constant 0 : index
      %swap3A_540 = tpu.vector_load %arg21[%swap3A_539] {strides = array<i32>} : memref<96xi32, #tpu.memory_space<vmem>>, vector<16xi32>,
      %swap3A_541 = vector.shape_cast %swap3A_540 : vector<16xi32> to vector<16xi32>
      %swap3A_542 = vector.shape_cast %select_n3A_538 : vector<16xi32> to vector<16xi32>
      tpu.vector_store %arg21[%swap3A_539], %swap3A_542 {strides = array<i32>} : memref<96xi32, #tpu.memory_space<vmem>>, vector<16xi32>,
      %get3A_543 = arith.constant 16 : index
      %get3A_544 = tpu.vector_load %arg19[%get3A_543] {strides = array<i32>} : memref<96xi32, #tpu.memory_space<vmem>>, vector<16xi32>,
      %get3A_545 = vector.shape_cast %get3A_544 : vector<16xi32> to vector<16xi32>
      %sub3A_546 = vector.broadcast %mul3A_6 : i32 to vector<16xi32>
      %sub3A_547 = arith.subi %get3A_545, %sub3A_546 : vector<16xi32>
      %ge3A_548 = arith.constant 0 : i32
      %ge3A_549 = vector.broadcast %ge3A_548 : i32 to vector<16xi32>
      %ge3A_550 = arith.cmpi sge, %sub3A_547, %ge3A_549 : vector<16xi32>
      %lt3A_551 = arith.constant 8448 : i32
      %lt3A_552 = vector.broadcast %lt3A_551 : i32 to vector<16xi32>
      %lt3A_553 = arith.cmpi slt, %sub3A_547, %lt3A_552 : vector<16xi32>
      %and3A_554 = arith.andi %ge3A_550, %lt3A_553 : vector<16xi1>
      %jit3A_555 = arith.constant 8448 : i32
      %broadcast_in_dim3A_556 = vector.broadcast %jit3A_555 : i32 to vector<16xi32>
      %select_n3A_557 = arith.select %and3A_554, %sub3A_547, %broadcast_in_dim3A_556 : vector<16xi1>, vector<16xi32>
      %swap3A_558 = arith.constant 16 : index
      %swap3A_559 = tpu.vector_load %arg21[%swap3A_558] {strides = array<i32>} : memref<96xi32, #tpu.memory_space<vmem>>, vector<16xi32>,
      %swap3A_560 = vector.shape_cast %swap3A_559 : vector<16xi32> to vector<16xi32>
      %swap3A_561 = vector.shape_cast %select_n3A_557 : vector<16xi32> to vector<16xi32>
      tpu.vector_store %arg21[%swap3A_558], %swap3A_561 {strides = array<i32>} : memref<96xi32, #tpu.memory_space<vmem>>, vector<16xi32>,
      %get3A_562 = arith.constant 32 : index
      %get3A_563 = tpu.vector_load %arg19[%get3A_562] {strides = array<i32>} : memref<96xi32, #tpu.memory_space<vmem>>, vector<16xi32>,
      %get3A_564 = vector.shape_cast %get3A_563 : vector<16xi32> to vector<16xi32>
      %sub3A_565 = vector.broadcast %mul3A_6 : i32 to vector<16xi32>
      %sub3A_566 = arith.subi %get3A_564, %sub3A_565 : vector<16xi32>
      %ge3A_567 = arith.constant 0 : i32
      %ge3A_568 = vector.broadcast %ge3A_567 : i32 to vector<16xi32>
      %ge3A_569 = arith.cmpi sge, %sub3A_566, %ge3A_568 : vector<16xi32>
      %lt3A_570 = arith.constant 8448 : i32
      %lt3A_571 = vector.broadcast %lt3A_570 : i32 to vector<16xi32>
      %lt3A_572 = arith.cmpi slt, %sub3A_566, %lt3A_571 : vector<16xi32>
      %and3A_573 = arith.andi %ge3A_569, %lt3A_572 : vector<16xi1>
      %jit3A_574 = arith.constant 8448 : i32
      %broadcast_in_dim3A_575 = vector.broadcast %jit3A_574 : i32 to vector<16xi32>
      %select_n3A_576 = arith.select %and3A_573, %sub3A_566, %broadcast_in_dim3A_575 : vector<16xi1>, vector<16xi32>
      %swap3A_577 = arith.constant 32 : index
      %swap3A_578 = tpu.vector_load %arg21[%swap3A_577] {strides = array<i32>} : memref<96xi32, #tpu.memory_space<vmem>>, vector<16xi32>,
      %swap3A_579 = vector.shape_cast %swap3A_578 : vector<16xi32> to vector<16xi32>
      %swap3A_580 = vector.shape_cast %select_n3A_576 : vector<16xi32> to vector<16xi32>
      tpu.vector_store %arg21[%swap3A_577], %swap3A_580 {strides = array<i32>} : memref<96xi32, #tpu.memory_space<vmem>>, vector<16xi32>,
      %get3A_581 = arith.constant 48 : index
      %get3A_582 = tpu.vector_load %arg19[%get3A_581] {strides = array<i32>} : memref<96xi32, #tpu.memory_space<vmem>>, vector<16xi32>,
      %get3A_583 = vector.shape_cast %get3A_582 : vector<16xi32> to vector<16xi32>
      %sub3A_584 = vector.broadcast %mul3A_6 : i32 to vector<16xi32>
      %sub3A_585 = arith.subi %get3A_583, %sub3A_584 : vector<16xi32>
      %ge3A_586 = arith.constant 0 : i32
      %ge3A_587 = vector.broadcast %ge3A_586 : i32 to vector<16xi32>
      %ge3A_588 = arith.cmpi sge, %sub3A_585, %ge3A_587 : vector<16xi32>
      %lt3A_589 = arith.constant 8448 : i32
      %lt3A_590 = vector.broadcast %lt3A_589 : i32 to vector<16xi32>
      %lt3A_591 = arith.cmpi slt, %sub3A_585, %lt3A_590 : vector<16xi32>
      %and3A_592 = arith.andi %ge3A_588, %lt3A_591 : vector<16xi1>
      %jit3A_593 = arith.constant 8448 : i32
      %broadcast_in_dim3A_594 = vector.broadcast %jit3A_593 : i32 to vector<16xi32>
      %select_n3A_595 = arith.select %and3A_592, %sub3A_585, %broadcast_in_dim3A_594 : vector<16xi1>, vector<16xi32>
      %swap3A_596 = arith.constant 48 : index
      %swap3A_597 = tpu.vector_load %arg21[%swap3A_596] {strides = array<i32>} : memref<96xi32, #tpu.memory_space<vmem>>, vector<16xi32>,
      %swap3A_598 = vector.shape_cast %swap3A_597 : vector<16xi32> to vector<16xi32>
      %swap3A_599 = vector.shape_cast %select_n3A_595 : vector<16xi32> to vector<16xi32>
      tpu.vector_store %arg21[%swap3A_596], %swap3A_599 {strides = array<i32>} : memref<96xi32, #tpu.memory_space<vmem>>, vector<16xi32>,
      %get3A_600 = arith.constant 64 : index
      %get3A_601 = tpu.vector_load %arg19[%get3A_600] {strides = array<i32>} : memref<96xi32, #tpu.memory_space<vmem>>, vector<16xi32>,
      %get3A_602 = vector.shape_cast %get3A_601 : vector<16xi32> to vector<16xi32>
      %sub3A_603 = vector.broadcast %mul3A_6 : i32 to vector<16xi32>
      %sub3A_604 = arith.subi %get3A_602, %sub3A_603 : vector<16xi32>
      %ge3A_605 = arith.constant 0 : i32
      %ge3A_606 = vector.broadcast %ge3A_605 : i32 to vector<16xi32>
      %ge3A_607 = arith.cmpi sge, %sub3A_604, %ge3A_606 : vector<16xi32>
      %lt3A_608 = arith.constant 8448 : i32
      %lt3A_609 = vector.broadcast %lt3A_608 : i32 to vector<16xi32>
      %lt3A_610 = arith.cmpi slt, %sub3A_604, %lt3A_609 : vector<16xi32>
      %and3A_611 = arith.andi %ge3A_607, %lt3A_610 : vector<16xi1>
      %jit3A_612 = arith.constant 8448 : i32
      %broadcast_in_dim3A_613 = vector.broadcast %jit3A_612 : i32 to vector<16xi32>
      %select_n3A_614 = arith.select %and3A_611, %sub3A_604, %broadcast_in_dim3A_613 : vector<16xi1>, vector<16xi32>
      %swap3A_615 = arith.constant 64 : index
      %swap3A_616 = tpu.vector_load %arg21[%swap3A_615] {strides = array<i32>} : memref<96xi32, #tpu.memory_space<vmem>>, vector<16xi32>,
      %swap3A_617 = vector.shape_cast %swap3A_616 : vector<16xi32> to vector<16xi32>
      %swap3A_618 = vector.shape_cast %select_n3A_614 : vector<16xi32> to vector<16xi32>
      tpu.vector_store %arg21[%swap3A_615], %swap3A_618 {strides = array<i32>} : memref<96xi32, #tpu.memory_space<vmem>>, vector<16xi32>,
      %get3A_619 = arith.constant 80 : index
      %get3A_620 = tpu.vector_load %arg19[%get3A_619] {strides = array<i32>} : memref<96xi32, #tpu.memory_space<vmem>>, vector<16xi32>,
      %get3A_621 = vector.shape_cast %get3A_620 : vector<16xi32> to vector<16xi32>
      %sub3A_622 = vector.broadcast %mul3A_6 : i32 to vector<16xi32>
      %sub3A_623 = arith.subi %get3A_621, %sub3A_622 : vector<16xi32>
      %ge3A_624 = arith.constant 0 : i32
      %ge3A_625 = vector.broadcast %ge3A_624 : i32 to vector<16xi32>
      %ge3A_626 = arith.cmpi sge, %sub3A_623, %ge3A_625 : vector<16xi32>
      %lt3A_627 = arith.constant 8448 : i32
      %lt3A_628 = vector.broadcast %lt3A_627 : i32 to vector<16xi32>
      %lt3A_629 = arith.cmpi slt, %sub3A_623, %lt3A_628 : vector<16xi32>
      %and3A_630 = arith.andi %ge3A_626, %lt3A_629 : vector<16xi1>
      %jit3A_631 = arith.constant 8448 : i32
      %broadcast_in_dim3A_632 = vector.broadcast %jit3A_631 : i32 to vector<16xi32>
      %select_n3A_633 = arith.select %and3A_630, %sub3A_623, %broadcast_in_dim3A_632 : vector<16xi1>, vector<16xi32>
      %swap3A_634 = arith.constant 80 : index
      %swap3A_635 = tpu.vector_load %arg21[%swap3A_634] {strides = array<i32>} : memref<96xi32, #tpu.memory_space<vmem>>, vector<16xi32>,
      %swap3A_636 = vector.shape_cast %swap3A_635 : vector<16xi32> to vector<16xi32>
      %swap3A_637 = vector.shape_cast %select_n3A_633 : vector<16xi32> to vector<16xi32>
      tpu.vector_store %arg21[%swap3A_634], %swap3A_637 {strides = array<i32>} : memref<96xi32, #tpu.memory_space<vmem>>, vector<16xi32>,
      %dma_wait3A = arith.constant 0 : i32
      %dma_wait3A_638 = arith.constant 0 : i32
      %dma_wait3A_639 = tpu.memref_slice %arg2[%dma_wait3A, %dma_wait3A_638] : memref<100000x128xf32, #tpu.memory_space<hbm>> -> memref<100000x128xf32, #tpu.memory_space<hbm>>
      tpu.wait_indirect_dma semaphore(%arg23 : memref<!tpu.dma_semaphore, #tpu.memory_space<semaphore_mem>>) src(%dma_wait3A_639 : memref<100000x128xf32, #tpu.memory_space<hbm>>) dst(%arg10 : memref<96x128xf32, #tpu.memory_space<vmem>>)
      "tpu.region"() ({
        %run_scoped3A = tpu.sem_alloc : memref<!tpu.dma_semaphore, #tpu.memory_space<semaphore_mem>>
        %dma_start3A_650 = arith.constant 0 : i32
        %dma_start3A_651 = arith.constant 0 : i32
        %dma_start3A_652 = tpu.memref_slice %arg6[%dma_start3A_650, %dma_start3A_651] : memref<8464x128xf32, #tpu.memory_space<vmem_shared>> -> memref<8464x128xf32, #tpu.memory_space<vmem_shared>>
        tpu.enqueue_indirect_dma source(%arg10 : memref<96x128xf32, #tpu.memory_space<vmem>>) target(%dma_start3A_652 : memref<8464x128xf32, #tpu.memory_space<vmem_shared>>) offsets(%arg9 : memref<96xi32, #tpu.memory_space<vmem>>) semaphore(%run_scoped3A : memref<!tpu.dma_semaphore, #tpu.memory_space<semaphore_mem>>) {add = true}
        %dma_wait3A_653 = arith.constant 0 : i32
        %dma_wait3A_654 = arith.constant 0 : i32
        %dma_wait3A_655 = tpu.memref_slice %arg6[%dma_wait3A_653, %dma_wait3A_654] : memref<8464x128xf32, #tpu.memory_space<vmem_shared>> -> memref<8464x128xf32, #tpu.memory_space<vmem_shared>>
        tpu.wait_indirect_dma semaphore(%run_scoped3A : memref<!tpu.dma_semaphore, #tpu.memory_space<semaphore_mem>>) src(%arg10 : memref<96x128xf32, #tpu.memory_space<vmem>>) dst(%dma_wait3A_655 : memref<8464x128xf32, #tpu.memory_space<vmem_shared>>)
        tpu.yield
      }) : () -> ()
      %dma_wait3A_640 = arith.constant 0 : i32
      %dma_wait3A_641 = arith.constant 0 : i32
      %dma_wait3A_642 = tpu.memref_slice %arg2[%dma_wait3A_640, %dma_wait3A_641] : memref<100000x128xf32, #tpu.memory_space<hbm>> -> memref<100000x128xf32, #tpu.memory_space<hbm>>
      tpu.wait_indirect_dma semaphore(%arg24 : memref<!tpu.dma_semaphore, #tpu.memory_space<semaphore_mem>>) src(%dma_wait3A_642 : memref<100000x128xf32, #tpu.memory_space<hbm>>) dst(%arg14 : memref<96x128xf32, #tpu.memory_space<vmem>>)
      "tpu.region"() ({
        %run_scoped3A = tpu.sem_alloc : memref<!tpu.dma_semaphore, #tpu.memory_space<semaphore_mem>>
        %dma_start3A_650 = arith.constant 0 : i32
        %dma_start3A_651 = arith.constant 0 : i32
        %dma_start3A_652 = tpu.memref_slice %arg6[%dma_start3A_650, %dma_start3A_651] : memref<8464x128xf32, #tpu.memory_space<vmem_shared>> -> memref<8464x128xf32, #tpu.memory_space<vmem_shared>>
        tpu.enqueue_indirect_dma source(%arg14 : memref<96x128xf32, #tpu.memory_space<vmem>>) target(%dma_start3A_652 : memref<8464x128xf32, #tpu.memory_space<vmem_shared>>) offsets(%arg13 : memref<96xi32, #tpu.memory_space<vmem>>) semaphore(%run_scoped3A : memref<!tpu.dma_semaphore, #tpu.memory_space<semaphore_mem>>) {add = true}
        %dma_wait3A_653 = arith.constant 0 : i32
        %dma_wait3A_654 = arith.constant 0 : i32
        %dma_wait3A_655 = tpu.memref_slice %arg6[%dma_wait3A_653, %dma_wait3A_654] : memref<8464x128xf32, #tpu.memory_space<vmem_shared>> -> memref<8464x128xf32, #tpu.memory_space<vmem_shared>>
        tpu.wait_indirect_dma semaphore(%run_scoped3A : memref<!tpu.dma_semaphore, #tpu.memory_space<semaphore_mem>>) src(%arg14 : memref<96x128xf32, #tpu.memory_space<vmem>>) dst(%dma_wait3A_655 : memref<8464x128xf32, #tpu.memory_space<vmem_shared>>)
        tpu.yield
      }) : () -> ()
      %dma_wait3A_643 = arith.constant 0 : i32
      %dma_wait3A_644 = arith.constant 0 : i32
      %dma_wait3A_645 = tpu.memref_slice %arg2[%dma_wait3A_643, %dma_wait3A_644] : memref<100000x128xf32, #tpu.memory_space<hbm>> -> memref<100000x128xf32, #tpu.memory_space<hbm>>
      tpu.wait_indirect_dma semaphore(%arg25 : memref<!tpu.dma_semaphore, #tpu.memory_space<semaphore_mem>>) src(%dma_wait3A_645 : memref<100000x128xf32, #tpu.memory_space<hbm>>) dst(%arg18 : memref<96x128xf32, #tpu.memory_space<vmem>>)
      "tpu.region"() ({
        %run_scoped3A = tpu.sem_alloc : memref<!tpu.dma_semaphore, #tpu.memory_space<semaphore_mem>>
        %dma_start3A_650 = arith.constant 0 : i32
        %dma_start3A_651 = arith.constant 0 : i32
        %dma_start3A_652 = tpu.memref_slice %arg6[%dma_start3A_650, %dma_start3A_651] : memref<8464x128xf32, #tpu.memory_space<vmem_shared>> -> memref<8464x128xf32, #tpu.memory_space<vmem_shared>>
        tpu.enqueue_indirect_dma source(%arg18 : memref<96x128xf32, #tpu.memory_space<vmem>>) target(%dma_start3A_652 : memref<8464x128xf32, #tpu.memory_space<vmem_shared>>) offsets(%arg17 : memref<96xi32, #tpu.memory_space<vmem>>) semaphore(%run_scoped3A : memref<!tpu.dma_semaphore, #tpu.memory_space<semaphore_mem>>) {add = true}
        %dma_wait3A_653 = arith.constant 0 : i32
        %dma_wait3A_654 = arith.constant 0 : i32
        %dma_wait3A_655 = tpu.memref_slice %arg6[%dma_wait3A_653, %dma_wait3A_654] : memref<8464x128xf32, #tpu.memory_space<vmem_shared>> -> memref<8464x128xf32, #tpu.memory_space<vmem_shared>>
        tpu.wait_indirect_dma semaphore(%run_scoped3A : memref<!tpu.dma_semaphore, #tpu.memory_space<semaphore_mem>>) src(%arg18 : memref<96x128xf32, #tpu.memory_space<vmem>>) dst(%dma_wait3A_655 : memref<8464x128xf32, #tpu.memory_space<vmem_shared>>)
        tpu.yield
      }) : () -> ()
      %dma_wait3A_646 = arith.constant 0 : i32
      %dma_wait3A_647 = arith.constant 0 : i32
      %dma_wait3A_648 = tpu.memref_slice %arg2[%dma_wait3A_646, %dma_wait3A_647] : memref<100000x128xf32, #tpu.memory_space<hbm>> -> memref<100000x128xf32, #tpu.memory_space<hbm>>
      tpu.wait_indirect_dma semaphore(%arg26 : memref<!tpu.dma_semaphore, #tpu.memory_space<semaphore_mem>>) src(%dma_wait3A_648 : memref<100000x128xf32, #tpu.memory_space<hbm>>) dst(%arg22 : memref<96x128xf32, #tpu.memory_space<vmem>>)
      "tpu.region"() ({
        %run_scoped3A = tpu.sem_alloc : memref<!tpu.dma_semaphore, #tpu.memory_space<semaphore_mem>>
        %dma_start3A_650 = arith.constant 0 : i32
        %dma_start3A_651 = arith.constant 0 : i32
        %dma_start3A_652 = tpu.memref_slice %arg6[%dma_start3A_650, %dma_start3A_651] : memref<8464x128xf32, #tpu.memory_space<vmem_shared>> -> memref<8464x128xf32, #tpu.memory_space<vmem_shared>>
        tpu.enqueue_indirect_dma source(%arg22 : memref<96x128xf32, #tpu.memory_space<vmem>>) target(%dma_start3A_652 : memref<8464x128xf32, #tpu.memory_space<vmem_shared>>) offsets(%arg21 : memref<96xi32, #tpu.memory_space<vmem>>) semaphore(%run_scoped3A : memref<!tpu.dma_semaphore, #tpu.memory_space<semaphore_mem>>) {add = true}
        %dma_wait3A_653 = arith.constant 0 : i32
        %dma_wait3A_654 = arith.constant 0 : i32
        %dma_wait3A_655 = tpu.memref_slice %arg6[%dma_wait3A_653, %dma_wait3A_654] : memref<8464x128xf32, #tpu.memory_space<vmem_shared>> -> memref<8464x128xf32, #tpu.memory_space<vmem_shared>>
        tpu.wait_indirect_dma semaphore(%run_scoped3A : memref<!tpu.dma_semaphore, #tpu.memory_space<semaphore_mem>>) src(%arg22 : memref<96x128xf32, #tpu.memory_space<vmem>>) dst(%dma_wait3A_655 : memref<8464x128xf32, #tpu.memory_space<vmem_shared>>)
        tpu.yield
      }) : () -> ()
      %scan3A_649 = arith.constant 0 : i32
      scf.yield %scan3A_649 : i32
    }
    %scan3A_32 = arith.constant 98 : i32
    %barrier3A_33 = arith.constant 0 : index
    tpu.barrier barrier_id(%barrier3A_33)
    %scan3A_34 = arith.constant 0 : i32
    %scan3A_35 = arith.constant 0 : i32
    %scan3A_36 = arith.constant 4 : i32
    %scan3A_37 = arith.addi %scan3A_35, %scan3A_36 : i32
    %scan3A_38 = arith.constant 1 : i32
    %scan3A_39 = scf.for %scan3A_149 = %scan3A_35 to %scan3A_37 step %scan3A_38 iter_args(%scan3A_150 = %scan3A_34) -> (i32)  : i32 {
      %mul3A_151 = arith.constant 128 : i32
      %mul3A_152 = arith.muli %scan3A_149, %mul3A_151 : i32
      %add3A_153 = arith.addi %mul3A_1, %mul3A_152 : i32
      %add3A_154 = arith.addi %mul3A_6, %mul3A_1 : i32
      %mul3A_155 = arith.constant 128 : i32
      %mul3A_156 = arith.muli %scan3A_149, %mul3A_155 : i32
      %add3A_157 = arith.addi %add3A_154, %mul3A_156 : i32
      "tpu.region"() ({
        %run_scoped3A = tpu.sem_alloc : memref<!tpu.dma_semaphore, #tpu.memory_space<semaphore_mem>>
        %dma_start3A = arith.constant 0 : i32
        %dma_start3A_159 = tpu.memref_slice %arg5[%add3A_157, %dma_start3A] : memref<50688x128xf32, #tpu.memory_space<hbm>> -> memref<128x128xf32, #tpu.memory_space<hbm>>
        %dma_start3A_160 = arith.constant 0 : i32
        %dma_start3A_161 = tpu.memref_slice %arg6[%add3A_153, %dma_start3A_160] : memref<8464x128xf32, #tpu.memory_space<vmem_shared>> -> memref<128x128xf32, #tpu.memory_space<vmem_shared>>
        tpu.enqueue_dma source(%dma_start3A_161 : memref<128x128xf32, #tpu.memory_space<vmem_shared>>) target(%dma_start3A_159 : memref<128x128xf32, #tpu.memory_space<hbm>>) target_semaphore(%run_scoped3A : memref<!tpu.dma_semaphore, #tpu.memory_space<semaphore_mem>>)
        %dma_wait3A = arith.constant 0 : i32
        %dma_wait3A_162 = tpu.memref_slice %arg5[%add3A_157, %dma_wait3A] : memref<50688x128xf32, #tpu.memory_space<hbm>> -> memref<128x128xf32, #tpu.memory_space<hbm>>
        %dma_wait3A_163 = arith.constant 0 : i32
        %dma_wait3A_164 = tpu.memref_slice %arg6[%add3A_153, %dma_wait3A_163] : memref<8464x128xf32, #tpu.memory_space<vmem_shared>> -> memref<128x128xf32, #tpu.memory_space<vmem_shared>>
        tpu.wait_dma2 semaphore(%run_scoped3A : memref<!tpu.dma_semaphore, #tpu.memory_space<semaphore_mem>>) src(%dma_wait3A_164 : memref<128x128xf32, #tpu.memory_space<vmem_shared>>) dst(%dma_wait3A_162 : memref<128x128xf32, #tpu.memory_space<hbm>>)
        tpu.yield
      }) : () -> ()
      %scan3A_158 = arith.constant 0 : i32
      scf.yield %scan3A_158 : i32
    }
    %scan3A_40 = arith.constant 4 : i32
    %add3A_41 = arith.constant 512 : i32
    %add3A_42 = arith.addi %mul3A_1, %add3A_41 : i32
    %add3A_43 = arith.addi %mul3A_6, %mul3A_1 : i32
    %add3A_44 = arith.constant 512 : i32
    %add3A_45 = arith.addi %add3A_43, %add3A_44 : i32
    "tpu.region"() ({
      %run_scoped3A = tpu.sem_alloc : memref<!tpu.dma_semaphore, #tpu.memory_space<semaphore_mem>>
      %dma_start3A = arith.constant 0 : i32
      %dma_start3A_149 = tpu.memref_slice %arg5[%add3A_45, %dma_start3A] : memref<50688x128xf32, #tpu.memory_space<hbm>> -> memref<16x128xf32, #tpu.memory_space<hbm>>
      %dma_start3A_150 = arith.constant 0 : i32
      %dma_start3A_151 = tpu.memref_slice %arg6[%add3A_42, %dma_start3A_150] : memref<8464x128xf32, #tpu.memory_space<vmem_shared>> -> memref<16x128xf32, #tpu.memory_space<vmem_shared>>
      tpu.enqueue_dma source(%dma_start3A_151 : memref<16x128xf32, #tpu.memory_space<vmem_shared>>) target(%dma_start3A_149 : memref<16x128xf32, #tpu.memory_space<hbm>>) target_semaphore(%run_scoped3A : memref<!tpu.dma_semaphore, #tpu.memory_space<semaphore_mem>>)
      %dma_wait3A = arith.constant 0 : i32
      %dma_wait3A_152 = tpu.memref_slice %arg5[%add3A_45, %dma_wait3A] : memref<50688x128xf32, #tpu.memory_space<hbm>> -> memref<16x128xf32, #tpu.memory_space<hbm>>
      %dma_wait3A_153 = arith.constant 0 : i32
      %dma_wait3A_154 = tpu.memref_slice %arg6[%add3A_42, %dma_wait3A_153] : memref<8464x128xf32, #tpu.memory_space<vmem_shared>> -> memref<16x128xf32, #tpu.memory_space<vmem_shared>>
      tpu.wait_dma2 semaphore(%run_scoped3A : memref<!tpu.dma_semaphore, #tpu.memory_space<semaphore_mem>>) src(%dma_wait3A_154 : memref<16x128xf32, #tpu.memory_space<vmem_shared>>) dst(%dma_wait3A_152 : memref<16x128xf32, #tpu.memory_space<hbm>>)
      tpu.yield
    }) : () -> ()
    %barrier3A_46 = arith.constant 0 : index
    tpu.barrier barrier_id(%barrier3A_46)
    %mul3A_47 = arith.constant 3 : i32
    %mul3A_48 = arith.muli %mul3A_47, %arg0 : i32
    %add3A_49 = arith.constant 1 : i32
    %add3A_50 = arith.addi %mul3A_48, %add3A_49 : i32
    %mul3A_51 = arith.constant 8448 : i32
    %mul3A_52 = arith.muli %add3A_50, %mul3A_51 : i32
    %scan3A_53 = arith.constant 0 : i32
    %scan3A_54 = arith.constant 0 : i32
    %scan3A_55 = arith.constant 96 : i32
    %scan3A_56 = arith.addi %scan3A_54, %scan3A_55 : i32
    %scan3A_57 = arith.constant 1 : i32
    %scan3A_58 = scf.for %scan3A_149 = %scan3A_54 to %scan3A_56 step %scan3A_57 iter_args(%scan3A_150 = %scan3A_53) -> (i32)  : i32 {
      %swap3A = arith.index_cast %scan3A_149 : i32 to index
      %swap3A_151 = arith.constant 0 : index
      %swap3A_152 = tpu.vector_load %arg10[%swap3A, %swap3A_151] {strides = array<i32>} : memref<96x128xf32, #tpu.memory_space<vmem>>, vector<1x16xf32>,
      %swap3A_153 = vector.shape_cast %swap3A_152 : vector<1x16xf32> to vector<16xf32>
      %swap3A_154 = vector.shape_cast %broadcast_in_dim3A_0 : vector<16xf32> to vector<1x16xf32>
      tpu.vector_store %arg10[%swap3A, %swap3A_151], %swap3A_154 {strides = array<i32>} : memref<96x128xf32, #tpu.memory_space<vmem>>, vector<1x16xf32>,
      %swap3A_155 = arith.index_cast %scan3A_149 : i32 to index
      %swap3A_156 = arith.constant 16 : index
      %swap3A_157 = tpu.vector_load %arg10[%swap3A_155, %swap3A_156] {strides = array<i32>} : memref<96x128xf32, #tpu.memory_space<vmem>>, vector<1x16xf32>,
      %swap3A_158 = vector.shape_cast %swap3A_157 : vector<1x16xf32> to vector<16xf32>
      %swap3A_159 = vector.shape_cast %broadcast_in_dim3A_0 : vector<16xf32> to vector<1x16xf32>
      tpu.vector_store %arg10[%swap3A_155, %swap3A_156], %swap3A_159 {strides = array<i32>} : memref<96x128xf32, #tpu.memory_space<vmem>>, vector<1x16xf32>,
      %swap3A_160 = arith.index_cast %scan3A_149 : i32 to index
      %swap3A_161 = arith.constant 32 : index
      %swap3A_162 = tpu.vector_load %arg10[%swap3A_160, %swap3A_161] {strides = array<i32>} : memref<96x128xf32, #tpu.memory_space<vmem>>, vector<1x16xf32>,
      %swap3A_163 = vector.shape_cast %swap3A_162 : vector<1x16xf32> to vector<16xf32>
      %swap3A_164 = vector.shape_cast %broadcast_in_dim3A_0 : vector<16xf32> to vector<1x16xf32>
      tpu.vector_store %arg10[%swap3A_160, %swap3A_161], %swap3A_164 {strides = array<i32>} : memref<96x128xf32, #tpu.memory_space<vmem>>, vector<1x16xf32>,
      %swap3A_165 = arith.index_cast %scan3A_149 : i32 to index
      %swap3A_166 = arith.constant 48 : index
      %swap3A_167 = tpu.vector_load %arg10[%swap3A_165, %swap3A_166] {strides = array<i32>} : memref<96x128xf32, #tpu.memory_space<vmem>>, vector<1x16xf32>,
      %swap3A_168 = vector.shape_cast %swap3A_167 : vector<1x16xf32> to vector<16xf32>
      %swap3A_169 = vector.shape_cast %broadcast_in_dim3A_0 : vector<16xf32> to vector<1x16xf32>
      tpu.vector_store %arg10[%swap3A_165, %swap3A_166], %swap3A_169 {strides = array<i32>} : memref<96x128xf32, #tpu.memory_space<vmem>>, vector<1x16xf32>,
      %swap3A_170 = arith.index_cast %scan3A_149 : i32 to index
      %swap3A_171 = arith.constant 64 : index
      %swap3A_172 = tpu.vector_load %arg10[%swap3A_170, %swap3A_171] {strides = array<i32>} : memref<96x128xf32, #tpu.memory_space<vmem>>, vector<1x16xf32>,
      %swap3A_173 = vector.shape_cast %swap3A_172 : vector<1x16xf32> to vector<16xf32>
      %swap3A_174 = vector.shape_cast %broadcast_in_dim3A_0 : vector<16xf32> to vector<1x16xf32>
      tpu.vector_store %arg10[%swap3A_170, %swap3A_171], %swap3A_174 {strides = array<i32>} : memref<96x128xf32, #tpu.memory_space<vmem>>, vector<1x16xf32>,
      %swap3A_175 = arith.index_cast %scan3A_149 : i32 to index
      %swap3A_176 = arith.constant 80 : index
      %swap3A_177 = tpu.vector_load %arg10[%swap3A_175, %swap3A_176] {strides = array<i32>} : memref<96x128xf32, #tpu.memory_space<vmem>>, vector<1x16xf32>,
      %swap3A_178 = vector.shape_cast %swap3A_177 : vector<1x16xf32> to vector<16xf32>
      %swap3A_179 = vector.shape_cast %broadcast_in_dim3A_0 : vector<16xf32> to vector<1x16xf32>
      tpu.vector_store %arg10[%swap3A_175, %swap3A_176], %swap3A_179 {strides = array<i32>} : memref<96x128xf32, #tpu.memory_space<vmem>>, vector<1x16xf32>,
      %swap3A_180 = arith.index_cast %scan3A_149 : i32 to index
      %swap3A_181 = arith.constant 96 : index
      %swap3A_182 = tpu.vector_load %arg10[%swap3A_180, %swap3A_181] {strides = array<i32>} : memref<96x128xf32, #tpu.memory_space<vmem>>, vector<1x16xf32>,
      %swap3A_183 = vector.shape_cast %swap3A_182 : vector<1x16xf32> to vector<16xf32>
      %swap3A_184 = vector.shape_cast %broadcast_in_dim3A_0 : vector<16xf32> to vector<1x16xf32>
      tpu.vector_store %arg10[%swap3A_180, %swap3A_181], %swap3A_184 {strides = array<i32>} : memref<96x128xf32, #tpu.memory_space<vmem>>, vector<1x16xf32>,
      %swap3A_185 = arith.index_cast %scan3A_149 : i32 to index
      %swap3A_186 = arith.constant 112 : index
      %swap3A_187 = tpu.vector_load %arg10[%swap3A_185, %swap3A_186] {strides = array<i32>} : memref<96x128xf32, #tpu.memory_space<vmem>>, vector<1x16xf32>,
      %swap3A_188 = vector.shape_cast %swap3A_187 : vector<1x16xf32> to vector<16xf32>
      %swap3A_189 = vector.shape_cast %broadcast_in_dim3A_0 : vector<16xf32> to vector<1x16xf32>
      tpu.vector_store %arg10[%swap3A_185, %swap3A_186], %swap3A_189 {strides = array<i32>} : memref<96x128xf32, #tpu.memory_space<vmem>>, vector<1x16xf32>,
      %scan3A_190 = arith.constant 0 : i32
      scf.yield %scan3A_190 : i32
    }
    %scan3A_59 = arith.constant 96 : i32
    %scan3A_60 = arith.constant 0 : i32
    %scan3A_61 = arith.constant 0 : i32
    %scan3A_62 = arith.constant 5 : i32
    %scan3A_63 = arith.addi %scan3A_61, %scan3A_62 : i32
    %scan3A_64 = arith.constant 1 : i32
    %scan3A_65 = scf.for %scan3A_149 = %scan3A_61 to %scan3A_63 step %scan3A_64 iter_args(%scan3A_150 = %scan3A_60) -> (i32)  : i32 {
      %mul3A_151 = arith.constant 96 : i32
      %mul3A_152 = arith.muli %scan3A_149, %mul3A_151 : i32
      %add3A_153 = arith.addi %mul3A_1, %mul3A_152 : i32
      "tpu.region"() ({
        %run_scoped3A = tpu.sem_alloc : memref<!tpu.dma_semaphore, #tpu.memory_space<semaphore_mem>>
        %dma_start3A = arith.constant 0 : i32
        %dma_start3A_155 = tpu.memref_slice %arg6[%add3A_153, %dma_start3A] : memref<8464x128xf32, #tpu.memory_space<vmem_shared>> -> memref<96x128xf32, #tpu.memory_space<vmem_shared>>
        %dma_start3A_156 = arith.constant 0 : i32
        %dma_start3A_157 = tpu.memref_slice %arg6[%add3A_153, %dma_start3A_156] : memref<8464x128xf32, #tpu.memory_space<vmem_shared>> -> memref<96x128xf32, #tpu.memory_space<vmem_shared>>
        tpu.enqueue_dma source(%arg10 : memref<96x128xf32, #tpu.memory_space<vmem>>) target(%dma_start3A_157 : memref<96x128xf32, #tpu.memory_space<vmem_shared>>) target_semaphore(%run_scoped3A : memref<!tpu.dma_semaphore, #tpu.memory_space<semaphore_mem>>)
        %dma_wait3A = arith.constant 0 : i32
        %dma_wait3A_158 = tpu.memref_slice %arg6[%add3A_153, %dma_wait3A] : memref<8464x128xf32, #tpu.memory_space<vmem_shared>> -> memref<96x128xf32, #tpu.memory_space<vmem_shared>>
        %dma_wait3A_159 = arith.constant 0 : i32
        %dma_wait3A_160 = tpu.memref_slice %arg6[%add3A_153, %dma_wait3A_159] : memref<8464x128xf32, #tpu.memory_space<vmem_shared>> -> memref<96x128xf32, #tpu.memory_space<vmem_shared>>
        tpu.wait_dma2 semaphore(%run_scoped3A : memref<!tpu.dma_semaphore, #tpu.memory_space<semaphore_mem>>) src(%arg10 : memref<96x128xf32, #tpu.memory_space<vmem>>) dst(%dma_wait3A_160 : memref<96x128xf32, #tpu.memory_space<vmem_shared>>)
        tpu.yield
      }) : () -> ()
      %scan3A_154 = arith.constant 0 : i32
      scf.yield %scan3A_154 : i32
    }
    %scan3A_66 = arith.constant 5 : i32
    %add3A_67 = arith.constant 480 : i32
    %add3A_68 = arith.addi %mul3A_1, %add3A_67 : i32
    "tpu.region"() ({
      %run_scoped3A = tpu.sem_alloc : memref<!tpu.dma_semaphore, #tpu.memory_space<semaphore_mem>>
      %dma_start3A = arith.constant 0 : i32
      %dma_start3A_149 = arith.constant 0 : i32
      %dma_start3A_150 = tpu.memref_slice %arg10[%dma_start3A, %dma_start3A_149] : memref<96x128xf32, #tpu.memory_space<vmem>> -> memref<48x128xf32, #tpu.memory_space<vmem>>
      %dma_start3A_151 = arith.constant 0 : i32
      %dma_start3A_152 = tpu.memref_slice %arg6[%add3A_68, %dma_start3A_151] : memref<8464x128xf32, #tpu.memory_space<vmem_shared>> -> memref<48x128xf32, #tpu.memory_space<vmem_shared>>
      %dma_start3A_153 = arith.constant 0 : i32
      %dma_start3A_154 = tpu.memref_slice %arg6[%add3A_68, %dma_start3A_153] : memref<8464x128xf32, #tpu.memory_space<vmem_shared>> -> memref<48x128xf32, #tpu.memory_space<vmem_shared>>
      %dma_start3A_155 = arith.constant 0 : i32
      %dma_start3A_156 = arith.constant 0 : i32
      %dma_start3A_157 = tpu.memref_slice %arg10[%dma_start3A_155, %dma_start3A_156] : memref<96x128xf32, #tpu.memory_space<vmem>> -> memref<48x128xf32, #tpu.memory_space<vmem>>
      tpu.enqueue_dma source(%dma_start3A_157 : memref<48x128xf32, #tpu.memory_space<vmem>>) target(%dma_start3A_154 : memref<48x128xf32, #tpu.memory_space<vmem_shared>>) target_semaphore(%run_scoped3A : memref<!tpu.dma_semaphore, #tpu.memory_space<semaphore_mem>>)
      %dma_wait3A = arith.constant 0 : i32
      %dma_wait3A_158 = arith.constant 0 : i32
      %dma_wait3A_159 = tpu.memref_slice %arg10[%dma_wait3A, %dma_wait3A_158] : memref<96x128xf32, #tpu.memory_space<vmem>> -> memref<48x128xf32, #tpu.memory_space<vmem>>
      %dma_wait3A_160 = arith.constant 0 : i32
      %dma_wait3A_161 = tpu.memref_slice %arg6[%add3A_68, %dma_wait3A_160] : memref<8464x128xf32, #tpu.memory_space<vmem_shared>> -> memref<48x128xf32, #tpu.memory_space<vmem_shared>>
      %dma_wait3A_162 = arith.constant 0 : i32
      %dma_wait3A_163 = tpu.memref_slice %arg6[%add3A_68, %dma_wait3A_162] : memref<8464x128xf32, #tpu.memory_space<vmem_shared>> -> memref<48x128xf32, #tpu.memory_space<vmem_shared>>
      %dma_wait3A_164 = arith.constant 0 : i32
      %dma_wait3A_165 = arith.constant 0 : i32
      %dma_wait3A_166 = tpu.memref_slice %arg10[%dma_wait3A_164, %dma_wait3A_165] : memref<96x128xf32, #tpu.memory_space<vmem>> -> memref<48x128xf32, #tpu.memory_space<vmem>>
      tpu.wait_dma2 semaphore(%run_scoped3A : memref<!tpu.dma_semaphore, #tpu.memory_space<semaphore_mem>>) src(%dma_wait3A_166 : memref<48x128xf32, #tpu.memory_space<vmem>>) dst(%dma_wait3A_163 : memref<48x128xf32, #tpu.memory_space<vmem_shared>>)
      tpu.yield
    }) : () -> ()
    %eq3A_69 = arith.constant 15 : i32
    %eq3A_70 = arith.cmpi eq, %arg1, %eq3A_69 : i32
    %convert_element_type3A_71 = arith.extui %eq3A_70 : i1 to i32
    %cond3A_72 = arith.constant 0 : i32
    %cond3A_73 = arith.cmpi ne, %convert_element_type3A_71, %cond3A_72 : i32
    scf.if %cond3A_73 {
      "tpu.region"() ({
        %run_scoped3A = tpu.sem_alloc : memref<!tpu.dma_semaphore, #tpu.memory_space<semaphore_mem>>
        %dma_start3A = arith.constant 0 : i32
        %dma_start3A_149 = arith.constant 0 : i32
        %dma_start3A_150 = tpu.memref_slice %arg10[%dma_start3A, %dma_start3A_149] : memref<96x128xf32, #tpu.memory_space<vmem>> -> memref<16x128xf32, #tpu.memory_space<vmem>>
        %dma_start3A_151 = arith.constant 8448 : i32
        %dma_start3A_152 = arith.constant 0 : i32
        %dma_start3A_153 = tpu.memref_slice %arg6[%dma_start3A_151, %dma_start3A_152] : memref<8464x128xf32, #tpu.memory_space<vmem_shared>> -> memref<16x128xf32, #tpu.memory_space<vmem_shared>>
        %dma_start3A_154 = arith.constant 8448 : i32
        %dma_start3A_155 = arith.constant 0 : i32
        %dma_start3A_156 = tpu.memref_slice %arg6[%dma_start3A_154, %dma_start3A_155] : memref<8464x128xf32, #tpu.memory_space<vmem_shared>> -> memref<16x128xf32, #tpu.memory_space<vmem_shared>>
        %dma_start3A_157 = arith.constant 0 : i32
        %dma_start3A_158 = arith.constant 0 : i32
        %dma_start3A_159 = tpu.memref_slice %arg10[%dma_start3A_157, %dma_start3A_158] : memref<96x128xf32, #tpu.memory_space<vmem>> -> memref<16x128xf32, #tpu.memory_space<vmem>>
        tpu.enqueue_dma source(%dma_start3A_159 : memref<16x128xf32, #tpu.memory_space<vmem>>) target(%dma_start3A_156 : memref<16x128xf32, #tpu.memory_space<vmem_shared>>) target_semaphore(%run_scoped3A : memref<!tpu.dma_semaphore, #tpu.memory_space<semaphore_mem>>)
        %dma_wait3A = arith.constant 0 : i32
        %dma_wait3A_160 = arith.constant 0 : i32
        %dma_wait3A_161 = tpu.memref_slice %arg10[%dma_wait3A, %dma_wait3A_160] : memref<96x128xf32, #tpu.memory_space<vmem>> -> memref<16x128xf32, #tpu.memory_space<vmem>>
        %dma_wait3A_162 = arith.constant 8448 : i32
        %dma_wait3A_163 = arith.constant 0 : i32
        %dma_wait3A_164 = tpu.memref_slice %arg6[%dma_wait3A_162, %dma_wait3A_163] : memref<8464x128xf32, #tpu.memory_space<vmem_shared>> -> memref<16x128xf32, #tpu.memory_space<vmem_shared>>
        %dma_wait3A_165 = arith.constant 8448 : i32
        %dma_wait3A_166 = arith.constant 0 : i32
        %dma_wait3A_167 = tpu.memref_slice %arg6[%dma_wait3A_165, %dma_wait3A_166] : memref<8464x128xf32, #tpu.memory_space<vmem_shared>> -> memref<16x128xf32, #tpu.memory_space<vmem_shared>>
        %dma_wait3A_168 = arith.constant 0 : i32
        %dma_wait3A_169 = arith.constant 0 : i32
        %dma_wait3A_170 = tpu.memref_slice %arg10[%dma_wait3A_168, %dma_wait3A_169] : memref<96x128xf32, #tpu.memory_space<vmem>> -> memref<16x128xf32, #tpu.memory_space<vmem>>
        tpu.wait_dma2 semaphore(%run_scoped3A : memref<!tpu.dma_semaphore, #tpu.memory_space<semaphore_mem>>) src(%dma_wait3A_170 : memref<16x128xf32, #tpu.memory_space<vmem>>) dst(%dma_wait3A_167 : memref<16x128xf32, #tpu.memory_space<vmem_shared>>)
        tpu.yield
      }) : () -> ()
    } else {
    }
    %barrier3A_74 = arith.constant 0 : index
    tpu.barrier barrier_id(%barrier3A_74)
    %mul3A_75 = arith.constant 37632 : i32
    %mul3A_76 = arith.muli %arg1, %mul3A_75 : i32
    %scan3A_77 = arith.constant 0 : i32
    %scan3A_78 = arith.constant 0 : i32
    %scan3A_79 = arith.constant 98 : i32
    %scan3A_80 = arith.addi %scan3A_78, %scan3A_79 : i32
    %scan3A_81 = arith.constant 1 : i32
    %scan3A_82 = scf.for %scan3A_149 = %scan3A_78 to %scan3A_80 step %scan3A_81 iter_args(%scan3A_150 = %scan3A_77) -> (i32)  : i32 {
      %mul3A_151 = arith.constant 4 : i32
      %mul3A_152 = arith.muli %mul3A_151, %scan3A_149 : i32
      %add3A_153 = arith.constant 0 : i32
      %add3A_154 = arith.addi %mul3A_152, %add3A_153 : i32
      %mul3A_155 = arith.constant 96 : i32
      %mul3A_156 = arith.muli %add3A_154, %mul3A_155 : i32
      %add3A_157 = arith.addi %mul3A_76, %mul3A_156 : i32
      "tpu.region"() ({
        %run_scoped3A = tpu.sem_alloc : memref<!tpu.dma_semaphore, #tpu.memory_space<semaphore_mem>>
        %dma_start3A_650 = tpu.memref_slice %arg3[%add3A_157] : memref<602112xi32, #tpu.memory_space<hbm>> -> memref<96xi32, #tpu.memory_space<hbm>>
        %dma_start3A_651 = tpu.memref_slice %arg3[%add3A_157] : memref<602112xi32, #tpu.memory_space<hbm>> -> memref<96xi32, #tpu.memory_space<hbm>>
        tpu.enqueue_dma source(%dma_start3A_651 : memref<96xi32, #tpu.memory_space<hbm>>) target(%arg8 : memref<96xi32, #tpu.memory_space<vmem>>) target_semaphore(%run_scoped3A : memref<!tpu.dma_semaphore, #tpu.memory_space<semaphore_mem>>)
        %dma_wait3A_652 = tpu.memref_slice %arg3[%add3A_157] : memref<602112xi32, #tpu.memory_space<hbm>> -> memref<96xi32, #tpu.memory_space<hbm>>
        %dma_wait3A_653 = tpu.memref_slice %arg3[%add3A_157] : memref<602112xi32, #tpu.memory_space<hbm>> -> memref<96xi32, #tpu.memory_space<hbm>>
        tpu.wait_dma2 semaphore(%run_scoped3A : memref<!tpu.dma_semaphore, #tpu.memory_space<semaphore_mem>>) src(%dma_wait3A_653 : memref<96xi32, #tpu.memory_space<hbm>>) dst(%arg8 : memref<96xi32, #tpu.memory_space<vmem>>)
        tpu.yield
      }) : () -> ()
      "tpu.region"() ({
        %run_scoped3A = tpu.sem_alloc : memref<!tpu.dma_semaphore, #tpu.memory_space<semaphore_mem>>
        %dma_start3A_650 = tpu.memref_slice %arg4[%add3A_157] : memref<602112xi32, #tpu.memory_space<hbm>> -> memref<96xi32, #tpu.memory_space<hbm>>
        %dma_start3A_651 = tpu.memref_slice %arg4[%add3A_157] : memref<602112xi32, #tpu.memory_space<hbm>> -> memref<96xi32, #tpu.memory_space<hbm>>
        tpu.enqueue_dma source(%dma_start3A_651 : memref<96xi32, #tpu.memory_space<hbm>>) target(%arg7 : memref<96xi32, #tpu.memory_space<vmem>>) target_semaphore(%run_scoped3A : memref<!tpu.dma_semaphore, #tpu.memory_space<semaphore_mem>>)
        %dma_wait3A_652 = tpu.memref_slice %arg4[%add3A_157] : memref<602112xi32, #tpu.memory_space<hbm>> -> memref<96xi32, #tpu.memory_space<hbm>>
        %dma_wait3A_653 = tpu.memref_slice %arg4[%add3A_157] : memref<602112xi32, #tpu.memory_space<hbm>> -> memref<96xi32, #tpu.memory_space<hbm>>
        tpu.wait_dma2 semaphore(%run_scoped3A : memref<!tpu.dma_semaphore, #tpu.memory_space<semaphore_mem>>) src(%dma_wait3A_653 : memref<96xi32, #tpu.memory_space<hbm>>) dst(%arg7 : memref<96xi32, #tpu.memory_space<vmem>>)
        tpu.yield
      }) : () -> ()
      %dma_start3A = arith.constant 0 : i32
      %dma_start3A_158 = arith.constant 0 : i32
      %dma_start3A_159 = tpu.memref_slice %arg2[%dma_start3A, %dma_start3A_158] : memref<100000x128xf32, #tpu.memory_space<hbm>> -> memref<100000x128xf32, #tpu.memory_space<hbm>>
      tpu.enqueue_indirect_dma source(%dma_start3A_159 : memref<100000x128xf32, #tpu.memory_space<hbm>>) target(%arg10 : memref<96x128xf32, #tpu.memory_space<vmem>>) offsets(%arg8 : memref<96xi32, #tpu.memory_space<vmem>>) semaphore(%arg23 : memref<!tpu.dma_semaphore, #tpu.memory_space<semaphore_mem>>)
      %mul3A_160 = arith.constant 4 : i32
      %mul3A_161 = arith.muli %mul3A_160, %scan3A_149 : i32
      %add3A_162 = arith.constant 1 : i32
      %add3A_163 = arith.addi %mul3A_161, %add3A_162 : i32
      %mul3A_164 = arith.constant 96 : i32
      %mul3A_165 = arith.muli %add3A_163, %mul3A_164 : i32
      %add3A_166 = arith.addi %mul3A_76, %mul3A_165 : i32
      "tpu.region"() ({
        %run_scoped3A = tpu.sem_alloc : memref<!tpu.dma_semaphore, #tpu.memory_space<semaphore_mem>>
        %dma_start3A_650 = tpu.memref_slice %arg3[%add3A_166] : memref<602112xi32, #tpu.memory_space<hbm>> -> memref<96xi32, #tpu.memory_space<hbm>>
        %dma_start3A_651 = tpu.memref_slice %arg3[%add3A_166] : memref<602112xi32, #tpu.memory_space<hbm>> -> memref<96xi32, #tpu.memory_space<hbm>>
        tpu.enqueue_dma source(%dma_start3A_651 : memref<96xi32, #tpu.memory_space<hbm>>) target(%arg12 : memref<96xi32, #tpu.memory_space<vmem>>) target_semaphore(%run_scoped3A : memref<!tpu.dma_semaphore, #tpu.memory_space<semaphore_mem>>)
        %dma_wait3A_652 = tpu.memref_slice %arg3[%add3A_166] : memref<602112xi32, #tpu.memory_space<hbm>> -> memref<96xi32, #tpu.memory_space<hbm>>
        %dma_wait3A_653 = tpu.memref_slice %arg3[%add3A_166] : memref<602112xi32, #tpu.memory_space<hbm>> -> memref<96xi32, #tpu.memory_space<hbm>>
        tpu.wait_dma2 semaphore(%run_scoped3A : memref<!tpu.dma_semaphore, #tpu.memory_space<semaphore_mem>>) src(%dma_wait3A_653 : memref<96xi32, #tpu.memory_space<hbm>>) dst(%arg12 : memref<96xi32, #tpu.memory_space<vmem>>)
        tpu.yield
      }) : () -> ()
      "tpu.region"() ({
        %run_scoped3A = tpu.sem_alloc : memref<!tpu.dma_semaphore, #tpu.memory_space<semaphore_mem>>
        %dma_start3A_650 = tpu.memref_slice %arg4[%add3A_166] : memref<602112xi32, #tpu.memory_space<hbm>> -> memref<96xi32, #tpu.memory_space<hbm>>
        %dma_start3A_651 = tpu.memref_slice %arg4[%add3A_166] : memref<602112xi32, #tpu.memory_space<hbm>> -> memref<96xi32, #tpu.memory_space<hbm>>
        tpu.enqueue_dma source(%dma_start3A_651 : memref<96xi32, #tpu.memory_space<hbm>>) target(%arg11 : memref<96xi32, #tpu.memory_space<vmem>>) target_semaphore(%run_scoped3A : memref<!tpu.dma_semaphore, #tpu.memory_space<semaphore_mem>>)
        %dma_wait3A_652 = tpu.memref_slice %arg4[%add3A_166] : memref<602112xi32, #tpu.memory_space<hbm>> -> memref<96xi32, #tpu.memory_space<hbm>>
        %dma_wait3A_653 = tpu.memref_slice %arg4[%add3A_166] : memref<602112xi32, #tpu.memory_space<hbm>> -> memref<96xi32, #tpu.memory_space<hbm>>
        tpu.wait_dma2 semaphore(%run_scoped3A : memref<!tpu.dma_semaphore, #tpu.memory_space<semaphore_mem>>) src(%dma_wait3A_653 : memref<96xi32, #tpu.memory_space<hbm>>) dst(%arg11 : memref<96xi32, #tpu.memory_space<vmem>>)
        tpu.yield
      }) : () -> ()
      %dma_start3A_167 = arith.constant 0 : i32
      %dma_start3A_168 = arith.constant 0 : i32
      %dma_start3A_169 = tpu.memref_slice %arg2[%dma_start3A_167, %dma_start3A_168] : memref<100000x128xf32, #tpu.memory_space<hbm>> -> memref<100000x128xf32, #tpu.memory_space<hbm>>
      tpu.enqueue_indirect_dma source(%dma_start3A_169 : memref<100000x128xf32, #tpu.memory_space<hbm>>) target(%arg14 : memref<96x128xf32, #tpu.memory_space<vmem>>) offsets(%arg12 : memref<96xi32, #tpu.memory_space<vmem>>) semaphore(%arg24 : memref<!tpu.dma_semaphore, #tpu.memory_space<semaphore_mem>>)
      %mul3A_170 = arith.constant 4 : i32
      %mul3A_171 = arith.muli %mul3A_170, %scan3A_149 : i32
      %add3A_172 = arith.constant 2 : i32
      %add3A_173 = arith.addi %mul3A_171, %add3A_172 : i32
      %mul3A_174 = arith.constant 96 : i32
      %mul3A_175 = arith.muli %add3A_173, %mul3A_174 : i32
      %add3A_176 = arith.addi %mul3A_76, %mul3A_175 : i32
      "tpu.region"() ({
        %run_scoped3A = tpu.sem_alloc : memref<!tpu.dma_semaphore, #tpu.memory_space<semaphore_mem>>
        %dma_start3A_650 = tpu.memref_slice %arg3[%add3A_176] : memref<602112xi32, #tpu.memory_space<hbm>> -> memref<96xi32, #tpu.memory_space<hbm>>
        %dma_start3A_651 = tpu.memref_slice %arg3[%add3A_176] : memref<602112xi32, #tpu.memory_space<hbm>> -> memref<96xi32, #tpu.memory_space<hbm>>
        tpu.enqueue_dma source(%dma_start3A_651 : memref<96xi32, #tpu.memory_space<hbm>>) target(%arg16 : memref<96xi32, #tpu.memory_space<vmem>>) target_semaphore(%run_scoped3A : memref<!tpu.dma_semaphore, #tpu.memory_space<semaphore_mem>>)
        %dma_wait3A_652 = tpu.memref_slice %arg3[%add3A_176] : memref<602112xi32, #tpu.memory_space<hbm>> -> memref<96xi32, #tpu.memory_space<hbm>>
        %dma_wait3A_653 = tpu.memref_slice %arg3[%add3A_176] : memref<602112xi32, #tpu.memory_space<hbm>> -> memref<96xi32, #tpu.memory_space<hbm>>
        tpu.wait_dma2 semaphore(%run_scoped3A : memref<!tpu.dma_semaphore, #tpu.memory_space<semaphore_mem>>) src(%dma_wait3A_653 : memref<96xi32, #tpu.memory_space<hbm>>) dst(%arg16 : memref<96xi32, #tpu.memory_space<vmem>>)
        tpu.yield
      }) : () -> ()
      "tpu.region"() ({
        %run_scoped3A = tpu.sem_alloc : memref<!tpu.dma_semaphore, #tpu.memory_space<semaphore_mem>>
        %dma_start3A_650 = tpu.memref_slice %arg4[%add3A_176] : memref<602112xi32, #tpu.memory_space<hbm>> -> memref<96xi32, #tpu.memory_space<hbm>>
        %dma_start3A_651 = tpu.memref_slice %arg4[%add3A_176] : memref<602112xi32, #tpu.memory_space<hbm>> -> memref<96xi32, #tpu.memory_space<hbm>>
        tpu.enqueue_dma source(%dma_start3A_651 : memref<96xi32, #tpu.memory_space<hbm>>) target(%arg15 : memref<96xi32, #tpu.memory_space<vmem>>) target_semaphore(%run_scoped3A : memref<!tpu.dma_semaphore, #tpu.memory_space<semaphore_mem>>)
        %dma_wait3A_652 = tpu.memref_slice %arg4[%add3A_176] : memref<602112xi32, #tpu.memory_space<hbm>> -> memref<96xi32, #tpu.memory_space<hbm>>
        %dma_wait3A_653 = tpu.memref_slice %arg4[%add3A_176] : memref<602112xi32, #tpu.memory_space<hbm>> -> memref<96xi32, #tpu.memory_space<hbm>>
        tpu.wait_dma2 semaphore(%run_scoped3A : memref<!tpu.dma_semaphore, #tpu.memory_space<semaphore_mem>>) src(%dma_wait3A_653 : memref<96xi32, #tpu.memory_space<hbm>>) dst(%arg15 : memref<96xi32, #tpu.memory_space<vmem>>)
        tpu.yield
      }) : () -> ()
      %dma_start3A_177 = arith.constant 0 : i32
      %dma_start3A_178 = arith.constant 0 : i32
      %dma_start3A_179 = tpu.memref_slice %arg2[%dma_start3A_177, %dma_start3A_178] : memref<100000x128xf32, #tpu.memory_space<hbm>> -> memref<100000x128xf32, #tpu.memory_space<hbm>>
      tpu.enqueue_indirect_dma source(%dma_start3A_179 : memref<100000x128xf32, #tpu.memory_space<hbm>>) target(%arg18 : memref<96x128xf32, #tpu.memory_space<vmem>>) offsets(%arg16 : memref<96xi32, #tpu.memory_space<vmem>>) semaphore(%arg25 : memref<!tpu.dma_semaphore, #tpu.memory_space<semaphore_mem>>)
      %mul3A_180 = arith.constant 4 : i32
      %mul3A_181 = arith.muli %mul3A_180, %scan3A_149 : i32
      %add3A_182 = arith.constant 3 : i32
      %add3A_183 = arith.addi %mul3A_181, %add3A_182 : i32
      %mul3A_184 = arith.constant 96 : i32
      %mul3A_185 = arith.muli %add3A_183, %mul3A_184 : i32
      %add3A_186 = arith.addi %mul3A_76, %mul3A_185 : i32
      "tpu.region"() ({
        %run_scoped3A = tpu.sem_alloc : memref<!tpu.dma_semaphore, #tpu.memory_space<semaphore_mem>>
        %dma_start3A_650 = tpu.memref_slice %arg3[%add3A_186] : memref<602112xi32, #tpu.memory_space<hbm>> -> memref<96xi32, #tpu.memory_space<hbm>>
        %dma_start3A_651 = tpu.memref_slice %arg3[%add3A_186] : memref<602112xi32, #tpu.memory_space<hbm>> -> memref<96xi32, #tpu.memory_space<hbm>>
        tpu.enqueue_dma source(%dma_start3A_651 : memref<96xi32, #tpu.memory_space<hbm>>) target(%arg20 : memref<96xi32, #tpu.memory_space<vmem>>) target_semaphore(%run_scoped3A : memref<!tpu.dma_semaphore, #tpu.memory_space<semaphore_mem>>)
        %dma_wait3A_652 = tpu.memref_slice %arg3[%add3A_186] : memref<602112xi32, #tpu.memory_space<hbm>> -> memref<96xi32, #tpu.memory_space<hbm>>
        %dma_wait3A_653 = tpu.memref_slice %arg3[%add3A_186] : memref<602112xi32, #tpu.memory_space<hbm>> -> memref<96xi32, #tpu.memory_space<hbm>>
        tpu.wait_dma2 semaphore(%run_scoped3A : memref<!tpu.dma_semaphore, #tpu.memory_space<semaphore_mem>>) src(%dma_wait3A_653 : memref<96xi32, #tpu.memory_space<hbm>>) dst(%arg20 : memref<96xi32, #tpu.memory_space<vmem>>)
        tpu.yield
      }) : () -> ()
      "tpu.region"() ({
        %run_scoped3A = tpu.sem_alloc : memref<!tpu.dma_semaphore, #tpu.memory_space<semaphore_mem>>
        %dma_start3A_650 = tpu.memref_slice %arg4[%add3A_186] : memref<602112xi32, #tpu.memory_space<hbm>> -> memref<96xi32, #tpu.memory_space<hbm>>
        %dma_start3A_651 = tpu.memref_slice %arg4[%add3A_186] : memref<602112xi32, #tpu.memory_space<hbm>> -> memref<96xi32, #tpu.memory_space<hbm>>
        tpu.enqueue_dma source(%dma_start3A_651 : memref<96xi32, #tpu.memory_space<hbm>>) target(%arg19 : memref<96xi32, #tpu.memory_space<vmem>>) target_semaphore(%run_scoped3A : memref<!tpu.dma_semaphore, #tpu.memory_space<semaphore_mem>>)
        %dma_wait3A_652 = tpu.memref_slice %arg4[%add3A_186] : memref<602112xi32, #tpu.memory_space<hbm>> -> memref<96xi32, #tpu.memory_space<hbm>>
        %dma_wait3A_653 = tpu.memref_slice %arg4[%add3A_186] : memref<602112xi32, #tpu.memory_space<hbm>> -> memref<96xi32, #tpu.memory_space<hbm>>
        tpu.wait_dma2 semaphore(%run_scoped3A : memref<!tpu.dma_semaphore, #tpu.memory_space<semaphore_mem>>) src(%dma_wait3A_653 : memref<96xi32, #tpu.memory_space<hbm>>) dst(%arg19 : memref<96xi32, #tpu.memory_space<vmem>>)
        tpu.yield
      }) : () -> ()
      %dma_start3A_187 = arith.constant 0 : i32
      %dma_start3A_188 = arith.constant 0 : i32
      %dma_start3A_189 = tpu.memref_slice %arg2[%dma_start3A_187, %dma_start3A_188] : memref<100000x128xf32, #tpu.memory_space<hbm>> -> memref<100000x128xf32, #tpu.memory_space<hbm>>
      tpu.enqueue_indirect_dma source(%dma_start3A_189 : memref<100000x128xf32, #tpu.memory_space<hbm>>) target(%arg22 : memref<96x128xf32, #tpu.memory_space<vmem>>) offsets(%arg20 : memref<96xi32, #tpu.memory_space<vmem>>) semaphore(%arg26 : memref<!tpu.dma_semaphore, #tpu.memory_space<semaphore_mem>>)
      %get3A = arith.constant 0 : index
      %get3A_190 = tpu.vector_load %arg7[%get3A] {strides = array<i32>} : memref<96xi32, #tpu.memory_space<vmem>>, vector<16xi32>,
      %get3A_191 = vector.shape_cast %get3A_190 : vector<16xi32> to vector<16xi32>
      %sub3A = vector.broadcast %mul3A_52 : i32 to vector<16xi32>
      %sub3A_192 = arith.subi %get3A_191, %sub3A : vector<16xi32>
      %ge3A = arith.constant 0 : i32
      %ge3A_193 = vector.broadcast %ge3A : i32 to vector<16xi32>
      %ge3A_194 = arith.cmpi sge, %sub3A_192, %ge3A_193 : vector<16xi32>
      %lt3A = arith.constant 8448 : i32
      %lt3A_195 = vector.broadcast %lt3A : i32 to vector<16xi32>
      %lt3A_196 = arith.cmpi slt, %sub3A_192, %lt3A_195 : vector<16xi32>
      %and3A = arith.andi %ge3A_194, %lt3A_196 : vector<16xi1>
      %jit3A = arith.constant 8448 : i32
      %broadcast_in_dim3A_197 = vector.broadcast %jit3A : i32 to vector<16xi32>
      %select_n3A = arith.select %and3A, %sub3A_192, %broadcast_in_dim3A_197 : vector<16xi1>, vector<16xi32>
      %swap3A = arith.constant 0 : index
      %swap3A_198 = tpu.vector_load %arg9[%swap3A] {strides = array<i32>} : memref<96xi32, #tpu.memory_space<vmem>>, vector<16xi32>,
      %swap3A_199 = vector.shape_cast %swap3A_198 : vector<16xi32> to vector<16xi32>
      %swap3A_200 = vector.shape_cast %select_n3A : vector<16xi32> to vector<16xi32>
      tpu.vector_store %arg9[%swap3A], %swap3A_200 {strides = array<i32>} : memref<96xi32, #tpu.memory_space<vmem>>, vector<16xi32>,
      %get3A_201 = arith.constant 16 : index
      %get3A_202 = tpu.vector_load %arg7[%get3A_201] {strides = array<i32>} : memref<96xi32, #tpu.memory_space<vmem>>, vector<16xi32>,
      %get3A_203 = vector.shape_cast %get3A_202 : vector<16xi32> to vector<16xi32>
      %sub3A_204 = vector.broadcast %mul3A_52 : i32 to vector<16xi32>
      %sub3A_205 = arith.subi %get3A_203, %sub3A_204 : vector<16xi32>
      %ge3A_206 = arith.constant 0 : i32
      %ge3A_207 = vector.broadcast %ge3A_206 : i32 to vector<16xi32>
      %ge3A_208 = arith.cmpi sge, %sub3A_205, %ge3A_207 : vector<16xi32>
      %lt3A_209 = arith.constant 8448 : i32
      %lt3A_210 = vector.broadcast %lt3A_209 : i32 to vector<16xi32>
      %lt3A_211 = arith.cmpi slt, %sub3A_205, %lt3A_210 : vector<16xi32>
      %and3A_212 = arith.andi %ge3A_208, %lt3A_211 : vector<16xi1>
      %jit3A_213 = arith.constant 8448 : i32
      %broadcast_in_dim3A_214 = vector.broadcast %jit3A_213 : i32 to vector<16xi32>
      %select_n3A_215 = arith.select %and3A_212, %sub3A_205, %broadcast_in_dim3A_214 : vector<16xi1>, vector<16xi32>
      %swap3A_216 = arith.constant 16 : index
      %swap3A_217 = tpu.vector_load %arg9[%swap3A_216] {strides = array<i32>} : memref<96xi32, #tpu.memory_space<vmem>>, vector<16xi32>,
      %swap3A_218 = vector.shape_cast %swap3A_217 : vector<16xi32> to vector<16xi32>
      %swap3A_219 = vector.shape_cast %select_n3A_215 : vector<16xi32> to vector<16xi32>
      tpu.vector_store %arg9[%swap3A_216], %swap3A_219 {strides = array<i32>} : memref<96xi32, #tpu.memory_space<vmem>>, vector<16xi32>,
      %get3A_220 = arith.constant 32 : index
      %get3A_221 = tpu.vector_load %arg7[%get3A_220] {strides = array<i32>} : memref<96xi32, #tpu.memory_space<vmem>>, vector<16xi32>,
      %get3A_222 = vector.shape_cast %get3A_221 : vector<16xi32> to vector<16xi32>
      %sub3A_223 = vector.broadcast %mul3A_52 : i32 to vector<16xi32>
      %sub3A_224 = arith.subi %get3A_222, %sub3A_223 : vector<16xi32>
      %ge3A_225 = arith.constant 0 : i32
      %ge3A_226 = vector.broadcast %ge3A_225 : i32 to vector<16xi32>
      %ge3A_227 = arith.cmpi sge, %sub3A_224, %ge3A_226 : vector<16xi32>
      %lt3A_228 = arith.constant 8448 : i32
      %lt3A_229 = vector.broadcast %lt3A_228 : i32 to vector<16xi32>
      %lt3A_230 = arith.cmpi slt, %sub3A_224, %lt3A_229 : vector<16xi32>
      %and3A_231 = arith.andi %ge3A_227, %lt3A_230 : vector<16xi1>
      %jit3A_232 = arith.constant 8448 : i32
      %broadcast_in_dim3A_233 = vector.broadcast %jit3A_232 : i32 to vector<16xi32>
      %select_n3A_234 = arith.select %and3A_231, %sub3A_224, %broadcast_in_dim3A_233 : vector<16xi1>, vector<16xi32>
      %swap3A_235 = arith.constant 32 : index
      %swap3A_236 = tpu.vector_load %arg9[%swap3A_235] {strides = array<i32>} : memref<96xi32, #tpu.memory_space<vmem>>, vector<16xi32>,
      %swap3A_237 = vector.shape_cast %swap3A_236 : vector<16xi32> to vector<16xi32>
      %swap3A_238 = vector.shape_cast %select_n3A_234 : vector<16xi32> to vector<16xi32>
      tpu.vector_store %arg9[%swap3A_235], %swap3A_238 {strides = array<i32>} : memref<96xi32, #tpu.memory_space<vmem>>, vector<16xi32>,
      %get3A_239 = arith.constant 48 : index
      %get3A_240 = tpu.vector_load %arg7[%get3A_239] {strides = array<i32>} : memref<96xi32, #tpu.memory_space<vmem>>, vector<16xi32>,
      %get3A_241 = vector.shape_cast %get3A_240 : vector<16xi32> to vector<16xi32>
      %sub3A_242 = vector.broadcast %mul3A_52 : i32 to vector<16xi32>
      %sub3A_243 = arith.subi %get3A_241, %sub3A_242 : vector<16xi32>
      %ge3A_244 = arith.constant 0 : i32
      %ge3A_245 = vector.broadcast %ge3A_244 : i32 to vector<16xi32>
      %ge3A_246 = arith.cmpi sge, %sub3A_243, %ge3A_245 : vector<16xi32>
      %lt3A_247 = arith.constant 8448 : i32
      %lt3A_248 = vector.broadcast %lt3A_247 : i32 to vector<16xi32>
      %lt3A_249 = arith.cmpi slt, %sub3A_243, %lt3A_248 : vector<16xi32>
      %and3A_250 = arith.andi %ge3A_246, %lt3A_249 : vector<16xi1>
      %jit3A_251 = arith.constant 8448 : i32
      %broadcast_in_dim3A_252 = vector.broadcast %jit3A_251 : i32 to vector<16xi32>
      %select_n3A_253 = arith.select %and3A_250, %sub3A_243, %broadcast_in_dim3A_252 : vector<16xi1>, vector<16xi32>
      %swap3A_254 = arith.constant 48 : index
      %swap3A_255 = tpu.vector_load %arg9[%swap3A_254] {strides = array<i32>} : memref<96xi32, #tpu.memory_space<vmem>>, vector<16xi32>,
      %swap3A_256 = vector.shape_cast %swap3A_255 : vector<16xi32> to vector<16xi32>
      %swap3A_257 = vector.shape_cast %select_n3A_253 : vector<16xi32> to vector<16xi32>
      tpu.vector_store %arg9[%swap3A_254], %swap3A_257 {strides = array<i32>} : memref<96xi32, #tpu.memory_space<vmem>>, vector<16xi32>,
      %get3A_258 = arith.constant 64 : index
      %get3A_259 = tpu.vector_load %arg7[%get3A_258] {strides = array<i32>} : memref<96xi32, #tpu.memory_space<vmem>>, vector<16xi32>,
      %get3A_260 = vector.shape_cast %get3A_259 : vector<16xi32> to vector<16xi32>
      %sub3A_261 = vector.broadcast %mul3A_52 : i32 to vector<16xi32>
      %sub3A_262 = arith.subi %get3A_260, %sub3A_261 : vector<16xi32>
      %ge3A_263 = arith.constant 0 : i32
      %ge3A_264 = vector.broadcast %ge3A_263 : i32 to vector<16xi32>
      %ge3A_265 = arith.cmpi sge, %sub3A_262, %ge3A_264 : vector<16xi32>
      %lt3A_266 = arith.constant 8448 : i32
      %lt3A_267 = vector.broadcast %lt3A_266 : i32 to vector<16xi32>
      %lt3A_268 = arith.cmpi slt, %sub3A_262, %lt3A_267 : vector<16xi32>
      %and3A_269 = arith.andi %ge3A_265, %lt3A_268 : vector<16xi1>
      %jit3A_270 = arith.constant 8448 : i32
      %broadcast_in_dim3A_271 = vector.broadcast %jit3A_270 : i32 to vector<16xi32>
      %select_n3A_272 = arith.select %and3A_269, %sub3A_262, %broadcast_in_dim3A_271 : vector<16xi1>, vector<16xi32>
      %swap3A_273 = arith.constant 64 : index
      %swap3A_274 = tpu.vector_load %arg9[%swap3A_273] {strides = array<i32>} : memref<96xi32, #tpu.memory_space<vmem>>, vector<16xi32>,
      %swap3A_275 = vector.shape_cast %swap3A_274 : vector<16xi32> to vector<16xi32>
      %swap3A_276 = vector.shape_cast %select_n3A_272 : vector<16xi32> to vector<16xi32>
      tpu.vector_store %arg9[%swap3A_273], %swap3A_276 {strides = array<i32>} : memref<96xi32, #tpu.memory_space<vmem>>, vector<16xi32>,
      %get3A_277 = arith.constant 80 : index
      %get3A_278 = tpu.vector_load %arg7[%get3A_277] {strides = array<i32>} : memref<96xi32, #tpu.memory_space<vmem>>, vector<16xi32>,
      %get3A_279 = vector.shape_cast %get3A_278 : vector<16xi32> to vector<16xi32>
      %sub3A_280 = vector.broadcast %mul3A_52 : i32 to vector<16xi32>
      %sub3A_281 = arith.subi %get3A_279, %sub3A_280 : vector<16xi32>
      %ge3A_282 = arith.constant 0 : i32
      %ge3A_283 = vector.broadcast %ge3A_282 : i32 to vector<16xi32>
      %ge3A_284 = arith.cmpi sge, %sub3A_281, %ge3A_283 : vector<16xi32>
      %lt3A_285 = arith.constant 8448 : i32
      %lt3A_286 = vector.broadcast %lt3A_285 : i32 to vector<16xi32>
      %lt3A_287 = arith.cmpi slt, %sub3A_281, %lt3A_286 : vector<16xi32>
      %and3A_288 = arith.andi %ge3A_284, %lt3A_287 : vector<16xi1>
      %jit3A_289 = arith.constant 8448 : i32
      %broadcast_in_dim3A_290 = vector.broadcast %jit3A_289 : i32 to vector<16xi32>
      %select_n3A_291 = arith.select %and3A_288, %sub3A_281, %broadcast_in_dim3A_290 : vector<16xi1>, vector<16xi32>
      %swap3A_292 = arith.constant 80 : index
      %swap3A_293 = tpu.vector_load %arg9[%swap3A_292] {strides = array<i32>} : memref<96xi32, #tpu.memory_space<vmem>>, vector<16xi32>,
      %swap3A_294 = vector.shape_cast %swap3A_293 : vector<16xi32> to vector<16xi32>
      %swap3A_295 = vector.shape_cast %select_n3A_291 : vector<16xi32> to vector<16xi32>
      tpu.vector_store %arg9[%swap3A_292], %swap3A_295 {strides = array<i32>} : memref<96xi32, #tpu.memory_space<vmem>>, vector<16xi32>,
      %get3A_296 = arith.constant 0 : index
      %get3A_297 = tpu.vector_load %arg11[%get3A_296] {strides = array<i32>} : memref<96xi32, #tpu.memory_space<vmem>>, vector<16xi32>,
      %get3A_298 = vector.shape_cast %get3A_297 : vector<16xi32> to vector<16xi32>
      %sub3A_299 = vector.broadcast %mul3A_52 : i32 to vector<16xi32>
      %sub3A_300 = arith.subi %get3A_298, %sub3A_299 : vector<16xi32>
      %ge3A_301 = arith.constant 0 : i32
      %ge3A_302 = vector.broadcast %ge3A_301 : i32 to vector<16xi32>
      %ge3A_303 = arith.cmpi sge, %sub3A_300, %ge3A_302 : vector<16xi32>
      %lt3A_304 = arith.constant 8448 : i32
      %lt3A_305 = vector.broadcast %lt3A_304 : i32 to vector<16xi32>
      %lt3A_306 = arith.cmpi slt, %sub3A_300, %lt3A_305 : vector<16xi32>
      %and3A_307 = arith.andi %ge3A_303, %lt3A_306 : vector<16xi1>
      %jit3A_308 = arith.constant 8448 : i32
      %broadcast_in_dim3A_309 = vector.broadcast %jit3A_308 : i32 to vector<16xi32>
      %select_n3A_310 = arith.select %and3A_307, %sub3A_300, %broadcast_in_dim3A_309 : vector<16xi1>, vector<16xi32>
      %swap3A_311 = arith.constant 0 : index
      %swap3A_312 = tpu.vector_load %arg13[%swap3A_311] {strides = array<i32>} : memref<96xi32, #tpu.memory_space<vmem>>, vector<16xi32>,
      %swap3A_313 = vector.shape_cast %swap3A_312 : vector<16xi32> to vector<16xi32>
      %swap3A_314 = vector.shape_cast %select_n3A_310 : vector<16xi32> to vector<16xi32>
      tpu.vector_store %arg13[%swap3A_311], %swap3A_314 {strides = array<i32>} : memref<96xi32, #tpu.memory_space<vmem>>, vector<16xi32>,
      %get3A_315 = arith.constant 16 : index
      %get3A_316 = tpu.vector_load %arg11[%get3A_315] {strides = array<i32>} : memref<96xi32, #tpu.memory_space<vmem>>, vector<16xi32>,
      %get3A_317 = vector.shape_cast %get3A_316 : vector<16xi32> to vector<16xi32>
      %sub3A_318 = vector.broadcast %mul3A_52 : i32 to vector<16xi32>
      %sub3A_319 = arith.subi %get3A_317, %sub3A_318 : vector<16xi32>
      %ge3A_320 = arith.constant 0 : i32
      %ge3A_321 = vector.broadcast %ge3A_320 : i32 to vector<16xi32>
      %ge3A_322 = arith.cmpi sge, %sub3A_319, %ge3A_321 : vector<16xi32>
      %lt3A_323 = arith.constant 8448 : i32
      %lt3A_324 = vector.broadcast %lt3A_323 : i32 to vector<16xi32>
      %lt3A_325 = arith.cmpi slt, %sub3A_319, %lt3A_324 : vector<16xi32>
      %and3A_326 = arith.andi %ge3A_322, %lt3A_325 : vector<16xi1>
      %jit3A_327 = arith.constant 8448 : i32
      %broadcast_in_dim3A_328 = vector.broadcast %jit3A_327 : i32 to vector<16xi32>
      %select_n3A_329 = arith.select %and3A_326, %sub3A_319, %broadcast_in_dim3A_328 : vector<16xi1>, vector<16xi32>
      %swap3A_330 = arith.constant 16 : index
      %swap3A_331 = tpu.vector_load %arg13[%swap3A_330] {strides = array<i32>} : memref<96xi32, #tpu.memory_space<vmem>>, vector<16xi32>,
      %swap3A_332 = vector.shape_cast %swap3A_331 : vector<16xi32> to vector<16xi32>
      %swap3A_333 = vector.shape_cast %select_n3A_329 : vector<16xi32> to vector<16xi32>
      tpu.vector_store %arg13[%swap3A_330], %swap3A_333 {strides = array<i32>} : memref<96xi32, #tpu.memory_space<vmem>>, vector<16xi32>,
      %get3A_334 = arith.constant 32 : index
      %get3A_335 = tpu.vector_load %arg11[%get3A_334] {strides = array<i32>} : memref<96xi32, #tpu.memory_space<vmem>>, vector<16xi32>,
      %get3A_336 = vector.shape_cast %get3A_335 : vector<16xi32> to vector<16xi32>
      %sub3A_337 = vector.broadcast %mul3A_52 : i32 to vector<16xi32>
      %sub3A_338 = arith.subi %get3A_336, %sub3A_337 : vector<16xi32>
      %ge3A_339 = arith.constant 0 : i32
      %ge3A_340 = vector.broadcast %ge3A_339 : i32 to vector<16xi32>
      %ge3A_341 = arith.cmpi sge, %sub3A_338, %ge3A_340 : vector<16xi32>
      %lt3A_342 = arith.constant 8448 : i32
      %lt3A_343 = vector.broadcast %lt3A_342 : i32 to vector<16xi32>
      %lt3A_344 = arith.cmpi slt, %sub3A_338, %lt3A_343 : vector<16xi32>
      %and3A_345 = arith.andi %ge3A_341, %lt3A_344 : vector<16xi1>
      %jit3A_346 = arith.constant 8448 : i32
      %broadcast_in_dim3A_347 = vector.broadcast %jit3A_346 : i32 to vector<16xi32>
      %select_n3A_348 = arith.select %and3A_345, %sub3A_338, %broadcast_in_dim3A_347 : vector<16xi1>, vector<16xi32>
      %swap3A_349 = arith.constant 32 : index
      %swap3A_350 = tpu.vector_load %arg13[%swap3A_349] {strides = array<i32>} : memref<96xi32, #tpu.memory_space<vmem>>, vector<16xi32>,
      %swap3A_351 = vector.shape_cast %swap3A_350 : vector<16xi32> to vector<16xi32>
      %swap3A_352 = vector.shape_cast %select_n3A_348 : vector<16xi32> to vector<16xi32>
      tpu.vector_store %arg13[%swap3A_349], %swap3A_352 {strides = array<i32>} : memref<96xi32, #tpu.memory_space<vmem>>, vector<16xi32>,
      %get3A_353 = arith.constant 48 : index
      %get3A_354 = tpu.vector_load %arg11[%get3A_353] {strides = array<i32>} : memref<96xi32, #tpu.memory_space<vmem>>, vector<16xi32>,
      %get3A_355 = vector.shape_cast %get3A_354 : vector<16xi32> to vector<16xi32>
      %sub3A_356 = vector.broadcast %mul3A_52 : i32 to vector<16xi32>
      %sub3A_357 = arith.subi %get3A_355, %sub3A_356 : vector<16xi32>
      %ge3A_358 = arith.constant 0 : i32
      %ge3A_359 = vector.broadcast %ge3A_358 : i32 to vector<16xi32>
      %ge3A_360 = arith.cmpi sge, %sub3A_357, %ge3A_359 : vector<16xi32>
      %lt3A_361 = arith.constant 8448 : i32
      %lt3A_362 = vector.broadcast %lt3A_361 : i32 to vector<16xi32>
      %lt3A_363 = arith.cmpi slt, %sub3A_357, %lt3A_362 : vector<16xi32>
      %and3A_364 = arith.andi %ge3A_360, %lt3A_363 : vector<16xi1>
      %jit3A_365 = arith.constant 8448 : i32
      %broadcast_in_dim3A_366 = vector.broadcast %jit3A_365 : i32 to vector<16xi32>
      %select_n3A_367 = arith.select %and3A_364, %sub3A_357, %broadcast_in_dim3A_366 : vector<16xi1>, vector<16xi32>
      %swap3A_368 = arith.constant 48 : index
      %swap3A_369 = tpu.vector_load %arg13[%swap3A_368] {strides = array<i32>} : memref<96xi32, #tpu.memory_space<vmem>>, vector<16xi32>,
      %swap3A_370 = vector.shape_cast %swap3A_369 : vector<16xi32> to vector<16xi32>
      %swap3A_371 = vector.shape_cast %select_n3A_367 : vector<16xi32> to vector<16xi32>
      tpu.vector_store %arg13[%swap3A_368], %swap3A_371 {strides = array<i32>} : memref<96xi32, #tpu.memory_space<vmem>>, vector<16xi32>,
      %get3A_372 = arith.constant 64 : index
      %get3A_373 = tpu.vector_load %arg11[%get3A_372] {strides = array<i32>} : memref<96xi32, #tpu.memory_space<vmem>>, vector<16xi32>,
      %get3A_374 = vector.shape_cast %get3A_373 : vector<16xi32> to vector<16xi32>
      %sub3A_375 = vector.broadcast %mul3A_52 : i32 to vector<16xi32>
      %sub3A_376 = arith.subi %get3A_374, %sub3A_375 : vector<16xi32>
      %ge3A_377 = arith.constant 0 : i32
      %ge3A_378 = vector.broadcast %ge3A_377 : i32 to vector<16xi32>
      %ge3A_379 = arith.cmpi sge, %sub3A_376, %ge3A_378 : vector<16xi32>
      %lt3A_380 = arith.constant 8448 : i32
      %lt3A_381 = vector.broadcast %lt3A_380 : i32 to vector<16xi32>
      %lt3A_382 = arith.cmpi slt, %sub3A_376, %lt3A_381 : vector<16xi32>
      %and3A_383 = arith.andi %ge3A_379, %lt3A_382 : vector<16xi1>
      %jit3A_384 = arith.constant 8448 : i32
      %broadcast_in_dim3A_385 = vector.broadcast %jit3A_384 : i32 to vector<16xi32>
      %select_n3A_386 = arith.select %and3A_383, %sub3A_376, %broadcast_in_dim3A_385 : vector<16xi1>, vector<16xi32>
      %swap3A_387 = arith.constant 64 : index
      %swap3A_388 = tpu.vector_load %arg13[%swap3A_387] {strides = array<i32>} : memref<96xi32, #tpu.memory_space<vmem>>, vector<16xi32>,
      %swap3A_389 = vector.shape_cast %swap3A_388 : vector<16xi32> to vector<16xi32>
      %swap3A_390 = vector.shape_cast %select_n3A_386 : vector<16xi32> to vector<16xi32>
      tpu.vector_store %arg13[%swap3A_387], %swap3A_390 {strides = array<i32>} : memref<96xi32, #tpu.memory_space<vmem>>, vector<16xi32>,
      %get3A_391 = arith.constant 80 : index
      %get3A_392 = tpu.vector_load %arg11[%get3A_391] {strides = array<i32>} : memref<96xi32, #tpu.memory_space<vmem>>, vector<16xi32>,
      %get3A_393 = vector.shape_cast %get3A_392 : vector<16xi32> to vector<16xi32>
      %sub3A_394 = vector.broadcast %mul3A_52 : i32 to vector<16xi32>
      %sub3A_395 = arith.subi %get3A_393, %sub3A_394 : vector<16xi32>
      %ge3A_396 = arith.constant 0 : i32
      %ge3A_397 = vector.broadcast %ge3A_396 : i32 to vector<16xi32>
      %ge3A_398 = arith.cmpi sge, %sub3A_395, %ge3A_397 : vector<16xi32>
      %lt3A_399 = arith.constant 8448 : i32
      %lt3A_400 = vector.broadcast %lt3A_399 : i32 to vector<16xi32>
      %lt3A_401 = arith.cmpi slt, %sub3A_395, %lt3A_400 : vector<16xi32>
      %and3A_402 = arith.andi %ge3A_398, %lt3A_401 : vector<16xi1>
      %jit3A_403 = arith.constant 8448 : i32
      %broadcast_in_dim3A_404 = vector.broadcast %jit3A_403 : i32 to vector<16xi32>
      %select_n3A_405 = arith.select %and3A_402, %sub3A_395, %broadcast_in_dim3A_404 : vector<16xi1>, vector<16xi32>
      %swap3A_406 = arith.constant 80 : index
      %swap3A_407 = tpu.vector_load %arg13[%swap3A_406] {strides = array<i32>} : memref<96xi32, #tpu.memory_space<vmem>>, vector<16xi32>,
      %swap3A_408 = vector.shape_cast %swap3A_407 : vector<16xi32> to vector<16xi32>
      %swap3A_409 = vector.shape_cast %select_n3A_405 : vector<16xi32> to vector<16xi32>
      tpu.vector_store %arg13[%swap3A_406], %swap3A_409 {strides = array<i32>} : memref<96xi32, #tpu.memory_space<vmem>>, vector<16xi32>,
      %get3A_410 = arith.constant 0 : index
      %get3A_411 = tpu.vector_load %arg15[%get3A_410] {strides = array<i32>} : memref<96xi32, #tpu.memory_space<vmem>>, vector<16xi32>,
      %get3A_412 = vector.shape_cast %get3A_411 : vector<16xi32> to vector<16xi32>
      %sub3A_413 = vector.broadcast %mul3A_52 : i32 to vector<16xi32>
      %sub3A_414 = arith.subi %get3A_412, %sub3A_413 : vector<16xi32>
      %ge3A_415 = arith.constant 0 : i32
      %ge3A_416 = vector.broadcast %ge3A_415 : i32 to vector<16xi32>
      %ge3A_417 = arith.cmpi sge, %sub3A_414, %ge3A_416 : vector<16xi32>
      %lt3A_418 = arith.constant 8448 : i32
      %lt3A_419 = vector.broadcast %lt3A_418 : i32 to vector<16xi32>
      %lt3A_420 = arith.cmpi slt, %sub3A_414, %lt3A_419 : vector<16xi32>
      %and3A_421 = arith.andi %ge3A_417, %lt3A_420 : vector<16xi1>
      %jit3A_422 = arith.constant 8448 : i32
      %broadcast_in_dim3A_423 = vector.broadcast %jit3A_422 : i32 to vector<16xi32>
      %select_n3A_424 = arith.select %and3A_421, %sub3A_414, %broadcast_in_dim3A_423 : vector<16xi1>, vector<16xi32>
      %swap3A_425 = arith.constant 0 : index
      %swap3A_426 = tpu.vector_load %arg17[%swap3A_425] {strides = array<i32>} : memref<96xi32, #tpu.memory_space<vmem>>, vector<16xi32>,
      %swap3A_427 = vector.shape_cast %swap3A_426 : vector<16xi32> to vector<16xi32>
      %swap3A_428 = vector.shape_cast %select_n3A_424 : vector<16xi32> to vector<16xi32>
      tpu.vector_store %arg17[%swap3A_425], %swap3A_428 {strides = array<i32>} : memref<96xi32, #tpu.memory_space<vmem>>, vector<16xi32>,
      %get3A_429 = arith.constant 16 : index
      %get3A_430 = tpu.vector_load %arg15[%get3A_429] {strides = array<i32>} : memref<96xi32, #tpu.memory_space<vmem>>, vector<16xi32>,
      %get3A_431 = vector.shape_cast %get3A_430 : vector<16xi32> to vector<16xi32>
      %sub3A_432 = vector.broadcast %mul3A_52 : i32 to vector<16xi32>
      %sub3A_433 = arith.subi %get3A_431, %sub3A_432 : vector<16xi32>
      %ge3A_434 = arith.constant 0 : i32
      %ge3A_435 = vector.broadcast %ge3A_434 : i32 to vector<16xi32>
      %ge3A_436 = arith.cmpi sge, %sub3A_433, %ge3A_435 : vector<16xi32>
      %lt3A_437 = arith.constant 8448 : i32
      %lt3A_438 = vector.broadcast %lt3A_437 : i32 to vector<16xi32>
      %lt3A_439 = arith.cmpi slt, %sub3A_433, %lt3A_438 : vector<16xi32>
      %and3A_440 = arith.andi %ge3A_436, %lt3A_439 : vector<16xi1>
      %jit3A_441 = arith.constant 8448 : i32
      %broadcast_in_dim3A_442 = vector.broadcast %jit3A_441 : i32 to vector<16xi32>
      %select_n3A_443 = arith.select %and3A_440, %sub3A_433, %broadcast_in_dim3A_442 : vector<16xi1>, vector<16xi32>
      %swap3A_444 = arith.constant 16 : index
      %swap3A_445 = tpu.vector_load %arg17[%swap3A_444] {strides = array<i32>} : memref<96xi32, #tpu.memory_space<vmem>>, vector<16xi32>,
      %swap3A_446 = vector.shape_cast %swap3A_445 : vector<16xi32> to vector<16xi32>
      %swap3A_447 = vector.shape_cast %select_n3A_443 : vector<16xi32> to vector<16xi32>
      tpu.vector_store %arg17[%swap3A_444], %swap3A_447 {strides = array<i32>} : memref<96xi32, #tpu.memory_space<vmem>>, vector<16xi32>,
      %get3A_448 = arith.constant 32 : index
      %get3A_449 = tpu.vector_load %arg15[%get3A_448] {strides = array<i32>} : memref<96xi32, #tpu.memory_space<vmem>>, vector<16xi32>,
      %get3A_450 = vector.shape_cast %get3A_449 : vector<16xi32> to vector<16xi32>
      %sub3A_451 = vector.broadcast %mul3A_52 : i32 to vector<16xi32>
      %sub3A_452 = arith.subi %get3A_450, %sub3A_451 : vector<16xi32>
      %ge3A_453 = arith.constant 0 : i32
      %ge3A_454 = vector.broadcast %ge3A_453 : i32 to vector<16xi32>
      %ge3A_455 = arith.cmpi sge, %sub3A_452, %ge3A_454 : vector<16xi32>
      %lt3A_456 = arith.constant 8448 : i32
      %lt3A_457 = vector.broadcast %lt3A_456 : i32 to vector<16xi32>
      %lt3A_458 = arith.cmpi slt, %sub3A_452, %lt3A_457 : vector<16xi32>
      %and3A_459 = arith.andi %ge3A_455, %lt3A_458 : vector<16xi1>
      %jit3A_460 = arith.constant 8448 : i32
      %broadcast_in_dim3A_461 = vector.broadcast %jit3A_460 : i32 to vector<16xi32>
      %select_n3A_462 = arith.select %and3A_459, %sub3A_452, %broadcast_in_dim3A_461 : vector<16xi1>, vector<16xi32>
      %swap3A_463 = arith.constant 32 : index
      %swap3A_464 = tpu.vector_load %arg17[%swap3A_463] {strides = array<i32>} : memref<96xi32, #tpu.memory_space<vmem>>, vector<16xi32>,
      %swap3A_465 = vector.shape_cast %swap3A_464 : vector<16xi32> to vector<16xi32>
      %swap3A_466 = vector.shape_cast %select_n3A_462 : vector<16xi32> to vector<16xi32>
      tpu.vector_store %arg17[%swap3A_463], %swap3A_466 {strides = array<i32>} : memref<96xi32, #tpu.memory_space<vmem>>, vector<16xi32>,
      %get3A_467 = arith.constant 48 : index
      %get3A_468 = tpu.vector_load %arg15[%get3A_467] {strides = array<i32>} : memref<96xi32, #tpu.memory_space<vmem>>, vector<16xi32>,
      %get3A_469 = vector.shape_cast %get3A_468 : vector<16xi32> to vector<16xi32>
      %sub3A_470 = vector.broadcast %mul3A_52 : i32 to vector<16xi32>
      %sub3A_471 = arith.subi %get3A_469, %sub3A_470 : vector<16xi32>
      %ge3A_472 = arith.constant 0 : i32
      %ge3A_473 = vector.broadcast %ge3A_472 : i32 to vector<16xi32>
      %ge3A_474 = arith.cmpi sge, %sub3A_471, %ge3A_473 : vector<16xi32>
      %lt3A_475 = arith.constant 8448 : i32
      %lt3A_476 = vector.broadcast %lt3A_475 : i32 to vector<16xi32>
      %lt3A_477 = arith.cmpi slt, %sub3A_471, %lt3A_476 : vector<16xi32>
      %and3A_478 = arith.andi %ge3A_474, %lt3A_477 : vector<16xi1>
      %jit3A_479 = arith.constant 8448 : i32
      %broadcast_in_dim3A_480 = vector.broadcast %jit3A_479 : i32 to vector<16xi32>
      %select_n3A_481 = arith.select %and3A_478, %sub3A_471, %broadcast_in_dim3A_480 : vector<16xi1>, vector<16xi32>
      %swap3A_482 = arith.constant 48 : index
      %swap3A_483 = tpu.vector_load %arg17[%swap3A_482] {strides = array<i32>} : memref<96xi32, #tpu.memory_space<vmem>>, vector<16xi32>,
      %swap3A_484 = vector.shape_cast %swap3A_483 : vector<16xi32> to vector<16xi32>
      %swap3A_485 = vector.shape_cast %select_n3A_481 : vector<16xi32> to vector<16xi32>
      tpu.vector_store %arg17[%swap3A_482], %swap3A_485 {strides = array<i32>} : memref<96xi32, #tpu.memory_space<vmem>>, vector<16xi32>,
      %get3A_486 = arith.constant 64 : index
      %get3A_487 = tpu.vector_load %arg15[%get3A_486] {strides = array<i32>} : memref<96xi32, #tpu.memory_space<vmem>>, vector<16xi32>,
      %get3A_488 = vector.shape_cast %get3A_487 : vector<16xi32> to vector<16xi32>
      %sub3A_489 = vector.broadcast %mul3A_52 : i32 to vector<16xi32>
      %sub3A_490 = arith.subi %get3A_488, %sub3A_489 : vector<16xi32>
      %ge3A_491 = arith.constant 0 : i32
      %ge3A_492 = vector.broadcast %ge3A_491 : i32 to vector<16xi32>
      %ge3A_493 = arith.cmpi sge, %sub3A_490, %ge3A_492 : vector<16xi32>
      %lt3A_494 = arith.constant 8448 : i32
      %lt3A_495 = vector.broadcast %lt3A_494 : i32 to vector<16xi32>
      %lt3A_496 = arith.cmpi slt, %sub3A_490, %lt3A_495 : vector<16xi32>
      %and3A_497 = arith.andi %ge3A_493, %lt3A_496 : vector<16xi1>
      %jit3A_498 = arith.constant 8448 : i32
      %broadcast_in_dim3A_499 = vector.broadcast %jit3A_498 : i32 to vector<16xi32>
      %select_n3A_500 = arith.select %and3A_497, %sub3A_490, %broadcast_in_dim3A_499 : vector<16xi1>, vector<16xi32>
      %swap3A_501 = arith.constant 64 : index
      %swap3A_502 = tpu.vector_load %arg17[%swap3A_501] {strides = array<i32>} : memref<96xi32, #tpu.memory_space<vmem>>, vector<16xi32>,
      %swap3A_503 = vector.shape_cast %swap3A_502 : vector<16xi32> to vector<16xi32>
      %swap3A_504 = vector.shape_cast %select_n3A_500 : vector<16xi32> to vector<16xi32>
      tpu.vector_store %arg17[%swap3A_501], %swap3A_504 {strides = array<i32>} : memref<96xi32, #tpu.memory_space<vmem>>, vector<16xi32>,
      %get3A_505 = arith.constant 80 : index
      %get3A_506 = tpu.vector_load %arg15[%get3A_505] {strides = array<i32>} : memref<96xi32, #tpu.memory_space<vmem>>, vector<16xi32>,
      %get3A_507 = vector.shape_cast %get3A_506 : vector<16xi32> to vector<16xi32>
      %sub3A_508 = vector.broadcast %mul3A_52 : i32 to vector<16xi32>
      %sub3A_509 = arith.subi %get3A_507, %sub3A_508 : vector<16xi32>
      %ge3A_510 = arith.constant 0 : i32
      %ge3A_511 = vector.broadcast %ge3A_510 : i32 to vector<16xi32>
      %ge3A_512 = arith.cmpi sge, %sub3A_509, %ge3A_511 : vector<16xi32>
      %lt3A_513 = arith.constant 8448 : i32
      %lt3A_514 = vector.broadcast %lt3A_513 : i32 to vector<16xi32>
      %lt3A_515 = arith.cmpi slt, %sub3A_509, %lt3A_514 : vector<16xi32>
      %and3A_516 = arith.andi %ge3A_512, %lt3A_515 : vector<16xi1>
      %jit3A_517 = arith.constant 8448 : i32
      %broadcast_in_dim3A_518 = vector.broadcast %jit3A_517 : i32 to vector<16xi32>
      %select_n3A_519 = arith.select %and3A_516, %sub3A_509, %broadcast_in_dim3A_518 : vector<16xi1>, vector<16xi32>
      %swap3A_520 = arith.constant 80 : index
      %swap3A_521 = tpu.vector_load %arg17[%swap3A_520] {strides = array<i32>} : memref<96xi32, #tpu.memory_space<vmem>>, vector<16xi32>,
      %swap3A_522 = vector.shape_cast %swap3A_521 : vector<16xi32> to vector<16xi32>
      %swap3A_523 = vector.shape_cast %select_n3A_519 : vector<16xi32> to vector<16xi32>
      tpu.vector_store %arg17[%swap3A_520], %swap3A_523 {strides = array<i32>} : memref<96xi32, #tpu.memory_space<vmem>>, vector<16xi32>,
      %get3A_524 = arith.constant 0 : index
      %get3A_525 = tpu.vector_load %arg19[%get3A_524] {strides = array<i32>} : memref<96xi32, #tpu.memory_space<vmem>>, vector<16xi32>,
      %get3A_526 = vector.shape_cast %get3A_525 : vector<16xi32> to vector<16xi32>
      %sub3A_527 = vector.broadcast %mul3A_52 : i32 to vector<16xi32>
      %sub3A_528 = arith.subi %get3A_526, %sub3A_527 : vector<16xi32>
      %ge3A_529 = arith.constant 0 : i32
      %ge3A_530 = vector.broadcast %ge3A_529 : i32 to vector<16xi32>
      %ge3A_531 = arith.cmpi sge, %sub3A_528, %ge3A_530 : vector<16xi32>
      %lt3A_532 = arith.constant 8448 : i32
      %lt3A_533 = vector.broadcast %lt3A_532 : i32 to vector<16xi32>
      %lt3A_534 = arith.cmpi slt, %sub3A_528, %lt3A_533 : vector<16xi32>
      %and3A_535 = arith.andi %ge3A_531, %lt3A_534 : vector<16xi1>
      %jit3A_536 = arith.constant 8448 : i32
      %broadcast_in_dim3A_537 = vector.broadcast %jit3A_536 : i32 to vector<16xi32>
      %select_n3A_538 = arith.select %and3A_535, %sub3A_528, %broadcast_in_dim3A_537 : vector<16xi1>, vector<16xi32>
      %swap3A_539 = arith.constant 0 : index
      %swap3A_540 = tpu.vector_load %arg21[%swap3A_539] {strides = array<i32>} : memref<96xi32, #tpu.memory_space<vmem>>, vector<16xi32>,
      %swap3A_541 = vector.shape_cast %swap3A_540 : vector<16xi32> to vector<16xi32>
      %swap3A_542 = vector.shape_cast %select_n3A_538 : vector<16xi32> to vector<16xi32>
      tpu.vector_store %arg21[%swap3A_539], %swap3A_542 {strides = array<i32>} : memref<96xi32, #tpu.memory_space<vmem>>, vector<16xi32>,
      %get3A_543 = arith.constant 16 : index
      %get3A_544 = tpu.vector_load %arg19[%get3A_543] {strides = array<i32>} : memref<96xi32, #tpu.memory_space<vmem>>, vector<16xi32>,
      %get3A_545 = vector.shape_cast %get3A_544 : vector<16xi32> to vector<16xi32>
      %sub3A_546 = vector.broadcast %mul3A_52 : i32 to vector<16xi32>
      %sub3A_547 = arith.subi %get3A_545, %sub3A_546 : vector<16xi32>
      %ge3A_548 = arith.constant 0 : i32
      %ge3A_549 = vector.broadcast %ge3A_548 : i32 to vector<16xi32>
      %ge3A_550 = arith.cmpi sge, %sub3A_547, %ge3A_549 : vector<16xi32>
      %lt3A_551 = arith.constant 8448 : i32
      %lt3A_552 = vector.broadcast %lt3A_551 : i32 to vector<16xi32>
      %lt3A_553 = arith.cmpi slt, %sub3A_547, %lt3A_552 : vector<16xi32>
      %and3A_554 = arith.andi %ge3A_550, %lt3A_553 : vector<16xi1>
      %jit3A_555 = arith.constant 8448 : i32
      %broadcast_in_dim3A_556 = vector.broadcast %jit3A_555 : i32 to vector<16xi32>
      %select_n3A_557 = arith.select %and3A_554, %sub3A_547, %broadcast_in_dim3A_556 : vector<16xi1>, vector<16xi32>
      %swap3A_558 = arith.constant 16 : index
      %swap3A_559 = tpu.vector_load %arg21[%swap3A_558] {strides = array<i32>} : memref<96xi32, #tpu.memory_space<vmem>>, vector<16xi32>,
      %swap3A_560 = vector.shape_cast %swap3A_559 : vector<16xi32> to vector<16xi32>
      %swap3A_561 = vector.shape_cast %select_n3A_557 : vector<16xi32> to vector<16xi32>
      tpu.vector_store %arg21[%swap3A_558], %swap3A_561 {strides = array<i32>} : memref<96xi32, #tpu.memory_space<vmem>>, vector<16xi32>,
      %get3A_562 = arith.constant 32 : index
      %get3A_563 = tpu.vector_load %arg19[%get3A_562] {strides = array<i32>} : memref<96xi32, #tpu.memory_space<vmem>>, vector<16xi32>,
      %get3A_564 = vector.shape_cast %get3A_563 : vector<16xi32> to vector<16xi32>
      %sub3A_565 = vector.broadcast %mul3A_52 : i32 to vector<16xi32>
      %sub3A_566 = arith.subi %get3A_564, %sub3A_565 : vector<16xi32>
      %ge3A_567 = arith.constant 0 : i32
      %ge3A_568 = vector.broadcast %ge3A_567 : i32 to vector<16xi32>
      %ge3A_569 = arith.cmpi sge, %sub3A_566, %ge3A_568 : vector<16xi32>
      %lt3A_570 = arith.constant 8448 : i32
      %lt3A_571 = vector.broadcast %lt3A_570 : i32 to vector<16xi32>
      %lt3A_572 = arith.cmpi slt, %sub3A_566, %lt3A_571 : vector<16xi32>
      %and3A_573 = arith.andi %ge3A_569, %lt3A_572 : vector<16xi1>
      %jit3A_574 = arith.constant 8448 : i32
      %broadcast_in_dim3A_575 = vector.broadcast %jit3A_574 : i32 to vector<16xi32>
      %select_n3A_576 = arith.select %and3A_573, %sub3A_566, %broadcast_in_dim3A_575 : vector<16xi1>, vector<16xi32>
      %swap3A_577 = arith.constant 32 : index
      %swap3A_578 = tpu.vector_load %arg21[%swap3A_577] {strides = array<i32>} : memref<96xi32, #tpu.memory_space<vmem>>, vector<16xi32>,
      %swap3A_579 = vector.shape_cast %swap3A_578 : vector<16xi32> to vector<16xi32>
      %swap3A_580 = vector.shape_cast %select_n3A_576 : vector<16xi32> to vector<16xi32>
      tpu.vector_store %arg21[%swap3A_577], %swap3A_580 {strides = array<i32>} : memref<96xi32, #tpu.memory_space<vmem>>, vector<16xi32>,
      %get3A_581 = arith.constant 48 : index
      %get3A_582 = tpu.vector_load %arg19[%get3A_581] {strides = array<i32>} : memref<96xi32, #tpu.memory_space<vmem>>, vector<16xi32>,
      %get3A_583 = vector.shape_cast %get3A_582 : vector<16xi32> to vector<16xi32>
      %sub3A_584 = vector.broadcast %mul3A_52 : i32 to vector<16xi32>
      %sub3A_585 = arith.subi %get3A_583, %sub3A_584 : vector<16xi32>
      %ge3A_586 = arith.constant 0 : i32
      %ge3A_587 = vector.broadcast %ge3A_586 : i32 to vector<16xi32>
      %ge3A_588 = arith.cmpi sge, %sub3A_585, %ge3A_587 : vector<16xi32>
      %lt3A_589 = arith.constant 8448 : i32
      %lt3A_590 = vector.broadcast %lt3A_589 : i32 to vector<16xi32>
      %lt3A_591 = arith.cmpi slt, %sub3A_585, %lt3A_590 : vector<16xi32>
      %and3A_592 = arith.andi %ge3A_588, %lt3A_591 : vector<16xi1>
      %jit3A_593 = arith.constant 8448 : i32
      %broadcast_in_dim3A_594 = vector.broadcast %jit3A_593 : i32 to vector<16xi32>
      %select_n3A_595 = arith.select %and3A_592, %sub3A_585, %broadcast_in_dim3A_594 : vector<16xi1>, vector<16xi32>
      %swap3A_596 = arith.constant 48 : index
      %swap3A_597 = tpu.vector_load %arg21[%swap3A_596] {strides = array<i32>} : memref<96xi32, #tpu.memory_space<vmem>>, vector<16xi32>,
      %swap3A_598 = vector.shape_cast %swap3A_597 : vector<16xi32> to vector<16xi32>
      %swap3A_599 = vector.shape_cast %select_n3A_595 : vector<16xi32> to vector<16xi32>
      tpu.vector_store %arg21[%swap3A_596], %swap3A_599 {strides = array<i32>} : memref<96xi32, #tpu.memory_space<vmem>>, vector<16xi32>,
      %get3A_600 = arith.constant 64 : index
      %get3A_601 = tpu.vector_load %arg19[%get3A_600] {strides = array<i32>} : memref<96xi32, #tpu.memory_space<vmem>>, vector<16xi32>,
      %get3A_602 = vector.shape_cast %get3A_601 : vector<16xi32> to vector<16xi32>
      %sub3A_603 = vector.broadcast %mul3A_52 : i32 to vector<16xi32>
      %sub3A_604 = arith.subi %get3A_602, %sub3A_603 : vector<16xi32>
      %ge3A_605 = arith.constant 0 : i32
      %ge3A_606 = vector.broadcast %ge3A_605 : i32 to vector<16xi32>
      %ge3A_607 = arith.cmpi sge, %sub3A_604, %ge3A_606 : vector<16xi32>
      %lt3A_608 = arith.constant 8448 : i32
      %lt3A_609 = vector.broadcast %lt3A_608 : i32 to vector<16xi32>
      %lt3A_610 = arith.cmpi slt, %sub3A_604, %lt3A_609 : vector<16xi32>
      %and3A_611 = arith.andi %ge3A_607, %lt3A_610 : vector<16xi1>
      %jit3A_612 = arith.constant 8448 : i32
      %broadcast_in_dim3A_613 = vector.broadcast %jit3A_612 : i32 to vector<16xi32>
      %select_n3A_614 = arith.select %and3A_611, %sub3A_604, %broadcast_in_dim3A_613 : vector<16xi1>, vector<16xi32>
      %swap3A_615 = arith.constant 64 : index
      %swap3A_616 = tpu.vector_load %arg21[%swap3A_615] {strides = array<i32>} : memref<96xi32, #tpu.memory_space<vmem>>, vector<16xi32>,
      %swap3A_617 = vector.shape_cast %swap3A_616 : vector<16xi32> to vector<16xi32>
      %swap3A_618 = vector.shape_cast %select_n3A_614 : vector<16xi32> to vector<16xi32>
      tpu.vector_store %arg21[%swap3A_615], %swap3A_618 {strides = array<i32>} : memref<96xi32, #tpu.memory_space<vmem>>, vector<16xi32>,
      %get3A_619 = arith.constant 80 : index
      %get3A_620 = tpu.vector_load %arg19[%get3A_619] {strides = array<i32>} : memref<96xi32, #tpu.memory_space<vmem>>, vector<16xi32>,
      %get3A_621 = vector.shape_cast %get3A_620 : vector<16xi32> to vector<16xi32>
      %sub3A_622 = vector.broadcast %mul3A_52 : i32 to vector<16xi32>
      %sub3A_623 = arith.subi %get3A_621, %sub3A_622 : vector<16xi32>
      %ge3A_624 = arith.constant 0 : i32
      %ge3A_625 = vector.broadcast %ge3A_624 : i32 to vector<16xi32>
      %ge3A_626 = arith.cmpi sge, %sub3A_623, %ge3A_625 : vector<16xi32>
      %lt3A_627 = arith.constant 8448 : i32
      %lt3A_628 = vector.broadcast %lt3A_627 : i32 to vector<16xi32>
      %lt3A_629 = arith.cmpi slt, %sub3A_623, %lt3A_628 : vector<16xi32>
      %and3A_630 = arith.andi %ge3A_626, %lt3A_629 : vector<16xi1>
      %jit3A_631 = arith.constant 8448 : i32
      %broadcast_in_dim3A_632 = vector.broadcast %jit3A_631 : i32 to vector<16xi32>
      %select_n3A_633 = arith.select %and3A_630, %sub3A_623, %broadcast_in_dim3A_632 : vector<16xi1>, vector<16xi32>
      %swap3A_634 = arith.constant 80 : index
      %swap3A_635 = tpu.vector_load %arg21[%swap3A_634] {strides = array<i32>} : memref<96xi32, #tpu.memory_space<vmem>>, vector<16xi32>,
      %swap3A_636 = vector.shape_cast %swap3A_635 : vector<16xi32> to vector<16xi32>
      %swap3A_637 = vector.shape_cast %select_n3A_633 : vector<16xi32> to vector<16xi32>
      tpu.vector_store %arg21[%swap3A_634], %swap3A_637 {strides = array<i32>} : memref<96xi32, #tpu.memory_space<vmem>>, vector<16xi32>,
      %dma_wait3A = arith.constant 0 : i32
      %dma_wait3A_638 = arith.constant 0 : i32
      %dma_wait3A_639 = tpu.memref_slice %arg2[%dma_wait3A, %dma_wait3A_638] : memref<100000x128xf32, #tpu.memory_space<hbm>> -> memref<100000x128xf32, #tpu.memory_space<hbm>>
      tpu.wait_indirect_dma semaphore(%arg23 : memref<!tpu.dma_semaphore, #tpu.memory_space<semaphore_mem>>) src(%dma_wait3A_639 : memref<100000x128xf32, #tpu.memory_space<hbm>>) dst(%arg10 : memref<96x128xf32, #tpu.memory_space<vmem>>)
      "tpu.region"() ({
        %run_scoped3A = tpu.sem_alloc : memref<!tpu.dma_semaphore, #tpu.memory_space<semaphore_mem>>
        %dma_start3A_650 = arith.constant 0 : i32
        %dma_start3A_651 = arith.constant 0 : i32
        %dma_start3A_652 = tpu.memref_slice %arg6[%dma_start3A_650, %dma_start3A_651] : memref<8464x128xf32, #tpu.memory_space<vmem_shared>> -> memref<8464x128xf32, #tpu.memory_space<vmem_shared>>
        tpu.enqueue_indirect_dma source(%arg10 : memref<96x128xf32, #tpu.memory_space<vmem>>) target(%dma_start3A_652 : memref<8464x128xf32, #tpu.memory_space<vmem_shared>>) offsets(%arg9 : memref<96xi32, #tpu.memory_space<vmem>>) semaphore(%run_scoped3A : memref<!tpu.dma_semaphore, #tpu.memory_space<semaphore_mem>>) {add = true}
        %dma_wait3A_653 = arith.constant 0 : i32
        %dma_wait3A_654 = arith.constant 0 : i32
        %dma_wait3A_655 = tpu.memref_slice %arg6[%dma_wait3A_653, %dma_wait3A_654] : memref<8464x128xf32, #tpu.memory_space<vmem_shared>> -> memref<8464x128xf32, #tpu.memory_space<vmem_shared>>
        tpu.wait_indirect_dma semaphore(%run_scoped3A : memref<!tpu.dma_semaphore, #tpu.memory_space<semaphore_mem>>) src(%arg10 : memref<96x128xf32, #tpu.memory_space<vmem>>) dst(%dma_wait3A_655 : memref<8464x128xf32, #tpu.memory_space<vmem_shared>>)
        tpu.yield
      }) : () -> ()
      %dma_wait3A_640 = arith.constant 0 : i32
      %dma_wait3A_641 = arith.constant 0 : i32
      %dma_wait3A_642 = tpu.memref_slice %arg2[%dma_wait3A_640, %dma_wait3A_641] : memref<100000x128xf32, #tpu.memory_space<hbm>> -> memref<100000x128xf32, #tpu.memory_space<hbm>>
      tpu.wait_indirect_dma semaphore(%arg24 : memref<!tpu.dma_semaphore, #tpu.memory_space<semaphore_mem>>) src(%dma_wait3A_642 : memref<100000x128xf32, #tpu.memory_space<hbm>>) dst(%arg14 : memref<96x128xf32, #tpu.memory_space<vmem>>)
      "tpu.region"() ({
        %run_scoped3A = tpu.sem_alloc : memref<!tpu.dma_semaphore, #tpu.memory_space<semaphore_mem>>
        %dma_start3A_650 = arith.constant 0 : i32
        %dma_start3A_651 = arith.constant 0 : i32
        %dma_start3A_652 = tpu.memref_slice %arg6[%dma_start3A_650, %dma_start3A_651] : memref<8464x128xf32, #tpu.memory_space<vmem_shared>> -> memref<8464x128xf32, #tpu.memory_space<vmem_shared>>
        tpu.enqueue_indirect_dma source(%arg14 : memref<96x128xf32, #tpu.memory_space<vmem>>) target(%dma_start3A_652 : memref<8464x128xf32, #tpu.memory_space<vmem_shared>>) offsets(%arg13 : memref<96xi32, #tpu.memory_space<vmem>>) semaphore(%run_scoped3A : memref<!tpu.dma_semaphore, #tpu.memory_space<semaphore_mem>>) {add = true}
        %dma_wait3A_653 = arith.constant 0 : i32
        %dma_wait3A_654 = arith.constant 0 : i32
        %dma_wait3A_655 = tpu.memref_slice %arg6[%dma_wait3A_653, %dma_wait3A_654] : memref<8464x128xf32, #tpu.memory_space<vmem_shared>> -> memref<8464x128xf32, #tpu.memory_space<vmem_shared>>
        tpu.wait_indirect_dma semaphore(%run_scoped3A : memref<!tpu.dma_semaphore, #tpu.memory_space<semaphore_mem>>) src(%arg14 : memref<96x128xf32, #tpu.memory_space<vmem>>) dst(%dma_wait3A_655 : memref<8464x128xf32, #tpu.memory_space<vmem_shared>>)
        tpu.yield
      }) : () -> ()
      %dma_wait3A_643 = arith.constant 0 : i32
      %dma_wait3A_644 = arith.constant 0 : i32
      %dma_wait3A_645 = tpu.memref_slice %arg2[%dma_wait3A_643, %dma_wait3A_644] : memref<100000x128xf32, #tpu.memory_space<hbm>> -> memref<100000x128xf32, #tpu.memory_space<hbm>>
      tpu.wait_indirect_dma semaphore(%arg25 : memref<!tpu.dma_semaphore, #tpu.memory_space<semaphore_mem>>) src(%dma_wait3A_645 : memref<100000x128xf32, #tpu.memory_space<hbm>>) dst(%arg18 : memref<96x128xf32, #tpu.memory_space<vmem>>)
      "tpu.region"() ({
        %run_scoped3A = tpu.sem_alloc : memref<!tpu.dma_semaphore, #tpu.memory_space<semaphore_mem>>
        %dma_start3A_650 = arith.constant 0 : i32
        %dma_start3A_651 = arith.constant 0 : i32
        %dma_start3A_652 = tpu.memref_slice %arg6[%dma_start3A_650, %dma_start3A_651] : memref<8464x128xf32, #tpu.memory_space<vmem_shared>> -> memref<8464x128xf32, #tpu.memory_space<vmem_shared>>
        tpu.enqueue_indirect_dma source(%arg18 : memref<96x128xf32, #tpu.memory_space<vmem>>) target(%dma_start3A_652 : memref<8464x128xf32, #tpu.memory_space<vmem_shared>>) offsets(%arg17 : memref<96xi32, #tpu.memory_space<vmem>>) semaphore(%run_scoped3A : memref<!tpu.dma_semaphore, #tpu.memory_space<semaphore_mem>>) {add = true}
        %dma_wait3A_653 = arith.constant 0 : i32
        %dma_wait3A_654 = arith.constant 0 : i32
        %dma_wait3A_655 = tpu.memref_slice %arg6[%dma_wait3A_653, %dma_wait3A_654] : memref<8464x128xf32, #tpu.memory_space<vmem_shared>> -> memref<8464x128xf32, #tpu.memory_space<vmem_shared>>
        tpu.wait_indirect_dma semaphore(%run_scoped3A : memref<!tpu.dma_semaphore, #tpu.memory_space<semaphore_mem>>) src(%arg18 : memref<96x128xf32, #tpu.memory_space<vmem>>) dst(%dma_wait3A_655 : memref<8464x128xf32, #tpu.memory_space<vmem_shared>>)
        tpu.yield
      }) : () -> ()
      %dma_wait3A_646 = arith.constant 0 : i32
      %dma_wait3A_647 = arith.constant 0 : i32
      %dma_wait3A_648 = tpu.memref_slice %arg2[%dma_wait3A_646, %dma_wait3A_647] : memref<100000x128xf32, #tpu.memory_space<hbm>> -> memref<100000x128xf32, #tpu.memory_space<hbm>>
      tpu.wait_indirect_dma semaphore(%arg26 : memref<!tpu.dma_semaphore, #tpu.memory_space<semaphore_mem>>) src(%dma_wait3A_648 : memref<100000x128xf32, #tpu.memory_space<hbm>>) dst(%arg22 : memref<96x128xf32, #tpu.memory_space<vmem>>)
      "tpu.region"() ({
        %run_scoped3A = tpu.sem_alloc : memref<!tpu.dma_semaphore, #tpu.memory_space<semaphore_mem>>
        %dma_start3A_650 = arith.constant 0 : i32
        %dma_start3A_651 = arith.constant 0 : i32
        %dma_start3A_652 = tpu.memref_slice %arg6[%dma_start3A_650, %dma_start3A_651] : memref<8464x128xf32, #tpu.memory_space<vmem_shared>> -> memref<8464x128xf32, #tpu.memory_space<vmem_shared>>
        tpu.enqueue_indirect_dma source(%arg22 : memref<96x128xf32, #tpu.memory_space<vmem>>) target(%dma_start3A_652 : memref<8464x128xf32, #tpu.memory_space<vmem_shared>>) offsets(%arg21 : memref<96xi32, #tpu.memory_space<vmem>>) semaphore(%run_scoped3A : memref<!tpu.dma_semaphore, #tpu.memory_space<semaphore_mem>>) {add = true}
        %dma_wait3A_653 = arith.constant 0 : i32
        %dma_wait3A_654 = arith.constant 0 : i32
        %dma_wait3A_655 = tpu.memref_slice %arg6[%dma_wait3A_653, %dma_wait3A_654] : memref<8464x128xf32, #tpu.memory_space<vmem_shared>> -> memref<8464x128xf32, #tpu.memory_space<vmem_shared>>
        tpu.wait_indirect_dma semaphore(%run_scoped3A : memref<!tpu.dma_semaphore, #tpu.memory_space<semaphore_mem>>) src(%arg22 : memref<96x128xf32, #tpu.memory_space<vmem>>) dst(%dma_wait3A_655 : memref<8464x128xf32, #tpu.memory_space<vmem_shared>>)
        tpu.yield
      }) : () -> ()
      %scan3A_649 = arith.constant 0 : i32
      scf.yield %scan3A_649 : i32
    }
    %scan3A_83 = arith.constant 98 : i32
    %barrier3A_84 = arith.constant 0 : index
    tpu.barrier barrier_id(%barrier3A_84)
    %scan3A_85 = arith.constant 0 : i32
    %scan3A_86 = arith.constant 0 : i32
    %scan3A_87 = arith.constant 4 : i32
    %scan3A_88 = arith.addi %scan3A_86, %scan3A_87 : i32
    %scan3A_89 = arith.constant 1 : i32
    %scan3A_90 = scf.for %scan3A_149 = %scan3A_86 to %scan3A_88 step %scan3A_89 iter_args(%scan3A_150 = %scan3A_85) -> (i32)  : i32 {
      %mul3A_151 = arith.constant 128 : i32
      %mul3A_152 = arith.muli %scan3A_149, %mul3A_151 : i32
      %add3A_153 = arith.addi %mul3A_1, %mul3A_152 : i32
      %add3A_154 = arith.addi %mul3A_52, %mul3A_1 : i32
      %mul3A_155 = arith.constant 128 : i32
      %mul3A_156 = arith.muli %scan3A_149, %mul3A_155 : i32
      %add3A_157 = arith.addi %add3A_154, %mul3A_156 : i32
      "tpu.region"() ({
        %run_scoped3A = tpu.sem_alloc : memref<!tpu.dma_semaphore, #tpu.memory_space<semaphore_mem>>
        %dma_start3A = arith.constant 0 : i32
        %dma_start3A_159 = tpu.memref_slice %arg5[%add3A_157, %dma_start3A] : memref<50688x128xf32, #tpu.memory_space<hbm>> -> memref<128x128xf32, #tpu.memory_space<hbm>>
        %dma_start3A_160 = arith.constant 0 : i32
        %dma_start3A_161 = tpu.memref_slice %arg6[%add3A_153, %dma_start3A_160] : memref<8464x128xf32, #tpu.memory_space<vmem_shared>> -> memref<128x128xf32, #tpu.memory_space<vmem_shared>>
        tpu.enqueue_dma source(%dma_start3A_161 : memref<128x128xf32, #tpu.memory_space<vmem_shared>>) target(%dma_start3A_159 : memref<128x128xf32, #tpu.memory_space<hbm>>) target_semaphore(%run_scoped3A : memref<!tpu.dma_semaphore, #tpu.memory_space<semaphore_mem>>)
        %dma_wait3A = arith.constant 0 : i32
        %dma_wait3A_162 = tpu.memref_slice %arg5[%add3A_157, %dma_wait3A] : memref<50688x128xf32, #tpu.memory_space<hbm>> -> memref<128x128xf32, #tpu.memory_space<hbm>>
        %dma_wait3A_163 = arith.constant 0 : i32
        %dma_wait3A_164 = tpu.memref_slice %arg6[%add3A_153, %dma_wait3A_163] : memref<8464x128xf32, #tpu.memory_space<vmem_shared>> -> memref<128x128xf32, #tpu.memory_space<vmem_shared>>
        tpu.wait_dma2 semaphore(%run_scoped3A : memref<!tpu.dma_semaphore, #tpu.memory_space<semaphore_mem>>) src(%dma_wait3A_164 : memref<128x128xf32, #tpu.memory_space<vmem_shared>>) dst(%dma_wait3A_162 : memref<128x128xf32, #tpu.memory_space<hbm>>)
        tpu.yield
      }) : () -> ()
      %scan3A_158 = arith.constant 0 : i32
      scf.yield %scan3A_158 : i32
    }
    %scan3A_91 = arith.constant 4 : i32
    %add3A_92 = arith.constant 512 : i32
    %add3A_93 = arith.addi %mul3A_1, %add3A_92 : i32
    %add3A_94 = arith.addi %mul3A_52, %mul3A_1 : i32
    %add3A_95 = arith.constant 512 : i32
    %add3A_96 = arith.addi %add3A_94, %add3A_95 : i32
    "tpu.region"() ({
      %run_scoped3A = tpu.sem_alloc : memref<!tpu.dma_semaphore, #tpu.memory_space<semaphore_mem>>
      %dma_start3A = arith.constant 0 : i32
      %dma_start3A_149 = tpu.memref_slice %arg5[%add3A_96, %dma_start3A] : memref<50688x128xf32, #tpu.memory_space<hbm>> -> memref<16x128xf32, #tpu.memory_space<hbm>>
      %dma_start3A_150 = arith.constant 0 : i32
      %dma_start3A_151 = tpu.memref_slice %arg6[%add3A_93, %dma_start3A_150] : memref<8464x128xf32, #tpu.memory_space<vmem_shared>> -> memref<16x128xf32, #tpu.memory_space<vmem_shared>>
      tpu.enqueue_dma source(%dma_start3A_151 : memref<16x128xf32, #tpu.memory_space<vmem_shared>>) target(%dma_start3A_149 : memref<16x128xf32, #tpu.memory_space<hbm>>) target_semaphore(%run_scoped3A : memref<!tpu.dma_semaphore, #tpu.memory_space<semaphore_mem>>)
      %dma_wait3A = arith.constant 0 : i32
      %dma_wait3A_152 = tpu.memref_slice %arg5[%add3A_96, %dma_wait3A] : memref<50688x128xf32, #tpu.memory_space<hbm>> -> memref<16x128xf32, #tpu.memory_space<hbm>>
      %dma_wait3A_153 = arith.constant 0 : i32
      %dma_wait3A_154 = tpu.memref_slice %arg6[%add3A_93, %dma_wait3A_153] : memref<8464x128xf32, #tpu.memory_space<vmem_shared>> -> memref<16x128xf32, #tpu.memory_space<vmem_shared>>
      tpu.wait_dma2 semaphore(%run_scoped3A : memref<!tpu.dma_semaphore, #tpu.memory_space<semaphore_mem>>) src(%dma_wait3A_154 : memref<16x128xf32, #tpu.memory_space<vmem_shared>>) dst(%dma_wait3A_152 : memref<16x128xf32, #tpu.memory_space<hbm>>)
      tpu.yield
    }) : () -> ()
    %barrier3A_97 = arith.constant 0 : index
    tpu.barrier barrier_id(%barrier3A_97)
    %mul3A_98 = arith.constant 3 : i32
    %mul3A_99 = arith.muli %mul3A_98, %arg0 : i32
    %add3A_100 = arith.constant 2 : i32
    %add3A_101 = arith.addi %mul3A_99, %add3A_100 : i32
    %mul3A_102 = arith.constant 8448 : i32
    %mul3A_103 = arith.muli %add3A_101, %mul3A_102 : i32
    %scan3A_104 = arith.constant 0 : i32
    %scan3A_105 = arith.constant 0 : i32
    %scan3A_106 = arith.constant 96 : i32
    %scan3A_107 = arith.addi %scan3A_105, %scan3A_106 : i32
    %scan3A_108 = arith.constant 1 : i32
    %scan3A_109 = scf.for %scan3A_149 = %scan3A_105 to %scan3A_107 step %scan3A_108 iter_args(%scan3A_150 = %scan3A_104) -> (i32)  : i32 {
      %swap3A = arith.index_cast %scan3A_149 : i32 to index
      %swap3A_151 = arith.constant 0 : index
      %swap3A_152 = tpu.vector_load %arg10[%swap3A, %swap3A_151] {strides = array<i32>} : memref<96x128xf32, #tpu.memory_space<vmem>>, vector<1x16xf32>,
      %swap3A_153 = vector.shape_cast %swap3A_152 : vector<1x16xf32> to vector<16xf32>
      %swap3A_154 = vector.shape_cast %broadcast_in_dim3A_0 : vector<16xf32> to vector<1x16xf32>
      tpu.vector_store %arg10[%swap3A, %swap3A_151], %swap3A_154 {strides = array<i32>} : memref<96x128xf32, #tpu.memory_space<vmem>>, vector<1x16xf32>,
      %swap3A_155 = arith.index_cast %scan3A_149 : i32 to index
      %swap3A_156 = arith.constant 16 : index
      %swap3A_157 = tpu.vector_load %arg10[%swap3A_155, %swap3A_156] {strides = array<i32>} : memref<96x128xf32, #tpu.memory_space<vmem>>, vector<1x16xf32>,
      %swap3A_158 = vector.shape_cast %swap3A_157 : vector<1x16xf32> to vector<16xf32>
      %swap3A_159 = vector.shape_cast %broadcast_in_dim3A_0 : vector<16xf32> to vector<1x16xf32>
      tpu.vector_store %arg10[%swap3A_155, %swap3A_156], %swap3A_159 {strides = array<i32>} : memref<96x128xf32, #tpu.memory_space<vmem>>, vector<1x16xf32>,
      %swap3A_160 = arith.index_cast %scan3A_149 : i32 to index
      %swap3A_161 = arith.constant 32 : index
      %swap3A_162 = tpu.vector_load %arg10[%swap3A_160, %swap3A_161] {strides = array<i32>} : memref<96x128xf32, #tpu.memory_space<vmem>>, vector<1x16xf32>,
      %swap3A_163 = vector.shape_cast %swap3A_162 : vector<1x16xf32> to vector<16xf32>
      %swap3A_164 = vector.shape_cast %broadcast_in_dim3A_0 : vector<16xf32> to vector<1x16xf32>
      tpu.vector_store %arg10[%swap3A_160, %swap3A_161], %swap3A_164 {strides = array<i32>} : memref<96x128xf32, #tpu.memory_space<vmem>>, vector<1x16xf32>,
      %swap3A_165 = arith.index_cast %scan3A_149 : i32 to index
      %swap3A_166 = arith.constant 48 : index
      %swap3A_167 = tpu.vector_load %arg10[%swap3A_165, %swap3A_166] {strides = array<i32>} : memref<96x128xf32, #tpu.memory_space<vmem>>, vector<1x16xf32>,
      %swap3A_168 = vector.shape_cast %swap3A_167 : vector<1x16xf32> to vector<16xf32>
      %swap3A_169 = vector.shape_cast %broadcast_in_dim3A_0 : vector<16xf32> to vector<1x16xf32>
      tpu.vector_store %arg10[%swap3A_165, %swap3A_166], %swap3A_169 {strides = array<i32>} : memref<96x128xf32, #tpu.memory_space<vmem>>, vector<1x16xf32>,
      %swap3A_170 = arith.index_cast %scan3A_149 : i32 to index
      %swap3A_171 = arith.constant 64 : index
      %swap3A_172 = tpu.vector_load %arg10[%swap3A_170, %swap3A_171] {strides = array<i32>} : memref<96x128xf32, #tpu.memory_space<vmem>>, vector<1x16xf32>,
      %swap3A_173 = vector.shape_cast %swap3A_172 : vector<1x16xf32> to vector<16xf32>
      %swap3A_174 = vector.shape_cast %broadcast_in_dim3A_0 : vector<16xf32> to vector<1x16xf32>
      tpu.vector_store %arg10[%swap3A_170, %swap3A_171], %swap3A_174 {strides = array<i32>} : memref<96x128xf32, #tpu.memory_space<vmem>>, vector<1x16xf32>,
      %swap3A_175 = arith.index_cast %scan3A_149 : i32 to index
      %swap3A_176 = arith.constant 80 : index
      %swap3A_177 = tpu.vector_load %arg10[%swap3A_175, %swap3A_176] {strides = array<i32>} : memref<96x128xf32, #tpu.memory_space<vmem>>, vector<1x16xf32>,
      %swap3A_178 = vector.shape_cast %swap3A_177 : vector<1x16xf32> to vector<16xf32>
      %swap3A_179 = vector.shape_cast %broadcast_in_dim3A_0 : vector<16xf32> to vector<1x16xf32>
      tpu.vector_store %arg10[%swap3A_175, %swap3A_176], %swap3A_179 {strides = array<i32>} : memref<96x128xf32, #tpu.memory_space<vmem>>, vector<1x16xf32>,
      %swap3A_180 = arith.index_cast %scan3A_149 : i32 to index
      %swap3A_181 = arith.constant 96 : index
      %swap3A_182 = tpu.vector_load %arg10[%swap3A_180, %swap3A_181] {strides = array<i32>} : memref<96x128xf32, #tpu.memory_space<vmem>>, vector<1x16xf32>,
      %swap3A_183 = vector.shape_cast %swap3A_182 : vector<1x16xf32> to vector<16xf32>
      %swap3A_184 = vector.shape_cast %broadcast_in_dim3A_0 : vector<16xf32> to vector<1x16xf32>
      tpu.vector_store %arg10[%swap3A_180, %swap3A_181], %swap3A_184 {strides = array<i32>} : memref<96x128xf32, #tpu.memory_space<vmem>>, vector<1x16xf32>,
      %swap3A_185 = arith.index_cast %scan3A_149 : i32 to index
      %swap3A_186 = arith.constant 112 : index
      %swap3A_187 = tpu.vector_load %arg10[%swap3A_185, %swap3A_186] {strides = array<i32>} : memref<96x128xf32, #tpu.memory_space<vmem>>, vector<1x16xf32>,
      %swap3A_188 = vector.shape_cast %swap3A_187 : vector<1x16xf32> to vector<16xf32>
      %swap3A_189 = vector.shape_cast %broadcast_in_dim3A_0 : vector<16xf32> to vector<1x16xf32>
      tpu.vector_store %arg10[%swap3A_185, %swap3A_186], %swap3A_189 {strides = array<i32>} : memref<96x128xf32, #tpu.memory_space<vmem>>, vector<1x16xf32>,
      %scan3A_190 = arith.constant 0 : i32
      scf.yield %scan3A_190 : i32
    }
    %scan3A_110 = arith.constant 96 : i32
    %scan3A_111 = arith.constant 0 : i32
    %scan3A_112 = arith.constant 0 : i32
    %scan3A_113 = arith.constant 5 : i32
    %scan3A_114 = arith.addi %scan3A_112, %scan3A_113 : i32
    %scan3A_115 = arith.constant 1 : i32
    %scan3A_116 = scf.for %scan3A_149 = %scan3A_112 to %scan3A_114 step %scan3A_115 iter_args(%scan3A_150 = %scan3A_111) -> (i32)  : i32 {
      %mul3A_151 = arith.constant 96 : i32
      %mul3A_152 = arith.muli %scan3A_149, %mul3A_151 : i32
      %add3A_153 = arith.addi %mul3A_1, %mul3A_152 : i32
      "tpu.region"() ({
        %run_scoped3A = tpu.sem_alloc : memref<!tpu.dma_semaphore, #tpu.memory_space<semaphore_mem>>
        %dma_start3A = arith.constant 0 : i32
        %dma_start3A_155 = tpu.memref_slice %arg6[%add3A_153, %dma_start3A] : memref<8464x128xf32, #tpu.memory_space<vmem_shared>> -> memref<96x128xf32, #tpu.memory_space<vmem_shared>>
        %dma_start3A_156 = arith.constant 0 : i32
        %dma_start3A_157 = tpu.memref_slice %arg6[%add3A_153, %dma_start3A_156] : memref<8464x128xf32, #tpu.memory_space<vmem_shared>> -> memref<96x128xf32, #tpu.memory_space<vmem_shared>>
        tpu.enqueue_dma source(%arg10 : memref<96x128xf32, #tpu.memory_space<vmem>>) target(%dma_start3A_157 : memref<96x128xf32, #tpu.memory_space<vmem_shared>>) target_semaphore(%run_scoped3A : memref<!tpu.dma_semaphore, #tpu.memory_space<semaphore_mem>>)
        %dma_wait3A = arith.constant 0 : i32
        %dma_wait3A_158 = tpu.memref_slice %arg6[%add3A_153, %dma_wait3A] : memref<8464x128xf32, #tpu.memory_space<vmem_shared>> -> memref<96x128xf32, #tpu.memory_space<vmem_shared>>
        %dma_wait3A_159 = arith.constant 0 : i32
        %dma_wait3A_160 = tpu.memref_slice %arg6[%add3A_153, %dma_wait3A_159] : memref<8464x128xf32, #tpu.memory_space<vmem_shared>> -> memref<96x128xf32, #tpu.memory_space<vmem_shared>>
        tpu.wait_dma2 semaphore(%run_scoped3A : memref<!tpu.dma_semaphore, #tpu.memory_space<semaphore_mem>>) src(%arg10 : memref<96x128xf32, #tpu.memory_space<vmem>>) dst(%dma_wait3A_160 : memref<96x128xf32, #tpu.memory_space<vmem_shared>>)
        tpu.yield
      }) : () -> ()
      %scan3A_154 = arith.constant 0 : i32
      scf.yield %scan3A_154 : i32
    }
    %scan3A_117 = arith.constant 5 : i32
    %add3A_118 = arith.constant 480 : i32
    %add3A_119 = arith.addi %mul3A_1, %add3A_118 : i32
    "tpu.region"() ({
      %run_scoped3A = tpu.sem_alloc : memref<!tpu.dma_semaphore, #tpu.memory_space<semaphore_mem>>
      %dma_start3A = arith.constant 0 : i32
      %dma_start3A_149 = arith.constant 0 : i32
      %dma_start3A_150 = tpu.memref_slice %arg10[%dma_start3A, %dma_start3A_149] : memref<96x128xf32, #tpu.memory_space<vmem>> -> memref<48x128xf32, #tpu.memory_space<vmem>>
      %dma_start3A_151 = arith.constant 0 : i32
      %dma_start3A_152 = tpu.memref_slice %arg6[%add3A_119, %dma_start3A_151] : memref<8464x128xf32, #tpu.memory_space<vmem_shared>> -> memref<48x128xf32, #tpu.memory_space<vmem_shared>>
      %dma_start3A_153 = arith.constant 0 : i32
      %dma_start3A_154 = tpu.memref_slice %arg6[%add3A_119, %dma_start3A_153] : memref<8464x128xf32, #tpu.memory_space<vmem_shared>> -> memref<48x128xf32, #tpu.memory_space<vmem_shared>>
      %dma_start3A_155 = arith.constant 0 : i32
      %dma_start3A_156 = arith.constant 0 : i32
      %dma_start3A_157 = tpu.memref_slice %arg10[%dma_start3A_155, %dma_start3A_156] : memref<96x128xf32, #tpu.memory_space<vmem>> -> memref<48x128xf32, #tpu.memory_space<vmem>>
      tpu.enqueue_dma source(%dma_start3A_157 : memref<48x128xf32, #tpu.memory_space<vmem>>) target(%dma_start3A_154 : memref<48x128xf32, #tpu.memory_space<vmem_shared>>) target_semaphore(%run_scoped3A : memref<!tpu.dma_semaphore, #tpu.memory_space<semaphore_mem>>)
      %dma_wait3A = arith.constant 0 : i32
      %dma_wait3A_158 = arith.constant 0 : i32
      %dma_wait3A_159 = tpu.memref_slice %arg10[%dma_wait3A, %dma_wait3A_158] : memref<96x128xf32, #tpu.memory_space<vmem>> -> memref<48x128xf32, #tpu.memory_space<vmem>>
      %dma_wait3A_160 = arith.constant 0 : i32
      %dma_wait3A_161 = tpu.memref_slice %arg6[%add3A_119, %dma_wait3A_160] : memref<8464x128xf32, #tpu.memory_space<vmem_shared>> -> memref<48x128xf32, #tpu.memory_space<vmem_shared>>
      %dma_wait3A_162 = arith.constant 0 : i32
      %dma_wait3A_163 = tpu.memref_slice %arg6[%add3A_119, %dma_wait3A_162] : memref<8464x128xf32, #tpu.memory_space<vmem_shared>> -> memref<48x128xf32, #tpu.memory_space<vmem_shared>>
      %dma_wait3A_164 = arith.constant 0 : i32
      %dma_wait3A_165 = arith.constant 0 : i32
      %dma_wait3A_166 = tpu.memref_slice %arg10[%dma_wait3A_164, %dma_wait3A_165] : memref<96x128xf32, #tpu.memory_space<vmem>> -> memref<48x128xf32, #tpu.memory_space<vmem>>
      tpu.wait_dma2 semaphore(%run_scoped3A : memref<!tpu.dma_semaphore, #tpu.memory_space<semaphore_mem>>) src(%dma_wait3A_166 : memref<48x128xf32, #tpu.memory_space<vmem>>) dst(%dma_wait3A_163 : memref<48x128xf32, #tpu.memory_space<vmem_shared>>)
      tpu.yield
    }) : () -> ()
    %eq3A_120 = arith.constant 15 : i32
    %eq3A_121 = arith.cmpi eq, %arg1, %eq3A_120 : i32
    %convert_element_type3A_122 = arith.extui %eq3A_121 : i1 to i32
    %cond3A_123 = arith.constant 0 : i32
    %cond3A_124 = arith.cmpi ne, %convert_element_type3A_122, %cond3A_123 : i32
    scf.if %cond3A_124 {
      "tpu.region"() ({
        %run_scoped3A = tpu.sem_alloc : memref<!tpu.dma_semaphore, #tpu.memory_space<semaphore_mem>>
        %dma_start3A = arith.constant 0 : i32
        %dma_start3A_149 = arith.constant 0 : i32
        %dma_start3A_150 = tpu.memref_slice %arg10[%dma_start3A, %dma_start3A_149] : memref<96x128xf32, #tpu.memory_space<vmem>> -> memref<16x128xf32, #tpu.memory_space<vmem>>
        %dma_start3A_151 = arith.constant 8448 : i32
        %dma_start3A_152 = arith.constant 0 : i32
        %dma_start3A_153 = tpu.memref_slice %arg6[%dma_start3A_151, %dma_start3A_152] : memref<8464x128xf32, #tpu.memory_space<vmem_shared>> -> memref<16x128xf32, #tpu.memory_space<vmem_shared>>
        %dma_start3A_154 = arith.constant 8448 : i32
        %dma_start3A_155 = arith.constant 0 : i32
        %dma_start3A_156 = tpu.memref_slice %arg6[%dma_start3A_154, %dma_start3A_155] : memref<8464x128xf32, #tpu.memory_space<vmem_shared>> -> memref<16x128xf32, #tpu.memory_space<vmem_shared>>
        %dma_start3A_157 = arith.constant 0 : i32
        %dma_start3A_158 = arith.constant 0 : i32
        %dma_start3A_159 = tpu.memref_slice %arg10[%dma_start3A_157, %dma_start3A_158] : memref<96x128xf32, #tpu.memory_space<vmem>> -> memref<16x128xf32, #tpu.memory_space<vmem>>
        tpu.enqueue_dma source(%dma_start3A_159 : memref<16x128xf32, #tpu.memory_space<vmem>>) target(%dma_start3A_156 : memref<16x128xf32, #tpu.memory_space<vmem_shared>>) target_semaphore(%run_scoped3A : memref<!tpu.dma_semaphore, #tpu.memory_space<semaphore_mem>>)
        %dma_wait3A = arith.constant 0 : i32
        %dma_wait3A_160 = arith.constant 0 : i32
        %dma_wait3A_161 = tpu.memref_slice %arg10[%dma_wait3A, %dma_wait3A_160] : memref<96x128xf32, #tpu.memory_space<vmem>> -> memref<16x128xf32, #tpu.memory_space<vmem>>
        %dma_wait3A_162 = arith.constant 8448 : i32
        %dma_wait3A_163 = arith.constant 0 : i32
        %dma_wait3A_164 = tpu.memref_slice %arg6[%dma_wait3A_162, %dma_wait3A_163] : memref<8464x128xf32, #tpu.memory_space<vmem_shared>> -> memref<16x128xf32, #tpu.memory_space<vmem_shared>>
        %dma_wait3A_165 = arith.constant 8448 : i32
        %dma_wait3A_166 = arith.constant 0 : i32
        %dma_wait3A_167 = tpu.memref_slice %arg6[%dma_wait3A_165, %dma_wait3A_166] : memref<8464x128xf32, #tpu.memory_space<vmem_shared>> -> memref<16x128xf32, #tpu.memory_space<vmem_shared>>
        %dma_wait3A_168 = arith.constant 0 : i32
        %dma_wait3A_169 = arith.constant 0 : i32
        %dma_wait3A_170 = tpu.memref_slice %arg10[%dma_wait3A_168, %dma_wait3A_169] : memref<96x128xf32, #tpu.memory_space<vmem>> -> memref<16x128xf32, #tpu.memory_space<vmem>>
        tpu.wait_dma2 semaphore(%run_scoped3A : memref<!tpu.dma_semaphore, #tpu.memory_space<semaphore_mem>>) src(%dma_wait3A_170 : memref<16x128xf32, #tpu.memory_space<vmem>>) dst(%dma_wait3A_167 : memref<16x128xf32, #tpu.memory_space<vmem_shared>>)
        tpu.yield
      }) : () -> ()
    } else {
    }
    %barrier3A_125 = arith.constant 0 : index
    tpu.barrier barrier_id(%barrier3A_125)
    %mul3A_126 = arith.constant 37632 : i32
    %mul3A_127 = arith.muli %arg1, %mul3A_126 : i32
    %scan3A_128 = arith.constant 0 : i32
    %scan3A_129 = arith.constant 0 : i32
    %scan3A_130 = arith.constant 98 : i32
    %scan3A_131 = arith.addi %scan3A_129, %scan3A_130 : i32
    %scan3A_132 = arith.constant 1 : i32
    %scan3A_133 = scf.for %scan3A_149 = %scan3A_129 to %scan3A_131 step %scan3A_132 iter_args(%scan3A_150 = %scan3A_128) -> (i32)  : i32 {
      %mul3A_151 = arith.constant 4 : i32
      %mul3A_152 = arith.muli %mul3A_151, %scan3A_149 : i32
      %add3A_153 = arith.constant 0 : i32
      %add3A_154 = arith.addi %mul3A_152, %add3A_153 : i32
      %mul3A_155 = arith.constant 96 : i32
      %mul3A_156 = arith.muli %add3A_154, %mul3A_155 : i32
      %add3A_157 = arith.addi %mul3A_127, %mul3A_156 : i32
      "tpu.region"() ({
        %run_scoped3A = tpu.sem_alloc : memref<!tpu.dma_semaphore, #tpu.memory_space<semaphore_mem>>
        %dma_start3A_650 = tpu.memref_slice %arg3[%add3A_157] : memref<602112xi32, #tpu.memory_space<hbm>> -> memref<96xi32, #tpu.memory_space<hbm>>
        %dma_start3A_651 = tpu.memref_slice %arg3[%add3A_157] : memref<602112xi32, #tpu.memory_space<hbm>> -> memref<96xi32, #tpu.memory_space<hbm>>
        tpu.enqueue_dma source(%dma_start3A_651 : memref<96xi32, #tpu.memory_space<hbm>>) target(%arg8 : memref<96xi32, #tpu.memory_space<vmem>>) target_semaphore(%run_scoped3A : memref<!tpu.dma_semaphore, #tpu.memory_space<semaphore_mem>>)
        %dma_wait3A_652 = tpu.memref_slice %arg3[%add3A_157] : memref<602112xi32, #tpu.memory_space<hbm>> -> memref<96xi32, #tpu.memory_space<hbm>>
        %dma_wait3A_653 = tpu.memref_slice %arg3[%add3A_157] : memref<602112xi32, #tpu.memory_space<hbm>> -> memref<96xi32, #tpu.memory_space<hbm>>
        tpu.wait_dma2 semaphore(%run_scoped3A : memref<!tpu.dma_semaphore, #tpu.memory_space<semaphore_mem>>) src(%dma_wait3A_653 : memref<96xi32, #tpu.memory_space<hbm>>) dst(%arg8 : memref<96xi32, #tpu.memory_space<vmem>>)
        tpu.yield
      }) : () -> ()
      "tpu.region"() ({
        %run_scoped3A = tpu.sem_alloc : memref<!tpu.dma_semaphore, #tpu.memory_space<semaphore_mem>>
        %dma_start3A_650 = tpu.memref_slice %arg4[%add3A_157] : memref<602112xi32, #tpu.memory_space<hbm>> -> memref<96xi32, #tpu.memory_space<hbm>>
        %dma_start3A_651 = tpu.memref_slice %arg4[%add3A_157] : memref<602112xi32, #tpu.memory_space<hbm>> -> memref<96xi32, #tpu.memory_space<hbm>>
        tpu.enqueue_dma source(%dma_start3A_651 : memref<96xi32, #tpu.memory_space<hbm>>) target(%arg7 : memref<96xi32, #tpu.memory_space<vmem>>) target_semaphore(%run_scoped3A : memref<!tpu.dma_semaphore, #tpu.memory_space<semaphore_mem>>)
        %dma_wait3A_652 = tpu.memref_slice %arg4[%add3A_157] : memref<602112xi32, #tpu.memory_space<hbm>> -> memref<96xi32, #tpu.memory_space<hbm>>
        %dma_wait3A_653 = tpu.memref_slice %arg4[%add3A_157] : memref<602112xi32, #tpu.memory_space<hbm>> -> memref<96xi32, #tpu.memory_space<hbm>>
        tpu.wait_dma2 semaphore(%run_scoped3A : memref<!tpu.dma_semaphore, #tpu.memory_space<semaphore_mem>>) src(%dma_wait3A_653 : memref<96xi32, #tpu.memory_space<hbm>>) dst(%arg7 : memref<96xi32, #tpu.memory_space<vmem>>)
        tpu.yield
      }) : () -> ()
      %dma_start3A = arith.constant 0 : i32
      %dma_start3A_158 = arith.constant 0 : i32
      %dma_start3A_159 = tpu.memref_slice %arg2[%dma_start3A, %dma_start3A_158] : memref<100000x128xf32, #tpu.memory_space<hbm>> -> memref<100000x128xf32, #tpu.memory_space<hbm>>
      tpu.enqueue_indirect_dma source(%dma_start3A_159 : memref<100000x128xf32, #tpu.memory_space<hbm>>) target(%arg10 : memref<96x128xf32, #tpu.memory_space<vmem>>) offsets(%arg8 : memref<96xi32, #tpu.memory_space<vmem>>) semaphore(%arg23 : memref<!tpu.dma_semaphore, #tpu.memory_space<semaphore_mem>>)
      %mul3A_160 = arith.constant 4 : i32
      %mul3A_161 = arith.muli %mul3A_160, %scan3A_149 : i32
      %add3A_162 = arith.constant 1 : i32
      %add3A_163 = arith.addi %mul3A_161, %add3A_162 : i32
      %mul3A_164 = arith.constant 96 : i32
      %mul3A_165 = arith.muli %add3A_163, %mul3A_164 : i32
      %add3A_166 = arith.addi %mul3A_127, %mul3A_165 : i32
      "tpu.region"() ({
        %run_scoped3A = tpu.sem_alloc : memref<!tpu.dma_semaphore, #tpu.memory_space<semaphore_mem>>
        %dma_start3A_650 = tpu.memref_slice %arg3[%add3A_166] : memref<602112xi32, #tpu.memory_space<hbm>> -> memref<96xi32, #tpu.memory_space<hbm>>
        %dma_start3A_651 = tpu.memref_slice %arg3[%add3A_166] : memref<602112xi32, #tpu.memory_space<hbm>> -> memref<96xi32, #tpu.memory_space<hbm>>
        tpu.enqueue_dma source(%dma_start3A_651 : memref<96xi32, #tpu.memory_space<hbm>>) target(%arg12 : memref<96xi32, #tpu.memory_space<vmem>>) target_semaphore(%run_scoped3A : memref<!tpu.dma_semaphore, #tpu.memory_space<semaphore_mem>>)
        %dma_wait3A_652 = tpu.memref_slice %arg3[%add3A_166] : memref<602112xi32, #tpu.memory_space<hbm>> -> memref<96xi32, #tpu.memory_space<hbm>>
        %dma_wait3A_653 = tpu.memref_slice %arg3[%add3A_166] : memref<602112xi32, #tpu.memory_space<hbm>> -> memref<96xi32, #tpu.memory_space<hbm>>
        tpu.wait_dma2 semaphore(%run_scoped3A : memref<!tpu.dma_semaphore, #tpu.memory_space<semaphore_mem>>) src(%dma_wait3A_653 : memref<96xi32, #tpu.memory_space<hbm>>) dst(%arg12 : memref<96xi32, #tpu.memory_space<vmem>>)
        tpu.yield
      }) : () -> ()
      "tpu.region"() ({
        %run_scoped3A = tpu.sem_alloc : memref<!tpu.dma_semaphore, #tpu.memory_space<semaphore_mem>>
        %dma_start3A_650 = tpu.memref_slice %arg4[%add3A_166] : memref<602112xi32, #tpu.memory_space<hbm>> -> memref<96xi32, #tpu.memory_space<hbm>>
        %dma_start3A_651 = tpu.memref_slice %arg4[%add3A_166] : memref<602112xi32, #tpu.memory_space<hbm>> -> memref<96xi32, #tpu.memory_space<hbm>>
        tpu.enqueue_dma source(%dma_start3A_651 : memref<96xi32, #tpu.memory_space<hbm>>) target(%arg11 : memref<96xi32, #tpu.memory_space<vmem>>) target_semaphore(%run_scoped3A : memref<!tpu.dma_semaphore, #tpu.memory_space<semaphore_mem>>)
        %dma_wait3A_652 = tpu.memref_slice %arg4[%add3A_166] : memref<602112xi32, #tpu.memory_space<hbm>> -> memref<96xi32, #tpu.memory_space<hbm>>
        %dma_wait3A_653 = tpu.memref_slice %arg4[%add3A_166] : memref<602112xi32, #tpu.memory_space<hbm>> -> memref<96xi32, #tpu.memory_space<hbm>>
        tpu.wait_dma2 semaphore(%run_scoped3A : memref<!tpu.dma_semaphore, #tpu.memory_space<semaphore_mem>>) src(%dma_wait3A_653 : memref<96xi32, #tpu.memory_space<hbm>>) dst(%arg11 : memref<96xi32, #tpu.memory_space<vmem>>)
        tpu.yield
      }) : () -> ()
      %dma_start3A_167 = arith.constant 0 : i32
      %dma_start3A_168 = arith.constant 0 : i32
      %dma_start3A_169 = tpu.memref_slice %arg2[%dma_start3A_167, %dma_start3A_168] : memref<100000x128xf32, #tpu.memory_space<hbm>> -> memref<100000x128xf32, #tpu.memory_space<hbm>>
      tpu.enqueue_indirect_dma source(%dma_start3A_169 : memref<100000x128xf32, #tpu.memory_space<hbm>>) target(%arg14 : memref<96x128xf32, #tpu.memory_space<vmem>>) offsets(%arg12 : memref<96xi32, #tpu.memory_space<vmem>>) semaphore(%arg24 : memref<!tpu.dma_semaphore, #tpu.memory_space<semaphore_mem>>)
      %mul3A_170 = arith.constant 4 : i32
      %mul3A_171 = arith.muli %mul3A_170, %scan3A_149 : i32
      %add3A_172 = arith.constant 2 : i32
      %add3A_173 = arith.addi %mul3A_171, %add3A_172 : i32
      %mul3A_174 = arith.constant 96 : i32
      %mul3A_175 = arith.muli %add3A_173, %mul3A_174 : i32
      %add3A_176 = arith.addi %mul3A_127, %mul3A_175 : i32
      "tpu.region"() ({
        %run_scoped3A = tpu.sem_alloc : memref<!tpu.dma_semaphore, #tpu.memory_space<semaphore_mem>>
        %dma_start3A_650 = tpu.memref_slice %arg3[%add3A_176] : memref<602112xi32, #tpu.memory_space<hbm>> -> memref<96xi32, #tpu.memory_space<hbm>>
        %dma_start3A_651 = tpu.memref_slice %arg3[%add3A_176] : memref<602112xi32, #tpu.memory_space<hbm>> -> memref<96xi32, #tpu.memory_space<hbm>>
        tpu.enqueue_dma source(%dma_start3A_651 : memref<96xi32, #tpu.memory_space<hbm>>) target(%arg16 : memref<96xi32, #tpu.memory_space<vmem>>) target_semaphore(%run_scoped3A : memref<!tpu.dma_semaphore, #tpu.memory_space<semaphore_mem>>)
        %dma_wait3A_652 = tpu.memref_slice %arg3[%add3A_176] : memref<602112xi32, #tpu.memory_space<hbm>> -> memref<96xi32, #tpu.memory_space<hbm>>
        %dma_wait3A_653 = tpu.memref_slice %arg3[%add3A_176] : memref<602112xi32, #tpu.memory_space<hbm>> -> memref<96xi32, #tpu.memory_space<hbm>>
        tpu.wait_dma2 semaphore(%run_scoped3A : memref<!tpu.dma_semaphore, #tpu.memory_space<semaphore_mem>>) src(%dma_wait3A_653 : memref<96xi32, #tpu.memory_space<hbm>>) dst(%arg16 : memref<96xi32, #tpu.memory_space<vmem>>)
        tpu.yield
      }) : () -> ()
      "tpu.region"() ({
        %run_scoped3A = tpu.sem_alloc : memref<!tpu.dma_semaphore, #tpu.memory_space<semaphore_mem>>
        %dma_start3A_650 = tpu.memref_slice %arg4[%add3A_176] : memref<602112xi32, #tpu.memory_space<hbm>> -> memref<96xi32, #tpu.memory_space<hbm>>
        %dma_start3A_651 = tpu.memref_slice %arg4[%add3A_176] : memref<602112xi32, #tpu.memory_space<hbm>> -> memref<96xi32, #tpu.memory_space<hbm>>
        tpu.enqueue_dma source(%dma_start3A_651 : memref<96xi32, #tpu.memory_space<hbm>>) target(%arg15 : memref<96xi32, #tpu.memory_space<vmem>>) target_semaphore(%run_scoped3A : memref<!tpu.dma_semaphore, #tpu.memory_space<semaphore_mem>>)
        %dma_wait3A_652 = tpu.memref_slice %arg4[%add3A_176] : memref<602112xi32, #tpu.memory_space<hbm>> -> memref<96xi32, #tpu.memory_space<hbm>>
        %dma_wait3A_653 = tpu.memref_slice %arg4[%add3A_176] : memref<602112xi32, #tpu.memory_space<hbm>> -> memref<96xi32, #tpu.memory_space<hbm>>
        tpu.wait_dma2 semaphore(%run_scoped3A : memref<!tpu.dma_semaphore, #tpu.memory_space<semaphore_mem>>) src(%dma_wait3A_653 : memref<96xi32, #tpu.memory_space<hbm>>) dst(%arg15 : memref<96xi32, #tpu.memory_space<vmem>>)
        tpu.yield
      }) : () -> ()
      %dma_start3A_177 = arith.constant 0 : i32
      %dma_start3A_178 = arith.constant 0 : i32
      %dma_start3A_179 = tpu.memref_slice %arg2[%dma_start3A_177, %dma_start3A_178] : memref<100000x128xf32, #tpu.memory_space<hbm>> -> memref<100000x128xf32, #tpu.memory_space<hbm>>
      tpu.enqueue_indirect_dma source(%dma_start3A_179 : memref<100000x128xf32, #tpu.memory_space<hbm>>) target(%arg18 : memref<96x128xf32, #tpu.memory_space<vmem>>) offsets(%arg16 : memref<96xi32, #tpu.memory_space<vmem>>) semaphore(%arg25 : memref<!tpu.dma_semaphore, #tpu.memory_space<semaphore_mem>>)
      %mul3A_180 = arith.constant 4 : i32
      %mul3A_181 = arith.muli %mul3A_180, %scan3A_149 : i32
      %add3A_182 = arith.constant 3 : i32
      %add3A_183 = arith.addi %mul3A_181, %add3A_182 : i32
      %mul3A_184 = arith.constant 96 : i32
      %mul3A_185 = arith.muli %add3A_183, %mul3A_184 : i32
      %add3A_186 = arith.addi %mul3A_127, %mul3A_185 : i32
      "tpu.region"() ({
        %run_scoped3A = tpu.sem_alloc : memref<!tpu.dma_semaphore, #tpu.memory_space<semaphore_mem>>
        %dma_start3A_650 = tpu.memref_slice %arg3[%add3A_186] : memref<602112xi32, #tpu.memory_space<hbm>> -> memref<96xi32, #tpu.memory_space<hbm>>
        %dma_start3A_651 = tpu.memref_slice %arg3[%add3A_186] : memref<602112xi32, #tpu.memory_space<hbm>> -> memref<96xi32, #tpu.memory_space<hbm>>
        tpu.enqueue_dma source(%dma_start3A_651 : memref<96xi32, #tpu.memory_space<hbm>>) target(%arg20 : memref<96xi32, #tpu.memory_space<vmem>>) target_semaphore(%run_scoped3A : memref<!tpu.dma_semaphore, #tpu.memory_space<semaphore_mem>>)
        %dma_wait3A_652 = tpu.memref_slice %arg3[%add3A_186] : memref<602112xi32, #tpu.memory_space<hbm>> -> memref<96xi32, #tpu.memory_space<hbm>>
        %dma_wait3A_653 = tpu.memref_slice %arg3[%add3A_186] : memref<602112xi32, #tpu.memory_space<hbm>> -> memref<96xi32, #tpu.memory_space<hbm>>
        tpu.wait_dma2 semaphore(%run_scoped3A : memref<!tpu.dma_semaphore, #tpu.memory_space<semaphore_mem>>) src(%dma_wait3A_653 : memref<96xi32, #tpu.memory_space<hbm>>) dst(%arg20 : memref<96xi32, #tpu.memory_space<vmem>>)
        tpu.yield
      }) : () -> ()
      "tpu.region"() ({
        %run_scoped3A = tpu.sem_alloc : memref<!tpu.dma_semaphore, #tpu.memory_space<semaphore_mem>>
        %dma_start3A_650 = tpu.memref_slice %arg4[%add3A_186] : memref<602112xi32, #tpu.memory_space<hbm>> -> memref<96xi32, #tpu.memory_space<hbm>>
        %dma_start3A_651 = tpu.memref_slice %arg4[%add3A_186] : memref<602112xi32, #tpu.memory_space<hbm>> -> memref<96xi32, #tpu.memory_space<hbm>>
        tpu.enqueue_dma source(%dma_start3A_651 : memref<96xi32, #tpu.memory_space<hbm>>) target(%arg19 : memref<96xi32, #tpu.memory_space<vmem>>) target_semaphore(%run_scoped3A : memref<!tpu.dma_semaphore, #tpu.memory_space<semaphore_mem>>)
        %dma_wait3A_652 = tpu.memref_slice %arg4[%add3A_186] : memref<602112xi32, #tpu.memory_space<hbm>> -> memref<96xi32, #tpu.memory_space<hbm>>
        %dma_wait3A_653 = tpu.memref_slice %arg4[%add3A_186] : memref<602112xi32, #tpu.memory_space<hbm>> -> memref<96xi32, #tpu.memory_space<hbm>>
        tpu.wait_dma2 semaphore(%run_scoped3A : memref<!tpu.dma_semaphore, #tpu.memory_space<semaphore_mem>>) src(%dma_wait3A_653 : memref<96xi32, #tpu.memory_space<hbm>>) dst(%arg19 : memref<96xi32, #tpu.memory_space<vmem>>)
        tpu.yield
      }) : () -> ()
      %dma_start3A_187 = arith.constant 0 : i32
      %dma_start3A_188 = arith.constant 0 : i32
      %dma_start3A_189 = tpu.memref_slice %arg2[%dma_start3A_187, %dma_start3A_188] : memref<100000x128xf32, #tpu.memory_space<hbm>> -> memref<100000x128xf32, #tpu.memory_space<hbm>>
      tpu.enqueue_indirect_dma source(%dma_start3A_189 : memref<100000x128xf32, #tpu.memory_space<hbm>>) target(%arg22 : memref<96x128xf32, #tpu.memory_space<vmem>>) offsets(%arg20 : memref<96xi32, #tpu.memory_space<vmem>>) semaphore(%arg26 : memref<!tpu.dma_semaphore, #tpu.memory_space<semaphore_mem>>)
      %get3A = arith.constant 0 : index
      %get3A_190 = tpu.vector_load %arg7[%get3A] {strides = array<i32>} : memref<96xi32, #tpu.memory_space<vmem>>, vector<16xi32>,
      %get3A_191 = vector.shape_cast %get3A_190 : vector<16xi32> to vector<16xi32>
      %sub3A = vector.broadcast %mul3A_103 : i32 to vector<16xi32>
      %sub3A_192 = arith.subi %get3A_191, %sub3A : vector<16xi32>
      %ge3A = arith.constant 0 : i32
      %ge3A_193 = vector.broadcast %ge3A : i32 to vector<16xi32>
      %ge3A_194 = arith.cmpi sge, %sub3A_192, %ge3A_193 : vector<16xi32>
      %lt3A = arith.constant 8448 : i32
      %lt3A_195 = vector.broadcast %lt3A : i32 to vector<16xi32>
      %lt3A_196 = arith.cmpi slt, %sub3A_192, %lt3A_195 : vector<16xi32>
      %and3A = arith.andi %ge3A_194, %lt3A_196 : vector<16xi1>
      %jit3A = arith.constant 8448 : i32
      %broadcast_in_dim3A_197 = vector.broadcast %jit3A : i32 to vector<16xi32>
      %select_n3A = arith.select %and3A, %sub3A_192, %broadcast_in_dim3A_197 : vector<16xi1>, vector<16xi32>
      %swap3A = arith.constant 0 : index
      %swap3A_198 = tpu.vector_load %arg9[%swap3A] {strides = array<i32>} : memref<96xi32, #tpu.memory_space<vmem>>, vector<16xi32>,
      %swap3A_199 = vector.shape_cast %swap3A_198 : vector<16xi32> to vector<16xi32>
      %swap3A_200 = vector.shape_cast %select_n3A : vector<16xi32> to vector<16xi32>
      tpu.vector_store %arg9[%swap3A], %swap3A_200 {strides = array<i32>} : memref<96xi32, #tpu.memory_space<vmem>>, vector<16xi32>,
      %get3A_201 = arith.constant 16 : index
      %get3A_202 = tpu.vector_load %arg7[%get3A_201] {strides = array<i32>} : memref<96xi32, #tpu.memory_space<vmem>>, vector<16xi32>,
      %get3A_203 = vector.shape_cast %get3A_202 : vector<16xi32> to vector<16xi32>
      %sub3A_204 = vector.broadcast %mul3A_103 : i32 to vector<16xi32>
      %sub3A_205 = arith.subi %get3A_203, %sub3A_204 : vector<16xi32>
      %ge3A_206 = arith.constant 0 : i32
      %ge3A_207 = vector.broadcast %ge3A_206 : i32 to vector<16xi32>
      %ge3A_208 = arith.cmpi sge, %sub3A_205, %ge3A_207 : vector<16xi32>
      %lt3A_209 = arith.constant 8448 : i32
      %lt3A_210 = vector.broadcast %lt3A_209 : i32 to vector<16xi32>
      %lt3A_211 = arith.cmpi slt, %sub3A_205, %lt3A_210 : vector<16xi32>
      %and3A_212 = arith.andi %ge3A_208, %lt3A_211 : vector<16xi1>
      %jit3A_213 = arith.constant 8448 : i32
      %broadcast_in_dim3A_214 = vector.broadcast %jit3A_213 : i32 to vector<16xi32>
      %select_n3A_215 = arith.select %and3A_212, %sub3A_205, %broadcast_in_dim3A_214 : vector<16xi1>, vector<16xi32>
      %swap3A_216 = arith.constant 16 : index
      %swap3A_217 = tpu.vector_load %arg9[%swap3A_216] {strides = array<i32>} : memref<96xi32, #tpu.memory_space<vmem>>, vector<16xi32>,
      %swap3A_218 = vector.shape_cast %swap3A_217 : vector<16xi32> to vector<16xi32>
      %swap3A_219 = vector.shape_cast %select_n3A_215 : vector<16xi32> to vector<16xi32>
      tpu.vector_store %arg9[%swap3A_216], %swap3A_219 {strides = array<i32>} : memref<96xi32, #tpu.memory_space<vmem>>, vector<16xi32>,
      %get3A_220 = arith.constant 32 : index
      %get3A_221 = tpu.vector_load %arg7[%get3A_220] {strides = array<i32>} : memref<96xi32, #tpu.memory_space<vmem>>, vector<16xi32>,
      %get3A_222 = vector.shape_cast %get3A_221 : vector<16xi32> to vector<16xi32>
      %sub3A_223 = vector.broadcast %mul3A_103 : i32 to vector<16xi32>
      %sub3A_224 = arith.subi %get3A_222, %sub3A_223 : vector<16xi32>
      %ge3A_225 = arith.constant 0 : i32
      %ge3A_226 = vector.broadcast %ge3A_225 : i32 to vector<16xi32>
      %ge3A_227 = arith.cmpi sge, %sub3A_224, %ge3A_226 : vector<16xi32>
      %lt3A_228 = arith.constant 8448 : i32
      %lt3A_229 = vector.broadcast %lt3A_228 : i32 to vector<16xi32>
      %lt3A_230 = arith.cmpi slt, %sub3A_224, %lt3A_229 : vector<16xi32>
      %and3A_231 = arith.andi %ge3A_227, %lt3A_230 : vector<16xi1>
      %jit3A_232 = arith.constant 8448 : i32
      %broadcast_in_dim3A_233 = vector.broadcast %jit3A_232 : i32 to vector<16xi32>
      %select_n3A_234 = arith.select %and3A_231, %sub3A_224, %broadcast_in_dim3A_233 : vector<16xi1>, vector<16xi32>
      %swap3A_235 = arith.constant 32 : index
      %swap3A_236 = tpu.vector_load %arg9[%swap3A_235] {strides = array<i32>} : memref<96xi32, #tpu.memory_space<vmem>>, vector<16xi32>,
      %swap3A_237 = vector.shape_cast %swap3A_236 : vector<16xi32> to vector<16xi32>
      %swap3A_238 = vector.shape_cast %select_n3A_234 : vector<16xi32> to vector<16xi32>
      tpu.vector_store %arg9[%swap3A_235], %swap3A_238 {strides = array<i32>} : memref<96xi32, #tpu.memory_space<vmem>>, vector<16xi32>,
      %get3A_239 = arith.constant 48 : index
      %get3A_240 = tpu.vector_load %arg7[%get3A_239] {strides = array<i32>} : memref<96xi32, #tpu.memory_space<vmem>>, vector<16xi32>,
      %get3A_241 = vector.shape_cast %get3A_240 : vector<16xi32> to vector<16xi32>
      %sub3A_242 = vector.broadcast %mul3A_103 : i32 to vector<16xi32>
      %sub3A_243 = arith.subi %get3A_241, %sub3A_242 : vector<16xi32>
      %ge3A_244 = arith.constant 0 : i32
      %ge3A_245 = vector.broadcast %ge3A_244 : i32 to vector<16xi32>
      %ge3A_246 = arith.cmpi sge, %sub3A_243, %ge3A_245 : vector<16xi32>
      %lt3A_247 = arith.constant 8448 : i32
      %lt3A_248 = vector.broadcast %lt3A_247 : i32 to vector<16xi32>
      %lt3A_249 = arith.cmpi slt, %sub3A_243, %lt3A_248 : vector<16xi32>
      %and3A_250 = arith.andi %ge3A_246, %lt3A_249 : vector<16xi1>
      %jit3A_251 = arith.constant 8448 : i32
      %broadcast_in_dim3A_252 = vector.broadcast %jit3A_251 : i32 to vector<16xi32>
      %select_n3A_253 = arith.select %and3A_250, %sub3A_243, %broadcast_in_dim3A_252 : vector<16xi1>, vector<16xi32>
      %swap3A_254 = arith.constant 48 : index
      %swap3A_255 = tpu.vector_load %arg9[%swap3A_254] {strides = array<i32>} : memref<96xi32, #tpu.memory_space<vmem>>, vector<16xi32>,
      %swap3A_256 = vector.shape_cast %swap3A_255 : vector<16xi32> to vector<16xi32>
      %swap3A_257 = vector.shape_cast %select_n3A_253 : vector<16xi32> to vector<16xi32>
      tpu.vector_store %arg9[%swap3A_254], %swap3A_257 {strides = array<i32>} : memref<96xi32, #tpu.memory_space<vmem>>, vector<16xi32>,
      %get3A_258 = arith.constant 64 : index
      %get3A_259 = tpu.vector_load %arg7[%get3A_258] {strides = array<i32>} : memref<96xi32, #tpu.memory_space<vmem>>, vector<16xi32>,
      %get3A_260 = vector.shape_cast %get3A_259 : vector<16xi32> to vector<16xi32>
      %sub3A_261 = vector.broadcast %mul3A_103 : i32 to vector<16xi32>
      %sub3A_262 = arith.subi %get3A_260, %sub3A_261 : vector<16xi32>
      %ge3A_263 = arith.constant 0 : i32
      %ge3A_264 = vector.broadcast %ge3A_263 : i32 to vector<16xi32>
      %ge3A_265 = arith.cmpi sge, %sub3A_262, %ge3A_264 : vector<16xi32>
      %lt3A_266 = arith.constant 8448 : i32
      %lt3A_267 = vector.broadcast %lt3A_266 : i32 to vector<16xi32>
      %lt3A_268 = arith.cmpi slt, %sub3A_262, %lt3A_267 : vector<16xi32>
      %and3A_269 = arith.andi %ge3A_265, %lt3A_268 : vector<16xi1>
      %jit3A_270 = arith.constant 8448 : i32
      %broadcast_in_dim3A_271 = vector.broadcast %jit3A_270 : i32 to vector<16xi32>
      %select_n3A_272 = arith.select %and3A_269, %sub3A_262, %broadcast_in_dim3A_271 : vector<16xi1>, vector<16xi32>
      %swap3A_273 = arith.constant 64 : index
      %swap3A_274 = tpu.vector_load %arg9[%swap3A_273] {strides = array<i32>} : memref<96xi32, #tpu.memory_space<vmem>>, vector<16xi32>,
      %swap3A_275 = vector.shape_cast %swap3A_274 : vector<16xi32> to vector<16xi32>
      %swap3A_276 = vector.shape_cast %select_n3A_272 : vector<16xi32> to vector<16xi32>
      tpu.vector_store %arg9[%swap3A_273], %swap3A_276 {strides = array<i32>} : memref<96xi32, #tpu.memory_space<vmem>>, vector<16xi32>,
      %get3A_277 = arith.constant 80 : index
      %get3A_278 = tpu.vector_load %arg7[%get3A_277] {strides = array<i32>} : memref<96xi32, #tpu.memory_space<vmem>>, vector<16xi32>,
      %get3A_279 = vector.shape_cast %get3A_278 : vector<16xi32> to vector<16xi32>
      %sub3A_280 = vector.broadcast %mul3A_103 : i32 to vector<16xi32>
      %sub3A_281 = arith.subi %get3A_279, %sub3A_280 : vector<16xi32>
      %ge3A_282 = arith.constant 0 : i32
      %ge3A_283 = vector.broadcast %ge3A_282 : i32 to vector<16xi32>
      %ge3A_284 = arith.cmpi sge, %sub3A_281, %ge3A_283 : vector<16xi32>
      %lt3A_285 = arith.constant 8448 : i32
      %lt3A_286 = vector.broadcast %lt3A_285 : i32 to vector<16xi32>
      %lt3A_287 = arith.cmpi slt, %sub3A_281, %lt3A_286 : vector<16xi32>
      %and3A_288 = arith.andi %ge3A_284, %lt3A_287 : vector<16xi1>
      %jit3A_289 = arith.constant 8448 : i32
      %broadcast_in_dim3A_290 = vector.broadcast %jit3A_289 : i32 to vector<16xi32>
      %select_n3A_291 = arith.select %and3A_288, %sub3A_281, %broadcast_in_dim3A_290 : vector<16xi1>, vector<16xi32>
      %swap3A_292 = arith.constant 80 : index
      %swap3A_293 = tpu.vector_load %arg9[%swap3A_292] {strides = array<i32>} : memref<96xi32, #tpu.memory_space<vmem>>, vector<16xi32>,
      %swap3A_294 = vector.shape_cast %swap3A_293 : vector<16xi32> to vector<16xi32>
      %swap3A_295 = vector.shape_cast %select_n3A_291 : vector<16xi32> to vector<16xi32>
      tpu.vector_store %arg9[%swap3A_292], %swap3A_295 {strides = array<i32>} : memref<96xi32, #tpu.memory_space<vmem>>, vector<16xi32>,
      %get3A_296 = arith.constant 0 : index
      %get3A_297 = tpu.vector_load %arg11[%get3A_296] {strides = array<i32>} : memref<96xi32, #tpu.memory_space<vmem>>, vector<16xi32>,
      %get3A_298 = vector.shape_cast %get3A_297 : vector<16xi32> to vector<16xi32>
      %sub3A_299 = vector.broadcast %mul3A_103 : i32 to vector<16xi32>
      %sub3A_300 = arith.subi %get3A_298, %sub3A_299 : vector<16xi32>
      %ge3A_301 = arith.constant 0 : i32
      %ge3A_302 = vector.broadcast %ge3A_301 : i32 to vector<16xi32>
      %ge3A_303 = arith.cmpi sge, %sub3A_300, %ge3A_302 : vector<16xi32>
      %lt3A_304 = arith.constant 8448 : i32
      %lt3A_305 = vector.broadcast %lt3A_304 : i32 to vector<16xi32>
      %lt3A_306 = arith.cmpi slt, %sub3A_300, %lt3A_305 : vector<16xi32>
      %and3A_307 = arith.andi %ge3A_303, %lt3A_306 : vector<16xi1>
      %jit3A_308 = arith.constant 8448 : i32
      %broadcast_in_dim3A_309 = vector.broadcast %jit3A_308 : i32 to vector<16xi32>
      %select_n3A_310 = arith.select %and3A_307, %sub3A_300, %broadcast_in_dim3A_309 : vector<16xi1>, vector<16xi32>
      %swap3A_311 = arith.constant 0 : index
      %swap3A_312 = tpu.vector_load %arg13[%swap3A_311] {strides = array<i32>} : memref<96xi32, #tpu.memory_space<vmem>>, vector<16xi32>,
      %swap3A_313 = vector.shape_cast %swap3A_312 : vector<16xi32> to vector<16xi32>
      %swap3A_314 = vector.shape_cast %select_n3A_310 : vector<16xi32> to vector<16xi32>
      tpu.vector_store %arg13[%swap3A_311], %swap3A_314 {strides = array<i32>} : memref<96xi32, #tpu.memory_space<vmem>>, vector<16xi32>,
      %get3A_315 = arith.constant 16 : index
      %get3A_316 = tpu.vector_load %arg11[%get3A_315] {strides = array<i32>} : memref<96xi32, #tpu.memory_space<vmem>>, vector<16xi32>,
      %get3A_317 = vector.shape_cast %get3A_316 : vector<16xi32> to vector<16xi32>
      %sub3A_318 = vector.broadcast %mul3A_103 : i32 to vector<16xi32>
      %sub3A_319 = arith.subi %get3A_317, %sub3A_318 : vector<16xi32>
      %ge3A_320 = arith.constant 0 : i32
      %ge3A_321 = vector.broadcast %ge3A_320 : i32 to vector<16xi32>
      %ge3A_322 = arith.cmpi sge, %sub3A_319, %ge3A_321 : vector<16xi32>
      %lt3A_323 = arith.constant 8448 : i32
      %lt3A_324 = vector.broadcast %lt3A_323 : i32 to vector<16xi32>
      %lt3A_325 = arith.cmpi slt, %sub3A_319, %lt3A_324 : vector<16xi32>
      %and3A_326 = arith.andi %ge3A_322, %lt3A_325 : vector<16xi1>
      %jit3A_327 = arith.constant 8448 : i32
      %broadcast_in_dim3A_328 = vector.broadcast %jit3A_327 : i32 to vector<16xi32>
      %select_n3A_329 = arith.select %and3A_326, %sub3A_319, %broadcast_in_dim3A_328 : vector<16xi1>, vector<16xi32>
      %swap3A_330 = arith.constant 16 : index
      %swap3A_331 = tpu.vector_load %arg13[%swap3A_330] {strides = array<i32>} : memref<96xi32, #tpu.memory_space<vmem>>, vector<16xi32>,
      %swap3A_332 = vector.shape_cast %swap3A_331 : vector<16xi32> to vector<16xi32>
      %swap3A_333 = vector.shape_cast %select_n3A_329 : vector<16xi32> to vector<16xi32>
      tpu.vector_store %arg13[%swap3A_330], %swap3A_333 {strides = array<i32>} : memref<96xi32, #tpu.memory_space<vmem>>, vector<16xi32>,
      %get3A_334 = arith.constant 32 : index
      %get3A_335 = tpu.vector_load %arg11[%get3A_334] {strides = array<i32>} : memref<96xi32, #tpu.memory_space<vmem>>, vector<16xi32>,
      %get3A_336 = vector.shape_cast %get3A_335 : vector<16xi32> to vector<16xi32>
      %sub3A_337 = vector.broadcast %mul3A_103 : i32 to vector<16xi32>
      %sub3A_338 = arith.subi %get3A_336, %sub3A_337 : vector<16xi32>
      %ge3A_339 = arith.constant 0 : i32
      %ge3A_340 = vector.broadcast %ge3A_339 : i32 to vector<16xi32>
      %ge3A_341 = arith.cmpi sge, %sub3A_338, %ge3A_340 : vector<16xi32>
      %lt3A_342 = arith.constant 8448 : i32
      %lt3A_343 = vector.broadcast %lt3A_342 : i32 to vector<16xi32>
      %lt3A_344 = arith.cmpi slt, %sub3A_338, %lt3A_343 : vector<16xi32>
      %and3A_345 = arith.andi %ge3A_341, %lt3A_344 : vector<16xi1>
      %jit3A_346 = arith.constant 8448 : i32
      %broadcast_in_dim3A_347 = vector.broadcast %jit3A_346 : i32 to vector<16xi32>
      %select_n3A_348 = arith.select %and3A_345, %sub3A_338, %broadcast_in_dim3A_347 : vector<16xi1>, vector<16xi32>
      %swap3A_349 = arith.constant 32 : index
      %swap3A_350 = tpu.vector_load %arg13[%swap3A_349] {strides = array<i32>} : memref<96xi32, #tpu.memory_space<vmem>>, vector<16xi32>,
      %swap3A_351 = vector.shape_cast %swap3A_350 : vector<16xi32> to vector<16xi32>
      %swap3A_352 = vector.shape_cast %select_n3A_348 : vector<16xi32> to vector<16xi32>
      tpu.vector_store %arg13[%swap3A_349], %swap3A_352 {strides = array<i32>} : memref<96xi32, #tpu.memory_space<vmem>>, vector<16xi32>,
      %get3A_353 = arith.constant 48 : index
      %get3A_354 = tpu.vector_load %arg11[%get3A_353] {strides = array<i32>} : memref<96xi32, #tpu.memory_space<vmem>>, vector<16xi32>,
      %get3A_355 = vector.shape_cast %get3A_354 : vector<16xi32> to vector<16xi32>
      %sub3A_356 = vector.broadcast %mul3A_103 : i32 to vector<16xi32>
      %sub3A_357 = arith.subi %get3A_355, %sub3A_356 : vector<16xi32>
      %ge3A_358 = arith.constant 0 : i32
      %ge3A_359 = vector.broadcast %ge3A_358 : i32 to vector<16xi32>
      %ge3A_360 = arith.cmpi sge, %sub3A_357, %ge3A_359 : vector<16xi32>
      %lt3A_361 = arith.constant 8448 : i32
      %lt3A_362 = vector.broadcast %lt3A_361 : i32 to vector<16xi32>
      %lt3A_363 = arith.cmpi slt, %sub3A_357, %lt3A_362 : vector<16xi32>
      %and3A_364 = arith.andi %ge3A_360, %lt3A_363 : vector<16xi1>
      %jit3A_365 = arith.constant 8448 : i32
      %broadcast_in_dim3A_366 = vector.broadcast %jit3A_365 : i32 to vector<16xi32>
      %select_n3A_367 = arith.select %and3A_364, %sub3A_357, %broadcast_in_dim3A_366 : vector<16xi1>, vector<16xi32>
      %swap3A_368 = arith.constant 48 : index
      %swap3A_369 = tpu.vector_load %arg13[%swap3A_368] {strides = array<i32>} : memref<96xi32, #tpu.memory_space<vmem>>, vector<16xi32>,
      %swap3A_370 = vector.shape_cast %swap3A_369 : vector<16xi32> to vector<16xi32>
      %swap3A_371 = vector.shape_cast %select_n3A_367 : vector<16xi32> to vector<16xi32>
      tpu.vector_store %arg13[%swap3A_368], %swap3A_371 {strides = array<i32>} : memref<96xi32, #tpu.memory_space<vmem>>, vector<16xi32>,
      %get3A_372 = arith.constant 64 : index
      %get3A_373 = tpu.vector_load %arg11[%get3A_372] {strides = array<i32>} : memref<96xi32, #tpu.memory_space<vmem>>, vector<16xi32>,
      %get3A_374 = vector.shape_cast %get3A_373 : vector<16xi32> to vector<16xi32>
      %sub3A_375 = vector.broadcast %mul3A_103 : i32 to vector<16xi32>
      %sub3A_376 = arith.subi %get3A_374, %sub3A_375 : vector<16xi32>
      %ge3A_377 = arith.constant 0 : i32
      %ge3A_378 = vector.broadcast %ge3A_377 : i32 to vector<16xi32>
      %ge3A_379 = arith.cmpi sge, %sub3A_376, %ge3A_378 : vector<16xi32>
      %lt3A_380 = arith.constant 8448 : i32
      %lt3A_381 = vector.broadcast %lt3A_380 : i32 to vector<16xi32>
      %lt3A_382 = arith.cmpi slt, %sub3A_376, %lt3A_381 : vector<16xi32>
      %and3A_383 = arith.andi %ge3A_379, %lt3A_382 : vector<16xi1>
      %jit3A_384 = arith.constant 8448 : i32
      %broadcast_in_dim3A_385 = vector.broadcast %jit3A_384 : i32 to vector<16xi32>
      %select_n3A_386 = arith.select %and3A_383, %sub3A_376, %broadcast_in_dim3A_385 : vector<16xi1>, vector<16xi32>
      %swap3A_387 = arith.constant 64 : index
      %swap3A_388 = tpu.vector_load %arg13[%swap3A_387] {strides = array<i32>} : memref<96xi32, #tpu.memory_space<vmem>>, vector<16xi32>,
      %swap3A_389 = vector.shape_cast %swap3A_388 : vector<16xi32> to vector<16xi32>
      %swap3A_390 = vector.shape_cast %select_n3A_386 : vector<16xi32> to vector<16xi32>
      tpu.vector_store %arg13[%swap3A_387], %swap3A_390 {strides = array<i32>} : memref<96xi32, #tpu.memory_space<vmem>>, vector<16xi32>,
      %get3A_391 = arith.constant 80 : index
      %get3A_392 = tpu.vector_load %arg11[%get3A_391] {strides = array<i32>} : memref<96xi32, #tpu.memory_space<vmem>>, vector<16xi32>,
      %get3A_393 = vector.shape_cast %get3A_392 : vector<16xi32> to vector<16xi32>
      %sub3A_394 = vector.broadcast %mul3A_103 : i32 to vector<16xi32>
      %sub3A_395 = arith.subi %get3A_393, %sub3A_394 : vector<16xi32>
      %ge3A_396 = arith.constant 0 : i32
      %ge3A_397 = vector.broadcast %ge3A_396 : i32 to vector<16xi32>
      %ge3A_398 = arith.cmpi sge, %sub3A_395, %ge3A_397 : vector<16xi32>
      %lt3A_399 = arith.constant 8448 : i32
      %lt3A_400 = vector.broadcast %lt3A_399 : i32 to vector<16xi32>
      %lt3A_401 = arith.cmpi slt, %sub3A_395, %lt3A_400 : vector<16xi32>
      %and3A_402 = arith.andi %ge3A_398, %lt3A_401 : vector<16xi1>
      %jit3A_403 = arith.constant 8448 : i32
      %broadcast_in_dim3A_404 = vector.broadcast %jit3A_403 : i32 to vector<16xi32>
      %select_n3A_405 = arith.select %and3A_402, %sub3A_395, %broadcast_in_dim3A_404 : vector<16xi1>, vector<16xi32>
      %swap3A_406 = arith.constant 80 : index
      %swap3A_407 = tpu.vector_load %arg13[%swap3A_406] {strides = array<i32>} : memref<96xi32, #tpu.memory_space<vmem>>, vector<16xi32>,
      %swap3A_408 = vector.shape_cast %swap3A_407 : vector<16xi32> to vector<16xi32>
      %swap3A_409 = vector.shape_cast %select_n3A_405 : vector<16xi32> to vector<16xi32>
      tpu.vector_store %arg13[%swap3A_406], %swap3A_409 {strides = array<i32>} : memref<96xi32, #tpu.memory_space<vmem>>, vector<16xi32>,
      %get3A_410 = arith.constant 0 : index
      %get3A_411 = tpu.vector_load %arg15[%get3A_410] {strides = array<i32>} : memref<96xi32, #tpu.memory_space<vmem>>, vector<16xi32>,
      %get3A_412 = vector.shape_cast %get3A_411 : vector<16xi32> to vector<16xi32>
      %sub3A_413 = vector.broadcast %mul3A_103 : i32 to vector<16xi32>
      %sub3A_414 = arith.subi %get3A_412, %sub3A_413 : vector<16xi32>
      %ge3A_415 = arith.constant 0 : i32
      %ge3A_416 = vector.broadcast %ge3A_415 : i32 to vector<16xi32>
      %ge3A_417 = arith.cmpi sge, %sub3A_414, %ge3A_416 : vector<16xi32>
      %lt3A_418 = arith.constant 8448 : i32
      %lt3A_419 = vector.broadcast %lt3A_418 : i32 to vector<16xi32>
      %lt3A_420 = arith.cmpi slt, %sub3A_414, %lt3A_419 : vector<16xi32>
      %and3A_421 = arith.andi %ge3A_417, %lt3A_420 : vector<16xi1>
      %jit3A_422 = arith.constant 8448 : i32
      %broadcast_in_dim3A_423 = vector.broadcast %jit3A_422 : i32 to vector<16xi32>
      %select_n3A_424 = arith.select %and3A_421, %sub3A_414, %broadcast_in_dim3A_423 : vector<16xi1>, vector<16xi32>
      %swap3A_425 = arith.constant 0 : index
      %swap3A_426 = tpu.vector_load %arg17[%swap3A_425] {strides = array<i32>} : memref<96xi32, #tpu.memory_space<vmem>>, vector<16xi32>,
      %swap3A_427 = vector.shape_cast %swap3A_426 : vector<16xi32> to vector<16xi32>
      %swap3A_428 = vector.shape_cast %select_n3A_424 : vector<16xi32> to vector<16xi32>
      tpu.vector_store %arg17[%swap3A_425], %swap3A_428 {strides = array<i32>} : memref<96xi32, #tpu.memory_space<vmem>>, vector<16xi32>,
      %get3A_429 = arith.constant 16 : index
      %get3A_430 = tpu.vector_load %arg15[%get3A_429] {strides = array<i32>} : memref<96xi32, #tpu.memory_space<vmem>>, vector<16xi32>,
      %get3A_431 = vector.shape_cast %get3A_430 : vector<16xi32> to vector<16xi32>
      %sub3A_432 = vector.broadcast %mul3A_103 : i32 to vector<16xi32>
      %sub3A_433 = arith.subi %get3A_431, %sub3A_432 : vector<16xi32>
      %ge3A_434 = arith.constant 0 : i32
      %ge3A_435 = vector.broadcast %ge3A_434 : i32 to vector<16xi32>
      %ge3A_436 = arith.cmpi sge, %sub3A_433, %ge3A_435 : vector<16xi32>
      %lt3A_437 = arith.constant 8448 : i32
      %lt3A_438 = vector.broadcast %lt3A_437 : i32 to vector<16xi32>
      %lt3A_439 = arith.cmpi slt, %sub3A_433, %lt3A_438 : vector<16xi32>
      %and3A_440 = arith.andi %ge3A_436, %lt3A_439 : vector<16xi1>
      %jit3A_441 = arith.constant 8448 : i32
      %broadcast_in_dim3A_442 = vector.broadcast %jit3A_441 : i32 to vector<16xi32>
      %select_n3A_443 = arith.select %and3A_440, %sub3A_433, %broadcast_in_dim3A_442 : vector<16xi1>, vector<16xi32>
      %swap3A_444 = arith.constant 16 : index
      %swap3A_445 = tpu.vector_load %arg17[%swap3A_444] {strides = array<i32>} : memref<96xi32, #tpu.memory_space<vmem>>, vector<16xi32>,
      %swap3A_446 = vector.shape_cast %swap3A_445 : vector<16xi32> to vector<16xi32>
      %swap3A_447 = vector.shape_cast %select_n3A_443 : vector<16xi32> to vector<16xi32>
      tpu.vector_store %arg17[%swap3A_444], %swap3A_447 {strides = array<i32>} : memref<96xi32, #tpu.memory_space<vmem>>, vector<16xi32>,
      %get3A_448 = arith.constant 32 : index
      %get3A_449 = tpu.vector_load %arg15[%get3A_448] {strides = array<i32>} : memref<96xi32, #tpu.memory_space<vmem>>, vector<16xi32>,
      %get3A_450 = vector.shape_cast %get3A_449 : vector<16xi32> to vector<16xi32>
      %sub3A_451 = vector.broadcast %mul3A_103 : i32 to vector<16xi32>
      %sub3A_452 = arith.subi %get3A_450, %sub3A_451 : vector<16xi32>
      %ge3A_453 = arith.constant 0 : i32
      %ge3A_454 = vector.broadcast %ge3A_453 : i32 to vector<16xi32>
      %ge3A_455 = arith.cmpi sge, %sub3A_452, %ge3A_454 : vector<16xi32>
      %lt3A_456 = arith.constant 8448 : i32
      %lt3A_457 = vector.broadcast %lt3A_456 : i32 to vector<16xi32>
      %lt3A_458 = arith.cmpi slt, %sub3A_452, %lt3A_457 : vector<16xi32>
      %and3A_459 = arith.andi %ge3A_455, %lt3A_458 : vector<16xi1>
      %jit3A_460 = arith.constant 8448 : i32
      %broadcast_in_dim3A_461 = vector.broadcast %jit3A_460 : i32 to vector<16xi32>
      %select_n3A_462 = arith.select %and3A_459, %sub3A_452, %broadcast_in_dim3A_461 : vector<16xi1>, vector<16xi32>
      %swap3A_463 = arith.constant 32 : index
      %swap3A_464 = tpu.vector_load %arg17[%swap3A_463] {strides = array<i32>} : memref<96xi32, #tpu.memory_space<vmem>>, vector<16xi32>,
      %swap3A_465 = vector.shape_cast %swap3A_464 : vector<16xi32> to vector<16xi32>
      %swap3A_466 = vector.shape_cast %select_n3A_462 : vector<16xi32> to vector<16xi32>
      tpu.vector_store %arg17[%swap3A_463], %swap3A_466 {strides = array<i32>} : memref<96xi32, #tpu.memory_space<vmem>>, vector<16xi32>,
      %get3A_467 = arith.constant 48 : index
      %get3A_468 = tpu.vector_load %arg15[%get3A_467] {strides = array<i32>} : memref<96xi32, #tpu.memory_space<vmem>>, vector<16xi32>,
      %get3A_469 = vector.shape_cast %get3A_468 : vector<16xi32> to vector<16xi32>
      %sub3A_470 = vector.broadcast %mul3A_103 : i32 to vector<16xi32>
      %sub3A_471 = arith.subi %get3A_469, %sub3A_470 : vector<16xi32>
      %ge3A_472 = arith.constant 0 : i32
      %ge3A_473 = vector.broadcast %ge3A_472 : i32 to vector<16xi32>
      %ge3A_474 = arith.cmpi sge, %sub3A_471, %ge3A_473 : vector<16xi32>
      %lt3A_475 = arith.constant 8448 : i32
      %lt3A_476 = vector.broadcast %lt3A_475 : i32 to vector<16xi32>
      %lt3A_477 = arith.cmpi slt, %sub3A_471, %lt3A_476 : vector<16xi32>
      %and3A_478 = arith.andi %ge3A_474, %lt3A_477 : vector<16xi1>
      %jit3A_479 = arith.constant 8448 : i32
      %broadcast_in_dim3A_480 = vector.broadcast %jit3A_479 : i32 to vector<16xi32>
      %select_n3A_481 = arith.select %and3A_478, %sub3A_471, %broadcast_in_dim3A_480 : vector<16xi1>, vector<16xi32>
      %swap3A_482 = arith.constant 48 : index
      %swap3A_483 = tpu.vector_load %arg17[%swap3A_482] {strides = array<i32>} : memref<96xi32, #tpu.memory_space<vmem>>, vector<16xi32>,
      %swap3A_484 = vector.shape_cast %swap3A_483 : vector<16xi32> to vector<16xi32>
      %swap3A_485 = vector.shape_cast %select_n3A_481 : vector<16xi32> to vector<16xi32>
      tpu.vector_store %arg17[%swap3A_482], %swap3A_485 {strides = array<i32>} : memref<96xi32, #tpu.memory_space<vmem>>, vector<16xi32>,
      %get3A_486 = arith.constant 64 : index
      %get3A_487 = tpu.vector_load %arg15[%get3A_486] {strides = array<i32>} : memref<96xi32, #tpu.memory_space<vmem>>, vector<16xi32>,
      %get3A_488 = vector.shape_cast %get3A_487 : vector<16xi32> to vector<16xi32>
      %sub3A_489 = vector.broadcast %mul3A_103 : i32 to vector<16xi32>
      %sub3A_490 = arith.subi %get3A_488, %sub3A_489 : vector<16xi32>
      %ge3A_491 = arith.constant 0 : i32
      %ge3A_492 = vector.broadcast %ge3A_491 : i32 to vector<16xi32>
      %ge3A_493 = arith.cmpi sge, %sub3A_490, %ge3A_492 : vector<16xi32>
      %lt3A_494 = arith.constant 8448 : i32
      %lt3A_495 = vector.broadcast %lt3A_494 : i32 to vector<16xi32>
      %lt3A_496 = arith.cmpi slt, %sub3A_490, %lt3A_495 : vector<16xi32>
      %and3A_497 = arith.andi %ge3A_493, %lt3A_496 : vector<16xi1>
      %jit3A_498 = arith.constant 8448 : i32
      %broadcast_in_dim3A_499 = vector.broadcast %jit3A_498 : i32 to vector<16xi32>
      %select_n3A_500 = arith.select %and3A_497, %sub3A_490, %broadcast_in_dim3A_499 : vector<16xi1>, vector<16xi32>
      %swap3A_501 = arith.constant 64 : index
      %swap3A_502 = tpu.vector_load %arg17[%swap3A_501] {strides = array<i32>} : memref<96xi32, #tpu.memory_space<vmem>>, vector<16xi32>,
      %swap3A_503 = vector.shape_cast %swap3A_502 : vector<16xi32> to vector<16xi32>
      %swap3A_504 = vector.shape_cast %select_n3A_500 : vector<16xi32> to vector<16xi32>
      tpu.vector_store %arg17[%swap3A_501], %swap3A_504 {strides = array<i32>} : memref<96xi32, #tpu.memory_space<vmem>>, vector<16xi32>,
      %get3A_505 = arith.constant 80 : index
      %get3A_506 = tpu.vector_load %arg15[%get3A_505] {strides = array<i32>} : memref<96xi32, #tpu.memory_space<vmem>>, vector<16xi32>,
      %get3A_507 = vector.shape_cast %get3A_506 : vector<16xi32> to vector<16xi32>
      %sub3A_508 = vector.broadcast %mul3A_103 : i32 to vector<16xi32>
      %sub3A_509 = arith.subi %get3A_507, %sub3A_508 : vector<16xi32>
      %ge3A_510 = arith.constant 0 : i32
      %ge3A_511 = vector.broadcast %ge3A_510 : i32 to vector<16xi32>
      %ge3A_512 = arith.cmpi sge, %sub3A_509, %ge3A_511 : vector<16xi32>
      %lt3A_513 = arith.constant 8448 : i32
      %lt3A_514 = vector.broadcast %lt3A_513 : i32 to vector<16xi32>
      %lt3A_515 = arith.cmpi slt, %sub3A_509, %lt3A_514 : vector<16xi32>
      %and3A_516 = arith.andi %ge3A_512, %lt3A_515 : vector<16xi1>
      %jit3A_517 = arith.constant 8448 : i32
      %broadcast_in_dim3A_518 = vector.broadcast %jit3A_517 : i32 to vector<16xi32>
      %select_n3A_519 = arith.select %and3A_516, %sub3A_509, %broadcast_in_dim3A_518 : vector<16xi1>, vector<16xi32>
      %swap3A_520 = arith.constant 80 : index
      %swap3A_521 = tpu.vector_load %arg17[%swap3A_520] {strides = array<i32>} : memref<96xi32, #tpu.memory_space<vmem>>, vector<16xi32>,
      %swap3A_522 = vector.shape_cast %swap3A_521 : vector<16xi32> to vector<16xi32>
      %swap3A_523 = vector.shape_cast %select_n3A_519 : vector<16xi32> to vector<16xi32>
      tpu.vector_store %arg17[%swap3A_520], %swap3A_523 {strides = array<i32>} : memref<96xi32, #tpu.memory_space<vmem>>, vector<16xi32>,
      %get3A_524 = arith.constant 0 : index
      %get3A_525 = tpu.vector_load %arg19[%get3A_524] {strides = array<i32>} : memref<96xi32, #tpu.memory_space<vmem>>, vector<16xi32>,
      %get3A_526 = vector.shape_cast %get3A_525 : vector<16xi32> to vector<16xi32>
      %sub3A_527 = vector.broadcast %mul3A_103 : i32 to vector<16xi32>
      %sub3A_528 = arith.subi %get3A_526, %sub3A_527 : vector<16xi32>
      %ge3A_529 = arith.constant 0 : i32
      %ge3A_530 = vector.broadcast %ge3A_529 : i32 to vector<16xi32>
      %ge3A_531 = arith.cmpi sge, %sub3A_528, %ge3A_530 : vector<16xi32>
      %lt3A_532 = arith.constant 8448 : i32
      %lt3A_533 = vector.broadcast %lt3A_532 : i32 to vector<16xi32>
      %lt3A_534 = arith.cmpi slt, %sub3A_528, %lt3A_533 : vector<16xi32>
      %and3A_535 = arith.andi %ge3A_531, %lt3A_534 : vector<16xi1>
      %jit3A_536 = arith.constant 8448 : i32
      %broadcast_in_dim3A_537 = vector.broadcast %jit3A_536 : i32 to vector<16xi32>
      %select_n3A_538 = arith.select %and3A_535, %sub3A_528, %broadcast_in_dim3A_537 : vector<16xi1>, vector<16xi32>
      %swap3A_539 = arith.constant 0 : index
      %swap3A_540 = tpu.vector_load %arg21[%swap3A_539] {strides = array<i32>} : memref<96xi32, #tpu.memory_space<vmem>>, vector<16xi32>,
      %swap3A_541 = vector.shape_cast %swap3A_540 : vector<16xi32> to vector<16xi32>
      %swap3A_542 = vector.shape_cast %select_n3A_538 : vector<16xi32> to vector<16xi32>
      tpu.vector_store %arg21[%swap3A_539], %swap3A_542 {strides = array<i32>} : memref<96xi32, #tpu.memory_space<vmem>>, vector<16xi32>,
      %get3A_543 = arith.constant 16 : index
      %get3A_544 = tpu.vector_load %arg19[%get3A_543] {strides = array<i32>} : memref<96xi32, #tpu.memory_space<vmem>>, vector<16xi32>,
      %get3A_545 = vector.shape_cast %get3A_544 : vector<16xi32> to vector<16xi32>
      %sub3A_546 = vector.broadcast %mul3A_103 : i32 to vector<16xi32>
      %sub3A_547 = arith.subi %get3A_545, %sub3A_546 : vector<16xi32>
      %ge3A_548 = arith.constant 0 : i32
      %ge3A_549 = vector.broadcast %ge3A_548 : i32 to vector<16xi32>
      %ge3A_550 = arith.cmpi sge, %sub3A_547, %ge3A_549 : vector<16xi32>
      %lt3A_551 = arith.constant 8448 : i32
      %lt3A_552 = vector.broadcast %lt3A_551 : i32 to vector<16xi32>
      %lt3A_553 = arith.cmpi slt, %sub3A_547, %lt3A_552 : vector<16xi32>
      %and3A_554 = arith.andi %ge3A_550, %lt3A_553 : vector<16xi1>
      %jit3A_555 = arith.constant 8448 : i32
      %broadcast_in_dim3A_556 = vector.broadcast %jit3A_555 : i32 to vector<16xi32>
      %select_n3A_557 = arith.select %and3A_554, %sub3A_547, %broadcast_in_dim3A_556 : vector<16xi1>, vector<16xi32>
      %swap3A_558 = arith.constant 16 : index
      %swap3A_559 = tpu.vector_load %arg21[%swap3A_558] {strides = array<i32>} : memref<96xi32, #tpu.memory_space<vmem>>, vector<16xi32>,
      %swap3A_560 = vector.shape_cast %swap3A_559 : vector<16xi32> to vector<16xi32>
      %swap3A_561 = vector.shape_cast %select_n3A_557 : vector<16xi32> to vector<16xi32>
      tpu.vector_store %arg21[%swap3A_558], %swap3A_561 {strides = array<i32>} : memref<96xi32, #tpu.memory_space<vmem>>, vector<16xi32>,
      %get3A_562 = arith.constant 32 : index
      %get3A_563 = tpu.vector_load %arg19[%get3A_562] {strides = array<i32>} : memref<96xi32, #tpu.memory_space<vmem>>, vector<16xi32>,
      %get3A_564 = vector.shape_cast %get3A_563 : vector<16xi32> to vector<16xi32>
      %sub3A_565 = vector.broadcast %mul3A_103 : i32 to vector<16xi32>
      %sub3A_566 = arith.subi %get3A_564, %sub3A_565 : vector<16xi32>
      %ge3A_567 = arith.constant 0 : i32
      %ge3A_568 = vector.broadcast %ge3A_567 : i32 to vector<16xi32>
      %ge3A_569 = arith.cmpi sge, %sub3A_566, %ge3A_568 : vector<16xi32>
      %lt3A_570 = arith.constant 8448 : i32
      %lt3A_571 = vector.broadcast %lt3A_570 : i32 to vector<16xi32>
      %lt3A_572 = arith.cmpi slt, %sub3A_566, %lt3A_571 : vector<16xi32>
      %and3A_573 = arith.andi %ge3A_569, %lt3A_572 : vector<16xi1>
      %jit3A_574 = arith.constant 8448 : i32
      %broadcast_in_dim3A_575 = vector.broadcast %jit3A_574 : i32 to vector<16xi32>
      %select_n3A_576 = arith.select %and3A_573, %sub3A_566, %broadcast_in_dim3A_575 : vector<16xi1>, vector<16xi32>
      %swap3A_577 = arith.constant 32 : index
      %swap3A_578 = tpu.vector_load %arg21[%swap3A_577] {strides = array<i32>} : memref<96xi32, #tpu.memory_space<vmem>>, vector<16xi32>,
      %swap3A_579 = vector.shape_cast %swap3A_578 : vector<16xi32> to vector<16xi32>
      %swap3A_580 = vector.shape_cast %select_n3A_576 : vector<16xi32> to vector<16xi32>
      tpu.vector_store %arg21[%swap3A_577], %swap3A_580 {strides = array<i32>} : memref<96xi32, #tpu.memory_space<vmem>>, vector<16xi32>,
      %get3A_581 = arith.constant 48 : index
      %get3A_582 = tpu.vector_load %arg19[%get3A_581] {strides = array<i32>} : memref<96xi32, #tpu.memory_space<vmem>>, vector<16xi32>,
      %get3A_583 = vector.shape_cast %get3A_582 : vector<16xi32> to vector<16xi32>
      %sub3A_584 = vector.broadcast %mul3A_103 : i32 to vector<16xi32>
      %sub3A_585 = arith.subi %get3A_583, %sub3A_584 : vector<16xi32>
      %ge3A_586 = arith.constant 0 : i32
      %ge3A_587 = vector.broadcast %ge3A_586 : i32 to vector<16xi32>
      %ge3A_588 = arith.cmpi sge, %sub3A_585, %ge3A_587 : vector<16xi32>
      %lt3A_589 = arith.constant 8448 : i32
      %lt3A_590 = vector.broadcast %lt3A_589 : i32 to vector<16xi32>
      %lt3A_591 = arith.cmpi slt, %sub3A_585, %lt3A_590 : vector<16xi32>
      %and3A_592 = arith.andi %ge3A_588, %lt3A_591 : vector<16xi1>
      %jit3A_593 = arith.constant 8448 : i32
      %broadcast_in_dim3A_594 = vector.broadcast %jit3A_593 : i32 to vector<16xi32>
      %select_n3A_595 = arith.select %and3A_592, %sub3A_585, %broadcast_in_dim3A_594 : vector<16xi1>, vector<16xi32>
      %swap3A_596 = arith.constant 48 : index
      %swap3A_597 = tpu.vector_load %arg21[%swap3A_596] {strides = array<i32>} : memref<96xi32, #tpu.memory_space<vmem>>, vector<16xi32>,
      %swap3A_598 = vector.shape_cast %swap3A_597 : vector<16xi32> to vector<16xi32>
      %swap3A_599 = vector.shape_cast %select_n3A_595 : vector<16xi32> to vector<16xi32>
      tpu.vector_store %arg21[%swap3A_596], %swap3A_599 {strides = array<i32>} : memref<96xi32, #tpu.memory_space<vmem>>, vector<16xi32>,
      %get3A_600 = arith.constant 64 : index
      %get3A_601 = tpu.vector_load %arg19[%get3A_600] {strides = array<i32>} : memref<96xi32, #tpu.memory_space<vmem>>, vector<16xi32>,
      %get3A_602 = vector.shape_cast %get3A_601 : vector<16xi32> to vector<16xi32>
      %sub3A_603 = vector.broadcast %mul3A_103 : i32 to vector<16xi32>
      %sub3A_604 = arith.subi %get3A_602, %sub3A_603 : vector<16xi32>
      %ge3A_605 = arith.constant 0 : i32
      %ge3A_606 = vector.broadcast %ge3A_605 : i32 to vector<16xi32>
      %ge3A_607 = arith.cmpi sge, %sub3A_604, %ge3A_606 : vector<16xi32>
      %lt3A_608 = arith.constant 8448 : i32
      %lt3A_609 = vector.broadcast %lt3A_608 : i32 to vector<16xi32>
      %lt3A_610 = arith.cmpi slt, %sub3A_604, %lt3A_609 : vector<16xi32>
      %and3A_611 = arith.andi %ge3A_607, %lt3A_610 : vector<16xi1>
      %jit3A_612 = arith.constant 8448 : i32
      %broadcast_in_dim3A_613 = vector.broadcast %jit3A_612 : i32 to vector<16xi32>
      %select_n3A_614 = arith.select %and3A_611, %sub3A_604, %broadcast_in_dim3A_613 : vector<16xi1>, vector<16xi32>
      %swap3A_615 = arith.constant 64 : index
      %swap3A_616 = tpu.vector_load %arg21[%swap3A_615] {strides = array<i32>} : memref<96xi32, #tpu.memory_space<vmem>>, vector<16xi32>,
      %swap3A_617 = vector.shape_cast %swap3A_616 : vector<16xi32> to vector<16xi32>
      %swap3A_618 = vector.shape_cast %select_n3A_614 : vector<16xi32> to vector<16xi32>
      tpu.vector_store %arg21[%swap3A_615], %swap3A_618 {strides = array<i32>} : memref<96xi32, #tpu.memory_space<vmem>>, vector<16xi32>,
      %get3A_619 = arith.constant 80 : index
      %get3A_620 = tpu.vector_load %arg19[%get3A_619] {strides = array<i32>} : memref<96xi32, #tpu.memory_space<vmem>>, vector<16xi32>,
      %get3A_621 = vector.shape_cast %get3A_620 : vector<16xi32> to vector<16xi32>
      %sub3A_622 = vector.broadcast %mul3A_103 : i32 to vector<16xi32>
      %sub3A_623 = arith.subi %get3A_621, %sub3A_622 : vector<16xi32>
      %ge3A_624 = arith.constant 0 : i32
      %ge3A_625 = vector.broadcast %ge3A_624 : i32 to vector<16xi32>
      %ge3A_626 = arith.cmpi sge, %sub3A_623, %ge3A_625 : vector<16xi32>
      %lt3A_627 = arith.constant 8448 : i32
      %lt3A_628 = vector.broadcast %lt3A_627 : i32 to vector<16xi32>
      %lt3A_629 = arith.cmpi slt, %sub3A_623, %lt3A_628 : vector<16xi32>
      %and3A_630 = arith.andi %ge3A_626, %lt3A_629 : vector<16xi1>
      %jit3A_631 = arith.constant 8448 : i32
      %broadcast_in_dim3A_632 = vector.broadcast %jit3A_631 : i32 to vector<16xi32>
      %select_n3A_633 = arith.select %and3A_630, %sub3A_623, %broadcast_in_dim3A_632 : vector<16xi1>, vector<16xi32>
      %swap3A_634 = arith.constant 80 : index
      %swap3A_635 = tpu.vector_load %arg21[%swap3A_634] {strides = array<i32>} : memref<96xi32, #tpu.memory_space<vmem>>, vector<16xi32>,
      %swap3A_636 = vector.shape_cast %swap3A_635 : vector<16xi32> to vector<16xi32>
      %swap3A_637 = vector.shape_cast %select_n3A_633 : vector<16xi32> to vector<16xi32>
      tpu.vector_store %arg21[%swap3A_634], %swap3A_637 {strides = array<i32>} : memref<96xi32, #tpu.memory_space<vmem>>, vector<16xi32>,
      %dma_wait3A = arith.constant 0 : i32
      %dma_wait3A_638 = arith.constant 0 : i32
      %dma_wait3A_639 = tpu.memref_slice %arg2[%dma_wait3A, %dma_wait3A_638] : memref<100000x128xf32, #tpu.memory_space<hbm>> -> memref<100000x128xf32, #tpu.memory_space<hbm>>
      tpu.wait_indirect_dma semaphore(%arg23 : memref<!tpu.dma_semaphore, #tpu.memory_space<semaphore_mem>>) src(%dma_wait3A_639 : memref<100000x128xf32, #tpu.memory_space<hbm>>) dst(%arg10 : memref<96x128xf32, #tpu.memory_space<vmem>>)
      "tpu.region"() ({
        %run_scoped3A = tpu.sem_alloc : memref<!tpu.dma_semaphore, #tpu.memory_space<semaphore_mem>>
        %dma_start3A_650 = arith.constant 0 : i32
        %dma_start3A_651 = arith.constant 0 : i32
        %dma_start3A_652 = tpu.memref_slice %arg6[%dma_start3A_650, %dma_start3A_651] : memref<8464x128xf32, #tpu.memory_space<vmem_shared>> -> memref<8464x128xf32, #tpu.memory_space<vmem_shared>>
        tpu.enqueue_indirect_dma source(%arg10 : memref<96x128xf32, #tpu.memory_space<vmem>>) target(%dma_start3A_652 : memref<8464x128xf32, #tpu.memory_space<vmem_shared>>) offsets(%arg9 : memref<96xi32, #tpu.memory_space<vmem>>) semaphore(%run_scoped3A : memref<!tpu.dma_semaphore, #tpu.memory_space<semaphore_mem>>) {add = true}
        %dma_wait3A_653 = arith.constant 0 : i32
        %dma_wait3A_654 = arith.constant 0 : i32
        %dma_wait3A_655 = tpu.memref_slice %arg6[%dma_wait3A_653, %dma_wait3A_654] : memref<8464x128xf32, #tpu.memory_space<vmem_shared>> -> memref<8464x128xf32, #tpu.memory_space<vmem_shared>>
        tpu.wait_indirect_dma semaphore(%run_scoped3A : memref<!tpu.dma_semaphore, #tpu.memory_space<semaphore_mem>>) src(%arg10 : memref<96x128xf32, #tpu.memory_space<vmem>>) dst(%dma_wait3A_655 : memref<8464x128xf32, #tpu.memory_space<vmem_shared>>)
        tpu.yield
      }) : () -> ()
      %dma_wait3A_640 = arith.constant 0 : i32
      %dma_wait3A_641 = arith.constant 0 : i32
      %dma_wait3A_642 = tpu.memref_slice %arg2[%dma_wait3A_640, %dma_wait3A_641] : memref<100000x128xf32, #tpu.memory_space<hbm>> -> memref<100000x128xf32, #tpu.memory_space<hbm>>
      tpu.wait_indirect_dma semaphore(%arg24 : memref<!tpu.dma_semaphore, #tpu.memory_space<semaphore_mem>>) src(%dma_wait3A_642 : memref<100000x128xf32, #tpu.memory_space<hbm>>) dst(%arg14 : memref<96x128xf32, #tpu.memory_space<vmem>>)
      "tpu.region"() ({
        %run_scoped3A = tpu.sem_alloc : memref<!tpu.dma_semaphore, #tpu.memory_space<semaphore_mem>>
        %dma_start3A_650 = arith.constant 0 : i32
        %dma_start3A_651 = arith.constant 0 : i32
        %dma_start3A_652 = tpu.memref_slice %arg6[%dma_start3A_650, %dma_start3A_651] : memref<8464x128xf32, #tpu.memory_space<vmem_shared>> -> memref<8464x128xf32, #tpu.memory_space<vmem_shared>>
        tpu.enqueue_indirect_dma source(%arg14 : memref<96x128xf32, #tpu.memory_space<vmem>>) target(%dma_start3A_652 : memref<8464x128xf32, #tpu.memory_space<vmem_shared>>) offsets(%arg13 : memref<96xi32, #tpu.memory_space<vmem>>) semaphore(%run_scoped3A : memref<!tpu.dma_semaphore, #tpu.memory_space<semaphore_mem>>) {add = true}
        %dma_wait3A_653 = arith.constant 0 : i32
        %dma_wait3A_654 = arith.constant 0 : i32
        %dma_wait3A_655 = tpu.memref_slice %arg6[%dma_wait3A_653, %dma_wait3A_654] : memref<8464x128xf32, #tpu.memory_space<vmem_shared>> -> memref<8464x128xf32, #tpu.memory_space<vmem_shared>>
        tpu.wait_indirect_dma semaphore(%run_scoped3A : memref<!tpu.dma_semaphore, #tpu.memory_space<semaphore_mem>>) src(%arg14 : memref<96x128xf32, #tpu.memory_space<vmem>>) dst(%dma_wait3A_655 : memref<8464x128xf32, #tpu.memory_space<vmem_shared>>)
        tpu.yield
      }) : () -> ()
      %dma_wait3A_643 = arith.constant 0 : i32
      %dma_wait3A_644 = arith.constant 0 : i32
      %dma_wait3A_645 = tpu.memref_slice %arg2[%dma_wait3A_643, %dma_wait3A_644] : memref<100000x128xf32, #tpu.memory_space<hbm>> -> memref<100000x128xf32, #tpu.memory_space<hbm>>
      tpu.wait_indirect_dma semaphore(%arg25 : memref<!tpu.dma_semaphore, #tpu.memory_space<semaphore_mem>>) src(%dma_wait3A_645 : memref<100000x128xf32, #tpu.memory_space<hbm>>) dst(%arg18 : memref<96x128xf32, #tpu.memory_space<vmem>>)
      "tpu.region"() ({
        %run_scoped3A = tpu.sem_alloc : memref<!tpu.dma_semaphore, #tpu.memory_space<semaphore_mem>>
        %dma_start3A_650 = arith.constant 0 : i32
        %dma_start3A_651 = arith.constant 0 : i32
        %dma_start3A_652 = tpu.memref_slice %arg6[%dma_start3A_650, %dma_start3A_651] : memref<8464x128xf32, #tpu.memory_space<vmem_shared>> -> memref<8464x128xf32, #tpu.memory_space<vmem_shared>>
        tpu.enqueue_indirect_dma source(%arg18 : memref<96x128xf32, #tpu.memory_space<vmem>>) target(%dma_start3A_652 : memref<8464x128xf32, #tpu.memory_space<vmem_shared>>) offsets(%arg17 : memref<96xi32, #tpu.memory_space<vmem>>) semaphore(%run_scoped3A : memref<!tpu.dma_semaphore, #tpu.memory_space<semaphore_mem>>) {add = true}
        %dma_wait3A_653 = arith.constant 0 : i32
        %dma_wait3A_654 = arith.constant 0 : i32
        %dma_wait3A_655 = tpu.memref_slice %arg6[%dma_wait3A_653, %dma_wait3A_654] : memref<8464x128xf32, #tpu.memory_space<vmem_shared>> -> memref<8464x128xf32, #tpu.memory_space<vmem_shared>>
        tpu.wait_indirect_dma semaphore(%run_scoped3A : memref<!tpu.dma_semaphore, #tpu.memory_space<semaphore_mem>>) src(%arg18 : memref<96x128xf32, #tpu.memory_space<vmem>>) dst(%dma_wait3A_655 : memref<8464x128xf32, #tpu.memory_space<vmem_shared>>)
        tpu.yield
      }) : () -> ()
      %dma_wait3A_646 = arith.constant 0 : i32
      %dma_wait3A_647 = arith.constant 0 : i32
      %dma_wait3A_648 = tpu.memref_slice %arg2[%dma_wait3A_646, %dma_wait3A_647] : memref<100000x128xf32, #tpu.memory_space<hbm>> -> memref<100000x128xf32, #tpu.memory_space<hbm>>
      tpu.wait_indirect_dma semaphore(%arg26 : memref<!tpu.dma_semaphore, #tpu.memory_space<semaphore_mem>>) src(%dma_wait3A_648 : memref<100000x128xf32, #tpu.memory_space<hbm>>) dst(%arg22 : memref<96x128xf32, #tpu.memory_space<vmem>>)
      "tpu.region"() ({
        %run_scoped3A = tpu.sem_alloc : memref<!tpu.dma_semaphore, #tpu.memory_space<semaphore_mem>>
        %dma_start3A_650 = arith.constant 0 : i32
        %dma_start3A_651 = arith.constant 0 : i32
        %dma_start3A_652 = tpu.memref_slice %arg6[%dma_start3A_650, %dma_start3A_651] : memref<8464x128xf32, #tpu.memory_space<vmem_shared>> -> memref<8464x128xf32, #tpu.memory_space<vmem_shared>>
        tpu.enqueue_indirect_dma source(%arg22 : memref<96x128xf32, #tpu.memory_space<vmem>>) target(%dma_start3A_652 : memref<8464x128xf32, #tpu.memory_space<vmem_shared>>) offsets(%arg21 : memref<96xi32, #tpu.memory_space<vmem>>) semaphore(%run_scoped3A : memref<!tpu.dma_semaphore, #tpu.memory_space<semaphore_mem>>) {add = true}
        %dma_wait3A_653 = arith.constant 0 : i32
        %dma_wait3A_654 = arith.constant 0 : i32
        %dma_wait3A_655 = tpu.memref_slice %arg6[%dma_wait3A_653, %dma_wait3A_654] : memref<8464x128xf32, #tpu.memory_space<vmem_shared>> -> memref<8464x128xf32, #tpu.memory_space<vmem_shared>>
        tpu.wait_indirect_dma semaphore(%run_scoped3A : memref<!tpu.dma_semaphore, #tpu.memory_space<semaphore_mem>>) src(%arg22 : memref<96x128xf32, #tpu.memory_space<vmem>>) dst(%dma_wait3A_655 : memref<8464x128xf32, #tpu.memory_space<vmem_shared>>)
        tpu.yield
      }) : () -> ()
      %scan3A_649 = arith.constant 0 : i32
      scf.yield %scan3A_649 : i32
    }
    %scan3A_134 = arith.constant 98 : i32
    %barrier3A_135 = arith.constant 0 : index
    tpu.barrier barrier_id(%barrier3A_135)
    %scan3A_136 = arith.constant 0 : i32
    %scan3A_137 = arith.constant 0 : i32
    %scan3A_138 = arith.constant 4 : i32
    %scan3A_139 = arith.addi %scan3A_137, %scan3A_138 : i32
    %scan3A_140 = arith.constant 1 : i32
    %scan3A_141 = scf.for %scan3A_149 = %scan3A_137 to %scan3A_139 step %scan3A_140 iter_args(%scan3A_150 = %scan3A_136) -> (i32)  : i32 {
      %mul3A_151 = arith.constant 128 : i32
      %mul3A_152 = arith.muli %scan3A_149, %mul3A_151 : i32
      %add3A_153 = arith.addi %mul3A_1, %mul3A_152 : i32
      %add3A_154 = arith.addi %mul3A_103, %mul3A_1 : i32
      %mul3A_155 = arith.constant 128 : i32
      %mul3A_156 = arith.muli %scan3A_149, %mul3A_155 : i32
      %add3A_157 = arith.addi %add3A_154, %mul3A_156 : i32
      "tpu.region"() ({
        %run_scoped3A = tpu.sem_alloc : memref<!tpu.dma_semaphore, #tpu.memory_space<semaphore_mem>>
        %dma_start3A = arith.constant 0 : i32
        %dma_start3A_159 = tpu.memref_slice %arg5[%add3A_157, %dma_start3A] : memref<50688x128xf32, #tpu.memory_space<hbm>> -> memref<128x128xf32, #tpu.memory_space<hbm>>
        %dma_start3A_160 = arith.constant 0 : i32
        %dma_start3A_161 = tpu.memref_slice %arg6[%add3A_153, %dma_start3A_160] : memref<8464x128xf32, #tpu.memory_space<vmem_shared>> -> memref<128x128xf32, #tpu.memory_space<vmem_shared>>
        tpu.enqueue_dma source(%dma_start3A_161 : memref<128x128xf32, #tpu.memory_space<vmem_shared>>) target(%dma_start3A_159 : memref<128x128xf32, #tpu.memory_space<hbm>>) target_semaphore(%run_scoped3A : memref<!tpu.dma_semaphore, #tpu.memory_space<semaphore_mem>>)
        %dma_wait3A = arith.constant 0 : i32
        %dma_wait3A_162 = tpu.memref_slice %arg5[%add3A_157, %dma_wait3A] : memref<50688x128xf32, #tpu.memory_space<hbm>> -> memref<128x128xf32, #tpu.memory_space<hbm>>
        %dma_wait3A_163 = arith.constant 0 : i32
        %dma_wait3A_164 = tpu.memref_slice %arg6[%add3A_153, %dma_wait3A_163] : memref<8464x128xf32, #tpu.memory_space<vmem_shared>> -> memref<128x128xf32, #tpu.memory_space<vmem_shared>>
        tpu.wait_dma2 semaphore(%run_scoped3A : memref<!tpu.dma_semaphore, #tpu.memory_space<semaphore_mem>>) src(%dma_wait3A_164 : memref<128x128xf32, #tpu.memory_space<vmem_shared>>) dst(%dma_wait3A_162 : memref<128x128xf32, #tpu.memory_space<hbm>>)
        tpu.yield
      }) : () -> ()
      %scan3A_158 = arith.constant 0 : i32
      scf.yield %scan3A_158 : i32
    }
    %scan3A_142 = arith.constant 4 : i32
    %add3A_143 = arith.constant 512 : i32
    %add3A_144 = arith.addi %mul3A_1, %add3A_143 : i32
    %add3A_145 = arith.addi %mul3A_103, %mul3A_1 : i32
    %add3A_146 = arith.constant 512 : i32
    %add3A_147 = arith.addi %add3A_145, %add3A_146 : i32
    "tpu.region"() ({
      %run_scoped3A = tpu.sem_alloc : memref<!tpu.dma_semaphore, #tpu.memory_space<semaphore_mem>>
      %dma_start3A = arith.constant 0 : i32
      %dma_start3A_149 = tpu.memref_slice %arg5[%add3A_147, %dma_start3A] : memref<50688x128xf32, #tpu.memory_space<hbm>> -> memref<16x128xf32, #tpu.memory_space<hbm>>
      %dma_start3A_150 = arith.constant 0 : i32
      %dma_start3A_151 = tpu.memref_slice %arg6[%add3A_144, %dma_start3A_150] : memref<8464x128xf32, #tpu.memory_space<vmem_shared>> -> memref<16x128xf32, #tpu.memory_space<vmem_shared>>
      tpu.enqueue_dma source(%dma_start3A_151 : memref<16x128xf32, #tpu.memory_space<vmem_shared>>) target(%dma_start3A_149 : memref<16x128xf32, #tpu.memory_space<hbm>>) target_semaphore(%run_scoped3A : memref<!tpu.dma_semaphore, #tpu.memory_space<semaphore_mem>>)
      %dma_wait3A = arith.constant 0 : i32
      %dma_wait3A_152 = tpu.memref_slice %arg5[%add3A_147, %dma_wait3A] : memref<50688x128xf32, #tpu.memory_space<hbm>> -> memref<16x128xf32, #tpu.memory_space<hbm>>
      %dma_wait3A_153 = arith.constant 0 : i32
      %dma_wait3A_154 = tpu.memref_slice %arg6[%add3A_144, %dma_wait3A_153] : memref<8464x128xf32, #tpu.memory_space<vmem_shared>> -> memref<16x128xf32, #tpu.memory_space<vmem_shared>>
      tpu.wait_dma2 semaphore(%run_scoped3A : memref<!tpu.dma_semaphore, #tpu.memory_space<semaphore_mem>>) src(%dma_wait3A_154 : memref<16x128xf32, #tpu.memory_space<vmem_shared>>) dst(%dma_wait3A_152 : memref<16x128xf32, #tpu.memory_space<hbm>>)
      tpu.yield
    }) : () -> ()
    %barrier3A_148 = arith.constant 0 : index
    tpu.barrier barrier_id(%barrier3A_148)
    return
  }
}

</mosaic_0001>

<sc_bundles>
// kernel: _sc_sums.3.cloned.1.call-start
scs
__scs_entry_jumppad:
0x0: {  	(pc) =	sbr.rel $0x88, $3  }
0x1: {  	(tag) =	ssettag $0x0;
	lr =	simm.s32 $0x1  }
0x2: {  	[smem:$0x3F9E] =	sst lr;
	_ =	strace $0xD0000000  }
0x3: {  	_ = 	snop  }
0x4: {  	_ = 	snop  }
0x5: {  	_ = 	snop  }
0x6: {  	_ = 	snop  }
0x7: {  	_ = 	snop  }
__scs_overlays_trampoline_lowered:
0x8: {  	[smem:$0x3FAD] =	sst s0  }
0x9: {  	[smem:$0x3FAE] =	sst s1  }
0xa: {  	[smem:$0x3FAF] =	sst s2  }
0xb: {  	[smem:$0x3FB0] =	sst s3  }
0xc: {  	[smem:$0x3FB1] =	sst s4  }
0xd: {  	[smem:$0x3FB2] =	sst s5  }
0xe: {  	[smem:$0x3FB3] =	sst s6  }
0xf: {  	[smem:$0x3FB4] =	sst s7  }
0x10: {  	[smem:$0x3FB5] =	sst s8  }
0x11: {  	[smem:$0x3FB6] =	sst s9;
	s0 =	simm.s32 @!p0 $0x0  }
0x12: {  	s1 =	sld [smem:$0x3F9C];
	s0 =	simm.s32 @p0 $0x1  }
0x13: {  	[smem:$0x3FB7] =	sst s0;
	s0 =	simm.s32 @!p1 $0x0  }
0x14: {  	s2 =	sld [smem:$0x3F9B];
	s0 =	simm.s32 @p1 $0x1  }
0x15: {  	[smem:$0x3FB8] =	sst s0;
	s0 =	simm.s32 @!p2 $0x0  }
0x16: {  	s3 =	sld [smem:$0x3FDB];
	s0 =	simm.s32 @p2 $0x1  }
0x17: {  	s4 =	simm.s32 $0x1BF5;
	[smem:$0x3FBA] =	sst s0  }
0x18: {  	s0 =	sld [smem:$0x3F9D];
	_ =	swait.ge [sflag:s4], $0x0  }
0x19: {  	s7 =	sld [smem:$0x3F9E]  }
0x1a: {  	s8 =	sadd.s32 $0xFFFFE003, lr  }
0x1b: {  	s9 =	sadd.s32 $0xFFFFFEF7, lr;
	s5 =	simm.s32 $0xFFFFFFFF;
	p2 =	slt.u32 s8, $0xFFFFF086  }
0x1c: {  	p1 =	slt.u32 s9, $0xF7A;
	s5 =	simm.s32 @!p2 $0x0  }
0x1d: {  	s5 =	simm.s32 @p1 $0x1;
	p0 =	seq.s32 s7, s2  }
0x1e: {  	s7 =	smul.u32 @!p0 $0xF7A, s2;
	p2 =	seq.s32 @!p0 s5, $0x0  }
0x1f: {  	s9 =	smul.u32 $0xF7A, s1;
	s8 =	simm.s32 @!p0 $0x1BF5;
	p2 =	por !p2, p0  }
0x20: {  	[sflag:s8] =	ssyncset.s32 @!p0 $0xFFFFF086;
	s6 =	sadd.s32 @!p0 s3, s7;
	s7 =	simm.s32 @!p0 $0x108  }
0x21: {  	s3 =	sadd.s32 s3, s9;
	s6 =	sadd.s32 @!p0 $0x88, s6;
	s7 =	simm.s32 @p2 $0x1082  }
0x22: {  	[simem:s7], [sflag:s8] =	dma.local @!p0 [hbm:s6], $0xF7A  }
0x23: {  	s9 =	sor.u32 $0xD0000000, s2;
	s6 =	simm.s32 $0x108;
	_ =	swait.ge @!p0 [sflag:s8], $0x0  }
0x24: {  	s3 =	sadd.s32 $0x88, s3;
	s6 =	simm.s32 @!p1 $0x1082;
	[sflag:s4] =	ssyncset.s32 $0xFFFFF086  }
0x25: {  	[simem:s6], [sflag:s4] =	dma.local [hbm:s3], $0xF7A  }
0x26: {  	[smem:$0x3F9E] =	sst s1;
	(tag) =	ssettag s2;
	_ =	strace s9  }
0x27: {  	s1 =	sld [smem:$0x3FAE]  }
0x28: {  	s2 =	sld [smem:$0x3FAF]  }
0x29: {  	s4 =	sld [smem:$0x3FB1]  }
0x2a: {  	p0 =	seq.s32 s5, $0x0;
	s5 =	sld [smem:$0x3FB2]  }
0x2b: {  	s6 =	sld [smem:$0x3FB3]  }
0x2c: {  	s7 =	sld [smem:$0x3FB4]  }
0x2d: {  	s3 =	simm.s32 $0x108;
	s8 =	sld [smem:$0x3FB5]  }
0x2e: {  	s3 =	simm.s32 @!p0 $0x1082;
	s9 =	sld [smem:$0x3FB6]  }
0x2f: {  	lr =	sadd.s32 s0, s3;
	s0 =	sld [smem:$0x3FAD]  }
0x30: {  	s3 =	sld [smem:$0x3FB0]  }
0x31: {  	[smem:$0x3FB9] =	sst s10  }
0x32: {  	s10 =	sld [smem:$0x3FB7];
	_ =	sdelay $0x3  }
0x33: {  	p0 =	seq.s32 s10, $0x1;
	s10 =	sld [smem:$0x3FB9];
	_ =	sdelay $0x3  }
0x34: {  	[smem:$0x3FB9] =	sst s10  }
0x35: {  	s10 =	sld [smem:$0x3FB8];
	_ =	sdelay $0x3  }
0x36: {  	p1 =	seq.s32 s10, $0x1;
	s10 =	sld [smem:$0x3FB9];
	_ =	sdelay $0x3  }
0x37: {  	[smem:$0x3FB9] =	sst s10  }
0x38: {  	s10 =	sld [smem:$0x3FBA]  }
0x39: {  	_ = 	snop;
	(pc) =	sbr.ind lr, $3  }
0x3a: {  	_ = 	snop  }
0x3b: {  	_ = 	snop  }
0x3c: {  	p2 =	seq.s32 s10, $0x1;
	s10 =	sld [smem:$0x3FB9]  }
0x3d: {  	_ =	shalt  }
0x3e: {  	_ =	shalt  }
0x3f: {  	_ =	shalt  }
0x40: {  	_ =	shalt  }
0x41: {  	_ =	shalt  }
0x42: {  	_ =	shalt  }
0x43: {  	_ =	shalt  }
0x44: {  	_ =	shalt  }
0x45: {  	_ =	shalt  }
0x46: {  	_ =	shalt  }
0x47: {  	_ =	shalt  }
0x48: {  	_ =	shalt  }
0x49: {  	_ =	shalt  }
0x4a: {  	_ =	shalt  }
0x4b: {  	_ =	shalt  }
0x4c: {  	_ =	shalt  }
0x4d: {  	_ =	shalt  }
0x4e: {  	_ =	shalt  }
0x4f: {  	_ =	shalt  }
0x50: {  	_ =	shalt  }
0x51: {  	_ =	shalt  }
0x52: {  	_ =	shalt  }
0x53: {  	_ =	shalt  }
0x54: {  	_ =	shalt  }
0x55: {  	_ =	shalt  }
0x56: {  	_ =	shalt  }
0x57: {  	_ =	shalt  }
0x58: {  	_ =	shalt  }
0x59: {  	_ =	shalt  }
0x5a: {  	_ =	shalt  }
0x5b: {  	_ =	shalt  }
0x5c: {  	_ =	shalt  }
0x5d: {  	_ =	shalt  }
0x5e: {  	_ =	shalt  }
0x5f: {  	_ =	shalt  }
0x60: {  	_ =	shalt  }
0x61: {  	_ =	shalt  }
0x62: {  	_ =	shalt  }
0x63: {  	_ =	shalt  }
0x64: {  	_ =	shalt  }
0x65: {  	_ =	shalt  }
0x66: {  	_ =	shalt  }
0x67: {  	_ =	shalt  }
0x68: {  	_ =	shalt  }
0x69: {  	_ =	shalt  }
0x6a: {  	_ =	shalt  }
0x6b: {  	_ =	shalt  }
0x6c: {  	_ =	shalt  }
0x6d: {  	_ =	shalt  }
0x6e: {  	_ =	shalt  }
0x6f: {  	_ =	shalt  }
0x70: {  	_ =	shalt  }
0x71: {  	_ =	shalt  }
0x72: {  	_ =	shalt  }
0x73: {  	_ =	shalt  }
0x74: {  	_ =	shalt  }
0x75: {  	_ =	shalt  }
0x76: {  	_ =	shalt  }
0x77: {  	_ =	shalt  }
0x78: {  	_ =	shalt  }
0x79: {  	_ =	shalt  }
0x7a: {  	_ =	shalt  }
0x7b: {  	_ =	shalt  }
0x7c: {  	_ =	shalt  }
0x7d: {  	_ =	shalt  }
0x7e: {  	_ =	shalt  }
0x7f: {  	_ =	shalt  }
0x80: {  	_ =	shalt  }
0x81: {  	_ =	shalt  }
0x82: {  	_ =	shalt  }
0x83: {  	_ =	shalt  }
0x84: {  	_ =	shalt  }
0x85: {  	_ =	shalt  }
0x86: {  	_ =	shalt  }
0x87: {  	_ =	shalt  }
.Lfunc_end0:
.L_simem_size_0:
called_computation_lowered:
.L_overlay_start_0:
0x88: {  	s2 =	sld [smem:$0x3FD9]  }
0x89: {  	s3 =	sld [smem:$0x3FFE];
	_ =	sdelay $0x1  }
0x8a: {  	s1 =	srdreg.scid  }
0x8b: {  	s0 =	sand.u32 $0x1, s1  }
0x8c: {  	s18 =	sshll.u32 s0, $0xA;
	s2 =	sadd.s32 s3, s2  }
0x8d: {  	s2 =	sadd.s32 s2, s18  }
0x8e: {  	[smem:$0x3FC5] =	sst s2  }
0x8f: {  	_ = 	snop  }
0x90: {  	s2 =	sld [smem:$0x3FC9]  }
0x91: {  	s19 =	sld [smem:$0x3FC8]  }
0x92: {  	s4 =	sld [smem:$0x3FC7]  }
0x93: {  	s5 =	sld [smem:$0x3FD0];
	(tm) =	ssettm $0x1  }
0x94: {  	s6 =	sld [smem:$0x3FFB];
	_ =	sdelay $0x3  }
0x95: {  	_ =	strace s6  }
0x96: {  	s6 =	sld [smem:$0x3FFC];
	_ =	sdelay $0x3  }
0x97: {  	_ =	strace s6  }
0x98: {  	s6 =	sld [smem:$0x3FFD];
	_ =	sdelay $0x3  }
0x99: {  	_ =	strace s6  }
0x9a: {  	_ =	strace $0x8FFFFFFF  }
0x9b: {  	s20 =	sld [smem:$0x3FDB];
	_ =	sdelay $0x1  }
0x9c: {  	s7 =	simm.s32 $_scs_section_size  }
0x9d: {  	s8 =	simm.s32 $_size__tile_overlayer_lowered;
	s9 =	simm.s32 $_tile_overlayer_lowered  }
0x9e: {  	s23 =	simm.s32 $0x1BFF;
	s22 =	sshll.u32 s9, $0x1;
	s6 =	sadd.s32 s7, s20  }
0x9f: {  	s10 =	simm.s32 $0x0;
	s21 =	sshll.u32 s8, $0x1;
	s8 =	sadd.s32 s22, s6  }
0xa0: {  	[timem:s10], [sflag:s23] =	dma.local [hbm:s8], s21  }
0xa1: {  	_ =	swait.ge [sflag:s23], s21  }
0xa2: {  	s7 =	ssub.s32 $0x0, s21;
	[sflag:s23] =	ssyncset.done $0x0  }
0xa3: {  	[sflag:s23] =	ssyncadd.s32 s7;
	_ =	sdelay $0x1  }
0xa4: {  	s24 =	simm.s32 $0x1B8B  }
0xa5: {  	_ =	swait.ge [sflag:s24], $0x1  }
0xa6: {  	[sflag:s24] =	ssyncset.done $0x0  }
0xa7: {  	s25 =	simm.s32 $0x1B8E;
	[sflag:s24] =	ssyncadd.s32 $0xFFFFFFFF  }
0xa8: {  	s26 =	simm.s32 $execute0_lowered;
	[smem:$0x3FD2] =	sst s25  }
0xa9: {  	s7 =	sshll.u32 s26, $0x1;
	_ =	strace $0x80000046;
	[dreg:$0x1] =	wrdreg $0xFFFFFFFF  }
0xaa: {  	s28 =	simm.s32 $_size_execute0_lowered;
	s6 =	sadd.s32 s6, s7;
	[dreg:$0x0] =	wrdreg $0x0  }
0xab: {  	s7 =	sshll.u32 s28, $0x1;
	[dreg:$0x2] =	wrdreg s6  }
0xac: {  	[dreg:$0x3] =	wrdreg s7  }
0xad: {  	[dreg:$0x4] =	wrdreg $0xC0  }
0xae: {  	_ =	task [dreg:s10], $0x5FFFF  }
0xaf: {  	[dreg:$0x1] =	wrdreg $0xFFFFFFFF  }
0xb0: {  	[dreg:$0x0] =	wrdreg $0x60  }
0xb1: {  	[dreg:$0x2] =	wrdreg s2  }
0xb2: {  	[dreg:$0x3] =	wrdreg s19  }
0xb3: {  	[dreg:$0x4] =	wrdreg s4  }
0xb4: {  	[dreg:$0x5] =	wrdreg s5  }
0xb5: {  	[dreg:$0x6] =	wrdreg $0x0  }
0xb6: {  	[dreg:$0x7] =	wrdreg $0x9  }
0xb7: {  	_ =	task.clear_ibuf [dreg:s10], $0x8FFFF;
	_ =	strace $0x90000046  }
0xb8: {  	s29 =	simm.s32 $0x9;
	_ =	strace $0x80000048  }
0xb9: {  	_ =	swait.ge [sflag:s29], $0x1  }
0xba: {  	[sflag:s29] =	ssyncadd.s32 $0xFFFFFFFF  }
0xbb: {  	_ =	strace $0x90000048  }
0xbc: {  	_ =	sfence  }
0xbd: {  	s30 =	sld [smem:$0x0];
	_ =	sdelay $0x2  }
0xbe: {  	s31 =	sshll.u32 s1, $0xD;
	s1 =	sshrl.u32 s1, $0x2  }
0xbf: {  	s3 =	sand.u32 $0x4000, s31;
	s1 =	sadd.s32 s1, s30  }
0xc0: {  	s0 =	sor.u32 s3, s0;
	s1 =	sshll.u32 s1, $0x11  }
0xc1: {  	s0 =	sor.u32 s1, s0  }
0xc2: {  	s0 =	sadd.s32 $0x8F2B, s0  }
0xc3: {  	[sflag:s0] =	ssyncadd.remote.s32 $0x1  }
0xc4: {  	_ =	sfence.sel $0xFFFF  }
0xc5: {  	[dreg:$0x0] =	wrdreg $0xFFFFFFFF;
	(pc) =	sbr.abs _section_cstart, $3  }
0xc6: {  	[dreg:$0x1] =	wrdreg $0xFFFFFFFF  }
0xc7: {  	_ =	task.clear_ibuf [dreg:s10], $0x2FFFF;
	_ =	strace $0x9FFFFFFF  }
0xc8: {  	(tm) =	ssettm $0x7FFFFFFF  }
0xc9: {  	_ =	shalt  }
tec
execute0_lowered:
.L_overlay_start_1:
0x0: {  	(tag) =	ssettag $0x1  }
0x1: {  	s1 =	rddreg [dreg:$0x0]  }
0x2: {  	s0 =	rddreg [dreg:$0x1]  }
0x3: {  	s2 =	rddreg [dreg:$0x2]  }
0x4: {  	s5 =	rddreg [dreg:$0x3]  }
0x5: {  	s3 =	rddreg [dreg:$0x4];
	s12 =	stileid.u32;
	s4 =	simm.s32 $0x0  }
0x6: {  	s6 =	srdreg.scid;
	s28 =	simm.s32 $0x16D00;
	s29 =	simm.s32 $0x19D80  }
0x7: {  	s30 =	simm.s32 $0x19D00;
	s31 =	simm.s32 $0x19E80;
	s7 =	smul.u32 $0x42000, s12  }
0x8: {  	[smem:$0x7FF] =	sst s4;
	s6 =	sand.u32 $0x1, s6;
	s9 =	smul.u32 $0x210, s12  }
0x9: {  	s17 =	sadd.s32 $0x108000, s3;
	s20 =	sadd.s32 $0x2000, s5;
	s23 =	smul.u32 $0x1260, s12  }
0xa: {  	p0 =	sne.s32 s12, $0xF;
	s8 =	ssub.s32 $0x2, s6;
	s6 =	smul.u32 $0x6300, s6  }
0xb: {  	_ =	strace $0x80000047;
	s7 =	sshrl.u32 s7, $0x2;
	s10 =	sshrl.u32 s8, $0x1  }
0xc: {  	[dreg:$0x8] =	wrdreg s17;
	s13 =	sadd.s32 s7, s3;
	s26 =	ssub.s32 s8, s10  }
0xd: {  	s18 =	sadd.s32 s9, s6;
	s16 =	sadd.s32 $0xF000, s13;
	[dreg:$0x6] =	wrdreg s13  }
0xe: {  	s14 =	sadd.s32 $0x2100, s6;
	s19 =	sadd.s32 $0x10000, s13;
	[dreg:$0x7] =	wrdreg s16  }
0xf: {  	s15 =	sadd.s32 $0x4200, s6;
	s7 =	smax.u32 s26, $0x1;
	[dreg:$0x9] =	wrdreg s19  }
0x10: {  	v0 =	vmov s6;
	s6 =	simm.s32 $0x16C80;
	s22 =	sadd.s32 $0x3000, s13;
	[dreg:$0xe] =	wrdreg s7  }
0x11: {  	s8 =	sshll.u32 s18, $0x4;
	s24 =	sadd.s32 $0x6000, s13;
	[dreg:$0xf] =	wrdreg s22  }
0x12: {  	s11 =	sadd.s32 s9, s14;
	s25 =	sadd.s32 $0x9000, s13;
	[dreg:$0x10] =	wrdreg s24  }
0x13: {  	s9 =	sadd.s32 s9, s15;
	s26 =	sadd.s32 $0xC000, s13;
	[dreg:$0x11] =	wrdreg s25  }
0x14: {  	v1 =	vmov s14;
	s14 =	simm.s32 $0x19E00;
	s16 =	sadd.s32 s8, s20;
	[dreg:$0x14] =	wrdreg s26  }
0x15: {  	s11 =	sshll.u32 s11, $0x4;
	s8 =	sadd.s32 s5, s8;
	[dreg:$0xa] =	wrdreg s16  }
0x16: {  	s9 =	sshll.u32 s9, $0x4;
	s21 =	sadd.s32 s11, s20;
	[dreg:$0x12] =	wrdreg s8  }
0x17: {  	s10 =	sadd.s32 s9, s20;
	s9 =	sadd.s32 s5, s9;
	[dreg:$0xb] =	wrdreg s21  }
0x18: {  	s5 =	sadd.s32 s5, s11;
	s11 =	sadd.s32 $0x4000, s13;
	[dreg:$0xc] =	wrdreg s10  }
0x19: {  	v2 =	vmov s15;
	s15 =	simm.s32 $0x0;
	s12 =	sadd.s32 $0x800, s8;
	[dreg:$0x15] =	wrdreg s11  }
0x1a: {  	s7 =	simm.s32 $0x4;
	s16 =	sadd.s32 $0x8000, s13;
	[dreg:$0x16] =	wrdreg s12  }
0x1b: {  	s20 =	sadd.s32 s23, s2;
	s17 =	sadd.s32 $0x1000, s8;
	[dreg:$0x17] =	wrdreg s16  }
0x1c: {  	s18 =	sadd.s32 $0x1800, s8;
	s8 =	simm.s32 $0x10A00;
	[dreg:$0x18] =	wrdreg s17  }
0x1d: {  	s13 =	simm.s32 $0x60;
	s2 =	simm.s32 $0x10980;
	[dreg:$0x19] =	wrdreg s18  }
0x1e: {  	s21 =	sadd.s32 s23, s0;
	s19 =	sadd.s32 $0x800, s5;
	[dreg:$0x13] =	wrdreg s5  }
0x1f: {  	s22 =	sadd.s32 $0x1000, s5;
	s23 =	sadd.s32 $0x1800, s5;
	[dreg:$0xd] =	wrdreg s9  }
0x20: {  	s24 =	sadd.s32 $0x800, s9;
	s25 =	sadd.s32 $0x1000, s9;
	[dreg:$0x1a] =	wrdreg s19  }
0x21: {  	s26 =	sadd.s32 $0x1800, s9;
	s9 =	simm.s32 $0x5;
	[dreg:$0x1b] =	wrdreg s22  }
0x22: {  	s10 =	simm.s32 $0x10900;
	s11 =	simm.s32 $0x10880;
	[dreg:$0x1c] =	wrdreg s23  }
0x23: {  	s0 =	simm.s32 $0x1;
	s12 =	simm.s32 $0x2;
	[dreg:$0x1d] =	wrdreg s24  }
0x24: {  	s17 =	simm.s32 $0x13B00;
	s18 =	simm.s32 $0x3;
	[dreg:$0x1e] =	wrdreg s25  }
0x25: {  	[dreg:$0x1f] =	wrdreg s26;
	s22 =	simm.s32 $0x13A80;
	s23 =	simm.s32 $0x13A00  }
0x26: {  	v3 =	vimm.f32 $0.0e+00;
	s24 =	simm.s32 $0x13B80;
	s25 =	simm.s32 $0x16C00;
	s26 =	simm.s32 $0x16B80  }
.LBB2_1:
0x27: {  	[smem:$0x7FD] =	sst s15;
	s5 =	simm.s32 $0x0;
	s15 =	simm.s32 $0x200  }
.LBB2_2:
0x28: {  	p1 =	sne.s32 s15, $0xBE00;
	[tilespmem:s5+$0x10A70] =	vst v3  }
0x29: {  	[tilespmem:s5+$0x10A00] =	vst v3  }
0x2a: {  	[tilespmem:s5+$0x10A10] =	vst v3  }
.Ltmp0:
0x2b: {  	[tilespmem:s5+$0x10A20] =	vst v3;
	(pc) =	sbr.rel @p1 .LBB2_2-.Ltmp0, $4  }
0x2c: {  	[tilespmem:s5+$0x10A30] =	vst v3  }
0x2d: {  	[tilespmem:s5+$0x10A40] =	vst v3  }
0x2e: {  	[tilespmem:s5+$0x10A50] =	vst v3  }
0x2f: {  	[tilespmem:s5+$0x10A60] =	vst v3;
	s5 =	sshra.s32 s15, $0x2;
	s15 =	sadd.s32 $0x200, s15  }
0x30: {  	[tilespmem:s5+$0x10A70] =	vst v3  }
0x31: {  	[tilespmem:s5+$0x10A00] =	vst v3  }
0x32: {  	[tilespmem:s5+$0x10A10] =	vst v3  }
0x33: {  	[tilespmem:s5+$0x10A20] =	vst v3  }
0x34: {  	[tilespmem:s5+$0x10A30] =	vst v3  }
0x35: {  	[tilespmem:s5+$0x10A40] =	vst v3  }
0x36: {  	[tilespmem:s5+$0x10A50] =	vst v3  }
0x37: {  	[tilespmem:s5+$0x10A60] =	vst v3;
	s19 =	rddreg [dreg:$0x6]  }
0x38: {  	[spmem:s19] =	stream.linear.scatter [tilespmem:s8], [sflag:$0x5], $0x3000, $0x38;
	[tilespmem:$0x1CE80] =	vst v63  }
0x39: {  	_ =	swait.ge [sflag:s9], $0x3000  }
0x3a: {  	[sflag:s9] =	ssyncset.done $0x0  }
0x3b: {  	s15 =	rddreg [dreg:$0xf];
	[sflag:s9] =	ssyncadd.s32 $0xFFFFD000  }
0x3c: {  	[spmem:s15] =	stream.linear.scatter [tilespmem:s8], [sflag:$0x5], $0x3000, $0x38;
	[tilespmem:$0x1CE80] =	vst v63  }
0x3d: {  	_ =	swait.ge [sflag:s9], $0x3000  }
0x3e: {  	[sflag:s9] =	ssyncset.done $0x0  }
0x3f: {  	s16 =	rddreg [dreg:$0x10];
	[sflag:s9] =	ssyncadd.s32 $0xFFFFD000  }
0x40: {  	[spmem:s16] =	stream.linear.scatter [tilespmem:s8], [sflag:$0x5], $0x3000, $0x38;
	[tilespmem:$0x1CE80] =	vst v63  }
0x41: {  	_ =	swait.ge [sflag:s9], $0x3000  }
0x42: {  	[sflag:s9] =	ssyncset.done $0x0  }
0x43: {  	s19 =	rddreg [dreg:$0x11];
	[sflag:s9] =	ssyncadd.s32 $0xFFFFD000  }
0x44: {  	[spmem:s19] =	stream.linear.scatter [tilespmem:s8], [sflag:$0x5], $0x3000, $0x38;
	[tilespmem:$0x1CE80] =	vst v63  }
0x45: {  	_ =	swait.ge [sflag:s9], $0x3000  }
0x46: {  	[sflag:s9] =	ssyncset.done $0x0  }
0x47: {  	s15 =	rddreg [dreg:$0x14];
	[sflag:s9] =	ssyncadd.s32 $0xFFFFD000  }
0x48: {  	[spmem:s15] =	stream.linear.scatter [tilespmem:s8], [sflag:$0x5], $0x3000, $0x38;
	[tilespmem:$0x1CE80] =	vst v63  }
0x49: {  	_ =	swait.ge [sflag:s9], $0x3000  }
0x4a: {  	[sflag:s9] =	ssyncset.done $0x0  }
0x4b: {  	s16 =	rddreg [dreg:$0x7];
	[sflag:s9] =	ssyncadd.s32 $0xFFFFD000  }
0x4c: {  	[spmem:s16] =	stream.linear.scatter [tilespmem:s8], [sflag:$0x5], $0x1800, $0x38;
	[tilespmem:$0x1CE80] =	vst v63  }
0x4d: {  	_ =	swait.ge [sflag:s9], $0x1800  }
0x4e: {  	[sflag:s9] =	ssyncset.done $0x0  }
0x4f: {  	s5 =	simm.s32 @!p0 $0x10A00;
	s15 =	rddreg [dreg:$0x8];
	[sflag:s9] =	ssyncadd.s32 $0xFFFFE800  }
0x50: {  	[spmem:s15] =	stream.linear.scatter @!p0 [tilespmem:s5], [sflag:$0x5], $0x800, $0x38;
	[tilespmem:$0x1CE80] =	vst v63  }
0x51: {  	s5 =	simm.s32 @!p0 $0x5  }
0x52: {  	_ =	swait.ge @!p0 [sflag:s5], $0x800  }
0x53: {  	[sflag:s5] =	ssyncset.done @!p0 $0x0  }
0x54: {  	[sflag:s5] =	ssyncadd.s32 @!p0 $0xFFFFF800  }
0x55: {  	s5 =	sadd.s32 $0x0, s21;
	[bflag:$0x0] =	sbarrier.arrive $0xFFFF  }
0x56: {  	[tilespmem:s10], [sflag:$0x5] =	stream.linear.gather [hbm4b:s5+s4], $0x60, $0x38;
	[tilespmem:$0x1CE80] =	vst v63  }
0x57: {  	_ =	swait.ge [sflag:s9], $0x60  }
0x58: {  	[sflag:s9] =	ssyncset.done $0x0  }
0x59: {  	s15 =	sadd.s32 $0x0, s20;
	[sflag:s9] =	ssyncadd.s32 $0xFFFFFFA0  }
0x5a: {  	[tilespmem:s11], [sflag:$0x5] =	stream.linear.gather [hbm4b:s15+s4], $0x60, $0x38;
	[tilespmem:$0x1CE80] =	vst v63  }
0x5b: {  	_ =	swait.ge [sflag:s9], $0x60  }
0x5c: {  	[sflag:s9] =	ssyncset.done $0x0  }
0x5d: {  	[sflag:s9] =	ssyncadd.s32 $0xFFFFFFA0  }
0x5e: {  	[tilespmem:s8], [sflag:$0x1] =	stream.indirect.gather [hbm4b:s1+s13], $0x80, s10, s13, $0xb8;
	[tilespmem:$0x1CE80] =	vst v63  }
0x5f: {  	s16 =	sadd.s32 $0xC, s5  }
0x60: {  	[tilespmem:s22], [sflag:$0x5] =	stream.linear.gather [hbm4b:s16+s4], $0x60, $0x38;
	[tilespmem:$0x1CE80] =	vst v63  }
0x61: {  	_ =	swait.ge [sflag:s9], $0x60  }
0x62: {  	[sflag:s9] =	ssyncset.done $0x0  }
0x63: {  	s19 =	sadd.s32 $0xC, s15;
	[sflag:s9] =	ssyncadd.s32 $0xFFFFFFA0  }
0x64: {  	[tilespmem:s23], [sflag:$0x5] =	stream.linear.gather [hbm4b:s19+s4], $0x60, $0x38;
	[tilespmem:$0x1CE80] =	vst v63  }
0x65: {  	_ =	swait.ge [sflag:s9], $0x60  }
0x66: {  	[sflag:s9] =	ssyncset.done $0x0  }
0x67: {  	[sflag:s9] =	ssyncadd.s32 $0xFFFFFFA0  }
0x68: {  	[tilespmem:s24], [sflag:$0x2] =	stream.indirect.gather [hbm4b:s1+s13], $0x80, s22, s13, $0xb8;
	[tilespmem:$0x1CE80] =	vst v63  }
0x69: {  	s19 =	sadd.s32 $0x18, s5  }
0x6a: {  	[tilespmem:s25], [sflag:$0x5] =	stream.linear.gather [hbm4b:s19+s4], $0x60, $0x38;
	[tilespmem:$0x1CE80] =	vst v63  }
0x6b: {  	_ =	swait.ge [sflag:s9], $0x60  }
0x6c: {  	[sflag:s9] =	ssyncset.done $0x0  }
0x6d: {  	s19 =	sadd.s32 $0x18, s15;
	[sflag:s9] =	ssyncadd.s32 $0xFFFFFFA0  }
0x6e: {  	[tilespmem:s26], [sflag:$0x5] =	stream.linear.gather [hbm4b:s19+s4], $0x60, $0x38;
	[tilespmem:$0x1CE80] =	vst v63  }
0x6f: {  	_ =	swait.ge [sflag:s9], $0x60  }
0x70: {  	[sflag:s9] =	ssyncset.done $0x0  }
0x71: {  	[sflag:s9] =	ssyncadd.s32 $0xFFFFFFA0  }
0x72: {  	[tilespmem:s28], [sflag:$0x3] =	stream.indirect.gather [hbm4b:s1+s13], $0x80, s25, s13, $0xb8;
	[tilespmem:$0x1CE80] =	vst v63  }
0x73: {  	s5 =	sadd.s32 $0x24, s5  }
0x74: {  	[tilespmem:s29], [sflag:$0x5] =	stream.linear.gather [hbm4b:s5+s4], $0x60, $0x38;
	[tilespmem:$0x1CE80] =	vst v63  }
0x75: {  	_ =	swait.ge [sflag:s9], $0x60  }
0x76: {  	[sflag:s9] =	ssyncset.done $0x0  }
0x77: {  	s19 =	sadd.s32 $0x24, s15;
	[sflag:s9] =	ssyncadd.s32 $0xFFFFFFA0  }
0x78: {  	[tilespmem:s30], [sflag:$0x5] =	stream.linear.gather [hbm4b:s19+s4], $0x60, $0x38;
	[tilespmem:$0x1CE80] =	vst v63  }
0x79: {  	_ =	swait.ge [sflag:s9], $0x60  }
0x7a: {  	[sflag:s9] =	ssyncset.done $0x0  }
0x7b: {  	[sflag:s9] =	ssyncadd.s32 $0xFFFFFFA0  }
0x7c: {  	[tilespmem:s31], [sflag:$0x4] =	stream.indirect.gather [hbm4b:s1+s13], $0x80, s29, s13, $0xb8;
	[tilespmem:$0x1CE80] =	vst v63  }
0x7d: {  	v4 =	vld [tilespmem:$0x19D50]  }
0x7e: {  	v5 =	vld [tilespmem:$0x13A50]  }
0x7f: {  	v6 =	vld [tilespmem:$0x19D30]  }
0x80: {  	v8 =	vld [tilespmem:$0x19D00]  }
0x81: {  	v9 =	vld [tilespmem:$0x16BD0]  }
0x82: {  	v11 =	vld [tilespmem:$0x16BB0];
	v4 =	vsub.s32 v4, v0  }
0x83: {  	v7 =	vld [tilespmem:$0x19D20];
	v5 =	vsub.s32 v5, v0;
	v4 =	vmin.u32 v4, $0x2100  }
0x84: {  	v48 =	vld [tilespmem:$0x19D10];
	v6 =	vsub.s32 v6, v0;
	v5 =	vmin.u32 v5, $0x2100;
	[tilespmem:$0x19E50] =	vst v4  }
0x85: {  	v10 =	vld [tilespmem:$0x16BC0];
	v8 =	vsub.s32 v8, v0;
	v6 =	vmin.u32 v6, $0x2100;
	[tilespmem:$0x13B50] =	vst v5  }
0x86: {  	v46 =	vld [tilespmem:$0x16B90];
	v9 =	vsub.s32 v9, v0;
	v8 =	vmin.u32 v8, $0x2100;
	[tilespmem:$0x19E30] =	vst v6  }
0x87: {  	v47 =	vld [tilespmem:$0x16B80];
	v11 =	vsub.s32 v11, v0;
	v9 =	vmin.u32 v9, $0x2100;
	[tilespmem:$0x19E00] =	vst v8  }
0x88: {  	v11 =	vmin.u32 v11, $0x2100;
	v4 =	vld [tilespmem:$0x16BA0];
	v5 =	vsub.s32 v7, v0;
	[tilespmem:$0x16CD0] =	vst v9  }
0x89: {  	v50 =	vld [tilespmem:$0x13A30];
	v52 =	vsub.s32 v48, v0;
	[tilespmem:$0x16CB0] =	vst v11;
	v5 =	vmin.u32 v5, $0x2100  }
0x8a: {  	v51 =	vld [tilespmem:$0x13A10];
	v54 =	vmin.u32 v52, $0x2100;
	[tilespmem:$0x19E20] =	vst v5;
	v5 =	vsub.s32 v10, v0  }
0x8b: {  	v49 =	vld [tilespmem:$0x13A40];
	v7 =	vsub.s32 v46, v0;
	[tilespmem:$0x19E10] =	vst v54;
	v5 =	vmin.u32 v5, $0x2100  }
0x8c: {  	v6 =	vsub.s32 v47, v0;
	v7 =	vmin.u32 v7, $0x2100;
	[tilespmem:$0x16CC0] =	vst v5;
	v5 =	vld [tilespmem:$0x13A20]  }
0x8d: {  	v55 =	vld [tilespmem:$0x108C0];
	v6 =	vmin.u32 v6, $0x2100;
	[tilespmem:$0x16C90] =	vst v7;
	v4 =	vsub.s32 v4, v0  }
0x8e: {  	v53 =	vld [tilespmem:$0x108D0];
	v9 =	vsub.s32 v50, v0;
	[tilespmem:$0x16C80] =	vst v6;
	v4 =	vmin.u32 v4, $0x2100  }
0x8f: {  	v11 =	vsub.s32 v51, v0;
	v9 =	vmin.u32 v9, $0x2100;
	[tilespmem:$0x16CA0] =	vst v4;
	v4 =	vld [tilespmem:$0x13A00]  }
0x90: {  	v57 =	vld [tilespmem:$0x108A0];
	v11 =	vmin.u32 v11, $0x2100;
	v10 =	vsub.s32 v49, v0;
	[tilespmem:$0x13B30] =	vst v9  }
0x91: {  	v56 =	vld [tilespmem:$0x108B0];
	[tilespmem:$0x13B10] =	vst v11;
	v10 =	vmin.u32 v10, $0x2100;
	v5 =	vsub.s32 v5, v0  }
0x92: {  	v58 =	vld [tilespmem:$0x10890];
	v7 =	vsub.s32 v55, v0;
	[tilespmem:$0x13B40] =	vst v10;
	v5 =	vmin.u32 v5, $0x2100  }
0x93: {  	v59 =	vld [tilespmem:$0x19D40];
	v61 =	vmin.u32 v7, $0x2100;
	[tilespmem:$0x13B20] =	vst v5;
	v5 =	vsub.s32 v53, v0  }
0x94: {  	v60 =	vld [tilespmem:$0x10880];
	[tilespmem:$0x109C0] =	vst v61;
	v4 =	vsub.s32 v4, v0;
	v5 =	vmin.u32 v5, $0x2100  }
0x95: {  	v4 =	vmin.u32 v4, $0x2100;
	[tilespmem:$0x109D0] =	vst v5;
	v5 =	vsub.s32 v57, v0  }
0x96: {  	[tilespmem:$0x13B00] =	vst v4;
	v4 =	vsub.s32 v56, v0;
	v5 =	vmin.u32 v5, $0x2100  }
0x97: {  	v62 =	vsub.s32 v58, v0;
	v4 =	vmin.u32 v4, $0x2100;
	[tilespmem:$0x109A0] =	vst v5  }
0x98: {  	v5 =	vsub.s32 v59, v0;
	[tilespmem:$0x109B0] =	vst v4;
	v4 =	vmin.u32 v62, $0x2100  }
0x99: {  	v63 =	vsub.s32 v60, v0;
	[tilespmem:$0x10990] =	vst v4;
	v4 =	vmin.u32 v5, $0x2100  }
0x9a: {  	v5 =	vmin.u32 v63, $0x2100;
	[tilespmem:$0x19E40] =	vst v4  }
0x9b: {  	[tilespmem:$0x10980] =	vst v5  }
0x9c: {  	_ =	swait.ge [sflag:s0], $0x3000  }
0x9d: {  	[sflag:s0] =	ssyncset.done $0x0  }
0x9e: {  	s5 =	simm.s32 $0x30;
	[sflag:s0] =	ssyncadd.s32 $0xFFFFD000  }
0x9f: {  	[spmem:s3] =	stream.indirect.scatter.add.f32 [tilespmem:s8], [sflag:$0x5], $0x80, s2, s13, $0xb8;
	[tilespmem:$0x1CE80] =	vst v63  }
.LBB2_4:
0xa0: {  	p1 =	sne.s32 s5, $0x1230  }
0xa1: {  	_ =	swait.ge [sflag:s9], $0x3000;
	s15 =	smov.u32 s5;
	s5 =	sadd.s32 $0x30, s5  }
0xa2: {  	[sflag:s9] =	ssyncset.done $0x0  }
0xa3: {  	[sflag:s9] =	ssyncadd.s32 $0xFFFFD000  }
0xa4: {  	_ =	swait.ge [sflag:s12], $0x3000  }
0xa5: {  	[sflag:s12] =	ssyncset.done $0x0  }
0xa6: {  	[sflag:s12] =	ssyncadd.s32 $0xFFFFD000  }
0xa7: {  	[spmem:s3] =	stream.indirect.scatter.add.f32 [tilespmem:s24], [sflag:$0x5], $0x80, s17, s13, $0xb8;
	[tilespmem:$0x1CE80] =	vst v63  }
0xa8: {  	_ =	swait.ge [sflag:s9], $0x3000  }
0xa9: {  	[sflag:s9] =	ssyncset.done $0x0  }
0xaa: {  	[sflag:s9] =	ssyncadd.s32 $0xFFFFD000  }
0xab: {  	_ =	swait.ge [sflag:s18], $0x3000  }
0xac: {  	[sflag:s18] =	ssyncset.done $0x0  }
0xad: {  	[sflag:s18] =	ssyncadd.s32 $0xFFFFD000  }
0xae: {  	[spmem:s3] =	stream.indirect.scatter.add.f32 [tilespmem:s28], [sflag:$0x5], $0x80, s6, s13, $0xb8;
	[tilespmem:$0x1CE80] =	vst v63  }
0xaf: {  	_ =	swait.ge [sflag:s9], $0x3000  }
0xb0: {  	[sflag:s9] =	ssyncset.done $0x0  }
0xb1: {  	[sflag:s9] =	ssyncadd.s32 $0xFFFFD000  }
0xb2: {  	_ =	swait.ge [sflag:s7], $0x3000  }
0xb3: {  	[sflag:s7] =	ssyncset.done $0x0  }
0xb4: {  	[sflag:s7] =	ssyncadd.s32 $0xFFFFD000  }
0xb5: {  	[spmem:s3] =	stream.indirect.scatter.add.f32 [tilespmem:s31], [sflag:$0x5], $0x80, s14, s13, $0xb8;
	[tilespmem:$0x1CE80] =	vst v63  }
0xb6: {  	_ =	swait.ge [sflag:s9], $0x3000  }
0xb7: {  	[sflag:s9] =	ssyncset.done $0x0  }
0xb8: {  	s16 =	sadd.s32 s15, s21;
	[sflag:s9] =	ssyncadd.s32 $0xFFFFD000  }
0xb9: {  	[tilespmem:s10], [sflag:$0x5] =	stream.linear.gather [hbm4b:s16+s4], $0x60, $0x38;
	[tilespmem:$0x1CE80] =	vst v63  }
0xba: {  	_ =	swait.ge [sflag:s9], $0x60  }
0xbb: {  	[sflag:s9] =	ssyncset.done $0x0  }
0xbc: {  	s19 =	sadd.s32 s15, s20;
	[sflag:s9] =	ssyncadd.s32 $0xFFFFFFA0  }
0xbd: {  	[tilespmem:s11], [sflag:$0x5] =	stream.linear.gather [hbm4b:s19+s4], $0x60, $0x38;
	[tilespmem:$0x1CE80] =	vst v63  }
0xbe: {  	_ =	swait.ge [sflag:s9], $0x60  }
0xbf: {  	[sflag:s9] =	ssyncset.done $0x0  }
0xc0: {  	[sflag:s9] =	ssyncadd.s32 $0xFFFFFFA0  }
0xc1: {  	[tilespmem:s8], [sflag:$0x1] =	stream.indirect.gather [hbm4b:s1+s13], $0x80, s10, s13, $0xb8;
	[tilespmem:$0x1CE80] =	vst v63  }
0xc2: {  	s15 =	sadd.s32 $0xC, s16  }
0xc3: {  	[tilespmem:s22], [sflag:$0x5] =	stream.linear.gather [hbm4b:s15+s4], $0x60, $0x38;
	[tilespmem:$0x1CE80] =	vst v63  }
0xc4: {  	_ =	swait.ge [sflag:s9], $0x60  }
0xc5: {  	[sflag:s9] =	ssyncset.done $0x0  }
0xc6: {  	s15 =	sadd.s32 $0xC, s19;
	[sflag:s9] =	ssyncadd.s32 $0xFFFFFFA0  }
0xc7: {  	[tilespmem:s23], [sflag:$0x5] =	stream.linear.gather [hbm4b:s15+s4], $0x60, $0x38;
	[tilespmem:$0x1CE80] =	vst v63  }
0xc8: {  	_ =	swait.ge [sflag:s9], $0x60  }
0xc9: {  	[sflag:s9] =	ssyncset.done $0x0  }
0xca: {  	[sflag:s9] =	ssyncadd.s32 $0xFFFFFFA0  }
0xcb: {  	[tilespmem:s24], [sflag:$0x2] =	stream.indirect.gather [hbm4b:s1+s13], $0x80, s22, s13, $0xb8;
	[tilespmem:$0x1CE80] =	vst v63  }
0xcc: {  	s15 =	sadd.s32 $0x18, s16  }
0xcd: {  	[tilespmem:s25], [sflag:$0x5] =	stream.linear.gather [hbm4b:s15+s4], $0x60, $0x38;
	[tilespmem:$0x1CE80] =	vst v63  }
0xce: {  	_ =	swait.ge [sflag:s9], $0x60  }
0xcf: {  	[sflag:s9] =	ssyncset.done $0x0  }
0xd0: {  	s15 =	sadd.s32 $0x18, s19;
	[sflag:s9] =	ssyncadd.s32 $0xFFFFFFA0  }
0xd1: {  	[tilespmem:s26], [sflag:$0x5] =	stream.linear.gather [hbm4b:s15+s4], $0x60, $0x38;
	[tilespmem:$0x1CE80] =	vst v63  }
0xd2: {  	_ =	swait.ge [sflag:s9], $0x60  }
0xd3: {  	[sflag:s9] =	ssyncset.done $0x0  }
0xd4: {  	[sflag:s9] =	ssyncadd.s32 $0xFFFFFFA0  }
0xd5: {  	[tilespmem:s28], [sflag:$0x3] =	stream.indirect.gather [hbm4b:s1+s13], $0x80, s25, s13, $0xb8;
	[tilespmem:$0x1CE80] =	vst v63  }
0xd6: {  	s15 =	sadd.s32 $0x24, s16  }
0xd7: {  	[tilespmem:s29], [sflag:$0x5] =	stream.linear.gather [hbm4b:s15+s4], $0x60, $0x38;
	[tilespmem:$0x1CE80] =	vst v63  }
0xd8: {  	_ =	swait.ge [sflag:s9], $0x60  }
0xd9: {  	[sflag:s9] =	ssyncset.done $0x0  }
0xda: {  	s15 =	sadd.s32 $0x24, s19;
	[sflag:s9] =	ssyncadd.s32 $0xFFFFFFA0  }
0xdb: {  	[tilespmem:s30], [sflag:$0x5] =	stream.linear.gather [hbm4b:s15+s4], $0x60, $0x38;
	[tilespmem:$0x1CE80] =	vst v63  }
0xdc: {  	_ =	swait.ge [sflag:s9], $0x60  }
0xdd: {  	[sflag:s9] =	ssyncset.done $0x0  }
0xde: {  	[sflag:s9] =	ssyncadd.s32 $0xFFFFFFA0  }
0xdf: {  	[tilespmem:s31], [sflag:$0x4] =	stream.indirect.gather [hbm4b:s1+s13], $0x80, s29, s13, $0xb8;
	[tilespmem:$0x1CE80] =	vst v63  }
0xe0: {  	v4 =	vld [tilespmem:$0x19D50]  }
0xe1: {  	v5 =	vld [tilespmem:$0x13A50]  }
0xe2: {  	v6 =	vld [tilespmem:$0x19D30]  }
0xe3: {  	v7 =	vld [tilespmem:$0x19D20]  }
0xe4: {  	v8 =	vld [tilespmem:$0x19D00]  }
0xe5: {  	v9 =	vld [tilespmem:$0x16BD0];
	v4 =	vsub.s32 v4, v0  }
0xe6: {  	v5 =	vsub.s32 v5, v0;
	v10 =	vld [tilespmem:$0x16BC0];
	v4 =	vmin.u32 v4, $0x2100  }
0xe7: {  	v5 =	vmin.u32 v5, $0x2100;
	v11 =	vld [tilespmem:$0x16BB0];
	v6 =	vsub.s32 v6, v0;
	[tilespmem:$0x19E50] =	vst v4  }
0xe8: {  	[tilespmem:$0x13B50] =	vst v5;
	v4 =	vld [tilespmem:$0x16BA0];
	v5 =	vsub.s32 v7, v0;
	v6 =	vmin.u32 v6, $0x2100  }
0xe9: {  	v7 =	vld [tilespmem:$0x16B90];
	v8 =	vsub.s32 v8, v0;
	v5 =	vmin.u32 v5, $0x2100;
	[tilespmem:$0x19E30] =	vst v6  }
0xea: {  	v6 =	vld [tilespmem:$0x16B80];
	v9 =	vsub.s32 v9, v0;
	v8 =	vmin.u32 v8, $0x2100;
	[tilespmem:$0x19E20] =	vst v5  }
0xeb: {  	v5 =	vsub.s32 v10, v0;
	v9 =	vmin.u32 v9, $0x2100;
	[tilespmem:$0x19E00] =	vst v8;
	v8 =	vld [tilespmem:$0x19D10]  }
0xec: {  	v10 =	vld [tilespmem:$0x13A40];
	v11 =	vsub.s32 v11, v0;
	v5 =	vmin.u32 v5, $0x2100;
	[tilespmem:$0x16CD0] =	vst v9  }
0xed: {  	v9 =	vld [tilespmem:$0x13A30];
	v4 =	vsub.s32 v4, v0;
	v11 =	vmin.u32 v11, $0x2100;
	[tilespmem:$0x16CC0] =	vst v5  }
0xee: {  	v5 =	vld [tilespmem:$0x13A20];
	v7 =	vsub.s32 v7, v0;
	v4 =	vmin.u32 v4, $0x2100;
	[tilespmem:$0x16CB0] =	vst v11  }
0xef: {  	v11 =	vld [tilespmem:$0x13A10];
	v6 =	vsub.s32 v6, v0;
	v7 =	vmin.u32 v7, $0x2100;
	[tilespmem:$0x16CA0] =	vst v4  }
0xf0: {  	v4 =	vld [tilespmem:$0x13A00];
	v6 =	vmin.u32 v6, $0x2100;
	[tilespmem:$0x16C90] =	vst v7;
	v7 =	vsub.s32 v8, v0  }
0xf1: {  	v8 =	vld [tilespmem:$0x108D0];
	v10 =	vsub.s32 v10, v0;
	[tilespmem:$0x16C80] =	vst v6;
	v6 =	vmin.u32 v7, $0x2100  }
0xf2: {  	v7 =	vld [tilespmem:$0x108C0];
	v9 =	vsub.s32 v9, v0;
	v10 =	vmin.u32 v10, $0x2100;
	[tilespmem:$0x19E10] =	vst v6  }
0xf3: {  	v6 =	vld [tilespmem:$0x108B0];
	v5 =	vsub.s32 v5, v0;
	v9 =	vmin.u32 v9, $0x2100;
	[tilespmem:$0x13B40] =	vst v10  }
0xf4: {  	v10 =	vld [tilespmem:$0x108A0];
	v11 =	vsub.s32 v11, v0;
	v5 =	vmin.u32 v5, $0x2100;
	[tilespmem:$0x13B30] =	vst v9  }
0xf5: {  	v9 =	vld [tilespmem:$0x10890];
	v4 =	vsub.s32 v4, v0;
	v11 =	vmin.u32 v11, $0x2100;
	[tilespmem:$0x13B20] =	vst v5  }
0xf6: {  	v5 =	vsub.s32 v8, v0;
	v4 =	vmin.u32 v4, $0x2100;
	[tilespmem:$0x13B10] =	vst v11;
	v8 =	vld [tilespmem:$0x19D40]  }
0xf7: {  	v11 =	vld [tilespmem:$0x10880];
	v7 =	vsub.s32 v7, v0;
	v5 =	vmin.u32 v5, $0x2100;
	[tilespmem:$0x13B00] =	vst v4  }
0xf8: {  	v4 =	vsub.s32 v6, v0;
	v6 =	vmin.u32 v7, $0x2100;
	[tilespmem:$0x109D0] =	vst v5  }
0xf9: {  	v5 =	vsub.s32 v10, v0;
	v4 =	vmin.u32 v4, $0x2100;
	[tilespmem:$0x109C0] =	vst v6  }
0xfa: {  	v6 =	vsub.s32 v9, v0;
	v5 =	vmin.u32 v5, $0x2100;
	[tilespmem:$0x109B0] =	vst v4  }
0xfb: {  	v4 =	vmin.u32 v6, $0x2100;
	[tilespmem:$0x109A0] =	vst v5;
	v5 =	vsub.s32 v8, v0  }
0xfc: {  	v6 =	vsub.s32 v11, v0;
	[tilespmem:$0x10990] =	vst v4;
	v4 =	vmin.u32 v5, $0x2100  }
0xfd: {  	v5 =	vmin.u32 v6, $0x2100;
	[tilespmem:$0x19E40] =	vst v4  }
.Ltmp1:
0xfe: {  	[tilespmem:$0x10980] =	vst v5;
	(pc) =	sbr.rel @p1 .LBB2_4-.Ltmp1, $4  }
0xff: {  	_ =	swait.ge [sflag:s0], $0x3000  }
0x100: {  	[sflag:s0] =	ssyncset.done $0x0  }
0x101: {  	[sflag:s0] =	ssyncadd.s32 $0xFFFFD000  }
0x102: {  	[spmem:s3] =	stream.indirect.scatter.add.f32 [tilespmem:s8], [sflag:$0x5], $0x80, s2, s13, $0xb8;
	[tilespmem:$0x1CE80] =	vst v63  }
0x103: {  	_ =	swait.ge [sflag:s9], $0x3000  }
0x104: {  	[sflag:s9] =	ssyncset.done $0x0  }
0x105: {  	[sflag:s9] =	ssyncadd.s32 $0xFFFFD000  }
0x106: {  	_ =	swait.ge [sflag:s12], $0x3000  }
0x107: {  	[sflag:s12] =	ssyncset.done $0x0  }
0x108: {  	[sflag:s12] =	ssyncadd.s32 $0xFFFFD000  }
0x109: {  	[spmem:s3] =	stream.indirect.scatter.add.f32 [tilespmem:s24], [sflag:$0x5], $0x80, s17, s13, $0xb8;
	[tilespmem:$0x1CE80] =	vst v63  }
0x10a: {  	_ =	swait.ge [sflag:s9], $0x3000  }
0x10b: {  	[sflag:s9] =	ssyncset.done $0x0  }
0x10c: {  	[sflag:s9] =	ssyncadd.s32 $0xFFFFD000  }
0x10d: {  	_ =	swait.ge [sflag:s18], $0x3000  }
0x10e: {  	[sflag:s18] =	ssyncset.done $0x0  }
0x10f: {  	[sflag:s18] =	ssyncadd.s32 $0xFFFFD000  }
0x110: {  	[spmem:s3] =	stream.indirect.scatter.add.f32 [tilespmem:s28], [sflag:$0x5], $0x80, s6, s13, $0xb8;
	[tilespmem:$0x1CE80] =	vst v63  }
0x111: {  	_ =	swait.ge [sflag:s9], $0x3000  }
0x112: {  	[sflag:s9] =	ssyncset.done $0x0  }
0x113: {  	[sflag:s9] =	ssyncadd.s32 $0xFFFFD000  }
0x114: {  	_ =	swait.ge [sflag:s7], $0x3000  }
0x115: {  	[sflag:s7] =	ssyncset.done $0x0  }
0x116: {  	[sflag:s7] =	ssyncadd.s32 $0xFFFFD000  }
0x117: {  	[spmem:s3] =	stream.indirect.scatter.add.f32 [tilespmem:s31], [sflag:$0x5], $0x80, s14, s13, $0xb8;
	[tilespmem:$0x1CE80] =	vst v63  }
0x118: {  	_ =	swait.ge [sflag:s9], $0x3000  }
0x119: {  	[sflag:s9] =	ssyncset.done $0x0  }
0x11a: {  	[sflag:s9] =	ssyncadd.s32 $0xFFFFD000  }
0x11b: {  	[bflag:$0x0] =	sbarrier.arrive $0xFFFF  }
0x11c: {  	s5 =	stileid.u32;
	s16 =	rddreg [dreg:$0x6]  }
0x11d: {  	s5 =	sshll.u32 s5, $0x6;
	s19 =	rddreg [dreg:$0x12];
	s16 =	sshrl.u32 s16, $0x3  }
0x11e: {  	s15 =	sor.u32 $0x1C05, s5;
	[smem:$0x7F7] =	sst s16  }
0x11f: {  	[hbm:s19], [sflag:s15] =	dma.local [spmem:s16], $0x800  }
0x120: {  	_ =	swait.ge [sflag:s9], $0x800  }
0x121: {  	s19 =	rddreg [dreg:$0x15]  }
0x122: {  	[sflag:s9] =	ssyncset.done $0x0;
	s5 =	sshrl.u32 s19, $0x3;
	s19 =	rddreg [dreg:$0x16]  }
0x123: {  	[sflag:s9] =	ssyncadd.s32 $0xFFFFF800;
	[smem:$0x7F8] =	sst s5  }
0x124: {  	[hbm:s19], [sflag:s15] =	dma.local [spmem:s5], $0x800  }
0x125: {  	_ =	swait.ge [sflag:s9], $0x800  }
0x126: {  	s19 =	rddreg [dreg:$0x17]  }
0x127: {  	[sflag:s9] =	ssyncset.done $0x0;
	s5 =	sshrl.u32 s19, $0x3;
	s19 =	rddreg [dreg:$0x18]  }
0x128: {  	[sflag:s9] =	ssyncadd.s32 $0xFFFFF800;
	[smem:$0x7F9] =	sst s5  }
0x129: {  	[hbm:s19], [sflag:s15] =	dma.local [spmem:s5], $0x800  }
0x12a: {  	_ =	swait.ge [sflag:s9], $0x800  }
0x12b: {  	s19 =	rddreg [dreg:$0x14]  }
0x12c: {  	[sflag:s9] =	ssyncset.done $0x0;
	s5 =	sshrl.u32 s19, $0x3;
	s19 =	rddreg [dreg:$0x19]  }
0x12d: {  	[sflag:s9] =	ssyncadd.s32 $0xFFFFF800;
	[smem:$0x7FA] =	sst s5  }
0x12e: {  	[hbm:s19], [sflag:s15] =	dma.local [spmem:s5], $0x800  }
0x12f: {  	_ =	swait.ge [sflag:s9], $0x800  }
0x130: {  	s19 =	rddreg [dreg:$0x9]  }
0x131: {  	[smem:$0x7FB] =	sst s15  }
0x132: {  	[sflag:s9] =	ssyncset.done $0x0;
	s5 =	sshrl.u32 s19, $0x3;
	s19 =	rddreg [dreg:$0xa]  }
0x133: {  	[sflag:s9] =	ssyncadd.s32 $0xFFFFF800;
	[smem:$0x7FC] =	sst s5  }
0x134: {  	[hbm:s19], [sflag:s15] =	dma.local [spmem:s5], $0x100  }
0x135: {  	_ =	swait.ge [sflag:s9], $0x100  }
0x136: {  	[sflag:s9] =	ssyncset.done $0x0  }
0x137: {  	[sflag:s9] =	ssyncadd.s32 $0xFFFFFF00  }
0x138: {  	s5 =	simm.s32 $0x0;
	s15 =	simm.s32 $0x200;
	[bflag:$0x0] =	sbarrier.arrive $0xFFFF  }
.LBB2_6:
0x139: {  	p1 =	sne.s32 s15, $0xBE00;
	[tilespmem:s5+$0x10A70] =	vst v3  }
0x13a: {  	[tilespmem:s5+$0x10A00] =	vst v3  }
0x13b: {  	[tilespmem:s5+$0x10A10] =	vst v3  }
.Ltmp2:
0x13c: {  	[tilespmem:s5+$0x10A20] =	vst v3;
	(pc) =	sbr.rel @p1 .LBB2_6-.Ltmp2, $4  }
0x13d: {  	[tilespmem:s5+$0x10A30] =	vst v3  }
0x13e: {  	[tilespmem:s5+$0x10A40] =	vst v3  }
0x13f: {  	[tilespmem:s5+$0x10A50] =	vst v3  }
0x140: {  	[tilespmem:s5+$0x10A60] =	vst v3;
	s5 =	sshra.s32 s15, $0x2;
	s15 =	sadd.s32 $0x200, s15  }
0x141: {  	[tilespmem:s5+$0x10A70] =	vst v3  }
0x142: {  	[tilespmem:s5+$0x10A00] =	vst v3  }
0x143: {  	[tilespmem:s5+$0x10A10] =	vst v3  }
0x144: {  	[tilespmem:s5+$0x10A20] =	vst v3  }
0x145: {  	[tilespmem:s5+$0x10A30] =	vst v3  }
0x146: {  	[tilespmem:s5+$0x10A40] =	vst v3  }
0x147: {  	[tilespmem:s5+$0x10A50] =	vst v3  }
0x148: {  	[tilespmem:s5+$0x10A60] =	vst v3;
	s16 =	rddreg [dreg:$0x6]  }
0x149: {  	[spmem:s16] =	stream.linear.scatter [tilespmem:s8], [sflag:$0x5], $0x3000, $0x38;
	[tilespmem:$0x1CE80] =	vst v63  }
0x14a: {  	_ =	swait.ge [sflag:s9], $0x3000  }
0x14b: {  	[sflag:s9] =	ssyncset.done $0x0  }
0x14c: {  	s19 =	rddreg [dreg:$0xf];
	[sflag:s9] =	ssyncadd.s32 $0xFFFFD000  }
0x14d: {  	[spmem:s19] =	stream.linear.scatter [tilespmem:s8], [sflag:$0x5], $0x3000, $0x38;
	[tilespmem:$0x1CE80] =	vst v63  }
0x14e: {  	_ =	swait.ge [sflag:s9], $0x3000  }
0x14f: {  	[sflag:s9] =	ssyncset.done $0x0  }
0x150: {  	s15 =	rddreg [dreg:$0x10];
	[sflag:s9] =	ssyncadd.s32 $0xFFFFD000  }
0x151: {  	[spmem:s15] =	stream.linear.scatter [tilespmem:s8], [sflag:$0x5], $0x3000, $0x38;
	[tilespmem:$0x1CE80] =	vst v63  }
0x152: {  	_ =	swait.ge [sflag:s9], $0x3000  }
0x153: {  	[sflag:s9] =	ssyncset.done $0x0  }
0x154: {  	s16 =	rddreg [dreg:$0x11];
	[sflag:s9] =	ssyncadd.s32 $0xFFFFD000  }
0x155: {  	[spmem:s16] =	stream.linear.scatter [tilespmem:s8], [sflag:$0x5], $0x3000, $0x38;
	[tilespmem:$0x1CE80] =	vst v63  }
0x156: {  	_ =	swait.ge [sflag:s9], $0x3000  }
0x157: {  	[sflag:s9] =	ssyncset.done $0x0  }
0x158: {  	s19 =	rddreg [dreg:$0x14];
	[sflag:s9] =	ssyncadd.s32 $0xFFFFD000  }
0x159: {  	[spmem:s19] =	stream.linear.scatter [tilespmem:s8], [sflag:$0x5], $0x3000, $0x38;
	[tilespmem:$0x1CE80] =	vst v63  }
0x15a: {  	_ =	swait.ge [sflag:s9], $0x3000  }
0x15b: {  	[sflag:s9] =	ssyncset.done $0x0  }
0x15c: {  	s15 =	rddreg [dreg:$0x7];
	[sflag:s9] =	ssyncadd.s32 $0xFFFFD000  }
0x15d: {  	[spmem:s15] =	stream.linear.scatter [tilespmem:s8], [sflag:$0x5], $0x1800, $0x38;
	[tilespmem:$0x1CE80] =	vst v63  }
0x15e: {  	_ =	swait.ge [sflag:s9], $0x1800  }
0x15f: {  	[sflag:s9] =	ssyncset.done $0x0  }
0x160: {  	s5 =	simm.s32 @!p0 $0x10A00;
	s15 =	rddreg [dreg:$0x8];
	[sflag:s9] =	ssyncadd.s32 $0xFFFFE800  }
0x161: {  	[spmem:s15] =	stream.linear.scatter @!p0 [tilespmem:s5], [sflag:$0x5], $0x800, $0x38;
	[tilespmem:$0x1CE80] =	vst v63  }
0x162: {  	s5 =	simm.s32 @!p0 $0x5  }
0x163: {  	_ =	swait.ge @!p0 [sflag:s5], $0x800  }
0x164: {  	[sflag:s5] =	ssyncset.done @!p0 $0x0  }
0x165: {  	[sflag:s5] =	ssyncadd.s32 @!p0 $0xFFFFF800  }
0x166: {  	s5 =	sadd.s32 $0x0, s21;
	[bflag:$0x0] =	sbarrier.arrive $0xFFFF  }
0x167: {  	[tilespmem:s10], [sflag:$0x5] =	stream.linear.gather [hbm4b:s5+s4], $0x60, $0x38;
	[tilespmem:$0x1CE80] =	vst v63  }
0x168: {  	_ =	swait.ge [sflag:s9], $0x60  }
0x169: {  	[sflag:s9] =	ssyncset.done $0x0  }
0x16a: {  	s15 =	sadd.s32 $0x0, s20;
	[sflag:s9] =	ssyncadd.s32 $0xFFFFFFA0  }
0x16b: {  	[tilespmem:s11], [sflag:$0x5] =	stream.linear.gather [hbm4b:s15+s4], $0x60, $0x38;
	[tilespmem:$0x1CE80] =	vst v63  }
0x16c: {  	_ =	swait.ge [sflag:s9], $0x60  }
0x16d: {  	[sflag:s9] =	ssyncset.done $0x0  }
0x16e: {  	[sflag:s9] =	ssyncadd.s32 $0xFFFFFFA0  }
0x16f: {  	[tilespmem:s8], [sflag:$0x1] =	stream.indirect.gather [hbm4b:s1+s13], $0x80, s10, s13, $0xb8;
	[tilespmem:$0x1CE80] =	vst v63  }
0x170: {  	s19 =	sadd.s32 $0xC, s5  }
0x171: {  	[tilespmem:s22], [sflag:$0x5] =	stream.linear.gather [hbm4b:s19+s4], $0x60, $0x38;
	[tilespmem:$0x1CE80] =	vst v63  }
0x172: {  	_ =	swait.ge [sflag:s9], $0x60  }
0x173: {  	[sflag:s9] =	ssyncset.done $0x0  }
0x174: {  	s16 =	sadd.s32 $0xC, s15;
	[sflag:s9] =	ssyncadd.s32 $0xFFFFFFA0  }
0x175: {  	[tilespmem:s23], [sflag:$0x5] =	stream.linear.gather [hbm4b:s16+s4], $0x60, $0x38;
	[tilespmem:$0x1CE80] =	vst v63  }
0x176: {  	_ =	swait.ge [sflag:s9], $0x60  }
0x177: {  	[sflag:s9] =	ssyncset.done $0x0  }
0x178: {  	[sflag:s9] =	ssyncadd.s32 $0xFFFFFFA0  }
0x179: {  	[tilespmem:s24], [sflag:$0x2] =	stream.indirect.gather [hbm4b:s1+s13], $0x80, s22, s13, $0xb8;
	[tilespmem:$0x1CE80] =	vst v63  }
0x17a: {  	s16 =	sadd.s32 $0x18, s5  }
0x17b: {  	[tilespmem:s25], [sflag:$0x5] =	stream.linear.gather [hbm4b:s16+s4], $0x60, $0x38;
	[tilespmem:$0x1CE80] =	vst v63  }
0x17c: {  	_ =	swait.ge [sflag:s9], $0x60  }
0x17d: {  	[sflag:s9] =	ssyncset.done $0x0  }
0x17e: {  	s16 =	sadd.s32 $0x18, s15;
	[sflag:s9] =	ssyncadd.s32 $0xFFFFFFA0  }
0x17f: {  	[tilespmem:s26], [sflag:$0x5] =	stream.linear.gather [hbm4b:s16+s4], $0x60, $0x38;
	[tilespmem:$0x1CE80] =	vst v63  }
0x180: {  	_ =	swait.ge [sflag:s9], $0x60  }
0x181: {  	[sflag:s9] =	ssyncset.done $0x0  }
0x182: {  	[sflag:s9] =	ssyncadd.s32 $0xFFFFFFA0  }
0x183: {  	[tilespmem:s28], [sflag:$0x3] =	stream.indirect.gather [hbm4b:s1+s13], $0x80, s25, s13, $0xb8;
	[tilespmem:$0x1CE80] =	vst v63  }
0x184: {  	s5 =	sadd.s32 $0x24, s5  }
0x185: {  	[tilespmem:s29], [sflag:$0x5] =	stream.linear.gather [hbm4b:s5+s4], $0x60, $0x38;
	[tilespmem:$0x1CE80] =	vst v63  }
0x186: {  	_ =	swait.ge [sflag:s9], $0x60  }
0x187: {  	[sflag:s9] =	ssyncset.done $0x0  }
0x188: {  	s19 =	sadd.s32 $0x24, s15;
	[sflag:s9] =	ssyncadd.s32 $0xFFFFFFA0  }
0x189: {  	[tilespmem:s30], [sflag:$0x5] =	stream.linear.gather [hbm4b:s19+s4], $0x60, $0x38;
	[tilespmem:$0x1CE80] =	vst v63  }
0x18a: {  	_ =	swait.ge [sflag:s9], $0x60  }
0x18b: {  	[sflag:s9] =	ssyncset.done $0x0  }
0x18c: {  	[sflag:s9] =	ssyncadd.s32 $0xFFFFFFA0  }
0x18d: {  	[tilespmem:s31], [sflag:$0x4] =	stream.indirect.gather [hbm4b:s1+s13], $0x80, s29, s13, $0xb8;
	[tilespmem:$0x1CE80] =	vst v63  }
0x18e: {  	v4 =	vld [tilespmem:$0x19D50]  }
0x18f: {  	v5 =	vld [tilespmem:$0x13A50]  }
0x190: {  	v6 =	vld [tilespmem:$0x19D30]  }
0x191: {  	v8 =	vld [tilespmem:$0x19D00]  }
0x192: {  	v9 =	vld [tilespmem:$0x16BD0]  }
0x193: {  	v11 =	vld [tilespmem:$0x16BB0];
	v4 =	vsub.s32 v4, v1  }
0x194: {  	v7 =	vld [tilespmem:$0x19D20];
	v5 =	vsub.s32 v5, v1;
	v4 =	vmin.u32 v4, $0x2100  }
0x195: {  	v48 =	vld [tilespmem:$0x19D10];
	v6 =	vsub.s32 v6, v1;
	v5 =	vmin.u32 v5, $0x2100;
	[tilespmem:$0x19E50] =	vst v4  }
0x196: {  	v10 =	vld [tilespmem:$0x16BC0];
	v8 =	vsub.s32 v8, v1;
	v6 =	vmin.u32 v6, $0x2100;
	[tilespmem:$0x13B50] =	vst v5  }
0x197: {  	v46 =	vld [tilespmem:$0x16B90];
	v9 =	vsub.s32 v9, v1;
	v8 =	vmin.u32 v8, $0x2100;
	[tilespmem:$0x19E30] =	vst v6  }
0x198: {  	v47 =	vld [tilespmem:$0x16B80];
	v11 =	vsub.s32 v11, v1;
	v9 =	vmin.u32 v9, $0x2100;
	[tilespmem:$0x19E00] =	vst v8  }
0x199: {  	v11 =	vmin.u32 v11, $0x2100;
	v4 =	vld [tilespmem:$0x16BA0];
	v5 =	vsub.s32 v7, v1;
	[tilespmem:$0x16CD0] =	vst v9  }
0x19a: {  	v50 =	vld [tilespmem:$0x13A30];
	v52 =	vsub.s32 v48, v1;
	[tilespmem:$0x16CB0] =	vst v11;
	v5 =	vmin.u32 v5, $0x2100  }
0x19b: {  	v51 =	vld [tilespmem:$0x13A10];
	v54 =	vmin.u32 v52, $0x2100;
	[tilespmem:$0x19E20] =	vst v5;
	v5 =	vsub.s32 v10, v1  }
0x19c: {  	v49 =	vld [tilespmem:$0x13A40];
	v7 =	vsub.s32 v46, v1;
	[tilespmem:$0x19E10] =	vst v54;
	v5 =	vmin.u32 v5, $0x2100  }
0x19d: {  	v6 =	vsub.s32 v47, v1;
	v7 =	vmin.u32 v7, $0x2100;
	[tilespmem:$0x16CC0] =	vst v5;
	v5 =	vld [tilespmem:$0x13A20]  }
0x19e: {  	v55 =	vld [tilespmem:$0x108C0];
	v6 =	vmin.u32 v6, $0x2100;
	[tilespmem:$0x16C90] =	vst v7;
	v4 =	vsub.s32 v4, v1  }
0x19f: {  	v53 =	vld [tilespmem:$0x108D0];
	v9 =	vsub.s32 v50, v1;
	[tilespmem:$0x16C80] =	vst v6;
	v4 =	vmin.u32 v4, $0x2100  }
0x1a0: {  	v11 =	vsub.s32 v51, v1;
	v9 =	vmin.u32 v9, $0x2100;
	[tilespmem:$0x16CA0] =	vst v4;
	v4 =	vld [tilespmem:$0x13A00]  }
0x1a1: {  	v57 =	vld [tilespmem:$0x108A0];
	v11 =	vmin.u32 v11, $0x2100;
	v10 =	vsub.s32 v49, v1;
	[tilespmem:$0x13B30] =	vst v9  }
0x1a2: {  	v56 =	vld [tilespmem:$0x108B0];
	[tilespmem:$0x13B10] =	vst v11;
	v10 =	vmin.u32 v10, $0x2100;
	v5 =	vsub.s32 v5, v1  }
0x1a3: {  	v58 =	vld [tilespmem:$0x10890];
	v7 =	vsub.s32 v55, v1;
	[tilespmem:$0x13B40] =	vst v10;
	v5 =	vmin.u32 v5, $0x2100  }
0x1a4: {  	v59 =	vld [tilespmem:$0x19D40];
	v61 =	vmin.u32 v7, $0x2100;
	[tilespmem:$0x13B20] =	vst v5;
	v5 =	vsub.s32 v53, v1  }
0x1a5: {  	v60 =	vld [tilespmem:$0x10880];
	[tilespmem:$0x109C0] =	vst v61;
	v4 =	vsub.s32 v4, v1;
	v5 =	vmin.u32 v5, $0x2100  }
0x1a6: {  	v4 =	vmin.u32 v4, $0x2100;
	[tilespmem:$0x109D0] =	vst v5;
	v5 =	vsub.s32 v57, v1  }
0x1a7: {  	[tilespmem:$0x13B00] =	vst v4;
	v4 =	vsub.s32 v56, v1;
	v5 =	vmin.u32 v5, $0x2100  }
0x1a8: {  	v62 =	vsub.s32 v58, v1;
	v4 =	vmin.u32 v4, $0x2100;
	[tilespmem:$0x109A0] =	vst v5  }
0x1a9: {  	v5 =	vsub.s32 v59, v1;
	[tilespmem:$0x109B0] =	vst v4;
	v4 =	vmin.u32 v62, $0x2100  }
0x1aa: {  	v63 =	vsub.s32 v60, v1;
	[tilespmem:$0x10990] =	vst v4;
	v4 =	vmin.u32 v5, $0x2100  }
0x1ab: {  	v5 =	vmin.u32 v63, $0x2100;
	[tilespmem:$0x19E40] =	vst v4  }
0x1ac: {  	[tilespmem:$0x10980] =	vst v5  }
0x1ad: {  	_ =	swait.ge [sflag:s0], $0x3000  }
0x1ae: {  	[sflag:s0] =	ssyncset.done $0x0  }
0x1af: {  	s5 =	simm.s32 $0x30;
	[sflag:s0] =	ssyncadd.s32 $0xFFFFD000  }
0x1b0: {  	[spmem:s3] =	stream.indirect.scatter.add.f32 [tilespmem:s8], [sflag:$0x5], $0x80, s2, s13, $0xb8;
	[tilespmem:$0x1CE80] =	vst v63  }
.LBB2_8:
0x1b1: {  	p1 =	sne.s32 s5, $0x1230  }
0x1b2: {  	_ =	swait.ge [sflag:s9], $0x3000;
	s15 =	smov.u32 s5;
	s5 =	sadd.s32 $0x30, s5  }
0x1b3: {  	[sflag:s9] =	ssyncset.done $0x0  }
0x1b4: {  	[sflag:s9] =	ssyncadd.s32 $0xFFFFD000  }
0x1b5: {  	_ =	swait.ge [sflag:s12], $0x3000  }
0x1b6: {  	[sflag:s12] =	ssyncset.done $0x0  }
0x1b7: {  	[sflag:s12] =	ssyncadd.s32 $0xFFFFD000  }
0x1b8: {  	[spmem:s3] =	stream.indirect.scatter.add.f32 [tilespmem:s24], [sflag:$0x5], $0x80, s17, s13, $0xb8;
	[tilespmem:$0x1CE80] =	vst v63  }
0x1b9: {  	_ =	swait.ge [sflag:s9], $0x3000  }
0x1ba: {  	[sflag:s9] =	ssyncset.done $0x0  }
0x1bb: {  	[sflag:s9] =	ssyncadd.s32 $0xFFFFD000  }
0x1bc: {  	_ =	swait.ge [sflag:s18], $0x3000  }
0x1bd: {  	[sflag:s18] =	ssyncset.done $0x0  }
0x1be: {  	[sflag:s18] =	ssyncadd.s32 $0xFFFFD000  }
0x1bf: {  	[spmem:s3] =	stream.indirect.scatter.add.f32 [tilespmem:s28], [sflag:$0x5], $0x80, s6, s13, $0xb8;
	[tilespmem:$0x1CE80] =	vst v63  }
0x1c0: {  	_ =	swait.ge [sflag:s9], $0x3000  }
0x1c1: {  	[sflag:s9] =	ssyncset.done $0x0  }
0x1c2: {  	[sflag:s9] =	ssyncadd.s32 $0xFFFFD000  }
0x1c3: {  	_ =	swait.ge [sflag:s7], $0x3000  }
0x1c4: {  	[sflag:s7] =	ssyncset.done $0x0  }
0x1c5: {  	[sflag:s7] =	ssyncadd.s32 $0xFFFFD000  }
0x1c6: {  	[spmem:s3] =	stream.indirect.scatter.add.f32 [tilespmem:s31], [sflag:$0x5], $0x80, s14, s13, $0xb8;
	[tilespmem:$0x1CE80] =	vst v63  }
0x1c7: {  	_ =	swait.ge [sflag:s9], $0x3000  }
0x1c8: {  	[sflag:s9] =	ssyncset.done $0x0  }
0x1c9: {  	s19 =	sadd.s32 s15, s21;
	[sflag:s9] =	ssyncadd.s32 $0xFFFFD000  }
0x1ca: {  	[tilespmem:s10], [sflag:$0x5] =	stream.linear.gather [hbm4b:s19+s4], $0x60, $0x38;
	[tilespmem:$0x1CE80] =	vst v63  }
0x1cb: {  	_ =	swait.ge [sflag:s9], $0x60  }
0x1cc: {  	[sflag:s9] =	ssyncset.done $0x0  }
0x1cd: {  	s15 =	sadd.s32 s15, s20;
	[sflag:s9] =	ssyncadd.s32 $0xFFFFFFA0  }
0x1ce: {  	[tilespmem:s11], [sflag:$0x5] =	stream.linear.gather [hbm4b:s15+s4], $0x60, $0x38;
	[tilespmem:$0x1CE80] =	vst v63  }
0x1cf: {  	_ =	swait.ge [sflag:s9], $0x60  }
0x1d0: {  	[sflag:s9] =	ssyncset.done $0x0  }
0x1d1: {  	[sflag:s9] =	ssyncadd.s32 $0xFFFFFFA0  }
0x1d2: {  	[tilespmem:s8], [sflag:$0x1] =	stream.indirect.gather [hbm4b:s1+s13], $0x80, s10, s13, $0xb8;
	[tilespmem:$0x1CE80] =	vst v63  }
0x1d3: {  	s16 =	sadd.s32 $0xC, s19  }
0x1d4: {  	[tilespmem:s22], [sflag:$0x5] =	stream.linear.gather [hbm4b:s16+s4], $0x60, $0x38;
	[tilespmem:$0x1CE80] =	vst v63  }
0x1d5: {  	_ =	swait.ge [sflag:s9], $0x60  }
0x1d6: {  	[sflag:s9] =	ssyncset.done $0x0  }
0x1d7: {  	s16 =	sadd.s32 $0xC, s15;
	[sflag:s9] =	ssyncadd.s32 $0xFFFFFFA0  }
0x1d8: {  	[tilespmem:s23], [sflag:$0x5] =	stream.linear.gather [hbm4b:s16+s4], $0x60, $0x38;
	[tilespmem:$0x1CE80] =	vst v63  }
0x1d9: {  	_ =	swait.ge [sflag:s9], $0x60  }
0x1da: {  	[sflag:s9] =	ssyncset.done $0x0  }
0x1db: {  	[sflag:s9] =	ssyncadd.s32 $0xFFFFFFA0  }
0x1dc: {  	[tilespmem:s24], [sflag:$0x2] =	stream.indirect.gather [hbm4b:s1+s13], $0x80, s22, s13, $0xb8;
	[tilespmem:$0x1CE80] =	vst v63  }
0x1dd: {  	s16 =	sadd.s32 $0x18, s19  }
0x1de: {  	[tilespmem:s25], [sflag:$0x5] =	stream.linear.gather [hbm4b:s16+s4], $0x60, $0x38;
	[tilespmem:$0x1CE80] =	vst v63  }
0x1df: {  	_ =	swait.ge [sflag:s9], $0x60  }
0x1e0: {  	[sflag:s9] =	ssyncset.done $0x0  }
0x1e1: {  	s16 =	sadd.s32 $0x18, s15;
	[sflag:s9] =	ssyncadd.s32 $0xFFFFFFA0  }
0x1e2: {  	[tilespmem:s26], [sflag:$0x5] =	stream.linear.gather [hbm4b:s16+s4], $0x60, $0x38;
	[tilespmem:$0x1CE80] =	vst v63  }
0x1e3: {  	_ =	swait.ge [sflag:s9], $0x60  }
0x1e4: {  	[sflag:s9] =	ssyncset.done $0x0  }
0x1e5: {  	[sflag:s9] =	ssyncadd.s32 $0xFFFFFFA0  }
0x1e6: {  	[tilespmem:s28], [sflag:$0x3] =	stream.indirect.gather [hbm4b:s1+s13], $0x80, s25, s13, $0xb8;
	[tilespmem:$0x1CE80] =	vst v63  }
0x1e7: {  	s16 =	sadd.s32 $0x24, s19  }
0x1e8: {  	[tilespmem:s29], [sflag:$0x5] =	stream.linear.gather [hbm4b:s16+s4], $0x60, $0x38;
	[tilespmem:$0x1CE80] =	vst v63  }
0x1e9: {  	_ =	swait.ge [sflag:s9], $0x60  }
0x1ea: {  	[sflag:s9] =	ssyncset.done $0x0  }
0x1eb: {  	s15 =	sadd.s32 $0x24, s15;
	[sflag:s9] =	ssyncadd.s32 $0xFFFFFFA0  }
0x1ec: {  	[tilespmem:s30], [sflag:$0x5] =	stream.linear.gather [hbm4b:s15+s4], $0x60, $0x38;
	[tilespmem:$0x1CE80] =	vst v63  }
0x1ed: {  	_ =	swait.ge [sflag:s9], $0x60  }
0x1ee: {  	[sflag:s9] =	ssyncset.done $0x0  }
0x1ef: {  	[sflag:s9] =	ssyncadd.s32 $0xFFFFFFA0  }
0x1f0: {  	[tilespmem:s31], [sflag:$0x4] =	stream.indirect.gather [hbm4b:s1+s13], $0x80, s29, s13, $0xb8;
	[tilespmem:$0x1CE80] =	vst v63  }
0x1f1: {  	v4 =	vld [tilespmem:$0x19D50]  }
0x1f2: {  	v5 =	vld [tilespmem:$0x13A50]  }
0x1f3: {  	v6 =	vld [tilespmem:$0x19D30]  }
0x1f4: {  	v7 =	vld [tilespmem:$0x19D20]  }
0x1f5: {  	v8 =	vld [tilespmem:$0x19D00]  }
0x1f6: {  	v9 =	vld [tilespmem:$0x16BD0];
	v4 =	vsub.s32 v4, v1  }
0x1f7: {  	v5 =	vsub.s32 v5, v1;
	v10 =	vld [tilespmem:$0x16BC0];
	v4 =	vmin.u32 v4, $0x2100  }
0x1f8: {  	v5 =	vmin.u32 v5, $0x2100;
	v11 =	vld [tilespmem:$0x16BB0];
	v6 =	vsub.s32 v6, v1;
	[tilespmem:$0x19E50] =	vst v4  }
0x1f9: {  	[tilespmem:$0x13B50] =	vst v5;
	v4 =	vld [tilespmem:$0x16BA0];
	v5 =	vsub.s32 v7, v1;
	v6 =	vmin.u32 v6, $0x2100  }
0x1fa: {  	v7 =	vld [tilespmem:$0x16B90];
	v8 =	vsub.s32 v8, v1;
	v5 =	vmin.u32 v5, $0x2100;
	[tilespmem:$0x19E30] =	vst v6  }
0x1fb: {  	v6 =	vld [tilespmem:$0x16B80];
	v9 =	vsub.s32 v9, v1;
	v8 =	vmin.u32 v8, $0x2100;
	[tilespmem:$0x19E20] =	vst v5  }
0x1fc: {  	v5 =	vsub.s32 v10, v1;
	v9 =	vmin.u32 v9, $0x2100;
	[tilespmem:$0x19E00] =	vst v8;
	v8 =	vld [tilespmem:$0x19D10]  }
0x1fd: {  	v10 =	vld [tilespmem:$0x13A40];
	v11 =	vsub.s32 v11, v1;
	v5 =	vmin.u32 v5, $0x2100;
	[tilespmem:$0x16CD0] =	vst v9  }
0x1fe: {  	v9 =	vld [tilespmem:$0x13A30];
	v4 =	vsub.s32 v4, v1;
	v11 =	vmin.u32 v11, $0x2100;
	[tilespmem:$0x16CC0] =	vst v5  }
0x1ff: {  	v5 =	vld [tilespmem:$0x13A20];
	v7 =	vsub.s32 v7, v1;
	v4 =	vmin.u32 v4, $0x2100;
	[tilespmem:$0x16CB0] =	vst v11  }
0x200: {  	v11 =	vld [tilespmem:$0x13A10];
	v6 =	vsub.s32 v6, v1;
	v7 =	vmin.u32 v7, $0x2100;
	[tilespmem:$0x16CA0] =	vst v4  }
0x201: {  	v4 =	vld [tilespmem:$0x13A00];
	v6 =	vmin.u32 v6, $0x2100;
	[tilespmem:$0x16C90] =	vst v7;
	v7 =	vsub.s32 v8, v1  }
0x202: {  	v8 =	vld [tilespmem:$0x108D0];
	v10 =	vsub.s32 v10, v1;
	[tilespmem:$0x16C80] =	vst v6;
	v6 =	vmin.u32 v7, $0x2100  }
0x203: {  	v7 =	vld [tilespmem:$0x108C0];
	v9 =	vsub.s32 v9, v1;
	v10 =	vmin.u32 v10, $0x2100;
	[tilespmem:$0x19E10] =	vst v6  }
0x204: {  	v6 =	vld [tilespmem:$0x108B0];
	v5 =	vsub.s32 v5, v1;
	v9 =	vmin.u32 v9, $0x2100;
	[tilespmem:$0x13B40] =	vst v10  }
0x205: {  	v10 =	vld [tilespmem:$0x108A0];
	v11 =	vsub.s32 v11, v1;
	v5 =	vmin.u32 v5, $0x2100;
	[tilespmem:$0x13B30] =	vst v9  }
0x206: {  	v9 =	vld [tilespmem:$0x10890];
	v4 =	vsub.s32 v4, v1;
	v11 =	vmin.u32 v11, $0x2100;
	[tilespmem:$0x13B20] =	vst v5  }
0x207: {  	v5 =	vsub.s32 v8, v1;
	v4 =	vmin.u32 v4, $0x2100;
	[tilespmem:$0x13B10] =	vst v11;
	v8 =	vld [tilespmem:$0x19D40]  }
0x208: {  	v11 =	vld [tilespmem:$0x10880];
	v7 =	vsub.s32 v7, v1;
	v5 =	vmin.u32 v5, $0x2100;
	[tilespmem:$0x13B00] =	vst v4  }
0x209: {  	v4 =	vsub.s32 v6, v1;
	v6 =	vmin.u32 v7, $0x2100;
	[tilespmem:$0x109D0] =	vst v5  }
0x20a: {  	v5 =	vsub.s32 v10, v1;
	v4 =	vmin.u32 v4, $0x2100;
	[tilespmem:$0x109C0] =	vst v6  }
0x20b: {  	v6 =	vsub.s32 v9, v1;
	v5 =	vmin.u32 v5, $0x2100;
	[tilespmem:$0x109B0] =	vst v4  }
0x20c: {  	v4 =	vmin.u32 v6, $0x2100;
	[tilespmem:$0x109A0] =	vst v5;
	v5 =	vsub.s32 v8, v1  }
0x20d: {  	v6 =	vsub.s32 v11, v1;
	[tilespmem:$0x10990] =	vst v4;
	v4 =	vmin.u32 v5, $0x2100  }
0x20e: {  	v5 =	vmin.u32 v6, $0x2100;
	[tilespmem:$0x19E40] =	vst v4  }
.Ltmp3:
0x20f: {  	[tilespmem:$0x10980] =	vst v5;
	(pc) =	sbr.rel @p1 .LBB2_8-.Ltmp3, $4  }
0x210: {  	_ =	swait.ge [sflag:s0], $0x3000  }
0x211: {  	[sflag:s0] =	ssyncset.done $0x0  }
0x212: {  	[sflag:s0] =	ssyncadd.s32 $0xFFFFD000  }
0x213: {  	[spmem:s3] =	stream.indirect.scatter.add.f32 [tilespmem:s8], [sflag:$0x5], $0x80, s2, s13, $0xb8;
	[tilespmem:$0x1CE80] =	vst v63  }
0x214: {  	_ =	swait.ge [sflag:s9], $0x3000  }
0x215: {  	[sflag:s9] =	ssyncset.done $0x0  }
0x216: {  	[sflag:s9] =	ssyncadd.s32 $0xFFFFD000  }
0x217: {  	_ =	swait.ge [sflag:s12], $0x3000  }
0x218: {  	[sflag:s12] =	ssyncset.done $0x0  }
0x219: {  	[sflag:s12] =	ssyncadd.s32 $0xFFFFD000  }
0x21a: {  	[spmem:s3] =	stream.indirect.scatter.add.f32 [tilespmem:s24], [sflag:$0x5], $0x80, s17, s13, $0xb8;
	[tilespmem:$0x1CE80] =	vst v63  }
0x21b: {  	_ =	swait.ge [sflag:s9], $0x3000  }
0x21c: {  	[sflag:s9] =	ssyncset.done $0x0  }
0x21d: {  	[sflag:s9] =	ssyncadd.s32 $0xFFFFD000  }
0x21e: {  	_ =	swait.ge [sflag:s18], $0x3000  }
0x21f: {  	[sflag:s18] =	ssyncset.done $0x0  }
0x220: {  	[sflag:s18] =	ssyncadd.s32 $0xFFFFD000  }
0x221: {  	[spmem:s3] =	stream.indirect.scatter.add.f32 [tilespmem:s28], [sflag:$0x5], $0x80, s6, s13, $0xb8;
	[tilespmem:$0x1CE80] =	vst v63  }
0x222: {  	_ =	swait.ge [sflag:s9], $0x3000  }
0x223: {  	[sflag:s9] =	ssyncset.done $0x0  }
0x224: {  	[sflag:s9] =	ssyncadd.s32 $0xFFFFD000  }
0x225: {  	_ =	swait.ge [sflag:s7], $0x3000  }
0x226: {  	[sflag:s7] =	ssyncset.done $0x0  }
0x227: {  	[sflag:s7] =	ssyncadd.s32 $0xFFFFD000  }
0x228: {  	[spmem:s3] =	stream.indirect.scatter.add.f32 [tilespmem:s31], [sflag:$0x5], $0x80, s14, s13, $0xb8;
	[tilespmem:$0x1CE80] =	vst v63  }
0x229: {  	_ =	swait.ge [sflag:s9], $0x3000  }
0x22a: {  	[sflag:s9] =	ssyncset.done $0x0  }
0x22b: {  	[sflag:s9] =	ssyncadd.s32 $0xFFFFD000  }
0x22c: {  	[bflag:$0x0] =	sbarrier.arrive $0xFFFF  }
0x22d: {  	s15 =	sld [smem:$0x7FB]  }
0x22e: {  	s16 =	sld [smem:$0x7F7];
	_ =	sdelay $0x1  }
0x22f: {  	s5 =	rddreg [dreg:$0x13]  }
0x230: {  	[hbm:s5], [sflag:s15] =	dma.local [spmem:s16], $0x800  }
0x231: {  	_ =	swait.ge [sflag:s9], $0x800  }
0x232: {  	s19 =	sld [smem:$0x7F8]  }
0x233: {  	[sflag:s9] =	ssyncset.done $0x0  }
0x234: {  	s16 =	rddreg [dreg:$0x1a];
	[sflag:s9] =	ssyncadd.s32 $0xFFFFF800  }
0x235: {  	[hbm:s16], [sflag:s15] =	dma.local [spmem:s19], $0x800  }
0x236: {  	_ =	swait.ge [sflag:s9], $0x800  }
0x237: {  	s19 =	sld [smem:$0x7F9]  }
0x238: {  	[sflag:s9] =	ssyncset.done $0x0  }
0x239: {  	s16 =	rddreg [dreg:$0x1b];
	[sflag:s9] =	ssyncadd.s32 $0xFFFFF800  }
0x23a: {  	[hbm:s16], [sflag:s15] =	dma.local [spmem:s19], $0x800  }
0x23b: {  	_ =	swait.ge [sflag:s9], $0x800  }
0x23c: {  	s19 =	sld [smem:$0x7FA]  }
0x23d: {  	[sflag:s9] =	ssyncset.done $0x0  }
0x23e: {  	s16 =	rddreg [dreg:$0x1c];
	[sflag:s9] =	ssyncadd.s32 $0xFFFFF800  }
0x23f: {  	[hbm:s16], [sflag:s15] =	dma.local [spmem:s19], $0x800  }
0x240: {  	_ =	swait.ge [sflag:s9], $0x800  }
0x241: {  	s19 =	sld [smem:$0x7FC]  }
0x242: {  	[sflag:s9] =	ssyncset.done $0x0  }
0x243: {  	s16 =	rddreg [dreg:$0xb];
	[sflag:s9] =	ssyncadd.s32 $0xFFFFF800  }
0x244: {  	[hbm:s16], [sflag:s15] =	dma.local [spmem:s19], $0x100  }
0x245: {  	_ =	swait.ge [sflag:s9], $0x100  }
0x246: {  	[sflag:s9] =	ssyncset.done $0x0  }
0x247: {  	[sflag:s9] =	ssyncadd.s32 $0xFFFFFF00  }
0x248: {  	s5 =	simm.s32 $0x0;
	s15 =	simm.s32 $0x200;
	[bflag:$0x0] =	sbarrier.arrive $0xFFFF  }
.LBB2_10:
0x249: {  	p1 =	sne.s32 s15, $0xBE00;
	[tilespmem:s5+$0x10A70] =	vst v3  }
0x24a: {  	[tilespmem:s5+$0x10A00] =	vst v3  }
0x24b: {  	[tilespmem:s5+$0x10A10] =	vst v3  }
.Ltmp4:
0x24c: {  	[tilespmem:s5+$0x10A20] =	vst v3;
	(pc) =	sbr.rel @p1 .LBB2_10-.Ltmp4, $4  }
0x24d: {  	[tilespmem:s5+$0x10A30] =	vst v3  }
0x24e: {  	[tilespmem:s5+$0x10A40] =	vst v3  }
0x24f: {  	[tilespmem:s5+$0x10A50] =	vst v3  }
0x250: {  	[tilespmem:s5+$0x10A60] =	vst v3;
	s5 =	sshra.s32 s15, $0x2;
	s15 =	sadd.s32 $0x200, s15  }
0x251: {  	[tilespmem:s5+$0x10A70] =	vst v3  }
0x252: {  	[tilespmem:s5+$0x10A00] =	vst v3  }
0x253: {  	[tilespmem:s5+$0x10A10] =	vst v3  }
0x254: {  	[tilespmem:s5+$0x10A20] =	vst v3  }
0x255: {  	[tilespmem:s5+$0x10A30] =	vst v3  }
0x256: {  	[tilespmem:s5+$0x10A40] =	vst v3  }
0x257: {  	[tilespmem:s5+$0x10A50] =	vst v3  }
0x258: {  	[tilespmem:s5+$0x10A60] =	vst v3;
	s19 =	rddreg [dreg:$0x6]  }
0x259: {  	[spmem:s19] =	stream.linear.scatter [tilespmem:s8], [sflag:$0x5], $0x3000, $0x38;
	[tilespmem:$0x1CE80] =	vst v63  }
0x25a: {  	_ =	swait.ge [sflag:s9], $0x3000  }
0x25b: {  	[sflag:s9] =	ssyncset.done $0x0  }
0x25c: {  	s15 =	rddreg [dreg:$0xf];
	[sflag:s9] =	ssyncadd.s32 $0xFFFFD000  }
0x25d: {  	[spmem:s15] =	stream.linear.scatter [tilespmem:s8], [sflag:$0x5], $0x3000, $0x38;
	[tilespmem:$0x1CE80] =	vst v63  }
0x25e: {  	_ =	swait.ge [sflag:s9], $0x3000  }
0x25f: {  	[sflag:s9] =	ssyncset.done $0x0  }
0x260: {  	s16 =	rddreg [dreg:$0x10];
	[sflag:s9] =	ssyncadd.s32 $0xFFFFD000  }
0x261: {  	[spmem:s16] =	stream.linear.scatter [tilespmem:s8], [sflag:$0x5], $0x3000, $0x38;
	[tilespmem:$0x1CE80] =	vst v63  }
0x262: {  	_ =	swait.ge [sflag:s9], $0x3000  }
0x263: {  	[sflag:s9] =	ssyncset.done $0x0  }
0x264: {  	s19 =	rddreg [dreg:$0x11];
	[sflag:s9] =	ssyncadd.s32 $0xFFFFD000  }
0x265: {  	[spmem:s19] =	stream.linear.scatter [tilespmem:s8], [sflag:$0x5], $0x3000, $0x38;
	[tilespmem:$0x1CE80] =	vst v63  }
0x266: {  	_ =	swait.ge [sflag:s9], $0x3000  }
0x267: {  	[sflag:s9] =	ssyncset.done $0x0  }
0x268: {  	s15 =	rddreg [dreg:$0x14];
	[sflag:s9] =	ssyncadd.s32 $0xFFFFD000  }
0x269: {  	[spmem:s15] =	stream.linear.scatter [tilespmem:s8], [sflag:$0x5], $0x3000, $0x38;
	[tilespmem:$0x1CE80] =	vst v63  }
0x26a: {  	_ =	swait.ge [sflag:s9], $0x3000  }
0x26b: {  	[sflag:s9] =	ssyncset.done $0x0  }
0x26c: {  	s16 =	rddreg [dreg:$0x7];
	[sflag:s9] =	ssyncadd.s32 $0xFFFFD000  }
0x26d: {  	[spmem:s16] =	stream.linear.scatter [tilespmem:s8], [sflag:$0x5], $0x1800, $0x38;
	[tilespmem:$0x1CE80] =	vst v63  }
0x26e: {  	_ =	swait.ge [sflag:s9], $0x1800  }
0x26f: {  	[sflag:s9] =	ssyncset.done $0x0  }
0x270: {  	s5 =	simm.s32 @!p0 $0x10A00;
	s15 =	rddreg [dreg:$0x8];
	[sflag:s9] =	ssyncadd.s32 $0xFFFFE800  }
0x271: {  	[spmem:s15] =	stream.linear.scatter @!p0 [tilespmem:s5], [sflag:$0x5], $0x800, $0x38;
	[tilespmem:$0x1CE80] =	vst v63  }
0x272: {  	s5 =	simm.s32 @!p0 $0x5  }
0x273: {  	_ =	swait.ge @!p0 [sflag:s5], $0x800  }
0x274: {  	[sflag:s5] =	ssyncset.done @!p0 $0x0  }
0x275: {  	[sflag:s5] =	ssyncadd.s32 @!p0 $0xFFFFF800  }
0x276: {  	s5 =	sadd.s32 $0x0, s21;
	[bflag:$0x0] =	sbarrier.arrive $0xFFFF  }
0x277: {  	[tilespmem:s10], [sflag:$0x5] =	stream.linear.gather [hbm4b:s5+s4], $0x60, $0x38;
	[tilespmem:$0x1CE80] =	vst v63  }
0x278: {  	_ =	swait.ge [sflag:s9], $0x60  }
0x279: {  	[sflag:s9] =	ssyncset.done $0x0  }
0x27a: {  	s15 =	sadd.s32 $0x0, s20;
	[sflag:s9] =	ssyncadd.s32 $0xFFFFFFA0  }
0x27b: {  	[tilespmem:s11], [sflag:$0x5] =	stream.linear.gather [hbm4b:s15+s4], $0x60, $0x38;
	[tilespmem:$0x1CE80] =	vst v63  }
0x27c: {  	_ =	swait.ge [sflag:s9], $0x60  }
0x27d: {  	[sflag:s9] =	ssyncset.done $0x0  }
0x27e: {  	[sflag:s9] =	ssyncadd.s32 $0xFFFFFFA0  }
0x27f: {  	[tilespmem:s8], [sflag:$0x1] =	stream.indirect.gather [hbm4b:s1+s13], $0x80, s10, s13, $0xb8;
	[tilespmem:$0x1CE80] =	vst v63  }
0x280: {  	s16 =	sadd.s32 $0xC, s5  }
0x281: {  	[tilespmem:s22], [sflag:$0x5] =	stream.linear.gather [hbm4b:s16+s4], $0x60, $0x38;
	[tilespmem:$0x1CE80] =	vst v63  }
0x282: {  	_ =	swait.ge [sflag:s9], $0x60  }
0x283: {  	[sflag:s9] =	ssyncset.done $0x0  }
0x284: {  	s19 =	sadd.s32 $0xC, s15;
	[sflag:s9] =	ssyncadd.s32 $0xFFFFFFA0  }
0x285: {  	[tilespmem:s23], [sflag:$0x5] =	stream.linear.gather [hbm4b:s19+s4], $0x60, $0x38;
	[tilespmem:$0x1CE80] =	vst v63  }
0x286: {  	_ =	swait.ge [sflag:s9], $0x60  }
0x287: {  	[sflag:s9] =	ssyncset.done $0x0  }
0x288: {  	[sflag:s9] =	ssyncadd.s32 $0xFFFFFFA0  }
0x289: {  	[tilespmem:s24], [sflag:$0x2] =	stream.indirect.gather [hbm4b:s1+s13], $0x80, s22, s13, $0xb8;
	[tilespmem:$0x1CE80] =	vst v63  }
0x28a: {  	s19 =	sadd.s32 $0x18, s5  }
0x28b: {  	[tilespmem:s25], [sflag:$0x5] =	stream.linear.gather [hbm4b:s19+s4], $0x60, $0x38;
	[tilespmem:$0x1CE80] =	vst v63  }
0x28c: {  	_ =	swait.ge [sflag:s9], $0x60  }
0x28d: {  	[sflag:s9] =	ssyncset.done $0x0  }
0x28e: {  	s19 =	sadd.s32 $0x18, s15;
	[sflag:s9] =	ssyncadd.s32 $0xFFFFFFA0  }
0x28f: {  	[tilespmem:s26], [sflag:$0x5] =	stream.linear.gather [hbm4b:s19+s4], $0x60, $0x38;
	[tilespmem:$0x1CE80] =	vst v63  }
0x290: {  	_ =	swait.ge [sflag:s9], $0x60  }
0x291: {  	[sflag:s9] =	ssyncset.done $0x0  }
0x292: {  	[sflag:s9] =	ssyncadd.s32 $0xFFFFFFA0  }
0x293: {  	[tilespmem:s28], [sflag:$0x3] =	stream.indirect.gather [hbm4b:s1+s13], $0x80, s25, s13, $0xb8;
	[tilespmem:$0x1CE80] =	vst v63  }
0x294: {  	s5 =	sadd.s32 $0x24, s5  }
0x295: {  	[tilespmem:s29], [sflag:$0x5] =	stream.linear.gather [hbm4b:s5+s4], $0x60, $0x38;
	[tilespmem:$0x1CE80] =	vst v63  }
0x296: {  	_ =	swait.ge [sflag:s9], $0x60  }
0x297: {  	[sflag:s9] =	ssyncset.done $0x0  }
0x298: {  	s19 =	sadd.s32 $0x24, s15;
	[sflag:s9] =	ssyncadd.s32 $0xFFFFFFA0  }
0x299: {  	[tilespmem:s30], [sflag:$0x5] =	stream.linear.gather [hbm4b:s19+s4], $0x60, $0x38;
	[tilespmem:$0x1CE80] =	vst v63  }
0x29a: {  	_ =	swait.ge [sflag:s9], $0x60  }
0x29b: {  	[sflag:s9] =	ssyncset.done $0x0  }
0x29c: {  	[sflag:s9] =	ssyncadd.s32 $0xFFFFFFA0  }
0x29d: {  	[tilespmem:s31], [sflag:$0x4] =	stream.indirect.gather [hbm4b:s1+s13], $0x80, s29, s13, $0xb8;
	[tilespmem:$0x1CE80] =	vst v63  }
0x29e: {  	v4 =	vld [tilespmem:$0x19D50]  }
0x29f: {  	v5 =	vld [tilespmem:$0x13A50]  }
0x2a0: {  	v6 =	vld [tilespmem:$0x19D30]  }
0x2a1: {  	v8 =	vld [tilespmem:$0x19D00]  }
0x2a2: {  	v9 =	vld [tilespmem:$0x16BD0]  }
0x2a3: {  	v11 =	vld [tilespmem:$0x16BB0];
	v4 =	vsub.s32 v4, v2  }
0x2a4: {  	v7 =	vld [tilespmem:$0x19D20];
	v5 =	vsub.s32 v5, v2;
	v4 =	vmin.u32 v4, $0x2100  }
0x2a5: {  	v48 =	vld [tilespmem:$0x19D10];
	v6 =	vsub.s32 v6, v2;
	v5 =	vmin.u32 v5, $0x2100;
	[tilespmem:$0x19E50] =	vst v4  }
0x2a6: {  	v10 =	vld [tilespmem:$0x16BC0];
	v8 =	vsub.s32 v8, v2;
	v6 =	vmin.u32 v6, $0x2100;
	[tilespmem:$0x13B50] =	vst v5  }
0x2a7: {  	v46 =	vld [tilespmem:$0x16B90];
	v9 =	vsub.s32 v9, v2;
	v8 =	vmin.u32 v8, $0x2100;
	[tilespmem:$0x19E30] =	vst v6  }
0x2a8: {  	v47 =	vld [tilespmem:$0x16B80];
	v11 =	vsub.s32 v11, v2;
	v9 =	vmin.u32 v9, $0x2100;
	[tilespmem:$0x19E00] =	vst v8  }
0x2a9: {  	v11 =	vmin.u32 v11, $0x2100;
	v4 =	vld [tilespmem:$0x16BA0];
	v5 =	vsub.s32 v7, v2;
	[tilespmem:$0x16CD0] =	vst v9  }
0x2aa: {  	v50 =	vld [tilespmem:$0x13A30];
	v52 =	vsub.s32 v48, v2;
	[tilespmem:$0x16CB0] =	vst v11;
	v5 =	vmin.u32 v5, $0x2100  }
0x2ab: {  	v51 =	vld [tilespmem:$0x13A10];
	v54 =	vmin.u32 v52, $0x2100;
	[tilespmem:$0x19E20] =	vst v5;
	v5 =	vsub.s32 v10, v2  }
0x2ac: {  	v49 =	vld [tilespmem:$0x13A40];
	v7 =	vsub.s32 v46, v2;
	[tilespmem:$0x19E10] =	vst v54;
	v5 =	vmin.u32 v5, $0x2100  }
0x2ad: {  	v6 =	vsub.s32 v47, v2;
	v7 =	vmin.u32 v7, $0x2100;
	[tilespmem:$0x16CC0] =	vst v5;
	v5 =	vld [tilespmem:$0x13A20]  }
0x2ae: {  	v55 =	vld [tilespmem:$0x108C0];
	v6 =	vmin.u32 v6, $0x2100;
	[tilespmem:$0x16C90] =	vst v7;
	v4 =	vsub.s32 v4, v2  }
0x2af: {  	v53 =	vld [tilespmem:$0x108D0];
	v9 =	vsub.s32 v50, v2;
	[tilespmem:$0x16C80] =	vst v6;
	v4 =	vmin.u32 v4, $0x2100  }
0x2b0: {  	v11 =	vsub.s32 v51, v2;
	v9 =	vmin.u32 v9, $0x2100;
	[tilespmem:$0x16CA0] =	vst v4;
	v4 =	vld [tilespmem:$0x13A00]  }
0x2b1: {  	v57 =	vld [tilespmem:$0x108A0];
	v11 =	vmin.u32 v11, $0x2100;
	v10 =	vsub.s32 v49, v2;
	[tilespmem:$0x13B30] =	vst v9  }
0x2b2: {  	v56 =	vld [tilespmem:$0x108B0];
	[tilespmem:$0x13B10] =	vst v11;
	v10 =	vmin.u32 v10, $0x2100;
	v5 =	vsub.s32 v5, v2  }
0x2b3: {  	v58 =	vld [tilespmem:$0x10890];
	v7 =	vsub.s32 v55, v2;
	[tilespmem:$0x13B40] =	vst v10;
	v5 =	vmin.u32 v5, $0x2100  }
0x2b4: {  	v59 =	vld [tilespmem:$0x19D40];
	v61 =	vmin.u32 v7, $0x2100;
	[tilespmem:$0x13B20] =	vst v5;
	v5 =	vsub.s32 v53, v2  }
0x2b5: {  	v60 =	vld [tilespmem:$0x10880];
	[tilespmem:$0x109C0] =	vst v61;
	v4 =	vsub.s32 v4, v2;
	v5 =	vmin.u32 v5, $0x2100  }
0x2b6: {  	v4 =	vmin.u32 v4, $0x2100;
	[tilespmem:$0x109D0] =	vst v5;
	v5 =	vsub.s32 v57, v2  }
0x2b7: {  	[tilespmem:$0x13B00] =	vst v4;
	v4 =	vsub.s32 v56, v2;
	v5 =	vmin.u32 v5, $0x2100  }
0x2b8: {  	v62 =	vsub.s32 v58, v2;
	v4 =	vmin.u32 v4, $0x2100;
	[tilespmem:$0x109A0] =	vst v5  }
0x2b9: {  	v5 =	vsub.s32 v59, v2;
	[tilespmem:$0x109B0] =	vst v4;
	v4 =	vmin.u32 v62, $0x2100  }
0x2ba: {  	v63 =	vsub.s32 v60, v2;
	[tilespmem:$0x10990] =	vst v4;
	v4 =	vmin.u32 v5, $0x2100  }
0x2bb: {  	v5 =	vmin.u32 v63, $0x2100;
	[tilespmem:$0x19E40] =	vst v4  }
0x2bc: {  	[tilespmem:$0x10980] =	vst v5  }
0x2bd: {  	_ =	swait.ge [sflag:s0], $0x3000  }
0x2be: {  	[sflag:s0] =	ssyncset.done $0x0  }
0x2bf: {  	s5 =	simm.s32 $0x30;
	[sflag:s0] =	ssyncadd.s32 $0xFFFFD000  }
0x2c0: {  	[spmem:s3] =	stream.indirect.scatter.add.f32 [tilespmem:s8], [sflag:$0x5], $0x80, s2, s13, $0xb8;
	[tilespmem:$0x1CE80] =	vst v63  }
.LBB2_12:
0x2c1: {  	p1 =	sne.s32 s5, $0x1230  }
0x2c2: {  	_ =	swait.ge [sflag:s9], $0x3000;
	s15 =	smov.u32 s5;
	s5 =	sadd.s32 $0x30, s5  }
0x2c3: {  	[sflag:s9] =	ssyncset.done $0x0  }
0x2c4: {  	[sflag:s9] =	ssyncadd.s32 $0xFFFFD000  }
0x2c5: {  	_ =	swait.ge [sflag:s12], $0x3000  }
0x2c6: {  	[sflag:s12] =	ssyncset.done $0x0  }
0x2c7: {  	[sflag:s12] =	ssyncadd.s32 $0xFFFFD000  }
0x2c8: {  	[spmem:s3] =	stream.indirect.scatter.add.f32 [tilespmem:s24], [sflag:$0x5], $0x80, s17, s13, $0xb8;
	[tilespmem:$0x1CE80] =	vst v63  }
0x2c9: {  	_ =	swait.ge [sflag:s9], $0x3000  }
0x2ca: {  	[sflag:s9] =	ssyncset.done $0x0  }
0x2cb: {  	[sflag:s9] =	ssyncadd.s32 $0xFFFFD000  }
0x2cc: {  	_ =	swait.ge [sflag:s18], $0x3000  }
0x2cd: {  	[sflag:s18] =	ssyncset.done $0x0  }
0x2ce: {  	[sflag:s18] =	ssyncadd.s32 $0xFFFFD000  }
0x2cf: {  	[spmem:s3] =	stream.indirect.scatter.add.f32 [tilespmem:s28], [sflag:$0x5], $0x80, s6, s13, $0xb8;
	[tilespmem:$0x1CE80] =	vst v63  }
0x2d0: {  	_ =	swait.ge [sflag:s9], $0x3000  }
0x2d1: {  	[sflag:s9] =	ssyncset.done $0x0  }
0x2d2: {  	[sflag:s9] =	ssyncadd.s32 $0xFFFFD000  }
0x2d3: {  	_ =	swait.ge [sflag:s7], $0x3000  }
0x2d4: {  	[sflag:s7] =	ssyncset.done $0x0  }
0x2d5: {  	[sflag:s7] =	ssyncadd.s32 $0xFFFFD000  }
0x2d6: {  	[spmem:s3] =	stream.indirect.scatter.add.f32 [tilespmem:s31], [sflag:$0x5], $0x80, s14, s13, $0xb8;
	[tilespmem:$0x1CE80] =	vst v63  }
0x2d7: {  	_ =	swait.ge [sflag:s9], $0x3000  }
0x2d8: {  	[sflag:s9] =	ssyncset.done $0x0  }
0x2d9: {  	s19 =	sadd.s32 s15, s21;
	[sflag:s9] =	ssyncadd.s32 $0xFFFFD000  }
0x2da: {  	[tilespmem:s10], [sflag:$0x5] =	stream.linear.gather [hbm4b:s19+s4], $0x60, $0x38;
	[tilespmem:$0x1CE80] =	vst v63  }
0x2db: {  	_ =	swait.ge [sflag:s9], $0x60  }
0x2dc: {  	[sflag:s9] =	ssyncset.done $0x0  }
0x2dd: {  	s15 =	sadd.s32 s15, s20;
	[sflag:s9] =	ssyncadd.s32 $0xFFFFFFA0  }
0x2de: {  	[tilespmem:s11], [sflag:$0x5] =	stream.linear.gather [hbm4b:s15+s4], $0x60, $0x38;
	[tilespmem:$0x1CE80] =	vst v63  }
0x2df: {  	_ =	swait.ge [sflag:s9], $0x60  }
0x2e0: {  	[sflag:s9] =	ssyncset.done $0x0  }
0x2e1: {  	[sflag:s9] =	ssyncadd.s32 $0xFFFFFFA0  }
0x2e2: {  	[tilespmem:s8], [sflag:$0x1] =	stream.indirect.gather [hbm4b:s1+s13], $0x80, s10, s13, $0xb8;
	[tilespmem:$0x1CE80] =	vst v63  }
0x2e3: {  	s16 =	sadd.s32 $0xC, s19  }
0x2e4: {  	[tilespmem:s22], [sflag:$0x5] =	stream.linear.gather [hbm4b:s16+s4], $0x60, $0x38;
	[tilespmem:$0x1CE80] =	vst v63  }
0x2e5: {  	_ =	swait.ge [sflag:s9], $0x60  }
0x2e6: {  	[sflag:s9] =	ssyncset.done $0x0  }
0x2e7: {  	s16 =	sadd.s32 $0xC, s15;
	[sflag:s9] =	ssyncadd.s32 $0xFFFFFFA0  }
0x2e8: {  	[tilespmem:s23], [sflag:$0x5] =	stream.linear.gather [hbm4b:s16+s4], $0x60, $0x38;
	[tilespmem:$0x1CE80] =	vst v63  }
0x2e9: {  	_ =	swait.ge [sflag:s9], $0x60  }
0x2ea: {  	[sflag:s9] =	ssyncset.done $0x0  }
0x2eb: {  	[sflag:s9] =	ssyncadd.s32 $0xFFFFFFA0  }
0x2ec: {  	[tilespmem:s24], [sflag:$0x2] =	stream.indirect.gather [hbm4b:s1+s13], $0x80, s22, s13, $0xb8;
	[tilespmem:$0x1CE80] =	vst v63  }
0x2ed: {  	s16 =	sadd.s32 $0x18, s19  }
0x2ee: {  	[tilespmem:s25], [sflag:$0x5] =	stream.linear.gather [hbm4b:s16+s4], $0x60, $0x38;
	[tilespmem:$0x1CE80] =	vst v63  }
0x2ef: {  	_ =	swait.ge [sflag:s9], $0x60  }
0x2f0: {  	[sflag:s9] =	ssyncset.done $0x0  }
0x2f1: {  	s16 =	sadd.s32 $0x18, s15;
	[sflag:s9] =	ssyncadd.s32 $0xFFFFFFA0  }
0x2f2: {  	[tilespmem:s26], [sflag:$0x5] =	stream.linear.gather [hbm4b:s16+s4], $0x60, $0x38;
	[tilespmem:$0x1CE80] =	vst v63  }
0x2f3: {  	_ =	swait.ge [sflag:s9], $0x60  }
0x2f4: {  	[sflag:s9] =	ssyncset.done $0x0  }
0x2f5: {  	[sflag:s9] =	ssyncadd.s32 $0xFFFFFFA0  }
0x2f6: {  	[tilespmem:s28], [sflag:$0x3] =	stream.indirect.gather [hbm4b:s1+s13], $0x80, s25, s13, $0xb8;
	[tilespmem:$0x1CE80] =	vst v63  }
0x2f7: {  	s16 =	sadd.s32 $0x24, s19  }
0x2f8: {  	[tilespmem:s29], [sflag:$0x5] =	stream.linear.gather [hbm4b:s16+s4], $0x60, $0x38;
	[tilespmem:$0x1CE80] =	vst v63  }
0x2f9: {  	_ =	swait.ge [sflag:s9], $0x60  }
0x2fa: {  	[sflag:s9] =	ssyncset.done $0x0  }
0x2fb: {  	s15 =	sadd.s32 $0x24, s15;
	[sflag:s9] =	ssyncadd.s32 $0xFFFFFFA0  }
0x2fc: {  	[tilespmem:s30], [sflag:$0x5] =	stream.linear.gather [hbm4b:s15+s4], $0x60, $0x38;
	[tilespmem:$0x1CE80] =	vst v63  }
0x2fd: {  	_ =	swait.ge [sflag:s9], $0x60  }
0x2fe: {  	[sflag:s9] =	ssyncset.done $0x0  }
0x2ff: {  	[sflag:s9] =	ssyncadd.s32 $0xFFFFFFA0  }
0x300: {  	[tilespmem:s31], [sflag:$0x4] =	stream.indirect.gather [hbm4b:s1+s13], $0x80, s29, s13, $0xb8;
	[tilespmem:$0x1CE80] =	vst v63  }
0x301: {  	v4 =	vld [tilespmem:$0x19D50]  }
0x302: {  	v5 =	vld [tilespmem:$0x13A50]  }
0x303: {  	v6 =	vld [tilespmem:$0x19D30]  }
0x304: {  	v7 =	vld [tilespmem:$0x19D20]  }
0x305: {  	v8 =	vld [tilespmem:$0x19D00]  }
0x306: {  	v9 =	vld [tilespmem:$0x16BD0];
	v4 =	vsub.s32 v4, v2  }
0x307: {  	v5 =	vsub.s32 v5, v2;
	v10 =	vld [tilespmem:$0x16BC0];
	v4 =	vmin.u32 v4, $0x2100  }
0x308: {  	v5 =	vmin.u32 v5, $0x2100;
	v11 =	vld [tilespmem:$0x16BB0];
	v6 =	vsub.s32 v6, v2;
	[tilespmem:$0x19E50] =	vst v4  }
0x309: {  	[tilespmem:$0x13B50] =	vst v5;
	v4 =	vld [tilespmem:$0x16BA0];
	v5 =	vsub.s32 v7, v2;
	v6 =	vmin.u32 v6, $0x2100  }
0x30a: {  	v7 =	vld [tilespmem:$0x16B90];
	v8 =	vsub.s32 v8, v2;
	v5 =	vmin.u32 v5, $0x2100;
	[tilespmem:$0x19E30] =	vst v6  }
0x30b: {  	v6 =	vld [tilespmem:$0x16B80];
	v9 =	vsub.s32 v9, v2;
	v8 =	vmin.u32 v8, $0x2100;
	[tilespmem:$0x19E20] =	vst v5  }
0x30c: {  	v5 =	vsub.s32 v10, v2;
	v9 =	vmin.u32 v9, $0x2100;
	[tilespmem:$0x19E00] =	vst v8;
	v8 =	vld [tilespmem:$0x19D10]  }
0x30d: {  	v10 =	vld [tilespmem:$0x13A40];
	v11 =	vsub.s32 v11, v2;
	v5 =	vmin.u32 v5, $0x2100;
	[tilespmem:$0x16CD0] =	vst v9  }
0x30e: {  	v9 =	vld [tilespmem:$0x13A30];
	v4 =	vsub.s32 v4, v2;
	v11 =	vmin.u32 v11, $0x2100;
	[tilespmem:$0x16CC0] =	vst v5  }
0x30f: {  	v5 =	vld [tilespmem:$0x13A20];
	v7 =	vsub.s32 v7, v2;
	v4 =	vmin.u32 v4, $0x2100;
	[tilespmem:$0x16CB0] =	vst v11  }
0x310: {  	v11 =	vld [tilespmem:$0x13A10];
	v6 =	vsub.s32 v6, v2;
	v7 =	vmin.u32 v7, $0x2100;
	[tilespmem:$0x16CA0] =	vst v4  }
0x311: {  	v4 =	vld [tilespmem:$0x13A00];
	v6 =	vmin.u32 v6, $0x2100;
	[tilespmem:$0x16C90] =	vst v7;
	v7 =	vsub.s32 v8, v2  }
0x312: {  	v8 =	vld [tilespmem:$0x108D0];
	v10 =	vsub.s32 v10, v2;
	[tilespmem:$0x16C80] =	vst v6;
	v6 =	vmin.u32 v7, $0x2100  }
0x313: {  	v7 =	vld [tilespmem:$0x108C0];
	v9 =	vsub.s32 v9, v2;
	v10 =	vmin.u32 v10, $0x2100;
	[tilespmem:$0x19E10] =	vst v6  }
0x314: {  	v6 =	vld [tilespmem:$0x108B0];
	v5 =	vsub.s32 v5, v2;
	v9 =	vmin.u32 v9, $0x2100;
	[tilespmem:$0x13B40] =	vst v10  }
0x315: {  	v10 =	vld [tilespmem:$0x108A0];
	v11 =	vsub.s32 v11, v2;
	v5 =	vmin.u32 v5, $0x2100;
	[tilespmem:$0x13B30] =	vst v9  }
0x316: {  	v9 =	vld [tilespmem:$0x10890];
	v4 =	vsub.s32 v4, v2;
	v11 =	vmin.u32 v11, $0x2100;
	[tilespmem:$0x13B20] =	vst v5  }
0x317: {  	v5 =	vsub.s32 v8, v2;
	v4 =	vmin.u32 v4, $0x2100;
	[tilespmem:$0x13B10] =	vst v11;
	v8 =	vld [tilespmem:$0x19D40]  }
0x318: {  	v11 =	vld [tilespmem:$0x10880];
	v7 =	vsub.s32 v7, v2;
	v5 =	vmin.u32 v5, $0x2100;
	[tilespmem:$0x13B00] =	vst v4  }
0x319: {  	v4 =	vsub.s32 v6, v2;
	v6 =	vmin.u32 v7, $0x2100;
	[tilespmem:$0x109D0] =	vst v5  }
0x31a: {  	v5 =	vsub.s32 v10, v2;
	v4 =	vmin.u32 v4, $0x2100;
	[tilespmem:$0x109C0] =	vst v6  }
0x31b: {  	v6 =	vsub.s32 v9, v2;
	v5 =	vmin.u32 v5, $0x2100;
	[tilespmem:$0x109B0] =	vst v4  }
0x31c: {  	v4 =	vmin.u32 v6, $0x2100;
	[tilespmem:$0x109A0] =	vst v5;
	v5 =	vsub.s32 v8, v2  }
0x31d: {  	v6 =	vsub.s32 v11, v2;
	[tilespmem:$0x10990] =	vst v4;
	v4 =	vmin.u32 v5, $0x2100  }
0x31e: {  	v5 =	vmin.u32 v6, $0x2100;
	[tilespmem:$0x19E40] =	vst v4  }
.Ltmp5:
0x31f: {  	[tilespmem:$0x10980] =	vst v5;
	(pc) =	sbr.rel @p1 .LBB2_12-.Ltmp5, $4  }
0x320: {  	_ =	swait.ge [sflag:s0], $0x3000  }
0x321: {  	[sflag:s0] =	ssyncset.done $0x0  }
0x322: {  	[sflag:s0] =	ssyncadd.s32 $0xFFFFD000  }
0x323: {  	[spmem:s3] =	stream.indirect.scatter.add.f32 [tilespmem:s8], [sflag:$0x5], $0x80, s2, s13, $0xb8;
	[tilespmem:$0x1CE80] =	vst v63  }
0x324: {  	_ =	swait.ge [sflag:s9], $0x3000  }
0x325: {  	[sflag:s9] =	ssyncset.done $0x0  }
0x326: {  	[sflag:s9] =	ssyncadd.s32 $0xFFFFD000  }
0x327: {  	_ =	swait.ge [sflag:s12], $0x3000  }
0x328: {  	[sflag:s12] =	ssyncset.done $0x0  }
0x329: {  	[sflag:s12] =	ssyncadd.s32 $0xFFFFD000  }
0x32a: {  	[spmem:s3] =	stream.indirect.scatter.add.f32 [tilespmem:s24], [sflag:$0x5], $0x80, s17, s13, $0xb8;
	[tilespmem:$0x1CE80] =	vst v63  }
0x32b: {  	_ =	swait.ge [sflag:s9], $0x3000  }
0x32c: {  	[sflag:s9] =	ssyncset.done $0x0  }
0x32d: {  	[sflag:s9] =	ssyncadd.s32 $0xFFFFD000  }
0x32e: {  	_ =	swait.ge [sflag:s18], $0x3000  }
0x32f: {  	[sflag:s18] =	ssyncset.done $0x0  }
0x330: {  	[sflag:s18] =	ssyncadd.s32 $0xFFFFD000  }
0x331: {  	[spmem:s3] =	stream.indirect.scatter.add.f32 [tilespmem:s28], [sflag:$0x5], $0x80, s6, s13, $0xb8;
	[tilespmem:$0x1CE80] =	vst v63  }
0x332: {  	_ =	swait.ge [sflag:s9], $0x3000  }
0x333: {  	[sflag:s9] =	ssyncset.done $0x0  }
0x334: {  	[sflag:s9] =	ssyncadd.s32 $0xFFFFD000  }
0x335: {  	_ =	swait.ge [sflag:s7], $0x3000  }
0x336: {  	[sflag:s7] =	ssyncset.done $0x0  }
0x337: {  	[sflag:s7] =	ssyncadd.s32 $0xFFFFD000  }
0x338: {  	[spmem:s3] =	stream.indirect.scatter.add.f32 [tilespmem:s31], [sflag:$0x5], $0x80, s14, s13, $0xb8;
	[tilespmem:$0x1CE80] =	vst v63  }
0x339: {  	_ =	swait.ge [sflag:s9], $0x3000  }
0x33a: {  	[sflag:s9] =	ssyncset.done $0x0  }
0x33b: {  	[sflag:s9] =	ssyncadd.s32 $0xFFFFD000  }
0x33c: {  	[bflag:$0x0] =	sbarrier.arrive $0xFFFF  }
0x33d: {  	s15 =	sld [smem:$0x7FB]  }
0x33e: {  	s16 =	sld [smem:$0x7F7];
	_ =	sdelay $0x1  }
0x33f: {  	s5 =	rddreg [dreg:$0xd]  }
0x340: {  	[hbm:s5], [sflag:s15] =	dma.local [spmem:s16], $0x800  }
0x341: {  	_ =	swait.ge [sflag:s9], $0x800  }
0x342: {  	s19 =	sld [smem:$0x7F8]  }
0x343: {  	[sflag:s9] =	ssyncset.done $0x0  }
0x344: {  	s16 =	rddreg [dreg:$0x1d];
	[sflag:s9] =	ssyncadd.s32 $0xFFFFF800  }
0x345: {  	[hbm:s16], [sflag:s15] =	dma.local [spmem:s19], $0x800  }
0x346: {  	_ =	swait.ge [sflag:s9], $0x800  }
0x347: {  	s19 =	sld [smem:$0x7F9]  }
0x348: {  	[sflag:s9] =	ssyncset.done $0x0  }
0x349: {  	s16 =	rddreg [dreg:$0x1e];
	[sflag:s9] =	ssyncadd.s32 $0xFFFFF800  }
0x34a: {  	[hbm:s16], [sflag:s15] =	dma.local [spmem:s19], $0x800  }
0x34b: {  	_ =	swait.ge [sflag:s9], $0x800  }
0x34c: {  	s19 =	sld [smem:$0x7FA]  }
0x34d: {  	[sflag:s9] =	ssyncset.done $0x0  }
0x34e: {  	s16 =	rddreg [dreg:$0x1f];
	[sflag:s9] =	ssyncadd.s32 $0xFFFFF800  }
0x34f: {  	[hbm:s16], [sflag:s15] =	dma.local [spmem:s19], $0x800  }
0x350: {  	_ =	swait.ge [sflag:s9], $0x800  }
0x351: {  	s19 =	sld [smem:$0x7FC]  }
0x352: {  	[sflag:s9] =	ssyncset.done $0x0  }
0x353: {  	s16 =	rddreg [dreg:$0xc];
	[sflag:s9] =	ssyncadd.s32 $0xFFFFF800  }
0x354: {  	[hbm:s16], [sflag:s15] =	dma.local [spmem:s19], $0x100  }
0x355: {  	_ =	swait.ge [sflag:s9], $0x100  }
0x356: {  	s16 =	sld [smem:$0x7FD];
	_ =	sdelay $0x2  }
0x357: {  	s19 =	rddreg [dreg:$0xe];
	s15 =	sadd.s32 $0x1, s16  }
0x358: {  	p1 =	sne.s32 s15, s19  }
.Ltmp6:
0x359: {  	_ = 	snop;
	(pc) =	sbr.rel @p1 .LBB2_1-.Ltmp6, $3  }
0x35a: {  	[sflag:s9] =	ssyncset.done $0x0  }
0x35b: {  	[sflag:s9] =	ssyncadd.s32 $0xFFFFFF00  }
0x35c: {  	[bflag:$0x0] =	sbarrier.arrive $0xFFFF;
	_ =	sdelay $0x1  }
0x35d: {  	_ =	sfence.sel $0x180000  }
0x35e: {  	[bflag:$0x0] =	sbarrier.arrive $0xFFFF  }
0x35f: {  	_ =	strace $0x90000047  }
0x360: {  	s0 =	stileid.u32;
	[bflag:$0x2] =	sbarrier.arrive $0xFFFF  }
0x361: {  	p0 =	sne.s32 s0, $0x0;
	s0 =	rddreg [dreg:$0x5]  }
0x362: {  	s0 =	sadd.s32 @!p0 $0x100000, s0  }
0x363: {  	[sflag:s0] =	ssyncadd.tile.s32 @!p0 $0x1;
	_ =	shalt  }
.Lfunc_end2:
_tile_overlayer_lowered:
.L_overlay_start_2:
0x364: {  	(tag) =	ssettag $0x2  }
0x365: {  	s0 =	rddreg [dreg:$0x0];
	s2 =	stileid.u32  }
0x366: {  	s1 =	rddreg [dreg:$0x1];
	p0 =	sne.s32 s2, $0x0  }
0x367: {  	s3 =	rddreg [dreg:$0x2];
	[bflag:$0x3] =	sbarrier.arrive $0xFFFF;
	s2 =	simm.s32 @!p0 $0x1C05  }
0x368: {  	[timem:s3], [sflag:s2] =	dma.local @!p0 [hbm:s0], s1  }
0x369: {  	s0 =	simm.s32 @!p0 $0x5  }
0x36a: {  	_ =	swait.ge @!p0 [sflag:s0], s1  }
0x36b: {  	s1 =	ssub.s32 @!p0 $0x0, s1;
	[sflag:s0] =	ssyncset.done @!p0 $0x0  }
0x36c: {  	[sflag:s0] =	ssyncadd.s32 @!p0 s1  }
0x36d: {  	[bflag:$0x3] =	sbarrier.arrive $0xFFFF  }
0x36e: {  	_ =	shalt  }

</sc_bundles>
